<compile_context>
chip_gen: v7x
topology: tpu7x:2x2x1
jax: 0.10.2.dev20260603
libtpu: 0.0.44.dev20260713+nightly
codegen_flags: <defaults>
</compile_context>

<pallas_src>
import functools

import jax
import jax.numpy as jnp
from jax import lax
from jax.experimental import pallas as pl
from jax.experimental.pallas import tpu as pltpu
from jax.experimental.pallas import tpu_sc as plsc

_N = 10000
_E = 160000
_DIN = 128
_DH = 16
_DE = 16
_KD = 16
_TW = (_KD + 2) * _DH
_BF_PERM = tuple(
    (2 * p + half) * _DH + i
    for p in range(_TW // 32) for i in range(_DH) for half in (0, 1)
)

_E8 = _E // 8

_NW = 32
_EPW = _E // _NW
_B = 40
_CPG = 25
_G = 1000
_NG = _EPW // _G
_NSUB = 16
_NPAD = 10240
_RPS = _NPAD // _NSUB

_f32 = jnp.float32


def _elu(v):
    return jnp.where(v > 0, v, jnp.exp(jnp.minimum(v, 0.0)) - 1.0)



def _prep_body(ea_ref, k0_ref, b0_ref, k1_ref, b1_ref, x_ref, m_ref, rt_ref,
               h0_ref, h1_ref, t_ref, r_ref):
    ea = ea_ref[...]
    h0_ref[...] = _elu(jnp.dot(ea, k0_ref[...], preferred_element_type=_f32)
                       + b0_ref[...])
    h1_ref[...] = _elu(jnp.dot(ea, k1_ref[...], preferred_element_type=_f32)
                       + b1_ref[...])
    xb = x_ref[...]
    t_ref[...] = jnp.dot(xb, m_ref[...],
                         preferred_element_type=_f32).astype(jnp.bfloat16)
    r_ref[...] = jnp.dot(xb, rt_ref[...], preferred_element_type=_f32)


def _mid_body(sc_ref, r0_ref, b0_ref, m1_ref, rt1_ref,
              t1_ref, r1_ref):
    v = sc_ref[...]
    fused = v[0] + v[1]
    cnt = jnp.maximum(fused[:, _DH:], 1.0)
    aggr = fused[:, :_DH] / cnt
    h1 = _elu(aggr + r0_ref[...] + b0_ref[...])
    t1_ref[...] = jnp.dot(h1, m1_ref[...],
                          preferred_element_type=_f32).astype(jnp.bfloat16)
    r1_ref[...] = jnp.dot(h1, rt1_ref[...], preferred_element_type=_f32)


def _fin_body(s1_ref, sc_ref, r1_ref, b1_ref, w_ref, cb2_ref,
              o_ref):
    v = sc_ref[...]
    cnt = jnp.maximum(v[0, :, _DH:] + v[1, :, _DH:], 1.0)
    s1v = s1_ref[...]
    aggr = (s1v[0] + s1v[1]) / cnt
    h2 = _elu(aggr + r1_ref[...] + b1_ref[...])
    o_ref[...] = (jnp.dot(h2, w_ref[...], preferred_element_type=_f32)
                  + cb2_ref[...])


def _full_spec(shape):
    return pl.BlockSpec(shape, lambda i: (0,) * len(shape))


def _row_spec(bn, w):
    return pl.BlockSpec((bn, w), lambda i: (i, 0))


_BE = 2000
_BX = 1000
_BN = 2000

_prep_call = pl.pallas_call(
    _prep_body,
    grid=(_E8 // _BE,),
    in_specs=[_row_spec(_BE, 128), _full_spec((128, 128)), _full_spec((1, 128)),
              _full_spec((128, 128)), _full_spec((1, 128)),
              _row_spec(_BX, _DIN), _full_spec((_DIN, _TW)),
              _full_spec((_DIN, _DH))],
    out_specs=[_row_spec(_BE, 128), _row_spec(_BE, 128),
               _row_spec(_BX, _TW), _row_spec(_BX, _DH)],
    out_shape=[jax.ShapeDtypeStruct((_E8, 128), _f32),
               jax.ShapeDtypeStruct((_E8, 128), _f32),
               jax.ShapeDtypeStruct((_N, _TW), jnp.bfloat16),
               jax.ShapeDtypeStruct((_N, _DH), _f32)],
)

_mid_call = pl.pallas_call(
    _mid_body,
    grid=(_N // _BN,),
    in_specs=[pl.BlockSpec((2, _BN, 2 * _DH), lambda i: (0, i, 0)),
              _row_spec(_BN, _DH), _full_spec((1, _DH)),
              _full_spec((_DH, _TW)), _full_spec((_DH, _DH))],
    out_specs=[_row_spec(_BN, _TW), _row_spec(_BN, _DH)],
    out_shape=[jax.ShapeDtypeStruct((_N, _TW), jnp.bfloat16),
               jax.ShapeDtypeStruct((_N, _DH), _f32)],
)

_fin_call = pl.pallas_call(
    _fin_body,
    grid=(_N // _BN,),
    in_specs=[pl.BlockSpec((2, _BN, _DH), lambda i: (0, i, 0)),
              pl.BlockSpec((2, _BN, 2 * _DH), lambda i: (0, i, 0)),
              _row_spec(_BN, _DH), _full_spec((1, _DH)),
              _full_spec((_DH, 10)), _full_spec((1, 10))],
    out_specs=_row_spec(_BN, 10),
    out_shape=jax.ShapeDtypeStruct((_N, 10), _f32),
)



def _build_edge_kernel(with_count):
    mesh = plsc.VectorSubcoreMesh(core_axis_name="c", subcore_axis_name="s")

    def body(*refs):
        (t_hbm, h_hbm, ei_hbm, s_out,
         src_v, dst_v, h_v, rows_v, msg_v, zer_v,
         s_sh, sem_a, sem_b, sem_c, sem_d, sem_i) = refs
        c = lax.axis_index("c")
        s = lax.axis_index("s")
        wid = s * 2 + c
        sems = (sem_a, sem_b)

        acc_w = 2 * _DH if with_count else _DH

        def zrow(i, _):
            zer_v[i, pl.ds(0, _DH)] = jnp.zeros((_DH,), _f32)
            if with_count:
                zer_v[i, pl.ds(_DH, _DH)] = jnp.zeros((_DH,), _f32)
            return 0
        lax.fori_loop(0, _RPS, zrow, 0)
        if with_count:
            def orow(i, _):
                msg_v[0, i, pl.ds(_DH, _DH)] = jnp.full((_DH,), 1.0, _f32)
                msg_v[1, i, pl.ds(_DH, _DH)] = jnp.full((_DH,), 1.0, _f32)
                return 0
            lax.fori_loop(0, _B, orow, 0)

        row0 = s * _RPS
        pltpu.sync_copy(zer_v, s_sh.at[pl.ds(row0, _RPS)])
        plsc.subcore_barrier()

        rbase = wid * (_EPW // _B)

        def chunk(gb, jv, rows_j, msg_j, sc_sem):
            @plsc.parallel_loop(0, _B, 1, unroll=4)
            def edge(e):
                hrow = h_v[gb, jv * _B + e, :]
                ab = rows_j[e, pl.ds(_KD * 2 * _DH // 2, 2 * _DH)]
                acc, _zero = plsc.unpack(
                    ab, format=plsc.PackFormat.INTERLEAVED)
                for p in range(_KD // 2):
                    abp = rows_j[e, pl.ds(2 * _DH * p, 2 * _DH)]
                    a, b = plsc.unpack(
                        abp, format=plsc.PackFormat.INTERLEAVED)
                    acc = (acc + hrow[2 * p] * a
                           + hrow[2 * p + 1] * b)
                msg_j[e, pl.ds(0, _DH)] = acc

            return pltpu.async_copy(msg_j, s_sh.at[dst_v.at[gb, jv]],
                                    sc_sem, add=True)

        def icopies(gi, buf, start):
            r0i = rbase + gi * _CPG
            e0i = r0i * _B
            op = pltpu.async_copy if start else (
                lambda s, d, m: pltpu.make_async_copy(s, d, m).wait())
            op(ei_hbm.at[0, pl.ds(r0i, _CPG)], src_v.at[buf], sem_i)
            op(ei_hbm.at[1, pl.ds(r0i, _CPG)], dst_v.at[buf], sem_i)
            op(h_hbm.at[pl.ds(e0i, _G)], h_v.at[buf], sem_i)

        icopies(0, 0, True)

        def group(g, _):
            gb = g % 2
            icopies(g, gb, False)

            @pl.when(g + 1 < _NG)
            def _prefetch():
                icopies(g + 1, (g + 1) % 2, True)

            srcs = src_v.at[gb]
            pltpu.async_copy(t_hbm.at[srcs.at[0]],
                             rows_v.at[0], sems[0]).wait()

            def pair(q, _q):
                jv0 = 2 * q
                h1 = pltpu.async_copy(t_hbm.at[srcs.at[jv0 + 1]],
                                      rows_v.at[1], sems[1])
                sca = chunk(gb, jv0, rows_v.at[0], msg_v.at[0], sem_c)
                h1.wait()
                h0 = pltpu.async_copy(t_hbm.at[srcs.at[jv0 + 2]],
                                      rows_v.at[0], sems[0])
                scb = chunk(gb, jv0 + 1, rows_v.at[1], msg_v.at[1], sem_d)
                sca.wait()
                h0.wait()
                scb.wait()
                return 0
            lax.fori_loop(0, (_CPG - 1) // 2, pair, 0)
            chunk(gb, _CPG - 1, rows_v.at[0], msg_v.at[0], sem_c).wait()
            return 0
        lax.fori_loop(0, _NG, group, 0)

        plsc.subcore_barrier()
        pltpu.sync_copy(s_sh.at[pl.ds(row0, _RPS)],
                        s_out.at[c, pl.ds(row0, _RPS)])

    acc_w = 2 * _DH if with_count else _DH
    out_type = [jax.ShapeDtypeStruct((2, _NPAD, acc_w), _f32)]
    scratch = [
        pltpu.VMEM((2, _CPG, _B), jnp.int32),
        pltpu.VMEM((2, _CPG, _B), jnp.int32),
        pltpu.VMEM((2, _G, _DH), _f32),
        pltpu.VMEM((2, _B, _TW), jnp.bfloat16),
        pltpu.VMEM((2, _B, acc_w), _f32),
        pltpu.VMEM((_RPS, acc_w), _f32),
        pltpu.VMEM_SHARED((_NPAD, acc_w), _f32),
        pltpu.SemaphoreType.DMA,
        pltpu.SemaphoreType.DMA,
        pltpu.SemaphoreType.DMA,
        pltpu.SemaphoreType.DMA,
        pltpu.SemaphoreType.DMA,
    ]

    return pl.kernel(body, out_type=out_type, mesh=mesh,
                     scratch_types=scratch,
                     compiler_params=pltpu.CompilerParams(
                         use_tc_tiling_on_sc=False,
                         needs_layout_passes=False))


_edge_call_cnt = _build_edge_kernel(with_count=True)
_edge_call_nocnt = _build_edge_kernel(with_count=False)



def kernel(x, edge_index, edge_attr, en0_W1, en0_b1, en0_W2, en0_b2, root0,
           bias0, en1_W1, en1_b1, en1_W2, en1_b2, root1, bias1, cls_W, cls_b):
    ei3 = edge_index.reshape(2, _E // _B, _B)

    eye8 = jnp.eye(8, dtype=_f32)
    k0 = jnp.kron(eye8, en0_W1)
    k1 = jnp.kron(eye8, en1_W1)
    tb0 = jnp.tile(en0_b1, 8)[None, :]
    tb1 = jnp.tile(en1_b1, 8)[None, :]
    ea8 = edge_attr.reshape(_E8, 128)
    perm = jnp.array(_BF_PERM, dtype=jnp.int32)
    m0 = en0_W2.reshape(_DE, _DIN, _DH).transpose(1, 0, 2).reshape(_DIN, _KD * _DH)
    m0aug = jnp.concatenate([m0, en0_b2.reshape(_DIN, _DH),
                             jnp.zeros((_DIN, _DH), _f32)], axis=1)[:, perm]
    he0_r, he1_r, t0, r0 = _prep_call(ea8, k0, tb0, k1, tb1, x, m0aug, root0)
    he0 = he0_r.reshape(_E, _DE)
    he1 = he1_r.reshape(_E, _DE)

    (s0c,) = _edge_call_cnt(t0, he0, ei3)

    m1 = en1_W2.reshape(_DE, _DH, _DH).transpose(1, 0, 2).reshape(_DH, _KD * _DH)
    m1aug = jnp.concatenate([m1, en1_b2.reshape(_DH, _DH),
                             jnp.zeros((_DH, _DH), _f32)], axis=1)[:, perm]
    t1, r1 = _mid_call(s0c, r0, bias0[None, :], m1aug, root1)

    (s1,) = _edge_call_nocnt(t1, he1, ei3)

    return _fin_call(s1, s0c, r1, bias1[None, :],
                     cls_W, cls_b[None, :])

# --- scband reference (transcript-rebuilt; emitter-appended) ---
"""Pipeline reference for scband-mpnn-72507637891551 (READ-ONLY COPY).

The authoritative reference and input builder live on the scoring server;
editing this copy changes nothing except your own understanding.
"""

import jax, jax.numpy as jnp
import numpy as np

N = 10000
E = 160000
D_IN = 128
D_H = 16
D_OUT = 10
D_E = 16


def setup_inputs(seed: int = 0) -> dict:
    key = jax.random.key(seed)
    ks = jax.random.split(key, 16)
    inp = {}
    inp['x'] = jax.random.normal(ks[0], (N, D_IN), dtype=jnp.float32)
    inp['edge_index'] = jax.random.randint(ks[1], (2, E), 0, N, dtype=jnp.int32)
    inp['edge_attr'] = jax.random.normal(ks[2], (E, D_E), dtype=jnp.float32)
    # NNConv layer 0: edge network Linear(D_E,D_E)->ELU->Linear(D_E, D_IN*D_H), root weight, bias
    inp['en0_W1'] = 0.1 * jax.random.normal(ks[3], (D_E, D_E), dtype=jnp.float32)
    inp['en0_b1'] = jnp.zeros((D_E,), dtype=jnp.float32)
    inp['en0_W2'] = 0.05 * jax.random.normal(ks[4], (D_E, D_IN * D_H), dtype=jnp.float32)
    inp['en0_b2'] = jnp.zeros((D_IN * D_H,), dtype=jnp.float32)
    inp['root0'] = 0.1 * jax.random.normal(ks[5], (D_IN, D_H), dtype=jnp.float32)
    inp['bias0'] = jnp.zeros((D_H,), dtype=jnp.float32)
    # NNConv layer 1: edge network Linear(D_E,D_E)->ELU->Linear(D_E, D_H*D_H), root weight, bias
    inp['en1_W1'] = 0.1 * jax.random.normal(ks[6], (D_E, D_E), dtype=jnp.float32)
    inp['en1_b1'] = jnp.zeros((D_E,), dtype=jnp.float32)
    inp['en1_W2'] = 0.05 * jax.random.normal(ks[7], (D_E, D_H * D_H), dtype=jnp.float32)
    inp['en1_b2'] = jnp.zeros((D_H * D_H,), dtype=jnp.float32)
    inp['root1'] = 0.1 * jax.random.normal(ks[8], (D_H, D_H), dtype=jnp.float32)
    inp['bias1'] = jnp.zeros((D_H,), dtype=jnp.float32)
    # classifier Linear(D_H, D_OUT)
    inp['cls_W'] = 0.1 * jax.random.normal(ks[9], (D_H, D_OUT), dtype=jnp.float32)
    inp['cls_b'] = jnp.zeros((D_OUT,), dtype=jnp.float32)
    return inp


def _nnconv(x, edge_attr, src, dst, W1, b1, W2, b2, root, bias, in_c, out_c):
    # edge network produces a per-edge [in_c, out_c] weight matrix
    h = jax.nn.elu(edge_attr @ W1 + b1)
    w = (h @ W2 + b2).reshape(-1, in_c, out_c)
    # message: x_j (gather at src) transformed by per-edge weight
    msg = jnp.einsum('ei,eio->eo', x[src], w)
    # aggr='mean' over destination nodes
    s = jax.ops.segment_sum(msg, dst, num_segments=N)
    cnt = jax.ops.segment_sum(jnp.ones((src.shape[0],), dtype=x.dtype), dst, num_segments=N)
    aggr = s / jnp.maximum(cnt, 1.0)[:, None]
    # root transform + bias (PyG NNConv defaults: root_weight=True, bias=True)
    return aggr + x @ root + bias


def reference(x, edge_index, edge_attr, en0_W1, en0_b1, en0_W2, en0_b2, root0, bias0, en1_W1, en1_b1, en1_W2, en1_b2, root1, bias1, cls_W, cls_b):
    src = edge_index[0]
    dst = edge_index[1]
    # layer 0: NNConv(128 -> 16) + ELU (dropout is identity in eval mode)
    h1 = jax.nn.elu(_nnconv(x, edge_attr, src, dst, en0_W1, en0_b1, en0_W2, en0_b2, root0, bias0, D_IN, D_H))
    # layer 1: NNConv(16 -> 16) + ELU
    h2 = jax.nn.elu(_nnconv(h1, edge_attr, src, dst, en1_W1, en1_b1, en1_W2, en1_b2, root1, bias1, D_H, D_H))
    # classifier (final dropout is identity in eval mode)
    return h2 @ cls_W + cls_b

if __name__ == "__main__":
    import jax
    _d = setup_inputs()
    print(jax.jit(kernel)(*tuple(_d.values())))

</pallas_src>

<mosaic_0001>
#map = affine_map<(d0, d1) -> (0, 0)>
#map1 = affine_map<(d0, d1) -> (0, 0, 0)>
module attributes {stable_mosaic.version = 14 : i64} {
  func.func @body(%arg0: i32, %arg1: i32, %arg2: memref<10000x288xbf16, #tpu.memory_space<hbm>>, %arg3: memref<160000x16xf32, #tpu.memory_space<hbm>>, %arg4: memref<2x4000x40xi32, #tpu.memory_space<hbm>>, %arg5: memref<2x10240x32xf32, #tpu.memory_space<hbm>>, %arg6: memref<2x25x40xi32, #tpu.memory_space<vmem>>, %arg7: memref<2x25x40xi32, #tpu.memory_space<vmem>>, %arg8: memref<2x1000x16xf32, #tpu.memory_space<vmem>>, %arg9: memref<2x40x288xbf16, #tpu.memory_space<vmem>>, %arg10: memref<2x40x32xf32, #tpu.memory_space<vmem>>, %arg11: memref<640x32xf32, #tpu.memory_space<vmem>>, %arg12: memref<10240x32xf32, #tpu.memory_space<vmem_shared>>, %arg13: memref<!tpu.dma_semaphore, #tpu.memory_space<semaphore_mem>>, %arg14: memref<!tpu.dma_semaphore, #tpu.memory_space<semaphore_mem>>, %arg15: memref<!tpu.dma_semaphore, #tpu.memory_space<semaphore_mem>>, %arg16: memref<!tpu.dma_semaphore, #tpu.memory_space<semaphore_mem>>, %arg17: memref<!tpu.dma_semaphore, #tpu.memory_space<semaphore_mem>>) attributes {dimension_semantics = [#tpu.dimension_semantics<core_parallel>, #tpu.dimension_semantics<subcore_parallel>], iteration_bounds = array<i64: 2, 16>, scalar_prefetch = 0 : i64, scratch_operands = 12 : i64, tpu.core_type = #tpu.core_type<sc_vector_subcore>, window_params = [{transform_indices = #map}, {transform_indices = #map}, {transform_indices = #map1}, {transform_indices = #map1}]} {
    %mul3A = arith.constant 2 : i32
    %mul3A_0 = arith.muli %arg1, %mul3A : i32
    %add3A = arith.addi %mul3A_0, %arg0 : i32
    %scan3A = arith.constant 0 : i32
    %scan3A_1 = arith.constant 0 : i32
    %scan3A_2 = arith.constant 640 : i32
    %scan3A_3 = arith.addi %scan3A_1, %scan3A_2 : i32
    %scan3A_4 = arith.constant 1 : i32
    %scan3A_5 = scf.for %scan3A_74 = %scan3A_1 to %scan3A_3 step %scan3A_4 iter_args(%scan3A_75 = %scan3A) -> (i32)  : i32 {
      %broadcast_in_dim3A = arith.constant 0.000000e+00 : f32
      %broadcast_in_dim3A_76 = vector.broadcast %broadcast_in_dim3A : f32 to vector<16xf32>
      %swap3A = arith.index_cast %scan3A_74 : i32 to index
      %swap3A_77 = arith.constant 0 : index
      %swap3A_78 = tpu.vector_load %arg11[%swap3A, %swap3A_77] {strides = array<i32>} : memref<640x32xf32, #tpu.memory_space<vmem>>, vector<16xf32>,
      tpu.vector_store %arg11[%swap3A, %swap3A_77], %broadcast_in_dim3A_76 {strides = array<i32>} : memref<640x32xf32, #tpu.memory_space<vmem>>, vector<16xf32>,
      %broadcast_in_dim3A_79 = arith.constant 0.000000e+00 : f32
      %broadcast_in_dim3A_80 = vector.broadcast %broadcast_in_dim3A_79 : f32 to vector<16xf32>
      %swap3A_81 = arith.index_cast %scan3A_74 : i32 to index
      %swap3A_82 = arith.constant 16 : index
      %swap3A_83 = tpu.vector_load %arg11[%swap3A_81, %swap3A_82] {strides = array<i32>} : memref<640x32xf32, #tpu.memory_space<vmem>>, vector<16xf32>,
      tpu.vector_store %arg11[%swap3A_81, %swap3A_82], %broadcast_in_dim3A_80 {strides = array<i32>} : memref<640x32xf32, #tpu.memory_space<vmem>>, vector<16xf32>,
      %scan3A_84 = arith.constant 0 : i32
      scf.yield %scan3A_84 : i32
    }
    %scan3A_6 = arith.constant 640 : i32
    %scan3A_7 = arith.constant 0 : i32
    %scan3A_8 = arith.constant 0 : i32
    %scan3A_9 = arith.constant 40 : i32
    %scan3A_10 = arith.addi %scan3A_8, %scan3A_9 : i32
    %scan3A_11 = arith.constant 1 : i32
    %scan3A_12 = scf.for %scan3A_74 = %scan3A_8 to %scan3A_10 step %scan3A_11 iter_args(%scan3A_75 = %scan3A_7) -> (i32)  : i32 {
      %broadcast_in_dim3A = arith.constant 1.000000e+00 : f32
      %broadcast_in_dim3A_76 = vector.broadcast %broadcast_in_dim3A : f32 to vector<16xf32>
      %swap3A = arith.constant 0 : i32
      %swap3A_77 = arith.index_cast %swap3A : i32 to index
      %swap3A_78 = arith.index_cast %scan3A_74 : i32 to index
      %swap3A_79 = arith.constant 16 : index
      %swap3A_80 = tpu.vector_load %arg10[%swap3A_77, %swap3A_78, %swap3A_79] {strides = array<i32>} : memref<2x40x32xf32, #tpu.memory_space<vmem>>, vector<16xf32>,
      tpu.vector_store %arg10[%swap3A_77, %swap3A_78, %swap3A_79], %broadcast_in_dim3A_76 {strides = array<i32>} : memref<2x40x32xf32, #tpu.memory_space<vmem>>, vector<16xf32>,
      %broadcast_in_dim3A_81 = arith.constant 1.000000e+00 : f32
      %broadcast_in_dim3A_82 = vector.broadcast %broadcast_in_dim3A_81 : f32 to vector<16xf32>
      %swap3A_83 = arith.constant 1 : i32
      %swap3A_84 = arith.index_cast %swap3A_83 : i32 to index
      %swap3A_85 = arith.index_cast %scan3A_74 : i32 to index
      %swap3A_86 = arith.constant 16 : index
      %swap3A_87 = tpu.vector_load %arg10[%swap3A_84, %swap3A_85, %swap3A_86] {strides = array<i32>} : memref<2x40x32xf32, #tpu.memory_space<vmem>>, vector<16xf32>,
      tpu.vector_store %arg10[%swap3A_84, %swap3A_85, %swap3A_86], %broadcast_in_dim3A_82 {strides = array<i32>} : memref<2x40x32xf32, #tpu.memory_space<vmem>>, vector<16xf32>,
      %scan3A_88 = arith.constant 0 : i32
      scf.yield %scan3A_88 : i32
    }
    %scan3A_13 = arith.constant 40 : i32
    %mul3A_14 = arith.constant 640 : i32
    %mul3A_15 = arith.muli %arg1, %mul3A_14 : i32
    "tpu.region"() ({
      %run_scoped3A = tpu.sem_alloc : memref<!tpu.dma_semaphore, #tpu.memory_space<semaphore_mem>>
      %dma_start3A_74 = arith.constant 0 : i32
      %dma_start3A_75 = tpu.memref_slice %arg12[%mul3A_15, %dma_start3A_74] : memref<10240x32xf32, #tpu.memory_space<vmem_shared>> -> memref<640x32xf32, #tpu.memory_space<vmem_shared>>
      %dma_start3A_76 = arith.constant 0 : i32
      %dma_start3A_77 = tpu.memref_slice %arg12[%mul3A_15, %dma_start3A_76] : memref<10240x32xf32, #tpu.memory_space<vmem_shared>> -> memref<640x32xf32, #tpu.memory_space<vmem_shared>>
      tpu.enqueue_dma source(%arg11 : memref<640x32xf32, #tpu.memory_space<vmem>>) target(%dma_start3A_77 : memref<640x32xf32, #tpu.memory_space<vmem_shared>>) target_semaphore(%run_scoped3A : memref<!tpu.dma_semaphore, #tpu.memory_space<semaphore_mem>>)
      %dma_wait3A = arith.constant 0 : i32
      %dma_wait3A_78 = tpu.memref_slice %arg12[%mul3A_15, %dma_wait3A] : memref<10240x32xf32, #tpu.memory_space<vmem_shared>> -> memref<640x32xf32, #tpu.memory_space<vmem_shared>>
      %dma_wait3A_79 = arith.constant 0 : i32
      %dma_wait3A_80 = tpu.memref_slice %arg12[%mul3A_15, %dma_wait3A_79] : memref<10240x32xf32, #tpu.memory_space<vmem_shared>> -> memref<640x32xf32, #tpu.memory_space<vmem_shared>>
      tpu.wait_dma2 semaphore(%run_scoped3A : memref<!tpu.dma_semaphore, #tpu.memory_space<semaphore_mem>>) src(%arg11 : memref<640x32xf32, #tpu.memory_space<vmem>>) dst(%dma_wait3A_80 : memref<640x32xf32, #tpu.memory_space<vmem_shared>>)
      tpu.yield
    }) : () -> ()
    %barrier3A = arith.constant 0 : index
    tpu.barrier barrier_id(%barrier3A)
    %mul3A_16 = arith.constant 125 : i32
    %mul3A_17 = arith.muli %add3A, %mul3A_16 : i32
    %add3A_18 = arith.constant 0 : i32
    %add3A_19 = arith.addi %mul3A_17, %add3A_18 : i32
    %mul3A_20 = arith.constant 40 : i32
    %mul3A_21 = arith.muli %add3A_19, %mul3A_20 : i32
    %dma_start3A = arith.constant 0 : i32
    %dma_start3A_22 = arith.constant 0 : i32
    %dma_start3A_23 = arith.constant 0 : i32
    %dma_start3A_24 = arith.constant 0 : i32
    %dma_start3A_25 = tpu.memref_slice %arg6[%dma_start3A_22, %dma_start3A_23, %dma_start3A_24] : memref<2x25x40xi32, #tpu.memory_space<vmem>> -> memref<1x25x40xi32, #tpu.memory_space<vmem>>
    %dma_start3A_26 = tpu.memref_squeeze %dma_start3A_25 : memref<1x25x40xi32, #tpu.memory_space<vmem>> -> memref<25x40xi32, #tpu.memory_space<vmem>>
    %dma_start3A_27 = arith.constant 0 : i32
    %dma_start3A_28 = tpu.memref_slice %arg4[%dma_start3A, %add3A_19, %dma_start3A_27] : memref<2x4000x40xi32, #tpu.memory_space<hbm>> -> memref<1x25x40xi32, #tpu.memory_space<hbm>>
    %dma_start3A_29 = tpu.memref_squeeze %dma_start3A_28 : memref<1x25x40xi32, #tpu.memory_space<hbm>> -> memref<25x40xi32, #tpu.memory_space<hbm>>
    %dma_start3A_30 = arith.constant 0 : i32
    %dma_start3A_31 = arith.constant 0 : i32
    %dma_start3A_32 = tpu.memref_slice %arg6[%dma_start3A_22, %dma_start3A_30, %dma_start3A_31] : memref<2x25x40xi32, #tpu.memory_space<vmem>> -> memref<1x25x40xi32, #tpu.memory_space<vmem>>
    %dma_start3A_33 = tpu.memref_squeeze %dma_start3A_32 : memref<1x25x40xi32, #tpu.memory_space<vmem>> -> memref<25x40xi32, #tpu.memory_space<vmem>>
    %dma_start3A_34 = arith.constant 0 : i32
    %dma_start3A_35 = tpu.memref_slice %arg4[%dma_start3A, %add3A_19, %dma_start3A_34] : memref<2x4000x40xi32, #tpu.memory_space<hbm>> -> memref<1x25x40xi32, #tpu.memory_space<hbm>>
    %dma_start3A_36 = tpu.memref_squeeze %dma_start3A_35 : memref<1x25x40xi32, #tpu.memory_space<hbm>> -> memref<25x40xi32, #tpu.memory_space<hbm>>
    tpu.enqueue_dma source(%dma_start3A_36 : memref<25x40xi32, #tpu.memory_space<hbm>>) target(%dma_start3A_33 : memref<25x40xi32, #tpu.memory_space<vmem>>) target_semaphore(%arg17 : memref<!tpu.dma_semaphore, #tpu.memory_space<semaphore_mem>>)
    %dma_start3A_37 = arith.constant 1 : i32
    %dma_start3A_38 = arith.constant 0 : i32
    %dma_start3A_39 = arith.constant 0 : i32
    %dma_start3A_40 = arith.constant 0 : i32
    %dma_start3A_41 = tpu.memref_slice %arg7[%dma_start3A_38, %dma_start3A_39, %dma_start3A_40] : memref<2x25x40xi32, #tpu.memory_space<vmem>> -> memref<1x25x40xi32, #tpu.memory_space<vmem>>
    %dma_start3A_42 = tpu.memref_squeeze %dma_start3A_41 : memref<1x25x40xi32, #tpu.memory_space<vmem>> -> memref<25x40xi32, #tpu.memory_space<vmem>>
    %dma_start3A_43 = arith.constant 0 : i32
    %dma_start3A_44 = tpu.memref_slice %arg4[%dma_start3A_37, %add3A_19, %dma_start3A_43] : memref<2x4000x40xi32, #tpu.memory_space<hbm>> -> memref<1x25x40xi32, #tpu.memory_space<hbm>>
    %dma_start3A_45 = tpu.memref_squeeze %dma_start3A_44 : memref<1x25x40xi32, #tpu.memory_space<hbm>> -> memref<25x40xi32, #tpu.memory_space<hbm>>
    %dma_start3A_46 = arith.constant 0 : i32
    %dma_start3A_47 = arith.constant 0 : i32
    %dma_start3A_48 = tpu.memref_slice %arg7[%dma_start3A_38, %dma_start3A_46, %dma_start3A_47] : memref<2x25x40xi32, #tpu.memory_space<vmem>> -> memref<1x25x40xi32, #tpu.memory_space<vmem>>
    %dma_start3A_49 = tpu.memref_squeeze %dma_start3A_48 : memref<1x25x40xi32, #tpu.memory_space<vmem>> -> memref<25x40xi32, #tpu.memory_space<vmem>>
    %dma_start3A_50 = arith.constant 0 : i32
    %dma_start3A_51 = tpu.memref_slice %arg4[%dma_start3A_37, %add3A_19, %dma_start3A_50] : memref<2x4000x40xi32, #tpu.memory_space<hbm>> -> memref<1x25x40xi32, #tpu.memory_space<hbm>>
    %dma_start3A_52 = tpu.memref_squeeze %dma_start3A_51 : memref<1x25x40xi32, #tpu.memory_space<hbm>> -> memref<25x40xi32, #tpu.memory_space<hbm>>
    tpu.enqueue_dma source(%dma_start3A_52 : memref<25x40xi32, #tpu.memory_space<hbm>>) target(%dma_start3A_49 : memref<25x40xi32, #tpu.memory_space<vmem>>) target_semaphore(%arg17 : memref<!tpu.dma_semaphore, #tpu.memory_space<semaphore_mem>>)
    %dma_start3A_53 = arith.constant 0 : i32
    %dma_start3A_54 = arith.constant 0 : i32
    %dma_start3A_55 = arith.constant 0 : i32
    %dma_start3A_56 = tpu.memref_slice %arg8[%dma_start3A_53, %dma_start3A_54, %dma_start3A_55] : memref<2x1000x16xf32, #tpu.memory_space<vmem>> -> memref<1x1000x16xf32, #tpu.memory_space<vmem>>
    %dma_start3A_57 = tpu.memref_squeeze %dma_start3A_56 : memref<1x1000x16xf32, #tpu.memory_space<vmem>> -> memref<1000x16xf32, #tpu.memory_space<vmem>>
    %dma_start3A_58 = arith.constant 0 : i32
    %dma_start3A_59 = tpu.memref_slice %arg3[%mul3A_21, %dma_start3A_58] : memref<160000x16xf32, #tpu.memory_space<hbm>> -> memref<1000x16xf32, #tpu.memory_space<hbm>>
    %dma_start3A_60 = arith.constant 0 : i32
    %dma_start3A_61 = arith.constant 0 : i32
    %dma_start3A_62 = tpu.memref_slice %arg8[%dma_start3A_53, %dma_start3A_60, %dma_start3A_61] : memref<2x1000x16xf32, #tpu.memory_space<vmem>> -> memref<1x1000x16xf32, #tpu.memory_space<vmem>>
    %dma_start3A_63 = tpu.memref_squeeze %dma_start3A_62 : memref<1x1000x16xf32, #tpu.memory_space<vmem>> -> memref<1000x16xf32, #tpu.memory_space<vmem>>
    %dma_start3A_64 = arith.constant 0 : i32
    %dma_start3A_65 = tpu.memref_slice %arg3[%mul3A_21, %dma_start3A_64] : memref<160000x16xf32, #tpu.memory_space<hbm>> -> memref<1000x16xf32, #tpu.memory_space<hbm>>
    tpu.enqueue_dma source(%dma_start3A_65 : memref<1000x16xf32, #tpu.memory_space<hbm>>) target(%dma_start3A_63 : memref<1000x16xf32, #tpu.memory_space<vmem>>) target_semaphore(%arg17 : memref<!tpu.dma_semaphore, #tpu.memory_space<semaphore_mem>>)
    %scan3A_66 = arith.constant 0 : i32
    %scan3A_67 = arith.constant 0 : i32
    %scan3A_68 = arith.constant 5 : i32
    %scan3A_69 = arith.addi %scan3A_67, %scan3A_68 : i32
    %scan3A_70 = arith.constant 1 : i32
    %scan3A_71 = scf.for %scan3A_74 = %scan3A_67 to %scan3A_69 step %scan3A_70 iter_args(%scan3A_75 = %scan3A_66) -> (i32)  : i32 {
      %jit3A = arith.constant 2 : i32
      %eq3A = arith.constant 0 : i32
      %eq3A_76 = arith.cmpi eq, %jit3A, %eq3A : i32
      %jit3A_77 = arith.constant 1 : i32
      %select_n3A = arith.select %eq3A_76, %jit3A_77, %jit3A : i32
      %rem3A = arith.remsi %scan3A_74, %select_n3A : i32
      %ne3A = arith.constant 0 : i32
      %ne3A_78 = arith.cmpi ne, %rem3A, %ne3A : i32
      %lt3A = arith.constant 0 : i32
      %lt3A_79 = arith.cmpi slt, %rem3A, %lt3A : i32
      %lt3A_80 = arith.constant 0 : i32
      %lt3A_81 = arith.cmpi slt, %select_n3A, %lt3A_80 : i32
      %ne3A_82 = arith.xori %lt3A_79, %lt3A_81 : i1
      %and3A = arith.andi %ne3A_82, %ne3A_78 : i1
      %add3A_83 = arith.addi %rem3A, %select_n3A : i32
      %select_n3A_84 = arith.select %and3A, %add3A_83, %rem3A : i32
      %mul3A_85 = arith.constant 25 : i32
      %mul3A_86 = arith.muli %scan3A_74, %mul3A_85 : i32
      %add3A_87 = arith.addi %mul3A_17, %mul3A_86 : i32
      %mul3A_88 = arith.constant 40 : i32
      %mul3A_89 = arith.muli %add3A_87, %mul3A_88 : i32
      %dma_wait3A = arith.constant 0 : i32
      %dma_wait3A_90 = arith.constant 0 : i32
      %dma_wait3A_91 = arith.constant 0 : i32
      %dma_wait3A_92 = tpu.memref_slice %arg6[%select_n3A_84, %dma_wait3A_90, %dma_wait3A_91] : memref<2x25x40xi32, #tpu.memory_space<vmem>> -> memref<1x25x40xi32, #tpu.memory_space<vmem>>
      %dma_wait3A_93 = tpu.memref_squeeze %dma_wait3A_92 : memref<1x25x40xi32, #tpu.memory_space<vmem>> -> memref<25x40xi32, #tpu.memory_space<vmem>>
      %dma_wait3A_94 = arith.constant 0 : i32
      %dma_wait3A_95 = tpu.memref_slice %arg4[%dma_wait3A, %add3A_87, %dma_wait3A_94] : memref<2x4000x40xi32, #tpu.memory_space<hbm>> -> memref<1x25x40xi32, #tpu.memory_space<hbm>>
      %dma_wait3A_96 = tpu.memref_squeeze %dma_wait3A_95 : memref<1x25x40xi32, #tpu.memory_space<hbm>> -> memref<25x40xi32, #tpu.memory_space<hbm>>
      %dma_wait3A_97 = arith.constant 0 : i32
      %dma_wait3A_98 = arith.constant 0 : i32
      %dma_wait3A_99 = tpu.memref_slice %arg6[%select_n3A_84, %dma_wait3A_97, %dma_wait3A_98] : memref<2x25x40xi32, #tpu.memory_space<vmem>> -> memref<1x25x40xi32, #tpu.memory_space<vmem>>
      %dma_wait3A_100 = tpu.memref_squeeze %dma_wait3A_99 : memref<1x25x40xi32, #tpu.memory_space<vmem>> -> memref<25x40xi32, #tpu.memory_space<vmem>>
      %dma_wait3A_101 = arith.constant 0 : i32
      %dma_wait3A_102 = tpu.memref_slice %arg4[%dma_wait3A, %add3A_87, %dma_wait3A_101] : memref<2x4000x40xi32, #tpu.memory_space<hbm>> -> memref<1x25x40xi32, #tpu.memory_space<hbm>>
      %dma_wait3A_103 = tpu.memref_squeeze %dma_wait3A_102 : memref<1x25x40xi32, #tpu.memory_space<hbm>> -> memref<25x40xi32, #tpu.memory_space<hbm>>
      tpu.wait_dma2 semaphore(%arg17 : memref<!tpu.dma_semaphore, #tpu.memory_space<semaphore_mem>>) src(%dma_wait3A_103 : memref<25x40xi32, #tpu.memory_space<hbm>>) dst(%dma_wait3A_100 : memref<25x40xi32, #tpu.memory_space<vmem>>)
      %dma_wait3A_104 = arith.constant 1 : i32
      %dma_wait3A_105 = arith.constant 0 : i32
      %dma_wait3A_106 = arith.constant 0 : i32
      %dma_wait3A_107 = tpu.memref_slice %arg7[%select_n3A_84, %dma_wait3A_105, %dma_wait3A_106] : memref<2x25x40xi32, #tpu.memory_space<vmem>> -> memref<1x25x40xi32, #tpu.memory_space<vmem>>
      %dma_wait3A_108 = tpu.memref_squeeze %dma_wait3A_107 : memref<1x25x40xi32, #tpu.memory_space<vmem>> -> memref<25x40xi32, #tpu.memory_space<vmem>>
      %dma_wait3A_109 = arith.constant 0 : i32
      %dma_wait3A_110 = tpu.memref_slice %arg4[%dma_wait3A_104, %add3A_87, %dma_wait3A_109] : memref<2x4000x40xi32, #tpu.memory_space<hbm>> -> memref<1x25x40xi32, #tpu.memory_space<hbm>>
      %dma_wait3A_111 = tpu.memref_squeeze %dma_wait3A_110 : memref<1x25x40xi32, #tpu.memory_space<hbm>> -> memref<25x40xi32, #tpu.memory_space<hbm>>
      %dma_wait3A_112 = arith.constant 0 : i32
      %dma_wait3A_113 = arith.constant 0 : i32
      %dma_wait3A_114 = tpu.memref_slice %arg7[%select_n3A_84, %dma_wait3A_112, %dma_wait3A_113] : memref<2x25x40xi32, #tpu.memory_space<vmem>> -> memref<1x25x40xi32, #tpu.memory_space<vmem>>
      %dma_wait3A_115 = tpu.memref_squeeze %dma_wait3A_114 : memref<1x25x40xi32, #tpu.memory_space<vmem>> -> memref<25x40xi32, #tpu.memory_space<vmem>>
      %dma_wait3A_116 = arith.constant 0 : i32
      %dma_wait3A_117 = tpu.memref_slice %arg4[%dma_wait3A_104, %add3A_87, %dma_wait3A_116] : memref<2x4000x40xi32, #tpu.memory_space<hbm>> -> memref<1x25x40xi32, #tpu.memory_space<hbm>>
      %dma_wait3A_118 = tpu.memref_squeeze %dma_wait3A_117 : memref<1x25x40xi32, #tpu.memory_space<hbm>> -> memref<25x40xi32, #tpu.memory_space<hbm>>
      tpu.wait_dma2 semaphore(%arg17 : memref<!tpu.dma_semaphore, #tpu.memory_space<semaphore_mem>>) src(%dma_wait3A_118 : memref<25x40xi32, #tpu.memory_space<hbm>>) dst(%dma_wait3A_115 : memref<25x40xi32, #tpu.memory_space<vmem>>)
      %dma_wait3A_119 = arith.constant 0 : i32
      %dma_wait3A_120 = arith.constant 0 : i32
      %dma_wait3A_121 = tpu.memref_slice %arg8[%select_n3A_84, %dma_wait3A_119, %dma_wait3A_120] : memref<2x1000x16xf32, #tpu.memory_space<vmem>> -> memref<1x1000x16xf32, #tpu.memory_space<vmem>>
      %dma_wait3A_122 = tpu.memref_squeeze %dma_wait3A_121 : memref<1x1000x16xf32, #tpu.memory_space<vmem>> -> memref<1000x16xf32, #tpu.memory_space<vmem>>
      %dma_wait3A_123 = arith.constant 0 : i32
      %dma_wait3A_124 = tpu.memref_slice %arg3[%mul3A_89, %dma_wait3A_123] : memref<160000x16xf32, #tpu.memory_space<hbm>> -> memref<1000x16xf32, #tpu.memory_space<hbm>>
      %dma_wait3A_125 = arith.constant 0 : i32
      %dma_wait3A_126 = arith.constant 0 : i32
      %dma_wait3A_127 = tpu.memref_slice %arg8[%select_n3A_84, %dma_wait3A_125, %dma_wait3A_126] : memref<2x1000x16xf32, #tpu.memory_space<vmem>> -> memref<1x1000x16xf32, #tpu.memory_space<vmem>>
      %dma_wait3A_128 = tpu.memref_squeeze %dma_wait3A_127 : memref<1x1000x16xf32, #tpu.memory_space<vmem>> -> memref<1000x16xf32, #tpu.memory_space<vmem>>
      %dma_wait3A_129 = arith.constant 0 : i32
      %dma_wait3A_130 = tpu.memref_slice %arg3[%mul3A_89, %dma_wait3A_129] : memref<160000x16xf32, #tpu.memory_space<hbm>> -> memref<1000x16xf32, #tpu.memory_space<hbm>>
      tpu.wait_dma2 semaphore(%arg17 : memref<!tpu.dma_semaphore, #tpu.memory_space<semaphore_mem>>) src(%dma_wait3A_130 : memref<1000x16xf32, #tpu.memory_space<hbm>>) dst(%dma_wait3A_128 : memref<1000x16xf32, #tpu.memory_space<vmem>>)
      %add3A_131 = arith.constant 1 : i32
      %add3A_132 = arith.addi %scan3A_74, %add3A_131 : i32
      %lt3A_133 = arith.constant 5 : i32
      %lt3A_134 = arith.cmpi slt, %add3A_132, %lt3A_133 : i32
      %convert_element_type3A = arith.extui %lt3A_134 : i1 to i32
      %cond3A = arith.constant 0 : i32
      %cond3A_135 = arith.cmpi ne, %convert_element_type3A, %cond3A : i32
      scf.if %cond3A_135 {
        %add3A_204 = arith.constant 1 : i32
        %add3A_205 = arith.addi %scan3A_74, %add3A_204 : i32
        %add3A_206 = arith.constant 1 : i32
        %add3A_207 = arith.addi %scan3A_74, %add3A_206 : i32
        %jit3A_208 = arith.constant 2 : i32
        %eq3A_209 = arith.constant 0 : i32
        %eq3A_210 = arith.cmpi eq, %jit3A_208, %eq3A_209 : i32
        %jit3A_211 = arith.constant 1 : i32
        %select_n3A_212 = arith.select %eq3A_210, %jit3A_211, %jit3A_208 : i32
        %rem3A_213 = arith.remsi %add3A_207, %select_n3A_212 : i32
        %ne3A_214 = arith.constant 0 : i32
        %ne3A_215 = arith.cmpi ne, %rem3A_213, %ne3A_214 : i32
        %lt3A_216 = arith.constant 0 : i32
        %lt3A_217 = arith.cmpi slt, %rem3A_213, %lt3A_216 : i32
        %lt3A_218 = arith.constant 0 : i32
        %lt3A_219 = arith.cmpi slt, %select_n3A_212, %lt3A_218 : i32
        %ne3A_220 = arith.xori %lt3A_217, %lt3A_219 : i1
        %and3A_221 = arith.andi %ne3A_220, %ne3A_215 : i1
        %add3A_222 = arith.addi %rem3A_213, %select_n3A_212 : i32
        %select_n3A_223 = arith.select %and3A_221, %add3A_222, %rem3A_213 : i32
        %mul3A_224 = arith.constant 25 : i32
        %mul3A_225 = arith.muli %add3A_205, %mul3A_224 : i32
        %add3A_226 = arith.addi %mul3A_17, %mul3A_225 : i32
        %mul3A_227 = arith.constant 40 : i32
        %mul3A_228 = arith.muli %add3A_226, %mul3A_227 : i32
        %dma_start3A_229 = arith.constant 0 : i32
        %dma_start3A_230 = arith.constant 0 : i32
        %dma_start3A_231 = arith.constant 0 : i32
        %dma_start3A_232 = tpu.memref_slice %arg6[%select_n3A_223, %dma_start3A_230, %dma_start3A_231] : memref<2x25x40xi32, #tpu.memory_space<vmem>> -> memref<1x25x40xi32, #tpu.memory_space<vmem>>
        %dma_start3A_233 = tpu.memref_squeeze %dma_start3A_232 : memref<1x25x40xi32, #tpu.memory_space<vmem>> -> memref<25x40xi32, #tpu.memory_space<vmem>>
        %dma_start3A_234 = arith.constant 0 : i32
        %dma_start3A_235 = tpu.memref_slice %arg4[%dma_start3A_229, %add3A_226, %dma_start3A_234] : memref<2x4000x40xi32, #tpu.memory_space<hbm>> -> memref<1x25x40xi32, #tpu.memory_space<hbm>>
        %dma_start3A_236 = tpu.memref_squeeze %dma_start3A_235 : memref<1x25x40xi32, #tpu.memory_space<hbm>> -> memref<25x40xi32, #tpu.memory_space<hbm>>
        %dma_start3A_237 = arith.constant 0 : i32
        %dma_start3A_238 = arith.constant 0 : i32
        %dma_start3A_239 = tpu.memref_slice %arg6[%select_n3A_223, %dma_start3A_237, %dma_start3A_238] : memref<2x25x40xi32, #tpu.memory_space<vmem>> -> memref<1x25x40xi32, #tpu.memory_space<vmem>>
        %dma_start3A_240 = tpu.memref_squeeze %dma_start3A_239 : memref<1x25x40xi32, #tpu.memory_space<vmem>> -> memref<25x40xi32, #tpu.memory_space<vmem>>
        %dma_start3A_241 = arith.constant 0 : i32
        %dma_start3A_242 = tpu.memref_slice %arg4[%dma_start3A_229, %add3A_226, %dma_start3A_241] : memref<2x4000x40xi32, #tpu.memory_space<hbm>> -> memref<1x25x40xi32, #tpu.memory_space<hbm>>
        %dma_start3A_243 = tpu.memref_squeeze %dma_start3A_242 : memref<1x25x40xi32, #tpu.memory_space<hbm>> -> memref<25x40xi32, #tpu.memory_space<hbm>>
        tpu.enqueue_dma source(%dma_start3A_243 : memref<25x40xi32, #tpu.memory_space<hbm>>) target(%dma_start3A_240 : memref<25x40xi32, #tpu.memory_space<vmem>>) target_semaphore(%arg17 : memref<!tpu.dma_semaphore, #tpu.memory_space<semaphore_mem>>)
        %dma_start3A_244 = arith.constant 1 : i32
        %dma_start3A_245 = arith.constant 0 : i32
        %dma_start3A_246 = arith.constant 0 : i32
        %dma_start3A_247 = tpu.memref_slice %arg7[%select_n3A_223, %dma_start3A_245, %dma_start3A_246] : memref<2x25x40xi32, #tpu.memory_space<vmem>> -> memref<1x25x40xi32, #tpu.memory_space<vmem>>
        %dma_start3A_248 = tpu.memref_squeeze %dma_start3A_247 : memref<1x25x40xi32, #tpu.memory_space<vmem>> -> memref<25x40xi32, #tpu.memory_space<vmem>>
        %dma_start3A_249 = arith.constant 0 : i32
        %dma_start3A_250 = tpu.memref_slice %arg4[%dma_start3A_244, %add3A_226, %dma_start3A_249] : memref<2x4000x40xi32, #tpu.memory_space<hbm>> -> memref<1x25x40xi32, #tpu.memory_space<hbm>>
        %dma_start3A_251 = tpu.memref_squeeze %dma_start3A_250 : memref<1x25x40xi32, #tpu.memory_space<hbm>> -> memref<25x40xi32, #tpu.memory_space<hbm>>
        %dma_start3A_252 = arith.constant 0 : i32
        %dma_start3A_253 = arith.constant 0 : i32
        %dma_start3A_254 = tpu.memref_slice %arg7[%select_n3A_223, %dma_start3A_252, %dma_start3A_253] : memref<2x25x40xi32, #tpu.memory_space<vmem>> -> memref<1x25x40xi32, #tpu.memory_space<vmem>>
        %dma_start3A_255 = tpu.memref_squeeze %dma_start3A_254 : memref<1x25x40xi32, #tpu.memory_space<vmem>> -> memref<25x40xi32, #tpu.memory_space<vmem>>
        %dma_start3A_256 = arith.constant 0 : i32
        %dma_start3A_257 = tpu.memref_slice %arg4[%dma_start3A_244, %add3A_226, %dma_start3A_256] : memref<2x4000x40xi32, #tpu.memory_space<hbm>> -> memref<1x25x40xi32, #tpu.memory_space<hbm>>
        %dma_start3A_258 = tpu.memref_squeeze %dma_start3A_257 : memref<1x25x40xi32, #tpu.memory_space<hbm>> -> memref<25x40xi32, #tpu.memory_space<hbm>>
        tpu.enqueue_dma source(%dma_start3A_258 : memref<25x40xi32, #tpu.memory_space<hbm>>) target(%dma_start3A_255 : memref<25x40xi32, #tpu.memory_space<vmem>>) target_semaphore(%arg17 : memref<!tpu.dma_semaphore, #tpu.memory_space<semaphore_mem>>)
        %dma_start3A_259 = arith.constant 0 : i32
        %dma_start3A_260 = arith.constant 0 : i32
        %dma_start3A_261 = tpu.memref_slice %arg8[%select_n3A_223, %dma_start3A_259, %dma_start3A_260] : memref<2x1000x16xf32, #tpu.memory_space<vmem>> -> memref<1x1000x16xf32, #tpu.memory_space<vmem>>
        %dma_start3A_262 = tpu.memref_squeeze %dma_start3A_261 : memref<1x1000x16xf32, #tpu.memory_space<vmem>> -> memref<1000x16xf32, #tpu.memory_space<vmem>>
        %dma_start3A_263 = arith.constant 0 : i32
        %dma_start3A_264 = tpu.memref_slice %arg3[%mul3A_228, %dma_start3A_263] : memref<160000x16xf32, #tpu.memory_space<hbm>> -> memref<1000x16xf32, #tpu.memory_space<hbm>>
        %dma_start3A_265 = arith.constant 0 : i32
        %dma_start3A_266 = arith.constant 0 : i32
        %dma_start3A_267 = tpu.memref_slice %arg8[%select_n3A_223, %dma_start3A_265, %dma_start3A_266] : memref<2x1000x16xf32, #tpu.memory_space<vmem>> -> memref<1x1000x16xf32, #tpu.memory_space<vmem>>
        %dma_start3A_268 = tpu.memref_squeeze %dma_start3A_267 : memref<1x1000x16xf32, #tpu.memory_space<vmem>> -> memref<1000x16xf32, #tpu.memory_space<vmem>>
        %dma_start3A_269 = arith.constant 0 : i32
        %dma_start3A_270 = tpu.memref_slice %arg3[%mul3A_228, %dma_start3A_269] : memref<160000x16xf32, #tpu.memory_space<hbm>> -> memref<1000x16xf32, #tpu.memory_space<hbm>>
        tpu.enqueue_dma source(%dma_start3A_270 : memref<1000x16xf32, #tpu.memory_space<hbm>>) target(%dma_start3A_268 : memref<1000x16xf32, #tpu.memory_space<vmem>>) target_semaphore(%arg17 : memref<!tpu.dma_semaphore, #tpu.memory_space<semaphore_mem>>)
      } else {
      }
      %dma_start3A_136 = arith.constant 0 : i32
      %dma_start3A_137 = arith.constant 0 : i32
      %dma_start3A_138 = arith.constant 0 : i32
      %dma_start3A_139 = arith.constant 0 : i32
      %dma_start3A_140 = tpu.memref_slice %arg9[%dma_start3A_137, %dma_start3A_138, %dma_start3A_139] : memref<2x40x288xbf16, #tpu.memory_space<vmem>> -> memref<1x40x288xbf16, #tpu.memory_space<vmem>>
      %dma_start3A_141 = tpu.memref_squeeze %dma_start3A_140 : memref<1x40x288xbf16, #tpu.memory_space<vmem>> -> memref<40x288xbf16, #tpu.memory_space<vmem>>
      %dma_start3A_142 = arith.constant 0 : i32
      %dma_start3A_143 = arith.constant 0 : i32
      %dma_start3A_144 = tpu.memref_slice %arg6[%select_n3A_84, %dma_start3A_142, %dma_start3A_143] : memref<2x25x40xi32, #tpu.memory_space<vmem>> -> memref<1x25x40xi32, #tpu.memory_space<vmem>>
      %dma_start3A_145 = tpu.memref_squeeze %dma_start3A_144 : memref<1x25x40xi32, #tpu.memory_space<vmem>> -> memref<25x40xi32, #tpu.memory_space<vmem>>
      %dma_start3A_146 = arith.constant 0 : i32
      %dma_start3A_147 = tpu.memref_slice %dma_start3A_145[%dma_start3A_136, %dma_start3A_146] : memref<25x40xi32, #tpu.memory_space<vmem>> -> memref<1x40xi32, #tpu.memory_space<vmem>>
      %dma_start3A_148 = tpu.memref_squeeze %dma_start3A_147 : memref<1x40xi32, #tpu.memory_space<vmem>> -> memref<40xi32, #tpu.memory_space<vmem>>
      %dma_start3A_149 = arith.constant 0 : i32
      %dma_start3A_150 = arith.constant 0 : i32
      %dma_start3A_151 = tpu.memref_slice %arg2[%dma_start3A_149, %dma_start3A_150] : memref<10000x288xbf16, #tpu.memory_space<hbm>> -> memref<10000x288xbf16, #tpu.memory_space<hbm>>
      tpu.enqueue_indirect_dma source(%dma_start3A_151 : memref<10000x288xbf16, #tpu.memory_space<hbm>>) target(%dma_start3A_141 : memref<40x288xbf16, #tpu.memory_space<vmem>>) offsets(%dma_start3A_148 : memref<40xi32, #tpu.memory_space<vmem>>) semaphore(%arg13 : memref<!tpu.dma_semaphore, #tpu.memory_space<semaphore_mem>>)
      %dma_wait3A_152 = arith.constant 0 : i32
      %dma_wait3A_153 = arith.constant 0 : i32
      %dma_wait3A_154 = arith.constant 0 : i32
      %dma_wait3A_155 = arith.constant 0 : i32
      %dma_wait3A_156 = tpu.memref_slice %arg9[%dma_wait3A_153, %dma_wait3A_154, %dma_wait3A_155] : memref<2x40x288xbf16, #tpu.memory_space<vmem>> -> memref<1x40x288xbf16, #tpu.memory_space<vmem>>
      %dma_wait3A_157 = tpu.memref_squeeze %dma_wait3A_156 : memref<1x40x288xbf16, #tpu.memory_space<vmem>> -> memref<40x288xbf16, #tpu.memory_space<vmem>>
      %dma_wait3A_158 = arith.constant 0 : i32
      %dma_wait3A_159 = arith.constant 0 : i32
      %dma_wait3A_160 = tpu.memref_slice %arg6[%select_n3A_84, %dma_wait3A_158, %dma_wait3A_159] : memref<2x25x40xi32, #tpu.memory_space<vmem>> -> memref<1x25x40xi32, #tpu.memory_space<vmem>>
      %dma_wait3A_161 = tpu.memref_squeeze %dma_wait3A_160 : memref<1x25x40xi32, #tpu.memory_space<vmem>> -> memref<25x40xi32, #tpu.memory_space<vmem>>
      %dma_wait3A_162 = arith.constant 0 : i32
      %dma_wait3A_163 = tpu.memref_slice %dma_wait3A_161[%dma_wait3A_152, %dma_wait3A_162] : memref<25x40xi32, #tpu.memory_space<vmem>> -> memref<1x40xi32, #tpu.memory_space<vmem>>
      %dma_wait3A_164 = tpu.memref_squeeze %dma_wait3A_163 : memref<1x40xi32, #tpu.memory_space<vmem>> -> memref<40xi32, #tpu.memory_space<vmem>>
      %dma_wait3A_165 = arith.constant 0 : i32
      %dma_wait3A_166 = arith.constant 0 : i32
      %dma_wait3A_167 = tpu.memref_slice %arg2[%dma_wait3A_165, %dma_wait3A_166] : memref<10000x288xbf16, #tpu.memory_space<hbm>> -> memref<10000x288xbf16, #tpu.memory_space<hbm>>
      tpu.wait_indirect_dma semaphore(%arg13 : memref<!tpu.dma_semaphore, #tpu.memory_space<semaphore_mem>>) src(%dma_wait3A_167 : memref<10000x288xbf16, #tpu.memory_space<hbm>>) dst(%dma_wait3A_157 : memref<40x288xbf16, #tpu.memory_space<vmem>>)
      %scan3A_168 = arith.constant 0 : i32
      %scan3A_169 = arith.constant 0 : i32
      %scan3A_170 = arith.constant 12 : i32
      %scan3A_171 = arith.addi %scan3A_169, %scan3A_170 : i32
      %scan3A_172 = arith.constant 1 : i32
      %scan3A_173 = scf.for %scan3A_204 = %scan3A_169 to %scan3A_171 step %scan3A_172 iter_args(%scan3A_205 = %scan3A_168) -> (i32)  : i32 {
        %mul3A_206 = arith.constant 2 : i32
        %mul3A_207 = arith.muli %mul3A_206, %scan3A_204 : i32
        %add3A_208 = arith.constant 1 : i32
        %add3A_209 = arith.addi %mul3A_207, %add3A_208 : i32
        %dma_start3A_210 = arith.constant 1 : i32
        %dma_start3A_211 = arith.constant 0 : i32
        %dma_start3A_212 = arith.constant 0 : i32
        %dma_start3A_213 = tpu.memref_slice %arg9[%dma_start3A_210, %dma_start3A_211, %dma_start3A_212] : memref<2x40x288xbf16, #tpu.memory_space<vmem>> -> memref<1x40x288xbf16, #tpu.memory_space<vmem>>
        %dma_start3A_214 = tpu.memref_squeeze %dma_start3A_213 : memref<1x40x288xbf16, #tpu.memory_space<vmem>> -> memref<40x288xbf16, #tpu.memory_space<vmem>>
        %dma_start3A_215 = arith.constant 0 : i32
        %dma_start3A_216 = arith.constant 0 : i32
        %dma_start3A_217 = tpu.memref_slice %arg6[%select_n3A_84, %dma_start3A_215, %dma_start3A_216] : memref<2x25x40xi32, #tpu.memory_space<vmem>> -> memref<1x25x40xi32, #tpu.memory_space<vmem>>
        %dma_start3A_218 = tpu.memref_squeeze %dma_start3A_217 : memref<1x25x40xi32, #tpu.memory_space<vmem>> -> memref<25x40xi32, #tpu.memory_space<vmem>>
        %dma_start3A_219 = arith.constant 0 : i32
        %dma_start3A_220 = tpu.memref_slice %dma_start3A_218[%add3A_209, %dma_start3A_219] : memref<25x40xi32, #tpu.memory_space<vmem>> -> memref<1x40xi32, #tpu.memory_space<vmem>>
        %dma_start3A_221 = tpu.memref_squeeze %dma_start3A_220 : memref<1x40xi32, #tpu.memory_space<vmem>> -> memref<40xi32, #tpu.memory_space<vmem>>
        %dma_start3A_222 = arith.constant 0 : i32
        %dma_start3A_223 = arith.constant 0 : i32
        %dma_start3A_224 = tpu.memref_slice %arg2[%dma_start3A_222, %dma_start3A_223] : memref<10000x288xbf16, #tpu.memory_space<hbm>> -> memref<10000x288xbf16, #tpu.memory_space<hbm>>
        tpu.enqueue_indirect_dma source(%dma_start3A_224 : memref<10000x288xbf16, #tpu.memory_space<hbm>>) target(%dma_start3A_214 : memref<40x288xbf16, #tpu.memory_space<vmem>>) offsets(%dma_start3A_221 : memref<40xi32, #tpu.memory_space<vmem>>) semaphore(%arg14 : memref<!tpu.dma_semaphore, #tpu.memory_space<semaphore_mem>>)
        %parallel_loop3A_225 = arith.constant 0 : i32
        %parallel_loop3A_226 = arith.constant 40 : i32
        %parallel_loop3A_227 = arith.constant 1 : i32
        %parallel_loop3A_228 = arith.constant 0 : i32
        %parallel_loop3A_229 = arith.constant 0 : i32
        scf.for %parallel_loop3A_329 = %parallel_loop3A_225 to %parallel_loop3A_226 step %parallel_loop3A_227  : i32 {
          %parallel_loop3A_330 = arith.constant 40 : i32
          %parallel_loop3A_331 = arith.muli %mul3A_207, %parallel_loop3A_330 : i32
          %parallel_loop3A_332 = arith.addi %parallel_loop3A_331, %parallel_loop3A_329 : i32
          %parallel_loop3A_333 = arith.index_cast %select_n3A_84 : i32 to index
          %parallel_loop3A_334 = arith.index_cast %parallel_loop3A_332 : i32 to index
          %parallel_loop3A_335 = arith.constant 0 : index
          %parallel_loop3A_336 = tpu.vector_load %arg8[%parallel_loop3A_333, %parallel_loop3A_334, %parallel_loop3A_335] {strides = array<i32>} : memref<2x1000x16xf32, #tpu.memory_space<vmem>>, vector<16xf32>,
          %parallel_loop3A_337 = arith.constant 0 : i32
          %parallel_loop3A_338 = arith.constant 0 : i32
          %parallel_loop3A_339 = tpu.memref_slice %arg9[%parallel_loop3A_228, %parallel_loop3A_337, %parallel_loop3A_338] : memref<2x40x288xbf16, #tpu.memory_space<vmem>> -> memref<1x40x288xbf16, #tpu.memory_space<vmem>>
          %parallel_loop3A_340 = tpu.memref_squeeze %parallel_loop3A_339 : memref<1x40x288xbf16, #tpu.memory_space<vmem>> -> memref<40x288xbf16, #tpu.memory_space<vmem>>
          %parallel_loop3A_341 = arith.index_cast %parallel_loop3A_329 : i32 to index
          %parallel_loop3A_342 = arith.constant 256 : index
          %parallel_loop3A_343 = tpu.vector_load %parallel_loop3A_340[%parallel_loop3A_341, %parallel_loop3A_342] {strides = array<i32>} : memref<40x288xbf16, #tpu.memory_space<vmem>>, vector<32xbf16>,
          %parallel_loop3A_344 = tpu.unpack_subelements %parallel_loop3A_343, 0 {pack_format = #tpu.pack_format<interleaved>} : vector<32xbf16> -> vector<16xf32>
          %parallel_loop3A_345 = tpu.unpack_subelements %parallel_loop3A_343, 1 {pack_format = #tpu.pack_format<interleaved>} : vector<32xbf16> -> vector<16xf32>
          %parallel_loop3A_346 = arith.constant 0 : i32
          %parallel_loop3A_347 = arith.constant 0 : i32
          %parallel_loop3A_348 = tpu.memref_slice %arg9[%parallel_loop3A_228, %parallel_loop3A_346, %parallel_loop3A_347] : memref<2x40x288xbf16, #tpu.memory_space<vmem>> -> memref<1x40x288xbf16, #tpu.memory_space<vmem>>
          %parallel_loop3A_349 = tpu.memref_squeeze %parallel_loop3A_348 : memref<1x40x288xbf16, #tpu.memory_space<vmem>> -> memref<40x288xbf16, #tpu.memory_space<vmem>>
          %parallel_loop3A_350 = arith.index_cast %parallel_loop3A_329 : i32 to index
          %parallel_loop3A_351 = arith.constant 0 : index
          %parallel_loop3A_352 = tpu.vector_load %parallel_loop3A_349[%parallel_loop3A_350, %parallel_loop3A_351] {strides = array<i32>} : memref<40x288xbf16, #tpu.memory_space<vmem>>, vector<32xbf16>,
          %parallel_loop3A_353 = tpu.unpack_subelements %parallel_loop3A_352, 0 {pack_format = #tpu.pack_format<interleaved>} : vector<32xbf16> -> vector<16xf32>
          %parallel_loop3A_354 = tpu.unpack_subelements %parallel_loop3A_352, 1 {pack_format = #tpu.pack_format<interleaved>} : vector<32xbf16> -> vector<16xf32>
          %parallel_loop3A_355 = vector.extract_strided_slice %parallel_loop3A_336 {offsets = [0], sizes = [1], strides = [1]} : vector<16xf32> to vector<1xf32>
          %parallel_loop3A_356 = vector.extract %parallel_loop3A_355[0] : f32 from vector<1xf32>
          %parallel_loop3A_357 = vector.broadcast %parallel_loop3A_356 : f32 to vector<16xf32>
          %parallel_loop3A_358 = arith.mulf %parallel_loop3A_357, %parallel_loop3A_353 : vector<16xf32>
          %parallel_loop3A_359 = arith.addf %parallel_loop3A_344, %parallel_loop3A_358 : vector<16xf32>
          %parallel_loop3A_360 = vector.extract_strided_slice %parallel_loop3A_336 {offsets = [1], sizes = [1], strides = [1]} : vector<16xf32> to vector<1xf32>
          %parallel_loop3A_361 = vector.extract %parallel_loop3A_360[0] : f32 from vector<1xf32>
          %parallel_loop3A_362 = vector.broadcast %parallel_loop3A_361 : f32 to vector<16xf32>
          %parallel_loop3A_363 = arith.mulf %parallel_loop3A_362, %parallel_loop3A_354 : vector<16xf32>
          %parallel_loop3A_364 = arith.addf %parallel_loop3A_359, %parallel_loop3A_363 : vector<16xf32>
          %parallel_loop3A_365 = arith.constant 0 : i32
          %parallel_loop3A_366 = arith.constant 0 : i32
          %parallel_loop3A_367 = tpu.memref_slice %arg9[%parallel_loop3A_228, %parallel_loop3A_365, %parallel_loop3A_366] : memref<2x40x288xbf16, #tpu.memory_space<vmem>> -> memref<1x40x288xbf16, #tpu.memory_space<vmem>>
          %parallel_loop3A_368 = tpu.memref_squeeze %parallel_loop3A_367 : memref<1x40x288xbf16, #tpu.memory_space<vmem>> -> memref<40x288xbf16, #tpu.memory_space<vmem>>
          %parallel_loop3A_369 = arith.index_cast %parallel_loop3A_329 : i32 to index
          %parallel_loop3A_370 = arith.constant 32 : index
          %parallel_loop3A_371 = tpu.vector_load %parallel_loop3A_368[%parallel_loop3A_369, %parallel_loop3A_370] {strides = array<i32>} : memref<40x288xbf16, #tpu.memory_space<vmem>>, vector<32xbf16>,
          %parallel_loop3A_372 = tpu.unpack_subelements %parallel_loop3A_371, 0 {pack_format = #tpu.pack_format<interleaved>} : vector<32xbf16> -> vector<16xf32>
          %parallel_loop3A_373 = tpu.unpack_subelements %parallel_loop3A_371, 1 {pack_format = #tpu.pack_format<interleaved>} : vector<32xbf16> -> vector<16xf32>
          %parallel_loop3A_374 = vector.extract_strided_slice %parallel_loop3A_336 {offsets = [2], sizes = [1], strides = [1]} : vector<16xf32> to vector<1xf32>
          %parallel_loop3A_375 = vector.extract %parallel_loop3A_374[0] : f32 from vector<1xf32>
          %parallel_loop3A_376 = vector.broadcast %parallel_loop3A_375 : f32 to vector<16xf32>
          %parallel_loop3A_377 = arith.mulf %parallel_loop3A_376, %parallel_loop3A_372 : vector<16xf32>
          %parallel_loop3A_378 = arith.addf %parallel_loop3A_364, %parallel_loop3A_377 : vector<16xf32>
          %parallel_loop3A_379 = vector.extract_strided_slice %parallel_loop3A_336 {offsets = [3], sizes = [1], strides = [1]} : vector<16xf32> to vector<1xf32>
          %parallel_loop3A_380 = vector.extract %parallel_loop3A_379[0] : f32 from vector<1xf32>
          %parallel_loop3A_381 = vector.broadcast %parallel_loop3A_380 : f32 to vector<16xf32>
          %parallel_loop3A_382 = arith.mulf %parallel_loop3A_381, %parallel_loop3A_373 : vector<16xf32>
          %parallel_loop3A_383 = arith.addf %parallel_loop3A_378, %parallel_loop3A_382 : vector<16xf32>
          %parallel_loop3A_384 = arith.constant 0 : i32
          %parallel_loop3A_385 = arith.constant 0 : i32
          %parallel_loop3A_386 = tpu.memref_slice %arg9[%parallel_loop3A_228, %parallel_loop3A_384, %parallel_loop3A_385] : memref<2x40x288xbf16, #tpu.memory_space<vmem>> -> memref<1x40x288xbf16, #tpu.memory_space<vmem>>
          %parallel_loop3A_387 = tpu.memref_squeeze %parallel_loop3A_386 : memref<1x40x288xbf16, #tpu.memory_space<vmem>> -> memref<40x288xbf16, #tpu.memory_space<vmem>>
          %parallel_loop3A_388 = arith.index_cast %parallel_loop3A_329 : i32 to index
          %parallel_loop3A_389 = arith.constant 64 : index
          %parallel_loop3A_390 = tpu.vector_load %parallel_loop3A_387[%parallel_loop3A_388, %parallel_loop3A_389] {strides = array<i32>} : memref<40x288xbf16, #tpu.memory_space<vmem>>, vector<32xbf16>,
          %parallel_loop3A_391 = tpu.unpack_subelements %parallel_loop3A_390, 0 {pack_format = #tpu.pack_format<interleaved>} : vector<32xbf16> -> vector<16xf32>
          %parallel_loop3A_392 = tpu.unpack_subelements %parallel_loop3A_390, 1 {pack_format = #tpu.pack_format<interleaved>} : vector<32xbf16> -> vector<16xf32>
          %parallel_loop3A_393 = vector.extract_strided_slice %parallel_loop3A_336 {offsets = [4], sizes = [1], strides = [1]} : vector<16xf32> to vector<1xf32>
          %parallel_loop3A_394 = vector.extract %parallel_loop3A_393[0] : f32 from vector<1xf32>
          %parallel_loop3A_395 = vector.broadcast %parallel_loop3A_394 : f32 to vector<16xf32>
          %parallel_loop3A_396 = arith.mulf %parallel_loop3A_395, %parallel_loop3A_391 : vector<16xf32>
          %parallel_loop3A_397 = arith.addf %parallel_loop3A_383, %parallel_loop3A_396 : vector<16xf32>
          %parallel_loop3A_398 = vector.extract_strided_slice %parallel_loop3A_336 {offsets = [5], sizes = [1], strides = [1]} : vector<16xf32> to vector<1xf32>
          %parallel_loop3A_399 = vector.extract %parallel_loop3A_398[0] : f32 from vector<1xf32>
          %parallel_loop3A_400 = vector.broadcast %parallel_loop3A_399 : f32 to vector<16xf32>
          %parallel_loop3A_401 = arith.mulf %parallel_loop3A_400, %parallel_loop3A_392 : vector<16xf32>
          %parallel_loop3A_402 = arith.addf %parallel_loop3A_397, %parallel_loop3A_401 : vector<16xf32>
          %parallel_loop3A_403 = arith.constant 0 : i32
          %parallel_loop3A_404 = arith.constant 0 : i32
          %parallel_loop3A_405 = tpu.memref_slice %arg9[%parallel_loop3A_228, %parallel_loop3A_403, %parallel_loop3A_404] : memref<2x40x288xbf16, #tpu.memory_space<vmem>> -> memref<1x40x288xbf16, #tpu.memory_space<vmem>>
          %parallel_loop3A_406 = tpu.memref_squeeze %parallel_loop3A_405 : memref<1x40x288xbf16, #tpu.memory_space<vmem>> -> memref<40x288xbf16, #tpu.memory_space<vmem>>
          %parallel_loop3A_407 = arith.index_cast %parallel_loop3A_329 : i32 to index
          %parallel_loop3A_408 = arith.constant 96 : index
          %parallel_loop3A_409 = tpu.vector_load %parallel_loop3A_406[%parallel_loop3A_407, %parallel_loop3A_408] {strides = array<i32>} : memref<40x288xbf16, #tpu.memory_space<vmem>>, vector<32xbf16>,
          %parallel_loop3A_410 = tpu.unpack_subelements %parallel_loop3A_409, 0 {pack_format = #tpu.pack_format<interleaved>} : vector<32xbf16> -> vector<16xf32>
          %parallel_loop3A_411 = tpu.unpack_subelements %parallel_loop3A_409, 1 {pack_format = #tpu.pack_format<interleaved>} : vector<32xbf16> -> vector<16xf32>
          %parallel_loop3A_412 = vector.extract_strided_slice %parallel_loop3A_336 {offsets = [6], sizes = [1], strides = [1]} : vector<16xf32> to vector<1xf32>
          %parallel_loop3A_413 = vector.extract %parallel_loop3A_412[0] : f32 from vector<1xf32>
          %parallel_loop3A_414 = vector.broadcast %parallel_loop3A_413 : f32 to vector<16xf32>
          %parallel_loop3A_415 = arith.mulf %parallel_loop3A_414, %parallel_loop3A_410 : vector<16xf32>
          %parallel_loop3A_416 = arith.addf %parallel_loop3A_402, %parallel_loop3A_415 : vector<16xf32>
          %parallel_loop3A_417 = vector.extract_strided_slice %parallel_loop3A_336 {offsets = [7], sizes = [1], strides = [1]} : vector<16xf32> to vector<1xf32>
          %parallel_loop3A_418 = vector.extract %parallel_loop3A_417[0] : f32 from vector<1xf32>
          %parallel_loop3A_419 = vector.broadcast %parallel_loop3A_418 : f32 to vector<16xf32>
          %parallel_loop3A_420 = arith.mulf %parallel_loop3A_419, %parallel_loop3A_411 : vector<16xf32>
          %parallel_loop3A_421 = arith.addf %parallel_loop3A_416, %parallel_loop3A_420 : vector<16xf32>
          %parallel_loop3A_422 = arith.constant 0 : i32
          %parallel_loop3A_423 = arith.constant 0 : i32
          %parallel_loop3A_424 = tpu.memref_slice %arg9[%parallel_loop3A_228, %parallel_loop3A_422, %parallel_loop3A_423] : memref<2x40x288xbf16, #tpu.memory_space<vmem>> -> memref<1x40x288xbf16, #tpu.memory_space<vmem>>
          %parallel_loop3A_425 = tpu.memref_squeeze %parallel_loop3A_424 : memref<1x40x288xbf16, #tpu.memory_space<vmem>> -> memref<40x288xbf16, #tpu.memory_space<vmem>>
          %parallel_loop3A_426 = arith.index_cast %parallel_loop3A_329 : i32 to index
          %parallel_loop3A_427 = arith.constant 128 : index
          %parallel_loop3A_428 = tpu.vector_load %parallel_loop3A_425[%parallel_loop3A_426, %parallel_loop3A_427] {strides = array<i32>} : memref<40x288xbf16, #tpu.memory_space<vmem>>, vector<32xbf16>,
          %parallel_loop3A_429 = tpu.unpack_subelements %parallel_loop3A_428, 0 {pack_format = #tpu.pack_format<interleaved>} : vector<32xbf16> -> vector<16xf32>
          %parallel_loop3A_430 = tpu.unpack_subelements %parallel_loop3A_428, 1 {pack_format = #tpu.pack_format<interleaved>} : vector<32xbf16> -> vector<16xf32>
          %parallel_loop3A_431 = vector.extract_strided_slice %parallel_loop3A_336 {offsets = [8], sizes = [1], strides = [1]} : vector<16xf32> to vector<1xf32>
          %parallel_loop3A_432 = vector.extract %parallel_loop3A_431[0] : f32 from vector<1xf32>
          %parallel_loop3A_433 = vector.broadcast %parallel_loop3A_432 : f32 to vector<16xf32>
          %parallel_loop3A_434 = arith.mulf %parallel_loop3A_433, %parallel_loop3A_429 : vector<16xf32>
          %parallel_loop3A_435 = arith.addf %parallel_loop3A_421, %parallel_loop3A_434 : vector<16xf32>
          %parallel_loop3A_436 = vector.extract_strided_slice %parallel_loop3A_336 {offsets = [9], sizes = [1], strides = [1]} : vector<16xf32> to vector<1xf32>
          %parallel_loop3A_437 = vector.extract %parallel_loop3A_436[0] : f32 from vector<1xf32>
          %parallel_loop3A_438 = vector.broadcast %parallel_loop3A_437 : f32 to vector<16xf32>
          %parallel_loop3A_439 = arith.mulf %parallel_loop3A_438, %parallel_loop3A_430 : vector<16xf32>
          %parallel_loop3A_440 = arith.addf %parallel_loop3A_435, %parallel_loop3A_439 : vector<16xf32>
          %parallel_loop3A_441 = arith.constant 0 : i32
          %parallel_loop3A_442 = arith.constant 0 : i32
          %parallel_loop3A_443 = tpu.memref_slice %arg9[%parallel_loop3A_228, %parallel_loop3A_441, %parallel_loop3A_442] : memref<2x40x288xbf16, #tpu.memory_space<vmem>> -> memref<1x40x288xbf16, #tpu.memory_space<vmem>>
          %parallel_loop3A_444 = tpu.memref_squeeze %parallel_loop3A_443 : memref<1x40x288xbf16, #tpu.memory_space<vmem>> -> memref<40x288xbf16, #tpu.memory_space<vmem>>
          %parallel_loop3A_445 = arith.index_cast %parallel_loop3A_329 : i32 to index
          %parallel_loop3A_446 = arith.constant 160 : index
          %parallel_loop3A_447 = tpu.vector_load %parallel_loop3A_444[%parallel_loop3A_445, %parallel_loop3A_446] {strides = array<i32>} : memref<40x288xbf16, #tpu.memory_space<vmem>>, vector<32xbf16>,
          %parallel_loop3A_448 = tpu.unpack_subelements %parallel_loop3A_447, 0 {pack_format = #tpu.pack_format<interleaved>} : vector<32xbf16> -> vector<16xf32>
          %parallel_loop3A_449 = tpu.unpack_subelements %parallel_loop3A_447, 1 {pack_format = #tpu.pack_format<interleaved>} : vector<32xbf16> -> vector<16xf32>
          %parallel_loop3A_450 = vector.extract_strided_slice %parallel_loop3A_336 {offsets = [10], sizes = [1], strides = [1]} : vector<16xf32> to vector<1xf32>
          %parallel_loop3A_451 = vector.extract %parallel_loop3A_450[0] : f32 from vector<1xf32>
          %parallel_loop3A_452 = vector.broadcast %parallel_loop3A_451 : f32 to vector<16xf32>
          %parallel_loop3A_453 = arith.mulf %parallel_loop3A_452, %parallel_loop3A_448 : vector<16xf32>
          %parallel_loop3A_454 = arith.addf %parallel_loop3A_440, %parallel_loop3A_453 : vector<16xf32>
          %parallel_loop3A_455 = vector.extract_strided_slice %parallel_loop3A_336 {offsets = [11], sizes = [1], strides = [1]} : vector<16xf32> to vector<1xf32>
          %parallel_loop3A_456 = vector.extract %parallel_loop3A_455[0] : f32 from vector<1xf32>
          %parallel_loop3A_457 = vector.broadcast %parallel_loop3A_456 : f32 to vector<16xf32>
          %parallel_loop3A_458 = arith.mulf %parallel_loop3A_457, %parallel_loop3A_449 : vector<16xf32>
          %parallel_loop3A_459 = arith.addf %parallel_loop3A_454, %parallel_loop3A_458 : vector<16xf32>
          %parallel_loop3A_460 = arith.constant 0 : i32
          %parallel_loop3A_461 = arith.constant 0 : i32
          %parallel_loop3A_462 = tpu.memref_slice %arg9[%parallel_loop3A_228, %parallel_loop3A_460, %parallel_loop3A_461] : memref<2x40x288xbf16, #tpu.memory_space<vmem>> -> memref<1x40x288xbf16, #tpu.memory_space<vmem>>
          %parallel_loop3A_463 = tpu.memref_squeeze %parallel_loop3A_462 : memref<1x40x288xbf16, #tpu.memory_space<vmem>> -> memref<40x288xbf16, #tpu.memory_space<vmem>>
          %parallel_loop3A_464 = arith.index_cast %parallel_loop3A_329 : i32 to index
          %parallel_loop3A_465 = arith.constant 192 : index
          %parallel_loop3A_466 = tpu.vector_load %parallel_loop3A_463[%parallel_loop3A_464, %parallel_loop3A_465] {strides = array<i32>} : memref<40x288xbf16, #tpu.memory_space<vmem>>, vector<32xbf16>,
          %parallel_loop3A_467 = tpu.unpack_subelements %parallel_loop3A_466, 0 {pack_format = #tpu.pack_format<interleaved>} : vector<32xbf16> -> vector<16xf32>
          %parallel_loop3A_468 = tpu.unpack_subelements %parallel_loop3A_466, 1 {pack_format = #tpu.pack_format<interleaved>} : vector<32xbf16> -> vector<16xf32>
          %parallel_loop3A_469 = vector.extract_strided_slice %parallel_loop3A_336 {offsets = [12], sizes = [1], strides = [1]} : vector<16xf32> to vector<1xf32>
          %parallel_loop3A_470 = vector.extract %parallel_loop3A_469[0] : f32 from vector<1xf32>
          %parallel_loop3A_471 = vector.broadcast %parallel_loop3A_470 : f32 to vector<16xf32>
          %parallel_loop3A_472 = arith.mulf %parallel_loop3A_471, %parallel_loop3A_467 : vector<16xf32>
          %parallel_loop3A_473 = arith.addf %parallel_loop3A_459, %parallel_loop3A_472 : vector<16xf32>
          %parallel_loop3A_474 = vector.extract_strided_slice %parallel_loop3A_336 {offsets = [13], sizes = [1], strides = [1]} : vector<16xf32> to vector<1xf32>
          %parallel_loop3A_475 = vector.extract %parallel_loop3A_474[0] : f32 from vector<1xf32>
          %parallel_loop3A_476 = vector.broadcast %parallel_loop3A_475 : f32 to vector<16xf32>
          %parallel_loop3A_477 = arith.mulf %parallel_loop3A_476, %parallel_loop3A_468 : vector<16xf32>
          %parallel_loop3A_478 = arith.addf %parallel_loop3A_473, %parallel_loop3A_477 : vector<16xf32>
          %parallel_loop3A_479 = arith.constant 0 : i32
          %parallel_loop3A_480 = arith.constant 0 : i32
          %parallel_loop3A_481 = tpu.memref_slice %arg9[%parallel_loop3A_228, %parallel_loop3A_479, %parallel_loop3A_480] : memref<2x40x288xbf16, #tpu.memory_space<vmem>> -> memref<1x40x288xbf16, #tpu.memory_space<vmem>>
          %parallel_loop3A_482 = tpu.memref_squeeze %parallel_loop3A_481 : memref<1x40x288xbf16, #tpu.memory_space<vmem>> -> memref<40x288xbf16, #tpu.memory_space<vmem>>
          %parallel_loop3A_483 = arith.index_cast %parallel_loop3A_329 : i32 to index
          %parallel_loop3A_484 = arith.constant 224 : index
          %parallel_loop3A_485 = tpu.vector_load %parallel_loop3A_482[%parallel_loop3A_483, %parallel_loop3A_484] {strides = array<i32>} : memref<40x288xbf16, #tpu.memory_space<vmem>>, vector<32xbf16>,
          %parallel_loop3A_486 = tpu.unpack_subelements %parallel_loop3A_485, 0 {pack_format = #tpu.pack_format<interleaved>} : vector<32xbf16> -> vector<16xf32>
          %parallel_loop3A_487 = tpu.unpack_subelements %parallel_loop3A_485, 1 {pack_format = #tpu.pack_format<interleaved>} : vector<32xbf16> -> vector<16xf32>
          %parallel_loop3A_488 = vector.extract_strided_slice %parallel_loop3A_336 {offsets = [14], sizes = [1], strides = [1]} : vector<16xf32> to vector<1xf32>
          %parallel_loop3A_489 = vector.extract %parallel_loop3A_488[0] : f32 from vector<1xf32>
          %parallel_loop3A_490 = vector.broadcast %parallel_loop3A_489 : f32 to vector<16xf32>
          %parallel_loop3A_491 = arith.mulf %parallel_loop3A_490, %parallel_loop3A_486 : vector<16xf32>
          %parallel_loop3A_492 = arith.addf %parallel_loop3A_478, %parallel_loop3A_491 : vector<16xf32>
          %parallel_loop3A_493 = vector.extract_strided_slice %parallel_loop3A_336 {offsets = [15], sizes = [1], strides = [1]} : vector<16xf32> to vector<1xf32>
          %parallel_loop3A_494 = vector.extract %parallel_loop3A_493[0] : f32 from vector<1xf32>
          %parallel_loop3A_495 = vector.broadcast %parallel_loop3A_494 : f32 to vector<16xf32>
          %parallel_loop3A_496 = arith.mulf %parallel_loop3A_495, %parallel_loop3A_487 : vector<16xf32>
          %parallel_loop3A_497 = arith.addf %parallel_loop3A_492, %parallel_loop3A_496 : vector<16xf32>
          %parallel_loop3A_498 = arith.constant 0 : i32
          %parallel_loop3A_499 = arith.constant 0 : i32
          %parallel_loop3A_500 = tpu.memref_slice %arg10[%parallel_loop3A_229, %parallel_loop3A_498, %parallel_loop3A_499] : memref<2x40x32xf32, #tpu.memory_space<vmem>> -> memref<1x40x32xf32, #tpu.memory_space<vmem>>
          %parallel_loop3A_501 = tpu.memref_squeeze %parallel_loop3A_500 : memref<1x40x32xf32, #tpu.memory_space<vmem>> -> memref<40x32xf32, #tpu.memory_space<vmem>>
          %parallel_loop3A_502 = arith.index_cast %parallel_loop3A_329 : i32 to index
          %parallel_loop3A_503 = arith.constant 0 : index
          %parallel_loop3A_504 = tpu.vector_load %parallel_loop3A_501[%parallel_loop3A_502, %parallel_loop3A_503] {strides = array<i32>} : memref<40x32xf32, #tpu.memory_space<vmem>>, vector<16xf32>,
          tpu.vector_store %parallel_loop3A_501[%parallel_loop3A_502, %parallel_loop3A_503], %parallel_loop3A_497 {strides = array<i32>} : memref<40x32xf32, #tpu.memory_space<vmem>>, vector<16xf32>,
        } {sc.loop_unroll_factor = 4 : i64, sc.parallel_access}
        %dma_start3A_230 = arith.constant 0 : i32
        %dma_start3A_231 = arith.constant 0 : i32
        %dma_start3A_232 = arith.constant 0 : i32
        %dma_start3A_233 = tpu.memref_slice %arg10[%dma_start3A_230, %dma_start3A_231, %dma_start3A_232] : memref<2x40x32xf32, #tpu.memory_space<vmem>> -> memref<1x40x32xf32, #tpu.memory_space<vmem>>
        %dma_start3A_234 = tpu.memref_squeeze %dma_start3A_233 : memref<1x40x32xf32, #tpu.memory_space<vmem>> -> memref<40x32xf32, #tpu.memory_space<vmem>>
        %dma_start3A_235 = arith.constant 0 : i32
        %dma_start3A_236 = tpu.memref_slice %arg7[%select_n3A_84, %mul3A_207, %dma_start3A_235] : memref<2x25x40xi32, #tpu.memory_space<vmem>> -> memref<1x1x40xi32, #tpu.memory_space<vmem>>
        %dma_start3A_237 = tpu.memref_squeeze %dma_start3A_236 : memref<1x1x40xi32, #tpu.memory_space<vmem>> -> memref<40xi32, #tpu.memory_space<vmem>>
        %dma_start3A_238 = arith.constant 0 : i32
        %dma_start3A_239 = arith.constant 0 : i32
        %dma_start3A_240 = tpu.memref_slice %arg12[%dma_start3A_238, %dma_start3A_239] : memref<10240x32xf32, #tpu.memory_space<vmem_shared>> -> memref<10240x32xf32, #tpu.memory_space<vmem_shared>>
        tpu.enqueue_indirect_dma source(%dma_start3A_234 : memref<40x32xf32, #tpu.memory_space<vmem>>) target(%dma_start3A_240 : memref<10240x32xf32, #tpu.memory_space<vmem_shared>>) offsets(%dma_start3A_237 : memref<40xi32, #tpu.memory_space<vmem>>) semaphore(%arg15 : memref<!tpu.dma_semaphore, #tpu.memory_space<semaphore_mem>>) {add = true}
        %dma_wait3A_241 = arith.constant 1 : i32
        %dma_wait3A_242 = arith.constant 0 : i32
        %dma_wait3A_243 = arith.constant 0 : i32
        %dma_wait3A_244 = tpu.memref_slice %arg9[%dma_wait3A_241, %dma_wait3A_242, %dma_wait3A_243] : memref<2x40x288xbf16, #tpu.memory_space<vmem>> -> memref<1x40x288xbf16, #tpu.memory_space<vmem>>
        %dma_wait3A_245 = tpu.memref_squeeze %dma_wait3A_244 : memref<1x40x288xbf16, #tpu.memory_space<vmem>> -> memref<40x288xbf16, #tpu.memory_space<vmem>>
        %dma_wait3A_246 = arith.constant 0 : i32
        %dma_wait3A_247 = arith.constant 0 : i32
        %dma_wait3A_248 = tpu.memref_slice %arg6[%select_n3A_84, %dma_wait3A_246, %dma_wait3A_247] : memref<2x25x40xi32, #tpu.memory_space<vmem>> -> memref<1x25x40xi32, #tpu.memory_space<vmem>>
        %dma_wait3A_249 = tpu.memref_squeeze %dma_wait3A_248 : memref<1x25x40xi32, #tpu.memory_space<vmem>> -> memref<25x40xi32, #tpu.memory_space<vmem>>
        %dma_wait3A_250 = arith.constant 0 : i32
        %dma_wait3A_251 = tpu.memref_slice %dma_wait3A_249[%add3A_209, %dma_wait3A_250] : memref<25x40xi32, #tpu.memory_space<vmem>> -> memref<1x40xi32, #tpu.memory_space<vmem>>
        %dma_wait3A_252 = tpu.memref_squeeze %dma_wait3A_251 : memref<1x40xi32, #tpu.memory_space<vmem>> -> memref<40xi32, #tpu.memory_space<vmem>>
        %dma_wait3A_253 = arith.constant 0 : i32
        %dma_wait3A_254 = arith.constant 0 : i32
        %dma_wait3A_255 = tpu.memref_slice %arg2[%dma_wait3A_253, %dma_wait3A_254] : memref<10000x288xbf16, #tpu.memory_space<hbm>> -> memref<10000x288xbf16, #tpu.memory_space<hbm>>
        tpu.wait_indirect_dma semaphore(%arg14 : memref<!tpu.dma_semaphore, #tpu.memory_space<semaphore_mem>>) src(%dma_wait3A_255 : memref<10000x288xbf16, #tpu.memory_space<hbm>>) dst(%dma_wait3A_245 : memref<40x288xbf16, #tpu.memory_space<vmem>>)
        %add3A_256 = arith.constant 2 : i32
        %add3A_257 = arith.addi %mul3A_207, %add3A_256 : i32
        %dma_start3A_258 = arith.constant 0 : i32
        %dma_start3A_259 = arith.constant 0 : i32
        %dma_start3A_260 = arith.constant 0 : i32
        %dma_start3A_261 = tpu.memref_slice %arg9[%dma_start3A_258, %dma_start3A_259, %dma_start3A_260] : memref<2x40x288xbf16, #tpu.memory_space<vmem>> -> memref<1x40x288xbf16, #tpu.memory_space<vmem>>
        %dma_start3A_262 = tpu.memref_squeeze %dma_start3A_261 : memref<1x40x288xbf16, #tpu.memory_space<vmem>> -> memref<40x288xbf16, #tpu.memory_space<vmem>>
        %dma_start3A_263 = arith.constant 0 : i32
        %dma_start3A_264 = arith.constant 0 : i32
        %dma_start3A_265 = tpu.memref_slice %arg6[%select_n3A_84, %dma_start3A_263, %dma_start3A_264] : memref<2x25x40xi32, #tpu.memory_space<vmem>> -> memref<1x25x40xi32, #tpu.memory_space<vmem>>
        %dma_start3A_266 = tpu.memref_squeeze %dma_start3A_265 : memref<1x25x40xi32, #tpu.memory_space<vmem>> -> memref<25x40xi32, #tpu.memory_space<vmem>>
        %dma_start3A_267 = arith.constant 0 : i32
        %dma_start3A_268 = tpu.memref_slice %dma_start3A_266[%add3A_257, %dma_start3A_267] : memref<25x40xi32, #tpu.memory_space<vmem>> -> memref<1x40xi32, #tpu.memory_space<vmem>>
        %dma_start3A_269 = tpu.memref_squeeze %dma_start3A_268 : memref<1x40xi32, #tpu.memory_space<vmem>> -> memref<40xi32, #tpu.memory_space<vmem>>
        %dma_start3A_270 = arith.constant 0 : i32
        %dma_start3A_271 = arith.constant 0 : i32
        %dma_start3A_272 = tpu.memref_slice %arg2[%dma_start3A_270, %dma_start3A_271] : memref<10000x288xbf16, #tpu.memory_space<hbm>> -> memref<10000x288xbf16, #tpu.memory_space<hbm>>
        tpu.enqueue_indirect_dma source(%dma_start3A_272 : memref<10000x288xbf16, #tpu.memory_space<hbm>>) target(%dma_start3A_262 : memref<40x288xbf16, #tpu.memory_space<vmem>>) offsets(%dma_start3A_269 : memref<40xi32, #tpu.memory_space<vmem>>) semaphore(%arg13 : memref<!tpu.dma_semaphore, #tpu.memory_space<semaphore_mem>>)
        %add3A_273 = arith.constant 1 : i32
        %add3A_274 = arith.addi %mul3A_207, %add3A_273 : i32
        %parallel_loop3A_275 = arith.constant 0 : i32
        %parallel_loop3A_276 = arith.constant 40 : i32
        %parallel_loop3A_277 = arith.constant 1 : i32
        %parallel_loop3A_278 = arith.constant 1 : i32
        %parallel_loop3A_279 = arith.constant 1 : i32
        scf.for %parallel_loop3A_329 = %parallel_loop3A_275 to %parallel_loop3A_276 step %parallel_loop3A_277  : i32 {
          %parallel_loop3A_330 = arith.constant 40 : i32
          %parallel_loop3A_331 = arith.muli %add3A_274, %parallel_loop3A_330 : i32
          %parallel_loop3A_332 = arith.addi %parallel_loop3A_331, %parallel_loop3A_329 : i32
          %parallel_loop3A_333 = arith.index_cast %select_n3A_84 : i32 to index
          %parallel_loop3A_334 = arith.index_cast %parallel_loop3A_332 : i32 to index
          %parallel_loop3A_335 = arith.constant 0 : index
          %parallel_loop3A_336 = tpu.vector_load %arg8[%parallel_loop3A_333, %parallel_loop3A_334, %parallel_loop3A_335] {strides = array<i32>} : memref<2x1000x16xf32, #tpu.memory_space<vmem>>, vector<16xf32>,
          %parallel_loop3A_337 = arith.constant 0 : i32
          %parallel_loop3A_338 = arith.constant 0 : i32
          %parallel_loop3A_339 = tpu.memref_slice %arg9[%parallel_loop3A_278, %parallel_loop3A_337, %parallel_loop3A_338] : memref<2x40x288xbf16, #tpu.memory_space<vmem>> -> memref<1x40x288xbf16, #tpu.memory_space<vmem>>
          %parallel_loop3A_340 = tpu.memref_squeeze %parallel_loop3A_339 : memref<1x40x288xbf16, #tpu.memory_space<vmem>> -> memref<40x288xbf16, #tpu.memory_space<vmem>>
          %parallel_loop3A_341 = arith.index_cast %parallel_loop3A_329 : i32 to index
          %parallel_loop3A_342 = arith.constant 256 : index
          %parallel_loop3A_343 = tpu.vector_load %parallel_loop3A_340[%parallel_loop3A_341, %parallel_loop3A_342] {strides = array<i32>} : memref<40x288xbf16, #tpu.memory_space<vmem>>, vector<32xbf16>,
          %parallel_loop3A_344 = tpu.unpack_subelements %parallel_loop3A_343, 0 {pack_format = #tpu.pack_format<interleaved>} : vector<32xbf16> -> vector<16xf32>
          %parallel_loop3A_345 = tpu.unpack_subelements %parallel_loop3A_343, 1 {pack_format = #tpu.pack_format<interleaved>} : vector<32xbf16> -> vector<16xf32>
          %parallel_loop3A_346 = arith.constant 0 : i32
          %parallel_loop3A_347 = arith.constant 0 : i32
          %parallel_loop3A_348 = tpu.memref_slice %arg9[%parallel_loop3A_278, %parallel_loop3A_346, %parallel_loop3A_347] : memref<2x40x288xbf16, #tpu.memory_space<vmem>> -> memref<1x40x288xbf16, #tpu.memory_space<vmem>>
          %parallel_loop3A_349 = tpu.memref_squeeze %parallel_loop3A_348 : memref<1x40x288xbf16, #tpu.memory_space<vmem>> -> memref<40x288xbf16, #tpu.memory_space<vmem>>
          %parallel_loop3A_350 = arith.index_cast %parallel_loop3A_329 : i32 to index
          %parallel_loop3A_351 = arith.constant 0 : index
          %parallel_loop3A_352 = tpu.vector_load %parallel_loop3A_349[%parallel_loop3A_350, %parallel_loop3A_351] {strides = array<i32>} : memref<40x288xbf16, #tpu.memory_space<vmem>>, vector<32xbf16>,
          %parallel_loop3A_353 = tpu.unpack_subelements %parallel_loop3A_352, 0 {pack_format = #tpu.pack_format<interleaved>} : vector<32xbf16> -> vector<16xf32>
          %parallel_loop3A_354 = tpu.unpack_subelements %parallel_loop3A_352, 1 {pack_format = #tpu.pack_format<interleaved>} : vector<32xbf16> -> vector<16xf32>
          %parallel_loop3A_355 = vector.extract_strided_slice %parallel_loop3A_336 {offsets = [0], sizes = [1], strides = [1]} : vector<16xf32> to vector<1xf32>
          %parallel_loop3A_356 = vector.extract %parallel_loop3A_355[0] : f32 from vector<1xf32>
          %parallel_loop3A_357 = vector.broadcast %parallel_loop3A_356 : f32 to vector<16xf32>
          %parallel_loop3A_358 = arith.mulf %parallel_loop3A_357, %parallel_loop3A_353 : vector<16xf32>
          %parallel_loop3A_359 = arith.addf %parallel_loop3A_344, %parallel_loop3A_358 : vector<16xf32>
          %parallel_loop3A_360 = vector.extract_strided_slice %parallel_loop3A_336 {offsets = [1], sizes = [1], strides = [1]} : vector<16xf32> to vector<1xf32>
          %parallel_loop3A_361 = vector.extract %parallel_loop3A_360[0] : f32 from vector<1xf32>
          %parallel_loop3A_362 = vector.broadcast %parallel_loop3A_361 : f32 to vector<16xf32>
          %parallel_loop3A_363 = arith.mulf %parallel_loop3A_362, %parallel_loop3A_354 : vector<16xf32>
          %parallel_loop3A_364 = arith.addf %parallel_loop3A_359, %parallel_loop3A_363 : vector<16xf32>
          %parallel_loop3A_365 = arith.constant 0 : i32
          %parallel_loop3A_366 = arith.constant 0 : i32
          %parallel_loop3A_367 = tpu.memref_slice %arg9[%parallel_loop3A_278, %parallel_loop3A_365, %parallel_loop3A_366] : memref<2x40x288xbf16, #tpu.memory_space<vmem>> -> memref<1x40x288xbf16, #tpu.memory_space<vmem>>
          %parallel_loop3A_368 = tpu.memref_squeeze %parallel_loop3A_367 : memref<1x40x288xbf16, #tpu.memory_space<vmem>> -> memref<40x288xbf16, #tpu.memory_space<vmem>>
          %parallel_loop3A_369 = arith.index_cast %parallel_loop3A_329 : i32 to index
          %parallel_loop3A_370 = arith.constant 32 : index
          %parallel_loop3A_371 = tpu.vector_load %parallel_loop3A_368[%parallel_loop3A_369, %parallel_loop3A_370] {strides = array<i32>} : memref<40x288xbf16, #tpu.memory_space<vmem>>, vector<32xbf16>,
          %parallel_loop3A_372 = tpu.unpack_subelements %parallel_loop3A_371, 0 {pack_format = #tpu.pack_format<interleaved>} : vector<32xbf16> -> vector<16xf32>
          %parallel_loop3A_373 = tpu.unpack_subelements %parallel_loop3A_371, 1 {pack_format = #tpu.pack_format<interleaved>} : vector<32xbf16> -> vector<16xf32>
          %parallel_loop3A_374 = vector.extract_strided_slice %parallel_loop3A_336 {offsets = [2], sizes = [1], strides = [1]} : vector<16xf32> to vector<1xf32>
          %parallel_loop3A_375 = vector.extract %parallel_loop3A_374[0] : f32 from vector<1xf32>
          %parallel_loop3A_376 = vector.broadcast %parallel_loop3A_375 : f32 to vector<16xf32>
          %parallel_loop3A_377 = arith.mulf %parallel_loop3A_376, %parallel_loop3A_372 : vector<16xf32>
          %parallel_loop3A_378 = arith.addf %parallel_loop3A_364, %parallel_loop3A_377 : vector<16xf32>
          %parallel_loop3A_379 = vector.extract_strided_slice %parallel_loop3A_336 {offsets = [3], sizes = [1], strides = [1]} : vector<16xf32> to vector<1xf32>
          %parallel_loop3A_380 = vector.extract %parallel_loop3A_379[0] : f32 from vector<1xf32>
          %parallel_loop3A_381 = vector.broadcast %parallel_loop3A_380 : f32 to vector<16xf32>
          %parallel_loop3A_382 = arith.mulf %parallel_loop3A_381, %parallel_loop3A_373 : vector<16xf32>
          %parallel_loop3A_383 = arith.addf %parallel_loop3A_378, %parallel_loop3A_382 : vector<16xf32>
          %parallel_loop3A_384 = arith.constant 0 : i32
          %parallel_loop3A_385 = arith.constant 0 : i32
          %parallel_loop3A_386 = tpu.memref_slice %arg9[%parallel_loop3A_278, %parallel_loop3A_384, %parallel_loop3A_385] : memref<2x40x288xbf16, #tpu.memory_space<vmem>> -> memref<1x40x288xbf16, #tpu.memory_space<vmem>>
          %parallel_loop3A_387 = tpu.memref_squeeze %parallel_loop3A_386 : memref<1x40x288xbf16, #tpu.memory_space<vmem>> -> memref<40x288xbf16, #tpu.memory_space<vmem>>
          %parallel_loop3A_388 = arith.index_cast %parallel_loop3A_329 : i32 to index
          %parallel_loop3A_389 = arith.constant 64 : index
          %parallel_loop3A_390 = tpu.vector_load %parallel_loop3A_387[%parallel_loop3A_388, %parallel_loop3A_389] {strides = array<i32>} : memref<40x288xbf16, #tpu.memory_space<vmem>>, vector<32xbf16>,
          %parallel_loop3A_391 = tpu.unpack_subelements %parallel_loop3A_390, 0 {pack_format = #tpu.pack_format<interleaved>} : vector<32xbf16> -> vector<16xf32>
          %parallel_loop3A_392 = tpu.unpack_subelements %parallel_loop3A_390, 1 {pack_format = #tpu.pack_format<interleaved>} : vector<32xbf16> -> vector<16xf32>
          %parallel_loop3A_393 = vector.extract_strided_slice %parallel_loop3A_336 {offsets = [4], sizes = [1], strides = [1]} : vector<16xf32> to vector<1xf32>
          %parallel_loop3A_394 = vector.extract %parallel_loop3A_393[0] : f32 from vector<1xf32>
          %parallel_loop3A_395 = vector.broadcast %parallel_loop3A_394 : f32 to vector<16xf32>
          %parallel_loop3A_396 = arith.mulf %parallel_loop3A_395, %parallel_loop3A_391 : vector<16xf32>
          %parallel_loop3A_397 = arith.addf %parallel_loop3A_383, %parallel_loop3A_396 : vector<16xf32>
          %parallel_loop3A_398 = vector.extract_strided_slice %parallel_loop3A_336 {offsets = [5], sizes = [1], strides = [1]} : vector<16xf32> to vector<1xf32>
          %parallel_loop3A_399 = vector.extract %parallel_loop3A_398[0] : f32 from vector<1xf32>
          %parallel_loop3A_400 = vector.broadcast %parallel_loop3A_399 : f32 to vector<16xf32>
          %parallel_loop3A_401 = arith.mulf %parallel_loop3A_400, %parallel_loop3A_392 : vector<16xf32>
          %parallel_loop3A_402 = arith.addf %parallel_loop3A_397, %parallel_loop3A_401 : vector<16xf32>
          %parallel_loop3A_403 = arith.constant 0 : i32
          %parallel_loop3A_404 = arith.constant 0 : i32
          %parallel_loop3A_405 = tpu.memref_slice %arg9[%parallel_loop3A_278, %parallel_loop3A_403, %parallel_loop3A_404] : memref<2x40x288xbf16, #tpu.memory_space<vmem>> -> memref<1x40x288xbf16, #tpu.memory_space<vmem>>
          %parallel_loop3A_406 = tpu.memref_squeeze %parallel_loop3A_405 : memref<1x40x288xbf16, #tpu.memory_space<vmem>> -> memref<40x288xbf16, #tpu.memory_space<vmem>>
          %parallel_loop3A_407 = arith.index_cast %parallel_loop3A_329 : i32 to index
          %parallel_loop3A_408 = arith.constant 96 : index
          %parallel_loop3A_409 = tpu.vector_load %parallel_loop3A_406[%parallel_loop3A_407, %parallel_loop3A_408] {strides = array<i32>} : memref<40x288xbf16, #tpu.memory_space<vmem>>, vector<32xbf16>,
          %parallel_loop3A_410 = tpu.unpack_subelements %parallel_loop3A_409, 0 {pack_format = #tpu.pack_format<interleaved>} : vector<32xbf16> -> vector<16xf32>
          %parallel_loop3A_411 = tpu.unpack_subelements %parallel_loop3A_409, 1 {pack_format = #tpu.pack_format<interleaved>} : vector<32xbf16> -> vector<16xf32>
          %parallel_loop3A_412 = vector.extract_strided_slice %parallel_loop3A_336 {offsets = [6], sizes = [1], strides = [1]} : vector<16xf32> to vector<1xf32>
          %parallel_loop3A_413 = vector.extract %parallel_loop3A_412[0] : f32 from vector<1xf32>
          %parallel_loop3A_414 = vector.broadcast %parallel_loop3A_413 : f32 to vector<16xf32>
          %parallel_loop3A_415 = arith.mulf %parallel_loop3A_414, %parallel_loop3A_410 : vector<16xf32>
          %parallel_loop3A_416 = arith.addf %parallel_loop3A_402, %parallel_loop3A_415 : vector<16xf32>
          %parallel_loop3A_417 = vector.extract_strided_slice %parallel_loop3A_336 {offsets = [7], sizes = [1], strides = [1]} : vector<16xf32> to vector<1xf32>
          %parallel_loop3A_418 = vector.extract %parallel_loop3A_417[0] : f32 from vector<1xf32>
          %parallel_loop3A_419 = vector.broadcast %parallel_loop3A_418 : f32 to vector<16xf32>
          %parallel_loop3A_420 = arith.mulf %parallel_loop3A_419, %parallel_loop3A_411 : vector<16xf32>
          %parallel_loop3A_421 = arith.addf %parallel_loop3A_416, %parallel_loop3A_420 : vector<16xf32>
          %parallel_loop3A_422 = arith.constant 0 : i32
          %parallel_loop3A_423 = arith.constant 0 : i32
          %parallel_loop3A_424 = tpu.memref_slice %arg9[%parallel_loop3A_278, %parallel_loop3A_422, %parallel_loop3A_423] : memref<2x40x288xbf16, #tpu.memory_space<vmem>> -> memref<1x40x288xbf16, #tpu.memory_space<vmem>>
          %parallel_loop3A_425 = tpu.memref_squeeze %parallel_loop3A_424 : memref<1x40x288xbf16, #tpu.memory_space<vmem>> -> memref<40x288xbf16, #tpu.memory_space<vmem>>
          %parallel_loop3A_426 = arith.index_cast %parallel_loop3A_329 : i32 to index
          %parallel_loop3A_427 = arith.constant 128 : index
          %parallel_loop3A_428 = tpu.vector_load %parallel_loop3A_425[%parallel_loop3A_426, %parallel_loop3A_427] {strides = array<i32>} : memref<40x288xbf16, #tpu.memory_space<vmem>>, vector<32xbf16>,
          %parallel_loop3A_429 = tpu.unpack_subelements %parallel_loop3A_428, 0 {pack_format = #tpu.pack_format<interleaved>} : vector<32xbf16> -> vector<16xf32>
          %parallel_loop3A_430 = tpu.unpack_subelements %parallel_loop3A_428, 1 {pack_format = #tpu.pack_format<interleaved>} : vector<32xbf16> -> vector<16xf32>
          %parallel_loop3A_431 = vector.extract_strided_slice %parallel_loop3A_336 {offsets = [8], sizes = [1], strides = [1]} : vector<16xf32> to vector<1xf32>
          %parallel_loop3A_432 = vector.extract %parallel_loop3A_431[0] : f32 from vector<1xf32>
          %parallel_loop3A_433 = vector.broadcast %parallel_loop3A_432 : f32 to vector<16xf32>
          %parallel_loop3A_434 = arith.mulf %parallel_loop3A_433, %parallel_loop3A_429 : vector<16xf32>
          %parallel_loop3A_435 = arith.addf %parallel_loop3A_421, %parallel_loop3A_434 : vector<16xf32>
          %parallel_loop3A_436 = vector.extract_strided_slice %parallel_loop3A_336 {offsets = [9], sizes = [1], strides = [1]} : vector<16xf32> to vector<1xf32>
          %parallel_loop3A_437 = vector.extract %parallel_loop3A_436[0] : f32 from vector<1xf32>
          %parallel_loop3A_438 = vector.broadcast %parallel_loop3A_437 : f32 to vector<16xf32>
          %parallel_loop3A_439 = arith.mulf %parallel_loop3A_438, %parallel_loop3A_430 : vector<16xf32>
          %parallel_loop3A_440 = arith.addf %parallel_loop3A_435, %parallel_loop3A_439 : vector<16xf32>
          %parallel_loop3A_441 = arith.constant 0 : i32
          %parallel_loop3A_442 = arith.constant 0 : i32
          %parallel_loop3A_443 = tpu.memref_slice %arg9[%parallel_loop3A_278, %parallel_loop3A_441, %parallel_loop3A_442] : memref<2x40x288xbf16, #tpu.memory_space<vmem>> -> memref<1x40x288xbf16, #tpu.memory_space<vmem>>
          %parallel_loop3A_444 = tpu.memref_squeeze %parallel_loop3A_443 : memref<1x40x288xbf16, #tpu.memory_space<vmem>> -> memref<40x288xbf16, #tpu.memory_space<vmem>>
          %parallel_loop3A_445 = arith.index_cast %parallel_loop3A_329 : i32 to index
          %parallel_loop3A_446 = arith.constant 160 : index
          %parallel_loop3A_447 = tpu.vector_load %parallel_loop3A_444[%parallel_loop3A_445, %parallel_loop3A_446] {strides = array<i32>} : memref<40x288xbf16, #tpu.memory_space<vmem>>, vector<32xbf16>,
          %parallel_loop3A_448 = tpu.unpack_subelements %parallel_loop3A_447, 0 {pack_format = #tpu.pack_format<interleaved>} : vector<32xbf16> -> vector<16xf32>
          %parallel_loop3A_449 = tpu.unpack_subelements %parallel_loop3A_447, 1 {pack_format = #tpu.pack_format<interleaved>} : vector<32xbf16> -> vector<16xf32>
          %parallel_loop3A_450 = vector.extract_strided_slice %parallel_loop3A_336 {offsets = [10], sizes = [1], strides = [1]} : vector<16xf32> to vector<1xf32>
          %parallel_loop3A_451 = vector.extract %parallel_loop3A_450[0] : f32 from vector<1xf32>
          %parallel_loop3A_452 = vector.broadcast %parallel_loop3A_451 : f32 to vector<16xf32>
          %parallel_loop3A_453 = arith.mulf %parallel_loop3A_452, %parallel_loop3A_448 : vector<16xf32>
          %parallel_loop3A_454 = arith.addf %parallel_loop3A_440, %parallel_loop3A_453 : vector<16xf32>
          %parallel_loop3A_455 = vector.extract_strided_slice %parallel_loop3A_336 {offsets = [11], sizes = [1], strides = [1]} : vector<16xf32> to vector<1xf32>
          %parallel_loop3A_456 = vector.extract %parallel_loop3A_455[0] : f32 from vector<1xf32>
          %parallel_loop3A_457 = vector.broadcast %parallel_loop3A_456 : f32 to vector<16xf32>
          %parallel_loop3A_458 = arith.mulf %parallel_loop3A_457, %parallel_loop3A_449 : vector<16xf32>
          %parallel_loop3A_459 = arith.addf %parallel_loop3A_454, %parallel_loop3A_458 : vector<16xf32>
          %parallel_loop3A_460 = arith.constant 0 : i32
          %parallel_loop3A_461 = arith.constant 0 : i32
          %parallel_loop3A_462 = tpu.memref_slice %arg9[%parallel_loop3A_278, %parallel_loop3A_460, %parallel_loop3A_461] : memref<2x40x288xbf16, #tpu.memory_space<vmem>> -> memref<1x40x288xbf16, #tpu.memory_space<vmem>>
          %parallel_loop3A_463 = tpu.memref_squeeze %parallel_loop3A_462 : memref<1x40x288xbf16, #tpu.memory_space<vmem>> -> memref<40x288xbf16, #tpu.memory_space<vmem>>
          %parallel_loop3A_464 = arith.index_cast %parallel_loop3A_329 : i32 to index
          %parallel_loop3A_465 = arith.constant 192 : index
          %parallel_loop3A_466 = tpu.vector_load %parallel_loop3A_463[%parallel_loop3A_464, %parallel_loop3A_465] {strides = array<i32>} : memref<40x288xbf16, #tpu.memory_space<vmem>>, vector<32xbf16>,
          %parallel_loop3A_467 = tpu.unpack_subelements %parallel_loop3A_466, 0 {pack_format = #tpu.pack_format<interleaved>} : vector<32xbf16> -> vector<16xf32>
          %parallel_loop3A_468 = tpu.unpack_subelements %parallel_loop3A_466, 1 {pack_format = #tpu.pack_format<interleaved>} : vector<32xbf16> -> vector<16xf32>
          %parallel_loop3A_469 = vector.extract_strided_slice %parallel_loop3A_336 {offsets = [12], sizes = [1], strides = [1]} : vector<16xf32> to vector<1xf32>
          %parallel_loop3A_470 = vector.extract %parallel_loop3A_469[0] : f32 from vector<1xf32>
          %parallel_loop3A_471 = vector.broadcast %parallel_loop3A_470 : f32 to vector<16xf32>
          %parallel_loop3A_472 = arith.mulf %parallel_loop3A_471, %parallel_loop3A_467 : vector<16xf32>
          %parallel_loop3A_473 = arith.addf %parallel_loop3A_459, %parallel_loop3A_472 : vector<16xf32>
          %parallel_loop3A_474 = vector.extract_strided_slice %parallel_loop3A_336 {offsets = [13], sizes = [1], strides = [1]} : vector<16xf32> to vector<1xf32>
          %parallel_loop3A_475 = vector.extract %parallel_loop3A_474[0] : f32 from vector<1xf32>
          %parallel_loop3A_476 = vector.broadcast %parallel_loop3A_475 : f32 to vector<16xf32>
          %parallel_loop3A_477 = arith.mulf %parallel_loop3A_476, %parallel_loop3A_468 : vector<16xf32>
          %parallel_loop3A_478 = arith.addf %parallel_loop3A_473, %parallel_loop3A_477 : vector<16xf32>
          %parallel_loop3A_479 = arith.constant 0 : i32
          %parallel_loop3A_480 = arith.constant 0 : i32
          %parallel_loop3A_481 = tpu.memref_slice %arg9[%parallel_loop3A_278, %parallel_loop3A_479, %parallel_loop3A_480] : memref<2x40x288xbf16, #tpu.memory_space<vmem>> -> memref<1x40x288xbf16, #tpu.memory_space<vmem>>
          %parallel_loop3A_482 = tpu.memref_squeeze %parallel_loop3A_481 : memref<1x40x288xbf16, #tpu.memory_space<vmem>> -> memref<40x288xbf16, #tpu.memory_space<vmem>>
          %parallel_loop3A_483 = arith.index_cast %parallel_loop3A_329 : i32 to index
          %parallel_loop3A_484 = arith.constant 224 : index
          %parallel_loop3A_485 = tpu.vector_load %parallel_loop3A_482[%parallel_loop3A_483, %parallel_loop3A_484] {strides = array<i32>} : memref<40x288xbf16, #tpu.memory_space<vmem>>, vector<32xbf16>,
          %parallel_loop3A_486 = tpu.unpack_subelements %parallel_loop3A_485, 0 {pack_format = #tpu.pack_format<interleaved>} : vector<32xbf16> -> vector<16xf32>
          %parallel_loop3A_487 = tpu.unpack_subelements %parallel_loop3A_485, 1 {pack_format = #tpu.pack_format<interleaved>} : vector<32xbf16> -> vector<16xf32>
          %parallel_loop3A_488 = vector.extract_strided_slice %parallel_loop3A_336 {offsets = [14], sizes = [1], strides = [1]} : vector<16xf32> to vector<1xf32>
          %parallel_loop3A_489 = vector.extract %parallel_loop3A_488[0] : f32 from vector<1xf32>
          %parallel_loop3A_490 = vector.broadcast %parallel_loop3A_489 : f32 to vector<16xf32>
          %parallel_loop3A_491 = arith.mulf %parallel_loop3A_490, %parallel_loop3A_486 : vector<16xf32>
          %parallel_loop3A_492 = arith.addf %parallel_loop3A_478, %parallel_loop3A_491 : vector<16xf32>
          %parallel_loop3A_493 = vector.extract_strided_slice %parallel_loop3A_336 {offsets = [15], sizes = [1], strides = [1]} : vector<16xf32> to vector<1xf32>
          %parallel_loop3A_494 = vector.extract %parallel_loop3A_493[0] : f32 from vector<1xf32>
          %parallel_loop3A_495 = vector.broadcast %parallel_loop3A_494 : f32 to vector<16xf32>
          %parallel_loop3A_496 = arith.mulf %parallel_loop3A_495, %parallel_loop3A_487 : vector<16xf32>
          %parallel_loop3A_497 = arith.addf %parallel_loop3A_492, %parallel_loop3A_496 : vector<16xf32>
          %parallel_loop3A_498 = arith.constant 0 : i32
          %parallel_loop3A_499 = arith.constant 0 : i32
          %parallel_loop3A_500 = tpu.memref_slice %arg10[%parallel_loop3A_279, %parallel_loop3A_498, %parallel_loop3A_499] : memref<2x40x32xf32, #tpu.memory_space<vmem>> -> memref<1x40x32xf32, #tpu.memory_space<vmem>>
          %parallel_loop3A_501 = tpu.memref_squeeze %parallel_loop3A_500 : memref<1x40x32xf32, #tpu.memory_space<vmem>> -> memref<40x32xf32, #tpu.memory_space<vmem>>
          %parallel_loop3A_502 = arith.index_cast %parallel_loop3A_329 : i32 to index
          %parallel_loop3A_503 = arith.constant 0 : index
          %parallel_loop3A_504 = tpu.vector_load %parallel_loop3A_501[%parallel_loop3A_502, %parallel_loop3A_503] {strides = array<i32>} : memref<40x32xf32, #tpu.memory_space<vmem>>, vector<16xf32>,
          tpu.vector_store %parallel_loop3A_501[%parallel_loop3A_502, %parallel_loop3A_503], %parallel_loop3A_497 {strides = array<i32>} : memref<40x32xf32, #tpu.memory_space<vmem>>, vector<16xf32>,
        } {sc.loop_unroll_factor = 4 : i64, sc.parallel_access}
        %dma_start3A_280 = arith.constant 1 : i32
        %dma_start3A_281 = arith.constant 0 : i32
        %dma_start3A_282 = arith.constant 0 : i32
        %dma_start3A_283 = tpu.memref_slice %arg10[%dma_start3A_280, %dma_start3A_281, %dma_start3A_282] : memref<2x40x32xf32, #tpu.memory_space<vmem>> -> memref<1x40x32xf32, #tpu.memory_space<vmem>>
        %dma_start3A_284 = tpu.memref_squeeze %dma_start3A_283 : memref<1x40x32xf32, #tpu.memory_space<vmem>> -> memref<40x32xf32, #tpu.memory_space<vmem>>
        %dma_start3A_285 = arith.constant 0 : i32
        %dma_start3A_286 = tpu.memref_slice %arg7[%select_n3A_84, %add3A_274, %dma_start3A_285] : memref<2x25x40xi32, #tpu.memory_space<vmem>> -> memref<1x1x40xi32, #tpu.memory_space<vmem>>
        %dma_start3A_287 = tpu.memref_squeeze %dma_start3A_286 : memref<1x1x40xi32, #tpu.memory_space<vmem>> -> memref<40xi32, #tpu.memory_space<vmem>>
        %dma_start3A_288 = arith.constant 0 : i32
        %dma_start3A_289 = arith.constant 0 : i32
        %dma_start3A_290 = tpu.memref_slice %arg12[%dma_start3A_288, %dma_start3A_289] : memref<10240x32xf32, #tpu.memory_space<vmem_shared>> -> memref<10240x32xf32, #tpu.memory_space<vmem_shared>>
        tpu.enqueue_indirect_dma source(%dma_start3A_284 : memref<40x32xf32, #tpu.memory_space<vmem>>) target(%dma_start3A_290 : memref<10240x32xf32, #tpu.memory_space<vmem_shared>>) offsets(%dma_start3A_287 : memref<40xi32, #tpu.memory_space<vmem>>) semaphore(%arg16 : memref<!tpu.dma_semaphore, #tpu.memory_space<semaphore_mem>>) {add = true}
        %dma_wait3A_291 = arith.constant 0 : i32
        %dma_wait3A_292 = arith.constant 0 : i32
        %dma_wait3A_293 = arith.constant 0 : i32
        %dma_wait3A_294 = tpu.memref_slice %arg10[%dma_wait3A_291, %dma_wait3A_292, %dma_wait3A_293] : memref<2x40x32xf32, #tpu.memory_space<vmem>> -> memref<1x40x32xf32, #tpu.memory_space<vmem>>
        %dma_wait3A_295 = tpu.memref_squeeze %dma_wait3A_294 : memref<1x40x32xf32, #tpu.memory_space<vmem>> -> memref<40x32xf32, #tpu.memory_space<vmem>>
        %dma_wait3A_296 = arith.constant 0 : i32
        %dma_wait3A_297 = tpu.memref_slice %arg7[%select_n3A_84, %mul3A_207, %dma_wait3A_296] : memref<2x25x40xi32, #tpu.memory_space<vmem>> -> memref<1x1x40xi32, #tpu.memory_space<vmem>>
        %dma_wait3A_298 = tpu.memref_squeeze %dma_wait3A_297 : memref<1x1x40xi32, #tpu.memory_space<vmem>> -> memref<40xi32, #tpu.memory_space<vmem>>
        %dma_wait3A_299 = arith.constant 0 : i32
        %dma_wait3A_300 = arith.constant 0 : i32
        %dma_wait3A_301 = tpu.memref_slice %arg12[%dma_wait3A_299, %dma_wait3A_300] : memref<10240x32xf32, #tpu.memory_space<vmem_shared>> -> memref<10240x32xf32, #tpu.memory_space<vmem_shared>>
        tpu.wait_indirect_dma semaphore(%arg15 : memref<!tpu.dma_semaphore, #tpu.memory_space<semaphore_mem>>) src(%dma_wait3A_295 : memref<40x32xf32, #tpu.memory_space<vmem>>) dst(%dma_wait3A_301 : memref<10240x32xf32, #tpu.memory_space<vmem_shared>>)
        %dma_wait3A_302 = arith.constant 0 : i32
        %dma_wait3A_303 = arith.constant 0 : i32
        %dma_wait3A_304 = arith.constant 0 : i32
        %dma_wait3A_305 = tpu.memref_slice %arg9[%dma_wait3A_302, %dma_wait3A_303, %dma_wait3A_304] : memref<2x40x288xbf16, #tpu.memory_space<vmem>> -> memref<1x40x288xbf16, #tpu.memory_space<vmem>>
        %dma_wait3A_306 = tpu.memref_squeeze %dma_wait3A_305 : memref<1x40x288xbf16, #tpu.memory_space<vmem>> -> memref<40x288xbf16, #tpu.memory_space<vmem>>
        %dma_wait3A_307 = arith.constant 0 : i32
        %dma_wait3A_308 = arith.constant 0 : i32
        %dma_wait3A_309 = tpu.memref_slice %arg6[%select_n3A_84, %dma_wait3A_307, %dma_wait3A_308] : memref<2x25x40xi32, #tpu.memory_space<vmem>> -> memref<1x25x40xi32, #tpu.memory_space<vmem>>
        %dma_wait3A_310 = tpu.memref_squeeze %dma_wait3A_309 : memref<1x25x40xi32, #tpu.memory_space<vmem>> -> memref<25x40xi32, #tpu.memory_space<vmem>>
        %dma_wait3A_311 = arith.constant 0 : i32
        %dma_wait3A_312 = tpu.memref_slice %dma_wait3A_310[%add3A_257, %dma_wait3A_311] : memref<25x40xi32, #tpu.memory_space<vmem>> -> memref<1x40xi32, #tpu.memory_space<vmem>>
        %dma_wait3A_313 = tpu.memref_squeeze %dma_wait3A_312 : memref<1x40xi32, #tpu.memory_space<vmem>> -> memref<40xi32, #tpu.memory_space<vmem>>
        %dma_wait3A_314 = arith.constant 0 : i32
        %dma_wait3A_315 = arith.constant 0 : i32
        %dma_wait3A_316 = tpu.memref_slice %arg2[%dma_wait3A_314, %dma_wait3A_315] : memref<10000x288xbf16, #tpu.memory_space<hbm>> -> memref<10000x288xbf16, #tpu.memory_space<hbm>>
        tpu.wait_indirect_dma semaphore(%arg13 : memref<!tpu.dma_semaphore, #tpu.memory_space<semaphore_mem>>) src(%dma_wait3A_316 : memref<10000x288xbf16, #tpu.memory_space<hbm>>) dst(%dma_wait3A_306 : memref<40x288xbf16, #tpu.memory_space<vmem>>)
        %dma_wait3A_317 = arith.constant 1 : i32
        %dma_wait3A_318 = arith.constant 0 : i32
        %dma_wait3A_319 = arith.constant 0 : i32
        %dma_wait3A_320 = tpu.memref_slice %arg10[%dma_wait3A_317, %dma_wait3A_318, %dma_wait3A_319] : memref<2x40x32xf32, #tpu.memory_space<vmem>> -> memref<1x40x32xf32, #tpu.memory_space<vmem>>
        %dma_wait3A_321 = tpu.memref_squeeze %dma_wait3A_320 : memref<1x40x32xf32, #tpu.memory_space<vmem>> -> memref<40x32xf32, #tpu.memory_space<vmem>>
        %dma_wait3A_322 = arith.constant 0 : i32
        %dma_wait3A_323 = tpu.memref_slice %arg7[%select_n3A_84, %add3A_274, %dma_wait3A_322] : memref<2x25x40xi32, #tpu.memory_space<vmem>> -> memref<1x1x40xi32, #tpu.memory_space<vmem>>
        %dma_wait3A_324 = tpu.memref_squeeze %dma_wait3A_323 : memref<1x1x40xi32, #tpu.memory_space<vmem>> -> memref<40xi32, #tpu.memory_space<vmem>>
        %dma_wait3A_325 = arith.constant 0 : i32
        %dma_wait3A_326 = arith.constant 0 : i32
        %dma_wait3A_327 = tpu.memref_slice %arg12[%dma_wait3A_325, %dma_wait3A_326] : memref<10240x32xf32, #tpu.memory_space<vmem_shared>> -> memref<10240x32xf32, #tpu.memory_space<vmem_shared>>
        tpu.wait_indirect_dma semaphore(%arg16 : memref<!tpu.dma_semaphore, #tpu.memory_space<semaphore_mem>>) src(%dma_wait3A_321 : memref<40x32xf32, #tpu.memory_space<vmem>>) dst(%dma_wait3A_327 : memref<10240x32xf32, #tpu.memory_space<vmem_shared>>)
        %scan3A_328 = arith.constant 0 : i32
        scf.yield %scan3A_328 : i32
      }
      %scan3A_174 = arith.constant 12 : i32
      %parallel_loop3A = arith.constant 0 : i32
      %parallel_loop3A_175 = arith.constant 40 : i32
      %parallel_loop3A_176 = arith.constant 1 : i32
      %parallel_loop3A_177 = arith.constant 0 : i32
      %parallel_loop3A_178 = arith.constant 0 : i32
      scf.for %parallel_loop3A_204 = %parallel_loop3A to %parallel_loop3A_175 step %parallel_loop3A_176  : i32 {
        %parallel_loop3A_205 = arith.constant 960 : i32
        %parallel_loop3A_206 = arith.addi %parallel_loop3A_205, %parallel_loop3A_204 : i32
        %parallel_loop3A_207 = arith.index_cast %select_n3A_84 : i32 to index
        %parallel_loop3A_208 = arith.index_cast %parallel_loop3A_206 : i32 to index
        %parallel_loop3A_209 = arith.constant 0 : index
        %parallel_loop3A_210 = tpu.vector_load %arg8[%parallel_loop3A_207, %parallel_loop3A_208, %parallel_loop3A_209] {strides = array<i32>} : memref<2x1000x16xf32, #tpu.memory_space<vmem>>, vector<16xf32>,
        %parallel_loop3A_211 = arith.constant 0 : i32
        %parallel_loop3A_212 = arith.constant 0 : i32
        %parallel_loop3A_213 = tpu.memref_slice %arg9[%parallel_loop3A_177, %parallel_loop3A_211, %parallel_loop3A_212] : memref<2x40x288xbf16, #tpu.memory_space<vmem>> -> memref<1x40x288xbf16, #tpu.memory_space<vmem>>
        %parallel_loop3A_214 = tpu.memref_squeeze %parallel_loop3A_213 : memref<1x40x288xbf16, #tpu.memory_space<vmem>> -> memref<40x288xbf16, #tpu.memory_space<vmem>>
        %parallel_loop3A_215 = arith.index_cast %parallel_loop3A_204 : i32 to index
        %parallel_loop3A_216 = arith.constant 256 : index
        %parallel_loop3A_217 = tpu.vector_load %parallel_loop3A_214[%parallel_loop3A_215, %parallel_loop3A_216] {strides = array<i32>} : memref<40x288xbf16, #tpu.memory_space<vmem>>, vector<32xbf16>,
        %parallel_loop3A_218 = tpu.unpack_subelements %parallel_loop3A_217, 0 {pack_format = #tpu.pack_format<interleaved>} : vector<32xbf16> -> vector<16xf32>
        %parallel_loop3A_219 = tpu.unpack_subelements %parallel_loop3A_217, 1 {pack_format = #tpu.pack_format<interleaved>} : vector<32xbf16> -> vector<16xf32>
        %parallel_loop3A_220 = arith.constant 0 : i32
        %parallel_loop3A_221 = arith.constant 0 : i32
        %parallel_loop3A_222 = tpu.memref_slice %arg9[%parallel_loop3A_177, %parallel_loop3A_220, %parallel_loop3A_221] : memref<2x40x288xbf16, #tpu.memory_space<vmem>> -> memref<1x40x288xbf16, #tpu.memory_space<vmem>>
        %parallel_loop3A_223 = tpu.memref_squeeze %parallel_loop3A_222 : memref<1x40x288xbf16, #tpu.memory_space<vmem>> -> memref<40x288xbf16, #tpu.memory_space<vmem>>
        %parallel_loop3A_224 = arith.index_cast %parallel_loop3A_204 : i32 to index
        %parallel_loop3A_225 = arith.constant 0 : index
        %parallel_loop3A_226 = tpu.vector_load %parallel_loop3A_223[%parallel_loop3A_224, %parallel_loop3A_225] {strides = array<i32>} : memref<40x288xbf16, #tpu.memory_space<vmem>>, vector<32xbf16>,
        %parallel_loop3A_227 = tpu.unpack_subelements %parallel_loop3A_226, 0 {pack_format = #tpu.pack_format<interleaved>} : vector<32xbf16> -> vector<16xf32>
        %parallel_loop3A_228 = tpu.unpack_subelements %parallel_loop3A_226, 1 {pack_format = #tpu.pack_format<interleaved>} : vector<32xbf16> -> vector<16xf32>
        %parallel_loop3A_229 = vector.extract_strided_slice %parallel_loop3A_210 {offsets = [0], sizes = [1], strides = [1]} : vector<16xf32> to vector<1xf32>
        %parallel_loop3A_230 = vector.extract %parallel_loop3A_229[0] : f32 from vector<1xf32>
        %parallel_loop3A_231 = vector.broadcast %parallel_loop3A_230 : f32 to vector<16xf32>
        %parallel_loop3A_232 = arith.mulf %parallel_loop3A_231, %parallel_loop3A_227 : vector<16xf32>
        %parallel_loop3A_233 = arith.addf %parallel_loop3A_218, %parallel_loop3A_232 : vector<16xf32>
        %parallel_loop3A_234 = vector.extract_strided_slice %parallel_loop3A_210 {offsets = [1], sizes = [1], strides = [1]} : vector<16xf32> to vector<1xf32>
        %parallel_loop3A_235 = vector.extract %parallel_loop3A_234[0] : f32 from vector<1xf32>
        %parallel_loop3A_236 = vector.broadcast %parallel_loop3A_235 : f32 to vector<16xf32>
        %parallel_loop3A_237 = arith.mulf %parallel_loop3A_236, %parallel_loop3A_228 : vector<16xf32>
        %parallel_loop3A_238 = arith.addf %parallel_loop3A_233, %parallel_loop3A_237 : vector<16xf32>
        %parallel_loop3A_239 = arith.constant 0 : i32
        %parallel_loop3A_240 = arith.constant 0 : i32
        %parallel_loop3A_241 = tpu.memref_slice %arg9[%parallel_loop3A_177, %parallel_loop3A_239, %parallel_loop3A_240] : memref<2x40x288xbf16, #tpu.memory_space<vmem>> -> memref<1x40x288xbf16, #tpu.memory_space<vmem>>
        %parallel_loop3A_242 = tpu.memref_squeeze %parallel_loop3A_241 : memref<1x40x288xbf16, #tpu.memory_space<vmem>> -> memref<40x288xbf16, #tpu.memory_space<vmem>>
        %parallel_loop3A_243 = arith.index_cast %parallel_loop3A_204 : i32 to index
        %parallel_loop3A_244 = arith.constant 32 : index
        %parallel_loop3A_245 = tpu.vector_load %parallel_loop3A_242[%parallel_loop3A_243, %parallel_loop3A_244] {strides = array<i32>} : memref<40x288xbf16, #tpu.memory_space<vmem>>, vector<32xbf16>,
        %parallel_loop3A_246 = tpu.unpack_subelements %parallel_loop3A_245, 0 {pack_format = #tpu.pack_format<interleaved>} : vector<32xbf16> -> vector<16xf32>
        %parallel_loop3A_247 = tpu.unpack_subelements %parallel_loop3A_245, 1 {pack_format = #tpu.pack_format<interleaved>} : vector<32xbf16> -> vector<16xf32>
        %parallel_loop3A_248 = vector.extract_strided_slice %parallel_loop3A_210 {offsets = [2], sizes = [1], strides = [1]} : vector<16xf32> to vector<1xf32>
        %parallel_loop3A_249 = vector.extract %parallel_loop3A_248[0] : f32 from vector<1xf32>
        %parallel_loop3A_250 = vector.broadcast %parallel_loop3A_249 : f32 to vector<16xf32>
        %parallel_loop3A_251 = arith.mulf %parallel_loop3A_250, %parallel_loop3A_246 : vector<16xf32>
        %parallel_loop3A_252 = arith.addf %parallel_loop3A_238, %parallel_loop3A_251 : vector<16xf32>
        %parallel_loop3A_253 = vector.extract_strided_slice %parallel_loop3A_210 {offsets = [3], sizes = [1], strides = [1]} : vector<16xf32> to vector<1xf32>
        %parallel_loop3A_254 = vector.extract %parallel_loop3A_253[0] : f32 from vector<1xf32>
        %parallel_loop3A_255 = vector.broadcast %parallel_loop3A_254 : f32 to vector<16xf32>
        %parallel_loop3A_256 = arith.mulf %parallel_loop3A_255, %parallel_loop3A_247 : vector<16xf32>
        %parallel_loop3A_257 = arith.addf %parallel_loop3A_252, %parallel_loop3A_256 : vector<16xf32>
        %parallel_loop3A_258 = arith.constant 0 : i32
        %parallel_loop3A_259 = arith.constant 0 : i32
        %parallel_loop3A_260 = tpu.memref_slice %arg9[%parallel_loop3A_177, %parallel_loop3A_258, %parallel_loop3A_259] : memref<2x40x288xbf16, #tpu.memory_space<vmem>> -> memref<1x40x288xbf16, #tpu.memory_space<vmem>>
        %parallel_loop3A_261 = tpu.memref_squeeze %parallel_loop3A_260 : memref<1x40x288xbf16, #tpu.memory_space<vmem>> -> memref<40x288xbf16, #tpu.memory_space<vmem>>
        %parallel_loop3A_262 = arith.index_cast %parallel_loop3A_204 : i32 to index
        %parallel_loop3A_263 = arith.constant 64 : index
        %parallel_loop3A_264 = tpu.vector_load %parallel_loop3A_261[%parallel_loop3A_262, %parallel_loop3A_263] {strides = array<i32>} : memref<40x288xbf16, #tpu.memory_space<vmem>>, vector<32xbf16>,
        %parallel_loop3A_265 = tpu.unpack_subelements %parallel_loop3A_264, 0 {pack_format = #tpu.pack_format<interleaved>} : vector<32xbf16> -> vector<16xf32>
        %parallel_loop3A_266 = tpu.unpack_subelements %parallel_loop3A_264, 1 {pack_format = #tpu.pack_format<interleaved>} : vector<32xbf16> -> vector<16xf32>
        %parallel_loop3A_267 = vector.extract_strided_slice %parallel_loop3A_210 {offsets = [4], sizes = [1], strides = [1]} : vector<16xf32> to vector<1xf32>
        %parallel_loop3A_268 = vector.extract %parallel_loop3A_267[0] : f32 from vector<1xf32>
        %parallel_loop3A_269 = vector.broadcast %parallel_loop3A_268 : f32 to vector<16xf32>
        %parallel_loop3A_270 = arith.mulf %parallel_loop3A_269, %parallel_loop3A_265 : vector<16xf32>
        %parallel_loop3A_271 = arith.addf %parallel_loop3A_257, %parallel_loop3A_270 : vector<16xf32>
        %parallel_loop3A_272 = vector.extract_strided_slice %parallel_loop3A_210 {offsets = [5], sizes = [1], strides = [1]} : vector<16xf32> to vector<1xf32>
        %parallel_loop3A_273 = vector.extract %parallel_loop3A_272[0] : f32 from vector<1xf32>
        %parallel_loop3A_274 = vector.broadcast %parallel_loop3A_273 : f32 to vector<16xf32>
        %parallel_loop3A_275 = arith.mulf %parallel_loop3A_274, %parallel_loop3A_266 : vector<16xf32>
        %parallel_loop3A_276 = arith.addf %parallel_loop3A_271, %parallel_loop3A_275 : vector<16xf32>
        %parallel_loop3A_277 = arith.constant 0 : i32
        %parallel_loop3A_278 = arith.constant 0 : i32
        %parallel_loop3A_279 = tpu.memref_slice %arg9[%parallel_loop3A_177, %parallel_loop3A_277, %parallel_loop3A_278] : memref<2x40x288xbf16, #tpu.memory_space<vmem>> -> memref<1x40x288xbf16, #tpu.memory_space<vmem>>
        %parallel_loop3A_280 = tpu.memref_squeeze %parallel_loop3A_279 : memref<1x40x288xbf16, #tpu.memory_space<vmem>> -> memref<40x288xbf16, #tpu.memory_space<vmem>>
        %parallel_loop3A_281 = arith.index_cast %parallel_loop3A_204 : i32 to index
        %parallel_loop3A_282 = arith.constant 96 : index
        %parallel_loop3A_283 = tpu.vector_load %parallel_loop3A_280[%parallel_loop3A_281, %parallel_loop3A_282] {strides = array<i32>} : memref<40x288xbf16, #tpu.memory_space<vmem>>, vector<32xbf16>,
        %parallel_loop3A_284 = tpu.unpack_subelements %parallel_loop3A_283, 0 {pack_format = #tpu.pack_format<interleaved>} : vector<32xbf16> -> vector<16xf32>
        %parallel_loop3A_285 = tpu.unpack_subelements %parallel_loop3A_283, 1 {pack_format = #tpu.pack_format<interleaved>} : vector<32xbf16> -> vector<16xf32>
        %parallel_loop3A_286 = vector.extract_strided_slice %parallel_loop3A_210 {offsets = [6], sizes = [1], strides = [1]} : vector<16xf32> to vector<1xf32>
        %parallel_loop3A_287 = vector.extract %parallel_loop3A_286[0] : f32 from vector<1xf32>
        %parallel_loop3A_288 = vector.broadcast %parallel_loop3A_287 : f32 to vector<16xf32>
        %parallel_loop3A_289 = arith.mulf %parallel_loop3A_288, %parallel_loop3A_284 : vector<16xf32>
        %parallel_loop3A_290 = arith.addf %parallel_loop3A_276, %parallel_loop3A_289 : vector<16xf32>
        %parallel_loop3A_291 = vector.extract_strided_slice %parallel_loop3A_210 {offsets = [7], sizes = [1], strides = [1]} : vector<16xf32> to vector<1xf32>
        %parallel_loop3A_292 = vector.extract %parallel_loop3A_291[0] : f32 from vector<1xf32>
        %parallel_loop3A_293 = vector.broadcast %parallel_loop3A_292 : f32 to vector<16xf32>
        %parallel_loop3A_294 = arith.mulf %parallel_loop3A_293, %parallel_loop3A_285 : vector<16xf32>
        %parallel_loop3A_295 = arith.addf %parallel_loop3A_290, %parallel_loop3A_294 : vector<16xf32>
        %parallel_loop3A_296 = arith.constant 0 : i32
        %parallel_loop3A_297 = arith.constant 0 : i32
        %parallel_loop3A_298 = tpu.memref_slice %arg9[%parallel_loop3A_177, %parallel_loop3A_296, %parallel_loop3A_297] : memref<2x40x288xbf16, #tpu.memory_space<vmem>> -> memref<1x40x288xbf16, #tpu.memory_space<vmem>>
        %parallel_loop3A_299 = tpu.memref_squeeze %parallel_loop3A_298 : memref<1x40x288xbf16, #tpu.memory_space<vmem>> -> memref<40x288xbf16, #tpu.memory_space<vmem>>
        %parallel_loop3A_300 = arith.index_cast %parallel_loop3A_204 : i32 to index
        %parallel_loop3A_301 = arith.constant 128 : index
        %parallel_loop3A_302 = tpu.vector_load %parallel_loop3A_299[%parallel_loop3A_300, %parallel_loop3A_301] {strides = array<i32>} : memref<40x288xbf16, #tpu.memory_space<vmem>>, vector<32xbf16>,
        %parallel_loop3A_303 = tpu.unpack_subelements %parallel_loop3A_302, 0 {pack_format = #tpu.pack_format<interleaved>} : vector<32xbf16> -> vector<16xf32>
        %parallel_loop3A_304 = tpu.unpack_subelements %parallel_loop3A_302, 1 {pack_format = #tpu.pack_format<interleaved>} : vector<32xbf16> -> vector<16xf32>
        %parallel_loop3A_305 = vector.extract_strided_slice %parallel_loop3A_210 {offsets = [8], sizes = [1], strides = [1]} : vector<16xf32> to vector<1xf32>
        %parallel_loop3A_306 = vector.extract %parallel_loop3A_305[0] : f32 from vector<1xf32>
        %parallel_loop3A_307 = vector.broadcast %parallel_loop3A_306 : f32 to vector<16xf32>
        %parallel_loop3A_308 = arith.mulf %parallel_loop3A_307, %parallel_loop3A_303 : vector<16xf32>
        %parallel_loop3A_309 = arith.addf %parallel_loop3A_295, %parallel_loop3A_308 : vector<16xf32>
        %parallel_loop3A_310 = vector.extract_strided_slice %parallel_loop3A_210 {offsets = [9], sizes = [1], strides = [1]} : vector<16xf32> to vector<1xf32>
        %parallel_loop3A_311 = vector.extract %parallel_loop3A_310[0] : f32 from vector<1xf32>
        %parallel_loop3A_312 = vector.broadcast %parallel_loop3A_311 : f32 to vector<16xf32>
        %parallel_loop3A_313 = arith.mulf %parallel_loop3A_312, %parallel_loop3A_304 : vector<16xf32>
        %parallel_loop3A_314 = arith.addf %parallel_loop3A_309, %parallel_loop3A_313 : vector<16xf32>
        %parallel_loop3A_315 = arith.constant 0 : i32
        %parallel_loop3A_316 = arith.constant 0 : i32
        %parallel_loop3A_317 = tpu.memref_slice %arg9[%parallel_loop3A_177, %parallel_loop3A_315, %parallel_loop3A_316] : memref<2x40x288xbf16, #tpu.memory_space<vmem>> -> memref<1x40x288xbf16, #tpu.memory_space<vmem>>
        %parallel_loop3A_318 = tpu.memref_squeeze %parallel_loop3A_317 : memref<1x40x288xbf16, #tpu.memory_space<vmem>> -> memref<40x288xbf16, #tpu.memory_space<vmem>>
        %parallel_loop3A_319 = arith.index_cast %parallel_loop3A_204 : i32 to index
        %parallel_loop3A_320 = arith.constant 160 : index
        %parallel_loop3A_321 = tpu.vector_load %parallel_loop3A_318[%parallel_loop3A_319, %parallel_loop3A_320] {strides = array<i32>} : memref<40x288xbf16, #tpu.memory_space<vmem>>, vector<32xbf16>,
        %parallel_loop3A_322 = tpu.unpack_subelements %parallel_loop3A_321, 0 {pack_format = #tpu.pack_format<interleaved>} : vector<32xbf16> -> vector<16xf32>
        %parallel_loop3A_323 = tpu.unpack_subelements %parallel_loop3A_321, 1 {pack_format = #tpu.pack_format<interleaved>} : vector<32xbf16> -> vector<16xf32>
        %parallel_loop3A_324 = vector.extract_strided_slice %parallel_loop3A_210 {offsets = [10], sizes = [1], strides = [1]} : vector<16xf32> to vector<1xf32>
        %parallel_loop3A_325 = vector.extract %parallel_loop3A_324[0] : f32 from vector<1xf32>
        %parallel_loop3A_326 = vector.broadcast %parallel_loop3A_325 : f32 to vector<16xf32>
        %parallel_loop3A_327 = arith.mulf %parallel_loop3A_326, %parallel_loop3A_322 : vector<16xf32>
        %parallel_loop3A_328 = arith.addf %parallel_loop3A_314, %parallel_loop3A_327 : vector<16xf32>
        %parallel_loop3A_329 = vector.extract_strided_slice %parallel_loop3A_210 {offsets = [11], sizes = [1], strides = [1]} : vector<16xf32> to vector<1xf32>
        %parallel_loop3A_330 = vector.extract %parallel_loop3A_329[0] : f32 from vector<1xf32>
        %parallel_loop3A_331 = vector.broadcast %parallel_loop3A_330 : f32 to vector<16xf32>
        %parallel_loop3A_332 = arith.mulf %parallel_loop3A_331, %parallel_loop3A_323 : vector<16xf32>
        %parallel_loop3A_333 = arith.addf %parallel_loop3A_328, %parallel_loop3A_332 : vector<16xf32>
        %parallel_loop3A_334 = arith.constant 0 : i32
        %parallel_loop3A_335 = arith.constant 0 : i32
        %parallel_loop3A_336 = tpu.memref_slice %arg9[%parallel_loop3A_177, %parallel_loop3A_334, %parallel_loop3A_335] : memref<2x40x288xbf16, #tpu.memory_space<vmem>> -> memref<1x40x288xbf16, #tpu.memory_space<vmem>>
        %parallel_loop3A_337 = tpu.memref_squeeze %parallel_loop3A_336 : memref<1x40x288xbf16, #tpu.memory_space<vmem>> -> memref<40x288xbf16, #tpu.memory_space<vmem>>
        %parallel_loop3A_338 = arith.index_cast %parallel_loop3A_204 : i32 to index
        %parallel_loop3A_339 = arith.constant 192 : index
        %parallel_loop3A_340 = tpu.vector_load %parallel_loop3A_337[%parallel_loop3A_338, %parallel_loop3A_339] {strides = array<i32>} : memref<40x288xbf16, #tpu.memory_space<vmem>>, vector<32xbf16>,
        %parallel_loop3A_341 = tpu.unpack_subelements %parallel_loop3A_340, 0 {pack_format = #tpu.pack_format<interleaved>} : vector<32xbf16> -> vector<16xf32>
        %parallel_loop3A_342 = tpu.unpack_subelements %parallel_loop3A_340, 1 {pack_format = #tpu.pack_format<interleaved>} : vector<32xbf16> -> vector<16xf32>
        %parallel_loop3A_343 = vector.extract_strided_slice %parallel_loop3A_210 {offsets = [12], sizes = [1], strides = [1]} : vector<16xf32> to vector<1xf32>
        %parallel_loop3A_344 = vector.extract %parallel_loop3A_343[0] : f32 from vector<1xf32>
        %parallel_loop3A_345 = vector.broadcast %parallel_loop3A_344 : f32 to vector<16xf32>
        %parallel_loop3A_346 = arith.mulf %parallel_loop3A_345, %parallel_loop3A_341 : vector<16xf32>
        %parallel_loop3A_347 = arith.addf %parallel_loop3A_333, %parallel_loop3A_346 : vector<16xf32>
        %parallel_loop3A_348 = vector.extract_strided_slice %parallel_loop3A_210 {offsets = [13], sizes = [1], strides = [1]} : vector<16xf32> to vector<1xf32>
        %parallel_loop3A_349 = vector.extract %parallel_loop3A_348[0] : f32 from vector<1xf32>
        %parallel_loop3A_350 = vector.broadcast %parallel_loop3A_349 : f32 to vector<16xf32>
        %parallel_loop3A_351 = arith.mulf %parallel_loop3A_350, %parallel_loop3A_342 : vector<16xf32>
        %parallel_loop3A_352 = arith.addf %parallel_loop3A_347, %parallel_loop3A_351 : vector<16xf32>
        %parallel_loop3A_353 = arith.constant 0 : i32
        %parallel_loop3A_354 = arith.constant 0 : i32
        %parallel_loop3A_355 = tpu.memref_slice %arg9[%parallel_loop3A_177, %parallel_loop3A_353, %parallel_loop3A_354] : memref<2x40x288xbf16, #tpu.memory_space<vmem>> -> memref<1x40x288xbf16, #tpu.memory_space<vmem>>
        %parallel_loop3A_356 = tpu.memref_squeeze %parallel_loop3A_355 : memref<1x40x288xbf16, #tpu.memory_space<vmem>> -> memref<40x288xbf16, #tpu.memory_space<vmem>>
        %parallel_loop3A_357 = arith.index_cast %parallel_loop3A_204 : i32 to index
        %parallel_loop3A_358 = arith.constant 224 : index
        %parallel_loop3A_359 = tpu.vector_load %parallel_loop3A_356[%parallel_loop3A_357, %parallel_loop3A_358] {strides = array<i32>} : memref<40x288xbf16, #tpu.memory_space<vmem>>, vector<32xbf16>,
        %parallel_loop3A_360 = tpu.unpack_subelements %parallel_loop3A_359, 0 {pack_format = #tpu.pack_format<interleaved>} : vector<32xbf16> -> vector<16xf32>
        %parallel_loop3A_361 = tpu.unpack_subelements %parallel_loop3A_359, 1 {pack_format = #tpu.pack_format<interleaved>} : vector<32xbf16> -> vector<16xf32>
        %parallel_loop3A_362 = vector.extract_strided_slice %parallel_loop3A_210 {offsets = [14], sizes = [1], strides = [1]} : vector<16xf32> to vector<1xf32>
        %parallel_loop3A_363 = vector.extract %parallel_loop3A_362[0] : f32 from vector<1xf32>
        %parallel_loop3A_364 = vector.broadcast %parallel_loop3A_363 : f32 to vector<16xf32>
        %parallel_loop3A_365 = arith.mulf %parallel_loop3A_364, %parallel_loop3A_360 : vector<16xf32>
        %parallel_loop3A_366 = arith.addf %parallel_loop3A_352, %parallel_loop3A_365 : vector<16xf32>
        %parallel_loop3A_367 = vector.extract_strided_slice %parallel_loop3A_210 {offsets = [15], sizes = [1], strides = [1]} : vector<16xf32> to vector<1xf32>
        %parallel_loop3A_368 = vector.extract %parallel_loop3A_367[0] : f32 from vector<1xf32>
        %parallel_loop3A_369 = vector.broadcast %parallel_loop3A_368 : f32 to vector<16xf32>
        %parallel_loop3A_370 = arith.mulf %parallel_loop3A_369, %parallel_loop3A_361 : vector<16xf32>
        %parallel_loop3A_371 = arith.addf %parallel_loop3A_366, %parallel_loop3A_370 : vector<16xf32>
        %parallel_loop3A_372 = arith.constant 0 : i32
        %parallel_loop3A_373 = arith.constant 0 : i32
        %parallel_loop3A_374 = tpu.memref_slice %arg10[%parallel_loop3A_178, %parallel_loop3A_372, %parallel_loop3A_373] : memref<2x40x32xf32, #tpu.memory_space<vmem>> -> memref<1x40x32xf32, #tpu.memory_space<vmem>>
        %parallel_loop3A_375 = tpu.memref_squeeze %parallel_loop3A_374 : memref<1x40x32xf32, #tpu.memory_space<vmem>> -> memref<40x32xf32, #tpu.memory_space<vmem>>
        %parallel_loop3A_376 = arith.index_cast %parallel_loop3A_204 : i32 to index
        %parallel_loop3A_377 = arith.constant 0 : index
        %parallel_loop3A_378 = tpu.vector_load %parallel_loop3A_375[%parallel_loop3A_376, %parallel_loop3A_377] {strides = array<i32>} : memref<40x32xf32, #tpu.memory_space<vmem>>, vector<16xf32>,
        tpu.vector_store %parallel_loop3A_375[%parallel_loop3A_376, %parallel_loop3A_377], %parallel_loop3A_371 {strides = array<i32>} : memref<40x32xf32, #tpu.memory_space<vmem>>, vector<16xf32>,
      } {sc.loop_unroll_factor = 4 : i64, sc.parallel_access}
      %dma_start3A_179 = arith.constant 0 : i32
      %dma_start3A_180 = arith.constant 24 : i32
      %dma_start3A_181 = arith.constant 0 : i32
      %dma_start3A_182 = arith.constant 0 : i32
      %dma_start3A_183 = tpu.memref_slice %arg10[%dma_start3A_179, %dma_start3A_181, %dma_start3A_182] : memref<2x40x32xf32, #tpu.memory_space<vmem>> -> memref<1x40x32xf32, #tpu.memory_space<vmem>>
      %dma_start3A_184 = tpu.memref_squeeze %dma_start3A_183 : memref<1x40x32xf32, #tpu.memory_space<vmem>> -> memref<40x32xf32, #tpu.memory_space<vmem>>
      %dma_start3A_185 = arith.constant 0 : i32
      %dma_start3A_186 = tpu.memref_slice %arg7[%select_n3A_84, %dma_start3A_180, %dma_start3A_185] : memref<2x25x40xi32, #tpu.memory_space<vmem>> -> memref<1x1x40xi32, #tpu.memory_space<vmem>>
      %dma_start3A_187 = tpu.memref_squeeze %dma_start3A_186 : memref<1x1x40xi32, #tpu.memory_space<vmem>> -> memref<40xi32, #tpu.memory_space<vmem>>
      %dma_start3A_188 = arith.constant 0 : i32
      %dma_start3A_189 = arith.constant 0 : i32
      %dma_start3A_190 = tpu.memref_slice %arg12[%dma_start3A_188, %dma_start3A_189] : memref<10240x32xf32, #tpu.memory_space<vmem_shared>> -> memref<10240x32xf32, #tpu.memory_space<vmem_shared>>
      tpu.enqueue_indirect_dma source(%dma_start3A_184 : memref<40x32xf32, #tpu.memory_space<vmem>>) target(%dma_start3A_190 : memref<10240x32xf32, #tpu.memory_space<vmem_shared>>) offsets(%dma_start3A_187 : memref<40xi32, #tpu.memory_space<vmem>>) semaphore(%arg15 : memref<!tpu.dma_semaphore, #tpu.memory_space<semaphore_mem>>) {add = true}
      %dma_wait3A_191 = arith.constant 0 : i32
      %dma_wait3A_192 = arith.constant 24 : i32
      %dma_wait3A_193 = arith.constant 0 : i32
      %dma_wait3A_194 = arith.constant 0 : i32
      %dma_wait3A_195 = tpu.memref_slice %arg10[%dma_wait3A_191, %dma_wait3A_193, %dma_wait3A_194] : memref<2x40x32xf32, #tpu.memory_space<vmem>> -> memref<1x40x32xf32, #tpu.memory_space<vmem>>
      %dma_wait3A_196 = tpu.memref_squeeze %dma_wait3A_195 : memref<1x40x32xf32, #tpu.memory_space<vmem>> -> memref<40x32xf32, #tpu.memory_space<vmem>>
      %dma_wait3A_197 = arith.constant 0 : i32
      %dma_wait3A_198 = tpu.memref_slice %arg7[%select_n3A_84, %dma_wait3A_192, %dma_wait3A_197] : memref<2x25x40xi32, #tpu.memory_space<vmem>> -> memref<1x1x40xi32, #tpu.memory_space<vmem>>
      %dma_wait3A_199 = tpu.memref_squeeze %dma_wait3A_198 : memref<1x1x40xi32, #tpu.memory_space<vmem>> -> memref<40xi32, #tpu.memory_space<vmem>>
      %dma_wait3A_200 = arith.constant 0 : i32
      %dma_wait3A_201 = arith.constant 0 : i32
      %dma_wait3A_202 = tpu.memref_slice %arg12[%dma_wait3A_200, %dma_wait3A_201] : memref<10240x32xf32, #tpu.memory_space<vmem_shared>> -> memref<10240x32xf32, #tpu.memory_space<vmem_shared>>
      tpu.wait_indirect_dma semaphore(%arg15 : memref<!tpu.dma_semaphore, #tpu.memory_space<semaphore_mem>>) src(%dma_wait3A_196 : memref<40x32xf32, #tpu.memory_space<vmem>>) dst(%dma_wait3A_202 : memref<10240x32xf32, #tpu.memory_space<vmem_shared>>)
      %scan3A_203 = arith.constant 0 : i32
      scf.yield %scan3A_203 : i32
    }
    %scan3A_72 = arith.constant 5 : i32
    %barrier3A_73 = arith.constant 0 : index
    tpu.barrier barrier_id(%barrier3A_73)
    "tpu.region"() ({
      %run_scoped3A = tpu.sem_alloc : memref<!tpu.dma_semaphore, #tpu.memory_space<semaphore_mem>>
      %dma_start3A_74 = arith.constant 0 : i32
      %dma_start3A_75 = tpu.memref_slice %arg5[%arg0, %mul3A_15, %dma_start3A_74] : memref<2x10240x32xf32, #tpu.memory_space<hbm>> -> memref<1x640x32xf32, #tpu.memory_space<hbm>>
      %dma_start3A_76 = tpu.memref_squeeze %dma_start3A_75 : memref<1x640x32xf32, #tpu.memory_space<hbm>> -> memref<640x32xf32, #tpu.memory_space<hbm>>
      %dma_start3A_77 = arith.constant 0 : i32
      %dma_start3A_78 = tpu.memref_slice %arg12[%mul3A_15, %dma_start3A_77] : memref<10240x32xf32, #tpu.memory_space<vmem_shared>> -> memref<640x32xf32, #tpu.memory_space<vmem_shared>>
      tpu.enqueue_dma source(%dma_start3A_78 : memref<640x32xf32, #tpu.memory_space<vmem_shared>>) target(%dma_start3A_76 : memref<640x32xf32, #tpu.memory_space<hbm>>) target_semaphore(%run_scoped3A : memref<!tpu.dma_semaphore, #tpu.memory_space<semaphore_mem>>)
      %dma_wait3A = arith.constant 0 : i32
      %dma_wait3A_79 = tpu.memref_slice %arg5[%arg0, %mul3A_15, %dma_wait3A] : memref<2x10240x32xf32, #tpu.memory_space<hbm>> -> memref<1x640x32xf32, #tpu.memory_space<hbm>>
      %dma_wait3A_80 = tpu.memref_squeeze %dma_wait3A_79 : memref<1x640x32xf32, #tpu.memory_space<hbm>> -> memref<640x32xf32, #tpu.memory_space<hbm>>
      %dma_wait3A_81 = arith.constant 0 : i32
      %dma_wait3A_82 = tpu.memref_slice %arg12[%mul3A_15, %dma_wait3A_81] : memref<10240x32xf32, #tpu.memory_space<vmem_shared>> -> memref<640x32xf32, #tpu.memory_space<vmem_shared>>
      tpu.wait_dma2 semaphore(%run_scoped3A : memref<!tpu.dma_semaphore, #tpu.memory_space<semaphore_mem>>) src(%dma_wait3A_82 : memref<640x32xf32, #tpu.memory_space<vmem_shared>>) dst(%dma_wait3A_80 : memref<640x32xf32, #tpu.memory_space<hbm>>)
      tpu.yield
    }) : () -> ()
    return
  }
}

#map = affine_map<(d0, d1) -> (0, 0)>
#map1 = affine_map<(d0, d1) -> (0, 0, 0)>
module attributes {stable_mosaic.version = 14 : i64} {
  func.func @body(%arg0: i32, %arg1: i32, %arg2: memref<10000x288xbf16, #tpu.memory_space<hbm>>, %arg3: memref<160000x16xf32, #tpu.memory_space<hbm>>, %arg4: memref<2x4000x40xi32, #tpu.memory_space<hbm>>, %arg5: memref<2x10240x16xf32, #tpu.memory_space<hbm>>, %arg6: memref<2x25x40xi32, #tpu.memory_space<vmem>>, %arg7: memref<2x25x40xi32, #tpu.memory_space<vmem>>, %arg8: memref<2x1000x16xf32, #tpu.memory_space<vmem>>, %arg9: memref<2x40x288xbf16, #tpu.memory_space<vmem>>, %arg10: memref<2x40x16xf32, #tpu.memory_space<vmem>>, %arg11: memref<640x16xf32, #tpu.memory_space<vmem>>, %arg12: memref<10240x16xf32, #tpu.memory_space<vmem_shared>>, %arg13: memref<!tpu.dma_semaphore, #tpu.memory_space<semaphore_mem>>, %arg14: memref<!tpu.dma_semaphore, #tpu.memory_space<semaphore_mem>>, %arg15: memref<!tpu.dma_semaphore, #tpu.memory_space<semaphore_mem>>, %arg16: memref<!tpu.dma_semaphore, #tpu.memory_space<semaphore_mem>>, %arg17: memref<!tpu.dma_semaphore, #tpu.memory_space<semaphore_mem>>) attributes {dimension_semantics = [#tpu.dimension_semantics<core_parallel>, #tpu.dimension_semantics<subcore_parallel>], iteration_bounds = array<i64: 2, 16>, scalar_prefetch = 0 : i64, scratch_operands = 12 : i64, tpu.core_type = #tpu.core_type<sc_vector_subcore>, window_params = [{transform_indices = #map}, {transform_indices = #map}, {transform_indices = #map1}, {transform_indices = #map1}]} {
    %mul3A = arith.constant 2 : i32
    %mul3A_0 = arith.muli %arg1, %mul3A : i32
    %add3A = arith.addi %mul3A_0, %arg0 : i32
    %scan3A = arith.constant 0 : i32
    %scan3A_1 = arith.constant 0 : i32
    %scan3A_2 = arith.constant 640 : i32
    %scan3A_3 = arith.addi %scan3A_1, %scan3A_2 : i32
    %scan3A_4 = arith.constant 1 : i32
    %scan3A_5 = scf.for %scan3A_67 = %scan3A_1 to %scan3A_3 step %scan3A_4 iter_args(%scan3A_68 = %scan3A) -> (i32)  : i32 {
      %broadcast_in_dim3A = arith.constant 0.000000e+00 : f32
      %broadcast_in_dim3A_69 = vector.broadcast %broadcast_in_dim3A : f32 to vector<16xf32>
      %swap3A = arith.index_cast %scan3A_67 : i32 to index
      %swap3A_70 = arith.constant 0 : index
      %swap3A_71 = tpu.vector_load %arg11[%swap3A, %swap3A_70] {strides = array<i32>} : memref<640x16xf32, #tpu.memory_space<vmem>>, vector<16xf32>,
      tpu.vector_store %arg11[%swap3A, %swap3A_70], %broadcast_in_dim3A_69 {strides = array<i32>} : memref<640x16xf32, #tpu.memory_space<vmem>>, vector<16xf32>,
      %scan3A_72 = arith.constant 0 : i32
      scf.yield %scan3A_72 : i32
    }
    %scan3A_6 = arith.constant 640 : i32
    %mul3A_7 = arith.constant 640 : i32
    %mul3A_8 = arith.muli %arg1, %mul3A_7 : i32
    "tpu.region"() ({
      %run_scoped3A = tpu.sem_alloc : memref<!tpu.dma_semaphore, #tpu.memory_space<semaphore_mem>>
      %dma_start3A_67 = arith.constant 0 : i32
      %dma_start3A_68 = tpu.memref_slice %arg12[%mul3A_8, %dma_start3A_67] : memref<10240x16xf32, #tpu.memory_space<vmem_shared>> -> memref<640x16xf32, #tpu.memory_space<vmem_shared>>
      %dma_start3A_69 = arith.constant 0 : i32
      %dma_start3A_70 = tpu.memref_slice %arg12[%mul3A_8, %dma_start3A_69] : memref<10240x16xf32, #tpu.memory_space<vmem_shared>> -> memref<640x16xf32, #tpu.memory_space<vmem_shared>>
      tpu.enqueue_dma source(%arg11 : memref<640x16xf32, #tpu.memory_space<vmem>>) target(%dma_start3A_70 : memref<640x16xf32, #tpu.memory_space<vmem_shared>>) target_semaphore(%run_scoped3A : memref<!tpu.dma_semaphore, #tpu.memory_space<semaphore_mem>>)
      %dma_wait3A = arith.constant 0 : i32
      %dma_wait3A_71 = tpu.memref_slice %arg12[%mul3A_8, %dma_wait3A] : memref<10240x16xf32, #tpu.memory_space<vmem_shared>> -> memref<640x16xf32, #tpu.memory_space<vmem_shared>>
      %dma_wait3A_72 = arith.constant 0 : i32
      %dma_wait3A_73 = tpu.memref_slice %arg12[%mul3A_8, %dma_wait3A_72] : memref<10240x16xf32, #tpu.memory_space<vmem_shared>> -> memref<640x16xf32, #tpu.memory_space<vmem_shared>>
      tpu.wait_dma2 semaphore(%run_scoped3A : memref<!tpu.dma_semaphore, #tpu.memory_space<semaphore_mem>>) src(%arg11 : memref<640x16xf32, #tpu.memory_space<vmem>>) dst(%dma_wait3A_73 : memref<640x16xf32, #tpu.memory_space<vmem_shared>>)
      tpu.yield
    }) : () -> ()
    %barrier3A = arith.constant 0 : index
    tpu.barrier barrier_id(%barrier3A)
    %mul3A_9 = arith.constant 125 : i32
    %mul3A_10 = arith.muli %add3A, %mul3A_9 : i32
    %add3A_11 = arith.constant 0 : i32
    %add3A_12 = arith.addi %mul3A_10, %add3A_11 : i32
    %mul3A_13 = arith.constant 40 : i32
    %mul3A_14 = arith.muli %add3A_12, %mul3A_13 : i32
    %dma_start3A = arith.constant 0 : i32
    %dma_start3A_15 = arith.constant 0 : i32
    %dma_start3A_16 = arith.constant 0 : i32
    %dma_start3A_17 = arith.constant 0 : i32
    %dma_start3A_18 = tpu.memref_slice %arg6[%dma_start3A_15, %dma_start3A_16, %dma_start3A_17] : memref<2x25x40xi32, #tpu.memory_space<vmem>> -> memref<1x25x40xi32, #tpu.memory_space<vmem>>
    %dma_start3A_19 = tpu.memref_squeeze %dma_start3A_18 : memref<1x25x40xi32, #tpu.memory_space<vmem>> -> memref<25x40xi32, #tpu.memory_space<vmem>>
    %dma_start3A_20 = arith.constant 0 : i32
    %dma_start3A_21 = tpu.memref_slice %arg4[%dma_start3A, %add3A_12, %dma_start3A_20] : memref<2x4000x40xi32, #tpu.memory_space<hbm>> -> memref<1x25x40xi32, #tpu.memory_space<hbm>>
    %dma_start3A_22 = tpu.memref_squeeze %dma_start3A_21 : memref<1x25x40xi32, #tpu.memory_space<hbm>> -> memref<25x40xi32, #tpu.memory_space<hbm>>
    %dma_start3A_23 = arith.constant 0 : i32
    %dma_start3A_24 = arith.constant 0 : i32
    %dma_start3A_25 = tpu.memref_slice %arg6[%dma_start3A_15, %dma_start3A_23, %dma_start3A_24] : memref<2x25x40xi32, #tpu.memory_space<vmem>> -> memref<1x25x40xi32, #tpu.memory_space<vmem>>
    %dma_start3A_26 = tpu.memref_squeeze %dma_start3A_25 : memref<1x25x40xi32, #tpu.memory_space<vmem>> -> memref<25x40xi32, #tpu.memory_space<vmem>>
    %dma_start3A_27 = arith.constant 0 : i32
    %dma_start3A_28 = tpu.memref_slice %arg4[%dma_start3A, %add3A_12, %dma_start3A_27] : memref<2x4000x40xi32, #tpu.memory_space<hbm>> -> memref<1x25x40xi32, #tpu.memory_space<hbm>>
    %dma_start3A_29 = tpu.memref_squeeze %dma_start3A_28 : memref<1x25x40xi32, #tpu.memory_space<hbm>> -> memref<25x40xi32, #tpu.memory_space<hbm>>
    tpu.enqueue_dma source(%dma_start3A_29 : memref<25x40xi32, #tpu.memory_space<hbm>>) target(%dma_start3A_26 : memref<25x40xi32, #tpu.memory_space<vmem>>) target_semaphore(%arg17 : memref<!tpu.dma_semaphore, #tpu.memory_space<semaphore_mem>>)
    %dma_start3A_30 = arith.constant 1 : i32
    %dma_start3A_31 = arith.constant 0 : i32
    %dma_start3A_32 = arith.constant 0 : i32
    %dma_start3A_33 = arith.constant 0 : i32
    %dma_start3A_34 = tpu.memref_slice %arg7[%dma_start3A_31, %dma_start3A_32, %dma_start3A_33] : memref<2x25x40xi32, #tpu.memory_space<vmem>> -> memref<1x25x40xi32, #tpu.memory_space<vmem>>
    %dma_start3A_35 = tpu.memref_squeeze %dma_start3A_34 : memref<1x25x40xi32, #tpu.memory_space<vmem>> -> memref<25x40xi32, #tpu.memory_space<vmem>>
    %dma_start3A_36 = arith.constant 0 : i32
    %dma_start3A_37 = tpu.memref_slice %arg4[%dma_start3A_30, %add3A_12, %dma_start3A_36] : memref<2x4000x40xi32, #tpu.memory_space<hbm>> -> memref<1x25x40xi32, #tpu.memory_space<hbm>>
    %dma_start3A_38 = tpu.memref_squeeze %dma_start3A_37 : memref<1x25x40xi32, #tpu.memory_space<hbm>> -> memref<25x40xi32, #tpu.memory_space<hbm>>
    %dma_start3A_39 = arith.constant 0 : i32
    %dma_start3A_40 = arith.constant 0 : i32
    %dma_start3A_41 = tpu.memref_slice %arg7[%dma_start3A_31, %dma_start3A_39, %dma_start3A_40] : memref<2x25x40xi32, #tpu.memory_space<vmem>> -> memref<1x25x40xi32, #tpu.memory_space<vmem>>
    %dma_start3A_42 = tpu.memref_squeeze %dma_start3A_41 : memref<1x25x40xi32, #tpu.memory_space<vmem>> -> memref<25x40xi32, #tpu.memory_space<vmem>>
    %dma_start3A_43 = arith.constant 0 : i32
    %dma_start3A_44 = tpu.memref_slice %arg4[%dma_start3A_30, %add3A_12, %dma_start3A_43] : memref<2x4000x40xi32, #tpu.memory_space<hbm>> -> memref<1x25x40xi32, #tpu.memory_space<hbm>>
    %dma_start3A_45 = tpu.memref_squeeze %dma_start3A_44 : memref<1x25x40xi32, #tpu.memory_space<hbm>> -> memref<25x40xi32, #tpu.memory_space<hbm>>
    tpu.enqueue_dma source(%dma_start3A_45 : memref<25x40xi32, #tpu.memory_space<hbm>>) target(%dma_start3A_42 : memref<25x40xi32, #tpu.memory_space<vmem>>) target_semaphore(%arg17 : memref<!tpu.dma_semaphore, #tpu.memory_space<semaphore_mem>>)
    %dma_start3A_46 = arith.constant 0 : i32
    %dma_start3A_47 = arith.constant 0 : i32
    %dma_start3A_48 = arith.constant 0 : i32
    %dma_start3A_49 = tpu.memref_slice %arg8[%dma_start3A_46, %dma_start3A_47, %dma_start3A_48] : memref<2x1000x16xf32, #tpu.memory_space<vmem>> -> memref<1x1000x16xf32, #tpu.memory_space<vmem>>
    %dma_start3A_50 = tpu.memref_squeeze %dma_start3A_49 : memref<1x1000x16xf32, #tpu.memory_space<vmem>> -> memref<1000x16xf32, #tpu.memory_space<vmem>>
    %dma_start3A_51 = arith.constant 0 : i32
    %dma_start3A_52 = tpu.memref_slice %arg3[%mul3A_14, %dma_start3A_51] : memref<160000x16xf32, #tpu.memory_space<hbm>> -> memref<1000x16xf32, #tpu.memory_space<hbm>>
    %dma_start3A_53 = arith.constant 0 : i32
    %dma_start3A_54 = arith.constant 0 : i32
    %dma_start3A_55 = tpu.memref_slice %arg8[%dma_start3A_46, %dma_start3A_53, %dma_start3A_54] : memref<2x1000x16xf32, #tpu.memory_space<vmem>> -> memref<1x1000x16xf32, #tpu.memory_space<vmem>>
    %dma_start3A_56 = tpu.memref_squeeze %dma_start3A_55 : memref<1x1000x16xf32, #tpu.memory_space<vmem>> -> memref<1000x16xf32, #tpu.memory_space<vmem>>
    %dma_start3A_57 = arith.constant 0 : i32
    %dma_start3A_58 = tpu.memref_slice %arg3[%mul3A_14, %dma_start3A_57] : memref<160000x16xf32, #tpu.memory_space<hbm>> -> memref<1000x16xf32, #tpu.memory_space<hbm>>
    tpu.enqueue_dma source(%dma_start3A_58 : memref<1000x16xf32, #tpu.memory_space<hbm>>) target(%dma_start3A_56 : memref<1000x16xf32, #tpu.memory_space<vmem>>) target_semaphore(%arg17 : memref<!tpu.dma_semaphore, #tpu.memory_space<semaphore_mem>>)
    %scan3A_59 = arith.constant 0 : i32
    %scan3A_60 = arith.constant 0 : i32
    %scan3A_61 = arith.constant 5 : i32
    %scan3A_62 = arith.addi %scan3A_60, %scan3A_61 : i32
    %scan3A_63 = arith.constant 1 : i32
    %scan3A_64 = scf.for %scan3A_67 = %scan3A_60 to %scan3A_62 step %scan3A_63 iter_args(%scan3A_68 = %scan3A_59) -> (i32)  : i32 {
      %jit3A = arith.constant 2 : i32
      %eq3A = arith.constant 0 : i32
      %eq3A_69 = arith.cmpi eq, %jit3A, %eq3A : i32
      %jit3A_70 = arith.constant 1 : i32
      %select_n3A = arith.select %eq3A_69, %jit3A_70, %jit3A : i32
      %rem3A = arith.remsi %scan3A_67, %select_n3A : i32
      %ne3A = arith.constant 0 : i32
      %ne3A_71 = arith.cmpi ne, %rem3A, %ne3A : i32
      %lt3A = arith.constant 0 : i32
      %lt3A_72 = arith.cmpi slt, %rem3A, %lt3A : i32
      %lt3A_73 = arith.constant 0 : i32
      %lt3A_74 = arith.cmpi slt, %select_n3A, %lt3A_73 : i32
      %ne3A_75 = arith.xori %lt3A_72, %lt3A_74 : i1
      %and3A = arith.andi %ne3A_75, %ne3A_71 : i1
      %add3A_76 = arith.addi %rem3A, %select_n3A : i32
      %select_n3A_77 = arith.select %and3A, %add3A_76, %rem3A : i32
      %mul3A_78 = arith.constant 25 : i32
      %mul3A_79 = arith.muli %scan3A_67, %mul3A_78 : i32
      %add3A_80 = arith.addi %mul3A_10, %mul3A_79 : i32
      %mul3A_81 = arith.constant 40 : i32
      %mul3A_82 = arith.muli %add3A_80, %mul3A_81 : i32
      %dma_wait3A = arith.constant 0 : i32
      %dma_wait3A_83 = arith.constant 0 : i32
      %dma_wait3A_84 = arith.constant 0 : i32
      %dma_wait3A_85 = tpu.memref_slice %arg6[%select_n3A_77, %dma_wait3A_83, %dma_wait3A_84] : memref<2x25x40xi32, #tpu.memory_space<vmem>> -> memref<1x25x40xi32, #tpu.memory_space<vmem>>
      %dma_wait3A_86 = tpu.memref_squeeze %dma_wait3A_85 : memref<1x25x40xi32, #tpu.memory_space<vmem>> -> memref<25x40xi32, #tpu.memory_space<vmem>>
      %dma_wait3A_87 = arith.constant 0 : i32
      %dma_wait3A_88 = tpu.memref_slice %arg4[%dma_wait3A, %add3A_80, %dma_wait3A_87] : memref<2x4000x40xi32, #tpu.memory_space<hbm>> -> memref<1x25x40xi32, #tpu.memory_space<hbm>>
      %dma_wait3A_89 = tpu.memref_squeeze %dma_wait3A_88 : memref<1x25x40xi32, #tpu.memory_space<hbm>> -> memref<25x40xi32, #tpu.memory_space<hbm>>
      %dma_wait3A_90 = arith.constant 0 : i32
      %dma_wait3A_91 = arith.constant 0 : i32
      %dma_wait3A_92 = tpu.memref_slice %arg6[%select_n3A_77, %dma_wait3A_90, %dma_wait3A_91] : memref<2x25x40xi32, #tpu.memory_space<vmem>> -> memref<1x25x40xi32, #tpu.memory_space<vmem>>
      %dma_wait3A_93 = tpu.memref_squeeze %dma_wait3A_92 : memref<1x25x40xi32, #tpu.memory_space<vmem>> -> memref<25x40xi32, #tpu.memory_space<vmem>>
      %dma_wait3A_94 = arith.constant 0 : i32
      %dma_wait3A_95 = tpu.memref_slice %arg4[%dma_wait3A, %add3A_80, %dma_wait3A_94] : memref<2x4000x40xi32, #tpu.memory_space<hbm>> -> memref<1x25x40xi32, #tpu.memory_space<hbm>>
      %dma_wait3A_96 = tpu.memref_squeeze %dma_wait3A_95 : memref<1x25x40xi32, #tpu.memory_space<hbm>> -> memref<25x40xi32, #tpu.memory_space<hbm>>
      tpu.wait_dma2 semaphore(%arg17 : memref<!tpu.dma_semaphore, #tpu.memory_space<semaphore_mem>>) src(%dma_wait3A_96 : memref<25x40xi32, #tpu.memory_space<hbm>>) dst(%dma_wait3A_93 : memref<25x40xi32, #tpu.memory_space<vmem>>)
      %dma_wait3A_97 = arith.constant 1 : i32
      %dma_wait3A_98 = arith.constant 0 : i32
      %dma_wait3A_99 = arith.constant 0 : i32
      %dma_wait3A_100 = tpu.memref_slice %arg7[%select_n3A_77, %dma_wait3A_98, %dma_wait3A_99] : memref<2x25x40xi32, #tpu.memory_space<vmem>> -> memref<1x25x40xi32, #tpu.memory_space<vmem>>
      %dma_wait3A_101 = tpu.memref_squeeze %dma_wait3A_100 : memref<1x25x40xi32, #tpu.memory_space<vmem>> -> memref<25x40xi32, #tpu.memory_space<vmem>>
      %dma_wait3A_102 = arith.constant 0 : i32
      %dma_wait3A_103 = tpu.memref_slice %arg4[%dma_wait3A_97, %add3A_80, %dma_wait3A_102] : memref<2x4000x40xi32, #tpu.memory_space<hbm>> -> memref<1x25x40xi32, #tpu.memory_space<hbm>>
      %dma_wait3A_104 = tpu.memref_squeeze %dma_wait3A_103 : memref<1x25x40xi32, #tpu.memory_space<hbm>> -> memref<25x40xi32, #tpu.memory_space<hbm>>
      %dma_wait3A_105 = arith.constant 0 : i32
      %dma_wait3A_106 = arith.constant 0 : i32
      %dma_wait3A_107 = tpu.memref_slice %arg7[%select_n3A_77, %dma_wait3A_105, %dma_wait3A_106] : memref<2x25x40xi32, #tpu.memory_space<vmem>> -> memref<1x25x40xi32, #tpu.memory_space<vmem>>
      %dma_wait3A_108 = tpu.memref_squeeze %dma_wait3A_107 : memref<1x25x40xi32, #tpu.memory_space<vmem>> -> memref<25x40xi32, #tpu.memory_space<vmem>>
      %dma_wait3A_109 = arith.constant 0 : i32
      %dma_wait3A_110 = tpu.memref_slice %arg4[%dma_wait3A_97, %add3A_80, %dma_wait3A_109] : memref<2x4000x40xi32, #tpu.memory_space<hbm>> -> memref<1x25x40xi32, #tpu.memory_space<hbm>>
      %dma_wait3A_111 = tpu.memref_squeeze %dma_wait3A_110 : memref<1x25x40xi32, #tpu.memory_space<hbm>> -> memref<25x40xi32, #tpu.memory_space<hbm>>
      tpu.wait_dma2 semaphore(%arg17 : memref<!tpu.dma_semaphore, #tpu.memory_space<semaphore_mem>>) src(%dma_wait3A_111 : memref<25x40xi32, #tpu.memory_space<hbm>>) dst(%dma_wait3A_108 : memref<25x40xi32, #tpu.memory_space<vmem>>)
      %dma_wait3A_112 = arith.constant 0 : i32
      %dma_wait3A_113 = arith.constant 0 : i32
      %dma_wait3A_114 = tpu.memref_slice %arg8[%select_n3A_77, %dma_wait3A_112, %dma_wait3A_113] : memref<2x1000x16xf32, #tpu.memory_space<vmem>> -> memref<1x1000x16xf32, #tpu.memory_space<vmem>>
      %dma_wait3A_115 = tpu.memref_squeeze %dma_wait3A_114 : memref<1x1000x16xf32, #tpu.memory_space<vmem>> -> memref<1000x16xf32, #tpu.memory_space<vmem>>
      %dma_wait3A_116 = arith.constant 0 : i32
      %dma_wait3A_117 = tpu.memref_slice %arg3[%mul3A_82, %dma_wait3A_116] : memref<160000x16xf32, #tpu.memory_space<hbm>> -> memref<1000x16xf32, #tpu.memory_space<hbm>>
      %dma_wait3A_118 = arith.constant 0 : i32
      %dma_wait3A_119 = arith.constant 0 : i32
      %dma_wait3A_120 = tpu.memref_slice %arg8[%select_n3A_77, %dma_wait3A_118, %dma_wait3A_119] : memref<2x1000x16xf32, #tpu.memory_space<vmem>> -> memref<1x1000x16xf32, #tpu.memory_space<vmem>>
      %dma_wait3A_121 = tpu.memref_squeeze %dma_wait3A_120 : memref<1x1000x16xf32, #tpu.memory_space<vmem>> -> memref<1000x16xf32, #tpu.memory_space<vmem>>
      %dma_wait3A_122 = arith.constant 0 : i32
      %dma_wait3A_123 = tpu.memref_slice %arg3[%mul3A_82, %dma_wait3A_122] : memref<160000x16xf32, #tpu.memory_space<hbm>> -> memref<1000x16xf32, #tpu.memory_space<hbm>>
      tpu.wait_dma2 semaphore(%arg17 : memref<!tpu.dma_semaphore, #tpu.memory_space<semaphore_mem>>) src(%dma_wait3A_123 : memref<1000x16xf32, #tpu.memory_space<hbm>>) dst(%dma_wait3A_121 : memref<1000x16xf32, #tpu.memory_space<vmem>>)
      %add3A_124 = arith.constant 1 : i32
      %add3A_125 = arith.addi %scan3A_67, %add3A_124 : i32
      %lt3A_126 = arith.constant 5 : i32
      %lt3A_127 = arith.cmpi slt, %add3A_125, %lt3A_126 : i32
      %convert_element_type3A = arith.extui %lt3A_127 : i1 to i32
      %cond3A = arith.constant 0 : i32
      %cond3A_128 = arith.cmpi ne, %convert_element_type3A, %cond3A : i32
      scf.if %cond3A_128 {
        %add3A_197 = arith.constant 1 : i32
        %add3A_198 = arith.addi %scan3A_67, %add3A_197 : i32
        %add3A_199 = arith.constant 1 : i32
        %add3A_200 = arith.addi %scan3A_67, %add3A_199 : i32
        %jit3A_201 = arith.constant 2 : i32
        %eq3A_202 = arith.constant 0 : i32
        %eq3A_203 = arith.cmpi eq, %jit3A_201, %eq3A_202 : i32
        %jit3A_204 = arith.constant 1 : i32
        %select_n3A_205 = arith.select %eq3A_203, %jit3A_204, %jit3A_201 : i32
        %rem3A_206 = arith.remsi %add3A_200, %select_n3A_205 : i32
        %ne3A_207 = arith.constant 0 : i32
        %ne3A_208 = arith.cmpi ne, %rem3A_206, %ne3A_207 : i32
        %lt3A_209 = arith.constant 0 : i32
        %lt3A_210 = arith.cmpi slt, %rem3A_206, %lt3A_209 : i32
        %lt3A_211 = arith.constant 0 : i32
        %lt3A_212 = arith.cmpi slt, %select_n3A_205, %lt3A_211 : i32
        %ne3A_213 = arith.xori %lt3A_210, %lt3A_212 : i1
        %and3A_214 = arith.andi %ne3A_213, %ne3A_208 : i1
        %add3A_215 = arith.addi %rem3A_206, %select_n3A_205 : i32
        %select_n3A_216 = arith.select %and3A_214, %add3A_215, %rem3A_206 : i32
        %mul3A_217 = arith.constant 25 : i32
        %mul3A_218 = arith.muli %add3A_198, %mul3A_217 : i32
        %add3A_219 = arith.addi %mul3A_10, %mul3A_218 : i32
        %mul3A_220 = arith.constant 40 : i32
        %mul3A_221 = arith.muli %add3A_219, %mul3A_220 : i32
        %dma_start3A_222 = arith.constant 0 : i32
        %dma_start3A_223 = arith.constant 0 : i32
        %dma_start3A_224 = arith.constant 0 : i32
        %dma_start3A_225 = tpu.memref_slice %arg6[%select_n3A_216, %dma_start3A_223, %dma_start3A_224] : memref<2x25x40xi32, #tpu.memory_space<vmem>> -> memref<1x25x40xi32, #tpu.memory_space<vmem>>
        %dma_start3A_226 = tpu.memref_squeeze %dma_start3A_225 : memref<1x25x40xi32, #tpu.memory_space<vmem>> -> memref<25x40xi32, #tpu.memory_space<vmem>>
        %dma_start3A_227 = arith.constant 0 : i32
        %dma_start3A_228 = tpu.memref_slice %arg4[%dma_start3A_222, %add3A_219, %dma_start3A_227] : memref<2x4000x40xi32, #tpu.memory_space<hbm>> -> memref<1x25x40xi32, #tpu.memory_space<hbm>>
        %dma_start3A_229 = tpu.memref_squeeze %dma_start3A_228 : memref<1x25x40xi32, #tpu.memory_space<hbm>> -> memref<25x40xi32, #tpu.memory_space<hbm>>
        %dma_start3A_230 = arith.constant 0 : i32
        %dma_start3A_231 = arith.constant 0 : i32
        %dma_start3A_232 = tpu.memref_slice %arg6[%select_n3A_216, %dma_start3A_230, %dma_start3A_231] : memref<2x25x40xi32, #tpu.memory_space<vmem>> -> memref<1x25x40xi32, #tpu.memory_space<vmem>>
        %dma_start3A_233 = tpu.memref_squeeze %dma_start3A_232 : memref<1x25x40xi32, #tpu.memory_space<vmem>> -> memref<25x40xi32, #tpu.memory_space<vmem>>
        %dma_start3A_234 = arith.constant 0 : i32
        %dma_start3A_235 = tpu.memref_slice %arg4[%dma_start3A_222, %add3A_219, %dma_start3A_234] : memref<2x4000x40xi32, #tpu.memory_space<hbm>> -> memref<1x25x40xi32, #tpu.memory_space<hbm>>
        %dma_start3A_236 = tpu.memref_squeeze %dma_start3A_235 : memref<1x25x40xi32, #tpu.memory_space<hbm>> -> memref<25x40xi32, #tpu.memory_space<hbm>>
        tpu.enqueue_dma source(%dma_start3A_236 : memref<25x40xi32, #tpu.memory_space<hbm>>) target(%dma_start3A_233 : memref<25x40xi32, #tpu.memory_space<vmem>>) target_semaphore(%arg17 : memref<!tpu.dma_semaphore, #tpu.memory_space<semaphore_mem>>)
        %dma_start3A_237 = arith.constant 1 : i32
        %dma_start3A_238 = arith.constant 0 : i32
        %dma_start3A_239 = arith.constant 0 : i32
        %dma_start3A_240 = tpu.memref_slice %arg7[%select_n3A_216, %dma_start3A_238, %dma_start3A_239] : memref<2x25x40xi32, #tpu.memory_space<vmem>> -> memref<1x25x40xi32, #tpu.memory_space<vmem>>
        %dma_start3A_241 = tpu.memref_squeeze %dma_start3A_240 : memref<1x25x40xi32, #tpu.memory_space<vmem>> -> memref<25x40xi32, #tpu.memory_space<vmem>>
        %dma_start3A_242 = arith.constant 0 : i32
        %dma_start3A_243 = tpu.memref_slice %arg4[%dma_start3A_237, %add3A_219, %dma_start3A_242] : memref<2x4000x40xi32, #tpu.memory_space<hbm>> -> memref<1x25x40xi32, #tpu.memory_space<hbm>>
        %dma_start3A_244 = tpu.memref_squeeze %dma_start3A_243 : memref<1x25x40xi32, #tpu.memory_space<hbm>> -> memref<25x40xi32, #tpu.memory_space<hbm>>
        %dma_start3A_245 = arith.constant 0 : i32
        %dma_start3A_246 = arith.constant 0 : i32
        %dma_start3A_247 = tpu.memref_slice %arg7[%select_n3A_216, %dma_start3A_245, %dma_start3A_246] : memref<2x25x40xi32, #tpu.memory_space<vmem>> -> memref<1x25x40xi32, #tpu.memory_space<vmem>>
        %dma_start3A_248 = tpu.memref_squeeze %dma_start3A_247 : memref<1x25x40xi32, #tpu.memory_space<vmem>> -> memref<25x40xi32, #tpu.memory_space<vmem>>
        %dma_start3A_249 = arith.constant 0 : i32
        %dma_start3A_250 = tpu.memref_slice %arg4[%dma_start3A_237, %add3A_219, %dma_start3A_249] : memref<2x4000x40xi32, #tpu.memory_space<hbm>> -> memref<1x25x40xi32, #tpu.memory_space<hbm>>
        %dma_start3A_251 = tpu.memref_squeeze %dma_start3A_250 : memref<1x25x40xi32, #tpu.memory_space<hbm>> -> memref<25x40xi32, #tpu.memory_space<hbm>>
        tpu.enqueue_dma source(%dma_start3A_251 : memref<25x40xi32, #tpu.memory_space<hbm>>) target(%dma_start3A_248 : memref<25x40xi32, #tpu.memory_space<vmem>>) target_semaphore(%arg17 : memref<!tpu.dma_semaphore, #tpu.memory_space<semaphore_mem>>)
        %dma_start3A_252 = arith.constant 0 : i32
        %dma_start3A_253 = arith.constant 0 : i32
        %dma_start3A_254 = tpu.memref_slice %arg8[%select_n3A_216, %dma_start3A_252, %dma_start3A_253] : memref<2x1000x16xf32, #tpu.memory_space<vmem>> -> memref<1x1000x16xf32, #tpu.memory_space<vmem>>
        %dma_start3A_255 = tpu.memref_squeeze %dma_start3A_254 : memref<1x1000x16xf32, #tpu.memory_space<vmem>> -> memref<1000x16xf32, #tpu.memory_space<vmem>>
        %dma_start3A_256 = arith.constant 0 : i32
        %dma_start3A_257 = tpu.memref_slice %arg3[%mul3A_221, %dma_start3A_256] : memref<160000x16xf32, #tpu.memory_space<hbm>> -> memref<1000x16xf32, #tpu.memory_space<hbm>>
        %dma_start3A_258 = arith.constant 0 : i32
        %dma_start3A_259 = arith.constant 0 : i32
        %dma_start3A_260 = tpu.memref_slice %arg8[%select_n3A_216, %dma_start3A_258, %dma_start3A_259] : memref<2x1000x16xf32, #tpu.memory_space<vmem>> -> memref<1x1000x16xf32, #tpu.memory_space<vmem>>
        %dma_start3A_261 = tpu.memref_squeeze %dma_start3A_260 : memref<1x1000x16xf32, #tpu.memory_space<vmem>> -> memref<1000x16xf32, #tpu.memory_space<vmem>>
        %dma_start3A_262 = arith.constant 0 : i32
        %dma_start3A_263 = tpu.memref_slice %arg3[%mul3A_221, %dma_start3A_262] : memref<160000x16xf32, #tpu.memory_space<hbm>> -> memref<1000x16xf32, #tpu.memory_space<hbm>>
        tpu.enqueue_dma source(%dma_start3A_263 : memref<1000x16xf32, #tpu.memory_space<hbm>>) target(%dma_start3A_261 : memref<1000x16xf32, #tpu.memory_space<vmem>>) target_semaphore(%arg17 : memref<!tpu.dma_semaphore, #tpu.memory_space<semaphore_mem>>)
      } else {
      }
      %dma_start3A_129 = arith.constant 0 : i32
      %dma_start3A_130 = arith.constant 0 : i32
      %dma_start3A_131 = arith.constant 0 : i32
      %dma_start3A_132 = arith.constant 0 : i32
      %dma_start3A_133 = tpu.memref_slice %arg9[%dma_start3A_130, %dma_start3A_131, %dma_start3A_132] : memref<2x40x288xbf16, #tpu.memory_space<vmem>> -> memref<1x40x288xbf16, #tpu.memory_space<vmem>>
      %dma_start3A_134 = tpu.memref_squeeze %dma_start3A_133 : memref<1x40x288xbf16, #tpu.memory_space<vmem>> -> memref<40x288xbf16, #tpu.memory_space<vmem>>
      %dma_start3A_135 = arith.constant 0 : i32
      %dma_start3A_136 = arith.constant 0 : i32
      %dma_start3A_137 = tpu.memref_slice %arg6[%select_n3A_77, %dma_start3A_135, %dma_start3A_136] : memref<2x25x40xi32, #tpu.memory_space<vmem>> -> memref<1x25x40xi32, #tpu.memory_space<vmem>>
      %dma_start3A_138 = tpu.memref_squeeze %dma_start3A_137 : memref<1x25x40xi32, #tpu.memory_space<vmem>> -> memref<25x40xi32, #tpu.memory_space<vmem>>
      %dma_start3A_139 = arith.constant 0 : i32
      %dma_start3A_140 = tpu.memref_slice %dma_start3A_138[%dma_start3A_129, %dma_start3A_139] : memref<25x40xi32, #tpu.memory_space<vmem>> -> memref<1x40xi32, #tpu.memory_space<vmem>>
      %dma_start3A_141 = tpu.memref_squeeze %dma_start3A_140 : memref<1x40xi32, #tpu.memory_space<vmem>> -> memref<40xi32, #tpu.memory_space<vmem>>
      %dma_start3A_142 = arith.constant 0 : i32
      %dma_start3A_143 = arith.constant 0 : i32
      %dma_start3A_144 = tpu.memref_slice %arg2[%dma_start3A_142, %dma_start3A_143] : memref<10000x288xbf16, #tpu.memory_space<hbm>> -> memref<10000x288xbf16, #tpu.memory_space<hbm>>
      tpu.enqueue_indirect_dma source(%dma_start3A_144 : memref<10000x288xbf16, #tpu.memory_space<hbm>>) target(%dma_start3A_134 : memref<40x288xbf16, #tpu.memory_space<vmem>>) offsets(%dma_start3A_141 : memref<40xi32, #tpu.memory_space<vmem>>) semaphore(%arg13 : memref<!tpu.dma_semaphore, #tpu.memory_space<semaphore_mem>>)
      %dma_wait3A_145 = arith.constant 0 : i32
      %dma_wait3A_146 = arith.constant 0 : i32
      %dma_wait3A_147 = arith.constant 0 : i32
      %dma_wait3A_148 = arith.constant 0 : i32
      %dma_wait3A_149 = tpu.memref_slice %arg9[%dma_wait3A_146, %dma_wait3A_147, %dma_wait3A_148] : memref<2x40x288xbf16, #tpu.memory_space<vmem>> -> memref<1x40x288xbf16, #tpu.memory_space<vmem>>
      %dma_wait3A_150 = tpu.memref_squeeze %dma_wait3A_149 : memref<1x40x288xbf16, #tpu.memory_space<vmem>> -> memref<40x288xbf16, #tpu.memory_space<vmem>>
      %dma_wait3A_151 = arith.constant 0 : i32
      %dma_wait3A_152 = arith.constant 0 : i32
      %dma_wait3A_153 = tpu.memref_slice %arg6[%select_n3A_77, %dma_wait3A_151, %dma_wait3A_152] : memref<2x25x40xi32, #tpu.memory_space<vmem>> -> memref<1x25x40xi32, #tpu.memory_space<vmem>>
      %dma_wait3A_154 = tpu.memref_squeeze %dma_wait3A_153 : memref<1x25x40xi32, #tpu.memory_space<vmem>> -> memref<25x40xi32, #tpu.memory_space<vmem>>
      %dma_wait3A_155 = arith.constant 0 : i32
      %dma_wait3A_156 = tpu.memref_slice %dma_wait3A_154[%dma_wait3A_145, %dma_wait3A_155] : memref<25x40xi32, #tpu.memory_space<vmem>> -> memref<1x40xi32, #tpu.memory_space<vmem>>
      %dma_wait3A_157 = tpu.memref_squeeze %dma_wait3A_156 : memref<1x40xi32, #tpu.memory_space<vmem>> -> memref<40xi32, #tpu.memory_space<vmem>>
      %dma_wait3A_158 = arith.constant 0 : i32
      %dma_wait3A_159 = arith.constant 0 : i32
      %dma_wait3A_160 = tpu.memref_slice %arg2[%dma_wait3A_158, %dma_wait3A_159] : memref<10000x288xbf16, #tpu.memory_space<hbm>> -> memref<10000x288xbf16, #tpu.memory_space<hbm>>
      tpu.wait_indirect_dma semaphore(%arg13 : memref<!tpu.dma_semaphore, #tpu.memory_space<semaphore_mem>>) src(%dma_wait3A_160 : memref<10000x288xbf16, #tpu.memory_space<hbm>>) dst(%dma_wait3A_150 : memref<40x288xbf16, #tpu.memory_space<vmem>>)
      %scan3A_161 = arith.constant 0 : i32
      %scan3A_162 = arith.constant 0 : i32
      %scan3A_163 = arith.constant 12 : i32
      %scan3A_164 = arith.addi %scan3A_162, %scan3A_163 : i32
      %scan3A_165 = arith.constant 1 : i32
      %scan3A_166 = scf.for %scan3A_197 = %scan3A_162 to %scan3A_164 step %scan3A_165 iter_args(%scan3A_198 = %scan3A_161) -> (i32)  : i32 {
        %mul3A_199 = arith.constant 2 : i32
        %mul3A_200 = arith.muli %mul3A_199, %scan3A_197 : i32
        %add3A_201 = arith.constant 1 : i32
        %add3A_202 = arith.addi %mul3A_200, %add3A_201 : i32
        %dma_start3A_203 = arith.constant 1 : i32
        %dma_start3A_204 = arith.constant 0 : i32
        %dma_start3A_205 = arith.constant 0 : i32
        %dma_start3A_206 = tpu.memref_slice %arg9[%dma_start3A_203, %dma_start3A_204, %dma_start3A_205] : memref<2x40x288xbf16, #tpu.memory_space<vmem>> -> memref<1x40x288xbf16, #tpu.memory_space<vmem>>
        %dma_start3A_207 = tpu.memref_squeeze %dma_start3A_206 : memref<1x40x288xbf16, #tpu.memory_space<vmem>> -> memref<40x288xbf16, #tpu.memory_space<vmem>>
        %dma_start3A_208 = arith.constant 0 : i32
        %dma_start3A_209 = arith.constant 0 : i32
        %dma_start3A_210 = tpu.memref_slice %arg6[%select_n3A_77, %dma_start3A_208, %dma_start3A_209] : memref<2x25x40xi32, #tpu.memory_space<vmem>> -> memref<1x25x40xi32, #tpu.memory_space<vmem>>
        %dma_start3A_211 = tpu.memref_squeeze %dma_start3A_210 : memref<1x25x40xi32, #tpu.memory_space<vmem>> -> memref<25x40xi32, #tpu.memory_space<vmem>>
        %dma_start3A_212 = arith.constant 0 : i32
        %dma_start3A_213 = tpu.memref_slice %dma_start3A_211[%add3A_202, %dma_start3A_212] : memref<25x40xi32, #tpu.memory_space<vmem>> -> memref<1x40xi32, #tpu.memory_space<vmem>>
        %dma_start3A_214 = tpu.memref_squeeze %dma_start3A_213 : memref<1x40xi32, #tpu.memory_space<vmem>> -> memref<40xi32, #tpu.memory_space<vmem>>
        %dma_start3A_215 = arith.constant 0 : i32
        %dma_start3A_216 = arith.constant 0 : i32
        %dma_start3A_217 = tpu.memref_slice %arg2[%dma_start3A_215, %dma_start3A_216] : memref<10000x288xbf16, #tpu.memory_space<hbm>> -> memref<10000x288xbf16, #tpu.memory_space<hbm>>
        tpu.enqueue_indirect_dma source(%dma_start3A_217 : memref<10000x288xbf16, #tpu.memory_space<hbm>>) target(%dma_start3A_207 : memref<40x288xbf16, #tpu.memory_space<vmem>>) offsets(%dma_start3A_214 : memref<40xi32, #tpu.memory_space<vmem>>) semaphore(%arg14 : memref<!tpu.dma_semaphore, #tpu.memory_space<semaphore_mem>>)
        %parallel_loop3A_218 = arith.constant 0 : i32
        %parallel_loop3A_219 = arith.constant 40 : i32
        %parallel_loop3A_220 = arith.constant 1 : i32
        %parallel_loop3A_221 = arith.constant 0 : i32
        %parallel_loop3A_222 = arith.constant 0 : i32
        scf.for %parallel_loop3A_322 = %parallel_loop3A_218 to %parallel_loop3A_219 step %parallel_loop3A_220  : i32 {
          %parallel_loop3A_323 = arith.constant 40 : i32
          %parallel_loop3A_324 = arith.muli %mul3A_200, %parallel_loop3A_323 : i32
          %parallel_loop3A_325 = arith.addi %parallel_loop3A_324, %parallel_loop3A_322 : i32
          %parallel_loop3A_326 = arith.index_cast %select_n3A_77 : i32 to index
          %parallel_loop3A_327 = arith.index_cast %parallel_loop3A_325 : i32 to index
          %parallel_loop3A_328 = arith.constant 0 : index
          %parallel_loop3A_329 = tpu.vector_load %arg8[%parallel_loop3A_326, %parallel_loop3A_327, %parallel_loop3A_328] {strides = array<i32>} : memref<2x1000x16xf32, #tpu.memory_space<vmem>>, vector<16xf32>,
          %parallel_loop3A_330 = arith.constant 0 : i32
          %parallel_loop3A_331 = arith.constant 0 : i32
          %parallel_loop3A_332 = tpu.memref_slice %arg9[%parallel_loop3A_221, %parallel_loop3A_330, %parallel_loop3A_331] : memref<2x40x288xbf16, #tpu.memory_space<vmem>> -> memref<1x40x288xbf16, #tpu.memory_space<vmem>>
          %parallel_loop3A_333 = tpu.memref_squeeze %parallel_loop3A_332 : memref<1x40x288xbf16, #tpu.memory_space<vmem>> -> memref<40x288xbf16, #tpu.memory_space<vmem>>
          %parallel_loop3A_334 = arith.index_cast %parallel_loop3A_322 : i32 to index
          %parallel_loop3A_335 = arith.constant 256 : index
          %parallel_loop3A_336 = tpu.vector_load %parallel_loop3A_333[%parallel_loop3A_334, %parallel_loop3A_335] {strides = array<i32>} : memref<40x288xbf16, #tpu.memory_space<vmem>>, vector<32xbf16>,
          %parallel_loop3A_337 = tpu.unpack_subelements %parallel_loop3A_336, 0 {pack_format = #tpu.pack_format<interleaved>} : vector<32xbf16> -> vector<16xf32>
          %parallel_loop3A_338 = tpu.unpack_subelements %parallel_loop3A_336, 1 {pack_format = #tpu.pack_format<interleaved>} : vector<32xbf16> -> vector<16xf32>
          %parallel_loop3A_339 = arith.constant 0 : i32
          %parallel_loop3A_340 = arith.constant 0 : i32
          %parallel_loop3A_341 = tpu.memref_slice %arg9[%parallel_loop3A_221, %parallel_loop3A_339, %parallel_loop3A_340] : memref<2x40x288xbf16, #tpu.memory_space<vmem>> -> memref<1x40x288xbf16, #tpu.memory_space<vmem>>
          %parallel_loop3A_342 = tpu.memref_squeeze %parallel_loop3A_341 : memref<1x40x288xbf16, #tpu.memory_space<vmem>> -> memref<40x288xbf16, #tpu.memory_space<vmem>>
          %parallel_loop3A_343 = arith.index_cast %parallel_loop3A_322 : i32 to index
          %parallel_loop3A_344 = arith.constant 0 : index
          %parallel_loop3A_345 = tpu.vector_load %parallel_loop3A_342[%parallel_loop3A_343, %parallel_loop3A_344] {strides = array<i32>} : memref<40x288xbf16, #tpu.memory_space<vmem>>, vector<32xbf16>,
          %parallel_loop3A_346 = tpu.unpack_subelements %parallel_loop3A_345, 0 {pack_format = #tpu.pack_format<interleaved>} : vector<32xbf16> -> vector<16xf32>
          %parallel_loop3A_347 = tpu.unpack_subelements %parallel_loop3A_345, 1 {pack_format = #tpu.pack_format<interleaved>} : vector<32xbf16> -> vector<16xf32>
          %parallel_loop3A_348 = vector.extract_strided_slice %parallel_loop3A_329 {offsets = [0], sizes = [1], strides = [1]} : vector<16xf32> to vector<1xf32>
          %parallel_loop3A_349 = vector.extract %parallel_loop3A_348[0] : f32 from vector<1xf32>
          %parallel_loop3A_350 = vector.broadcast %parallel_loop3A_349 : f32 to vector<16xf32>
          %parallel_loop3A_351 = arith.mulf %parallel_loop3A_350, %parallel_loop3A_346 : vector<16xf32>
          %parallel_loop3A_352 = arith.addf %parallel_loop3A_337, %parallel_loop3A_351 : vector<16xf32>
          %parallel_loop3A_353 = vector.extract_strided_slice %parallel_loop3A_329 {offsets = [1], sizes = [1], strides = [1]} : vector<16xf32> to vector<1xf32>
          %parallel_loop3A_354 = vector.extract %parallel_loop3A_353[0] : f32 from vector<1xf32>
          %parallel_loop3A_355 = vector.broadcast %parallel_loop3A_354 : f32 to vector<16xf32>
          %parallel_loop3A_356 = arith.mulf %parallel_loop3A_355, %parallel_loop3A_347 : vector<16xf32>
          %parallel_loop3A_357 = arith.addf %parallel_loop3A_352, %parallel_loop3A_356 : vector<16xf32>
          %parallel_loop3A_358 = arith.constant 0 : i32
          %parallel_loop3A_359 = arith.constant 0 : i32
          %parallel_loop3A_360 = tpu.memref_slice %arg9[%parallel_loop3A_221, %parallel_loop3A_358, %parallel_loop3A_359] : memref<2x40x288xbf16, #tpu.memory_space<vmem>> -> memref<1x40x288xbf16, #tpu.memory_space<vmem>>
          %parallel_loop3A_361 = tpu.memref_squeeze %parallel_loop3A_360 : memref<1x40x288xbf16, #tpu.memory_space<vmem>> -> memref<40x288xbf16, #tpu.memory_space<vmem>>
          %parallel_loop3A_362 = arith.index_cast %parallel_loop3A_322 : i32 to index
          %parallel_loop3A_363 = arith.constant 32 : index
          %parallel_loop3A_364 = tpu.vector_load %parallel_loop3A_361[%parallel_loop3A_362, %parallel_loop3A_363] {strides = array<i32>} : memref<40x288xbf16, #tpu.memory_space<vmem>>, vector<32xbf16>,
          %parallel_loop3A_365 = tpu.unpack_subelements %parallel_loop3A_364, 0 {pack_format = #tpu.pack_format<interleaved>} : vector<32xbf16> -> vector<16xf32>
          %parallel_loop3A_366 = tpu.unpack_subelements %parallel_loop3A_364, 1 {pack_format = #tpu.pack_format<interleaved>} : vector<32xbf16> -> vector<16xf32>
          %parallel_loop3A_367 = vector.extract_strided_slice %parallel_loop3A_329 {offsets = [2], sizes = [1], strides = [1]} : vector<16xf32> to vector<1xf32>
          %parallel_loop3A_368 = vector.extract %parallel_loop3A_367[0] : f32 from vector<1xf32>
          %parallel_loop3A_369 = vector.broadcast %parallel_loop3A_368 : f32 to vector<16xf32>
          %parallel_loop3A_370 = arith.mulf %parallel_loop3A_369, %parallel_loop3A_365 : vector<16xf32>
          %parallel_loop3A_371 = arith.addf %parallel_loop3A_357, %parallel_loop3A_370 : vector<16xf32>
          %parallel_loop3A_372 = vector.extract_strided_slice %parallel_loop3A_329 {offsets = [3], sizes = [1], strides = [1]} : vector<16xf32> to vector<1xf32>
          %parallel_loop3A_373 = vector.extract %parallel_loop3A_372[0] : f32 from vector<1xf32>
          %parallel_loop3A_374 = vector.broadcast %parallel_loop3A_373 : f32 to vector<16xf32>
          %parallel_loop3A_375 = arith.mulf %parallel_loop3A_374, %parallel_loop3A_366 : vector<16xf32>
          %parallel_loop3A_376 = arith.addf %parallel_loop3A_371, %parallel_loop3A_375 : vector<16xf32>
          %parallel_loop3A_377 = arith.constant 0 : i32
          %parallel_loop3A_378 = arith.constant 0 : i32
          %parallel_loop3A_379 = tpu.memref_slice %arg9[%parallel_loop3A_221, %parallel_loop3A_377, %parallel_loop3A_378] : memref<2x40x288xbf16, #tpu.memory_space<vmem>> -> memref<1x40x288xbf16, #tpu.memory_space<vmem>>
          %parallel_loop3A_380 = tpu.memref_squeeze %parallel_loop3A_379 : memref<1x40x288xbf16, #tpu.memory_space<vmem>> -> memref<40x288xbf16, #tpu.memory_space<vmem>>
          %parallel_loop3A_381 = arith.index_cast %parallel_loop3A_322 : i32 to index
          %parallel_loop3A_382 = arith.constant 64 : index
          %parallel_loop3A_383 = tpu.vector_load %parallel_loop3A_380[%parallel_loop3A_381, %parallel_loop3A_382] {strides = array<i32>} : memref<40x288xbf16, #tpu.memory_space<vmem>>, vector<32xbf16>,
          %parallel_loop3A_384 = tpu.unpack_subelements %parallel_loop3A_383, 0 {pack_format = #tpu.pack_format<interleaved>} : vector<32xbf16> -> vector<16xf32>
          %parallel_loop3A_385 = tpu.unpack_subelements %parallel_loop3A_383, 1 {pack_format = #tpu.pack_format<interleaved>} : vector<32xbf16> -> vector<16xf32>
          %parallel_loop3A_386 = vector.extract_strided_slice %parallel_loop3A_329 {offsets = [4], sizes = [1], strides = [1]} : vector<16xf32> to vector<1xf32>
          %parallel_loop3A_387 = vector.extract %parallel_loop3A_386[0] : f32 from vector<1xf32>
          %parallel_loop3A_388 = vector.broadcast %parallel_loop3A_387 : f32 to vector<16xf32>
          %parallel_loop3A_389 = arith.mulf %parallel_loop3A_388, %parallel_loop3A_384 : vector<16xf32>
          %parallel_loop3A_390 = arith.addf %parallel_loop3A_376, %parallel_loop3A_389 : vector<16xf32>
          %parallel_loop3A_391 = vector.extract_strided_slice %parallel_loop3A_329 {offsets = [5], sizes = [1], strides = [1]} : vector<16xf32> to vector<1xf32>
          %parallel_loop3A_392 = vector.extract %parallel_loop3A_391[0] : f32 from vector<1xf32>
          %parallel_loop3A_393 = vector.broadcast %parallel_loop3A_392 : f32 to vector<16xf32>
          %parallel_loop3A_394 = arith.mulf %parallel_loop3A_393, %parallel_loop3A_385 : vector<16xf32>
          %parallel_loop3A_395 = arith.addf %parallel_loop3A_390, %parallel_loop3A_394 : vector<16xf32>
          %parallel_loop3A_396 = arith.constant 0 : i32
          %parallel_loop3A_397 = arith.constant 0 : i32
          %parallel_loop3A_398 = tpu.memref_slice %arg9[%parallel_loop3A_221, %parallel_loop3A_396, %parallel_loop3A_397] : memref<2x40x288xbf16, #tpu.memory_space<vmem>> -> memref<1x40x288xbf16, #tpu.memory_space<vmem>>
          %parallel_loop3A_399 = tpu.memref_squeeze %parallel_loop3A_398 : memref<1x40x288xbf16, #tpu.memory_space<vmem>> -> memref<40x288xbf16, #tpu.memory_space<vmem>>
          %parallel_loop3A_400 = arith.index_cast %parallel_loop3A_322 : i32 to index
          %parallel_loop3A_401 = arith.constant 96 : index
          %parallel_loop3A_402 = tpu.vector_load %parallel_loop3A_399[%parallel_loop3A_400, %parallel_loop3A_401] {strides = array<i32>} : memref<40x288xbf16, #tpu.memory_space<vmem>>, vector<32xbf16>,
          %parallel_loop3A_403 = tpu.unpack_subelements %parallel_loop3A_402, 0 {pack_format = #tpu.pack_format<interleaved>} : vector<32xbf16> -> vector<16xf32>
          %parallel_loop3A_404 = tpu.unpack_subelements %parallel_loop3A_402, 1 {pack_format = #tpu.pack_format<interleaved>} : vector<32xbf16> -> vector<16xf32>
          %parallel_loop3A_405 = vector.extract_strided_slice %parallel_loop3A_329 {offsets = [6], sizes = [1], strides = [1]} : vector<16xf32> to vector<1xf32>
          %parallel_loop3A_406 = vector.extract %parallel_loop3A_405[0] : f32 from vector<1xf32>
          %parallel_loop3A_407 = vector.broadcast %parallel_loop3A_406 : f32 to vector<16xf32>
          %parallel_loop3A_408 = arith.mulf %parallel_loop3A_407, %parallel_loop3A_403 : vector<16xf32>
          %parallel_loop3A_409 = arith.addf %parallel_loop3A_395, %parallel_loop3A_408 : vector<16xf32>
          %parallel_loop3A_410 = vector.extract_strided_slice %parallel_loop3A_329 {offsets = [7], sizes = [1], strides = [1]} : vector<16xf32> to vector<1xf32>
          %parallel_loop3A_411 = vector.extract %parallel_loop3A_410[0] : f32 from vector<1xf32>
          %parallel_loop3A_412 = vector.broadcast %parallel_loop3A_411 : f32 to vector<16xf32>
          %parallel_loop3A_413 = arith.mulf %parallel_loop3A_412, %parallel_loop3A_404 : vector<16xf32>
          %parallel_loop3A_414 = arith.addf %parallel_loop3A_409, %parallel_loop3A_413 : vector<16xf32>
          %parallel_loop3A_415 = arith.constant 0 : i32
          %parallel_loop3A_416 = arith.constant 0 : i32
          %parallel_loop3A_417 = tpu.memref_slice %arg9[%parallel_loop3A_221, %parallel_loop3A_415, %parallel_loop3A_416] : memref<2x40x288xbf16, #tpu.memory_space<vmem>> -> memref<1x40x288xbf16, #tpu.memory_space<vmem>>
          %parallel_loop3A_418 = tpu.memref_squeeze %parallel_loop3A_417 : memref<1x40x288xbf16, #tpu.memory_space<vmem>> -> memref<40x288xbf16, #tpu.memory_space<vmem>>
          %parallel_loop3A_419 = arith.index_cast %parallel_loop3A_322 : i32 to index
          %parallel_loop3A_420 = arith.constant 128 : index
          %parallel_loop3A_421 = tpu.vector_load %parallel_loop3A_418[%parallel_loop3A_419, %parallel_loop3A_420] {strides = array<i32>} : memref<40x288xbf16, #tpu.memory_space<vmem>>, vector<32xbf16>,
          %parallel_loop3A_422 = tpu.unpack_subelements %parallel_loop3A_421, 0 {pack_format = #tpu.pack_format<interleaved>} : vector<32xbf16> -> vector<16xf32>
          %parallel_loop3A_423 = tpu.unpack_subelements %parallel_loop3A_421, 1 {pack_format = #tpu.pack_format<interleaved>} : vector<32xbf16> -> vector<16xf32>
          %parallel_loop3A_424 = vector.extract_strided_slice %parallel_loop3A_329 {offsets = [8], sizes = [1], strides = [1]} : vector<16xf32> to vector<1xf32>
          %parallel_loop3A_425 = vector.extract %parallel_loop3A_424[0] : f32 from vector<1xf32>
          %parallel_loop3A_426 = vector.broadcast %parallel_loop3A_425 : f32 to vector<16xf32>
          %parallel_loop3A_427 = arith.mulf %parallel_loop3A_426, %parallel_loop3A_422 : vector<16xf32>
          %parallel_loop3A_428 = arith.addf %parallel_loop3A_414, %parallel_loop3A_427 : vector<16xf32>
          %parallel_loop3A_429 = vector.extract_strided_slice %parallel_loop3A_329 {offsets = [9], sizes = [1], strides = [1]} : vector<16xf32> to vector<1xf32>
          %parallel_loop3A_430 = vector.extract %parallel_loop3A_429[0] : f32 from vector<1xf32>
          %parallel_loop3A_431 = vector.broadcast %parallel_loop3A_430 : f32 to vector<16xf32>
          %parallel_loop3A_432 = arith.mulf %parallel_loop3A_431, %parallel_loop3A_423 : vector<16xf32>
          %parallel_loop3A_433 = arith.addf %parallel_loop3A_428, %parallel_loop3A_432 : vector<16xf32>
          %parallel_loop3A_434 = arith.constant 0 : i32
          %parallel_loop3A_435 = arith.constant 0 : i32
          %parallel_loop3A_436 = tpu.memref_slice %arg9[%parallel_loop3A_221, %parallel_loop3A_434, %parallel_loop3A_435] : memref<2x40x288xbf16, #tpu.memory_space<vmem>> -> memref<1x40x288xbf16, #tpu.memory_space<vmem>>
          %parallel_loop3A_437 = tpu.memref_squeeze %parallel_loop3A_436 : memref<1x40x288xbf16, #tpu.memory_space<vmem>> -> memref<40x288xbf16, #tpu.memory_space<vmem>>
          %parallel_loop3A_438 = arith.index_cast %parallel_loop3A_322 : i32 to index
          %parallel_loop3A_439 = arith.constant 160 : index
          %parallel_loop3A_440 = tpu.vector_load %parallel_loop3A_437[%parallel_loop3A_438, %parallel_loop3A_439] {strides = array<i32>} : memref<40x288xbf16, #tpu.memory_space<vmem>>, vector<32xbf16>,
          %parallel_loop3A_441 = tpu.unpack_subelements %parallel_loop3A_440, 0 {pack_format = #tpu.pack_format<interleaved>} : vector<32xbf16> -> vector<16xf32>
          %parallel_loop3A_442 = tpu.unpack_subelements %parallel_loop3A_440, 1 {pack_format = #tpu.pack_format<interleaved>} : vector<32xbf16> -> vector<16xf32>
          %parallel_loop3A_443 = vector.extract_strided_slice %parallel_loop3A_329 {offsets = [10], sizes = [1], strides = [1]} : vector<16xf32> to vector<1xf32>
          %parallel_loop3A_444 = vector.extract %parallel_loop3A_443[0] : f32 from vector<1xf32>
          %parallel_loop3A_445 = vector.broadcast %parallel_loop3A_444 : f32 to vector<16xf32>
          %parallel_loop3A_446 = arith.mulf %parallel_loop3A_445, %parallel_loop3A_441 : vector<16xf32>
          %parallel_loop3A_447 = arith.addf %parallel_loop3A_433, %parallel_loop3A_446 : vector<16xf32>
          %parallel_loop3A_448 = vector.extract_strided_slice %parallel_loop3A_329 {offsets = [11], sizes = [1], strides = [1]} : vector<16xf32> to vector<1xf32>
          %parallel_loop3A_449 = vector.extract %parallel_loop3A_448[0] : f32 from vector<1xf32>
          %parallel_loop3A_450 = vector.broadcast %parallel_loop3A_449 : f32 to vector<16xf32>
          %parallel_loop3A_451 = arith.mulf %parallel_loop3A_450, %parallel_loop3A_442 : vector<16xf32>
          %parallel_loop3A_452 = arith.addf %parallel_loop3A_447, %parallel_loop3A_451 : vector<16xf32>
          %parallel_loop3A_453 = arith.constant 0 : i32
          %parallel_loop3A_454 = arith.constant 0 : i32
          %parallel_loop3A_455 = tpu.memref_slice %arg9[%parallel_loop3A_221, %parallel_loop3A_453, %parallel_loop3A_454] : memref<2x40x288xbf16, #tpu.memory_space<vmem>> -> memref<1x40x288xbf16, #tpu.memory_space<vmem>>
          %parallel_loop3A_456 = tpu.memref_squeeze %parallel_loop3A_455 : memref<1x40x288xbf16, #tpu.memory_space<vmem>> -> memref<40x288xbf16, #tpu.memory_space<vmem>>
          %parallel_loop3A_457 = arith.index_cast %parallel_loop3A_322 : i32 to index
          %parallel_loop3A_458 = arith.constant 192 : index
          %parallel_loop3A_459 = tpu.vector_load %parallel_loop3A_456[%parallel_loop3A_457, %parallel_loop3A_458] {strides = array<i32>} : memref<40x288xbf16, #tpu.memory_space<vmem>>, vector<32xbf16>,
          %parallel_loop3A_460 = tpu.unpack_subelements %parallel_loop3A_459, 0 {pack_format = #tpu.pack_format<interleaved>} : vector<32xbf16> -> vector<16xf32>
          %parallel_loop3A_461 = tpu.unpack_subelements %parallel_loop3A_459, 1 {pack_format = #tpu.pack_format<interleaved>} : vector<32xbf16> -> vector<16xf32>
          %parallel_loop3A_462 = vector.extract_strided_slice %parallel_loop3A_329 {offsets = [12], sizes = [1], strides = [1]} : vector<16xf32> to vector<1xf32>
          %parallel_loop3A_463 = vector.extract %parallel_loop3A_462[0] : f32 from vector<1xf32>
          %parallel_loop3A_464 = vector.broadcast %parallel_loop3A_463 : f32 to vector<16xf32>
          %parallel_loop3A_465 = arith.mulf %parallel_loop3A_464, %parallel_loop3A_460 : vector<16xf32>
          %parallel_loop3A_466 = arith.addf %parallel_loop3A_452, %parallel_loop3A_465 : vector<16xf32>
          %parallel_loop3A_467 = vector.extract_strided_slice %parallel_loop3A_329 {offsets = [13], sizes = [1], strides = [1]} : vector<16xf32> to vector<1xf32>
          %parallel_loop3A_468 = vector.extract %parallel_loop3A_467[0] : f32 from vector<1xf32>
          %parallel_loop3A_469 = vector.broadcast %parallel_loop3A_468 : f32 to vector<16xf32>
          %parallel_loop3A_470 = arith.mulf %parallel_loop3A_469, %parallel_loop3A_461 : vector<16xf32>
          %parallel_loop3A_471 = arith.addf %parallel_loop3A_466, %parallel_loop3A_470 : vector<16xf32>
          %parallel_loop3A_472 = arith.constant 0 : i32
          %parallel_loop3A_473 = arith.constant 0 : i32
          %parallel_loop3A_474 = tpu.memref_slice %arg9[%parallel_loop3A_221, %parallel_loop3A_472, %parallel_loop3A_473] : memref<2x40x288xbf16, #tpu.memory_space<vmem>> -> memref<1x40x288xbf16, #tpu.memory_space<vmem>>
          %parallel_loop3A_475 = tpu.memref_squeeze %parallel_loop3A_474 : memref<1x40x288xbf16, #tpu.memory_space<vmem>> -> memref<40x288xbf16, #tpu.memory_space<vmem>>
          %parallel_loop3A_476 = arith.index_cast %parallel_loop3A_322 : i32 to index
          %parallel_loop3A_477 = arith.constant 224 : index
          %parallel_loop3A_478 = tpu.vector_load %parallel_loop3A_475[%parallel_loop3A_476, %parallel_loop3A_477] {strides = array<i32>} : memref<40x288xbf16, #tpu.memory_space<vmem>>, vector<32xbf16>,
          %parallel_loop3A_479 = tpu.unpack_subelements %parallel_loop3A_478, 0 {pack_format = #tpu.pack_format<interleaved>} : vector<32xbf16> -> vector<16xf32>
          %parallel_loop3A_480 = tpu.unpack_subelements %parallel_loop3A_478, 1 {pack_format = #tpu.pack_format<interleaved>} : vector<32xbf16> -> vector<16xf32>
          %parallel_loop3A_481 = vector.extract_strided_slice %parallel_loop3A_329 {offsets = [14], sizes = [1], strides = [1]} : vector<16xf32> to vector<1xf32>
          %parallel_loop3A_482 = vector.extract %parallel_loop3A_481[0] : f32 from vector<1xf32>
          %parallel_loop3A_483 = vector.broadcast %parallel_loop3A_482 : f32 to vector<16xf32>
          %parallel_loop3A_484 = arith.mulf %parallel_loop3A_483, %parallel_loop3A_479 : vector<16xf32>
          %parallel_loop3A_485 = arith.addf %parallel_loop3A_471, %parallel_loop3A_484 : vector<16xf32>
          %parallel_loop3A_486 = vector.extract_strided_slice %parallel_loop3A_329 {offsets = [15], sizes = [1], strides = [1]} : vector<16xf32> to vector<1xf32>
          %parallel_loop3A_487 = vector.extract %parallel_loop3A_486[0] : f32 from vector<1xf32>
          %parallel_loop3A_488 = vector.broadcast %parallel_loop3A_487 : f32 to vector<16xf32>
          %parallel_loop3A_489 = arith.mulf %parallel_loop3A_488, %parallel_loop3A_480 : vector<16xf32>
          %parallel_loop3A_490 = arith.addf %parallel_loop3A_485, %parallel_loop3A_489 : vector<16xf32>
          %parallel_loop3A_491 = arith.constant 0 : i32
          %parallel_loop3A_492 = arith.constant 0 : i32
          %parallel_loop3A_493 = tpu.memref_slice %arg10[%parallel_loop3A_222, %parallel_loop3A_491, %parallel_loop3A_492] : memref<2x40x16xf32, #tpu.memory_space<vmem>> -> memref<1x40x16xf32, #tpu.memory_space<vmem>>
          %parallel_loop3A_494 = tpu.memref_squeeze %parallel_loop3A_493 : memref<1x40x16xf32, #tpu.memory_space<vmem>> -> memref<40x16xf32, #tpu.memory_space<vmem>>
          %parallel_loop3A_495 = arith.index_cast %parallel_loop3A_322 : i32 to index
          %parallel_loop3A_496 = arith.constant 0 : index
          %parallel_loop3A_497 = tpu.vector_load %parallel_loop3A_494[%parallel_loop3A_495, %parallel_loop3A_496] {strides = array<i32>} : memref<40x16xf32, #tpu.memory_space<vmem>>, vector<16xf32>,
          tpu.vector_store %parallel_loop3A_494[%parallel_loop3A_495, %parallel_loop3A_496], %parallel_loop3A_490 {strides = array<i32>} : memref<40x16xf32, #tpu.memory_space<vmem>>, vector<16xf32>,
        } {sc.loop_unroll_factor = 4 : i64, sc.parallel_access}
        %dma_start3A_223 = arith.constant 0 : i32
        %dma_start3A_224 = arith.constant 0 : i32
        %dma_start3A_225 = arith.constant 0 : i32
        %dma_start3A_226 = tpu.memref_slice %arg10[%dma_start3A_223, %dma_start3A_224, %dma_start3A_225] : memref<2x40x16xf32, #tpu.memory_space<vmem>> -> memref<1x40x16xf32, #tpu.memory_space<vmem>>
        %dma_start3A_227 = tpu.memref_squeeze %dma_start3A_226 : memref<1x40x16xf32, #tpu.memory_space<vmem>> -> memref<40x16xf32, #tpu.memory_space<vmem>>
        %dma_start3A_228 = arith.constant 0 : i32
        %dma_start3A_229 = tpu.memref_slice %arg7[%select_n3A_77, %mul3A_200, %dma_start3A_228] : memref<2x25x40xi32, #tpu.memory_space<vmem>> -> memref<1x1x40xi32, #tpu.memory_space<vmem>>
        %dma_start3A_230 = tpu.memref_squeeze %dma_start3A_229 : memref<1x1x40xi32, #tpu.memory_space<vmem>> -> memref<40xi32, #tpu.memory_space<vmem>>
        %dma_start3A_231 = arith.constant 0 : i32
        %dma_start3A_232 = arith.constant 0 : i32
        %dma_start3A_233 = tpu.memref_slice %arg12[%dma_start3A_231, %dma_start3A_232] : memref<10240x16xf32, #tpu.memory_space<vmem_shared>> -> memref<10240x16xf32, #tpu.memory_space<vmem_shared>>
        tpu.enqueue_indirect_dma source(%dma_start3A_227 : memref<40x16xf32, #tpu.memory_space<vmem>>) target(%dma_start3A_233 : memref<10240x16xf32, #tpu.memory_space<vmem_shared>>) offsets(%dma_start3A_230 : memref<40xi32, #tpu.memory_space<vmem>>) semaphore(%arg15 : memref<!tpu.dma_semaphore, #tpu.memory_space<semaphore_mem>>) {add = true}
        %dma_wait3A_234 = arith.constant 1 : i32
        %dma_wait3A_235 = arith.constant 0 : i32
        %dma_wait3A_236 = arith.constant 0 : i32
        %dma_wait3A_237 = tpu.memref_slice %arg9[%dma_wait3A_234, %dma_wait3A_235, %dma_wait3A_236] : memref<2x40x288xbf16, #tpu.memory_space<vmem>> -> memref<1x40x288xbf16, #tpu.memory_space<vmem>>
        %dma_wait3A_238 = tpu.memref_squeeze %dma_wait3A_237 : memref<1x40x288xbf16, #tpu.memory_space<vmem>> -> memref<40x288xbf16, #tpu.memory_space<vmem>>
        %dma_wait3A_239 = arith.constant 0 : i32
        %dma_wait3A_240 = arith.constant 0 : i32
        %dma_wait3A_241 = tpu.memref_slice %arg6[%select_n3A_77, %dma_wait3A_239, %dma_wait3A_240] : memref<2x25x40xi32, #tpu.memory_space<vmem>> -> memref<1x25x40xi32, #tpu.memory_space<vmem>>
        %dma_wait3A_242 = tpu.memref_squeeze %dma_wait3A_241 : memref<1x25x40xi32, #tpu.memory_space<vmem>> -> memref<25x40xi32, #tpu.memory_space<vmem>>
        %dma_wait3A_243 = arith.constant 0 : i32
        %dma_wait3A_244 = tpu.memref_slice %dma_wait3A_242[%add3A_202, %dma_wait3A_243] : memref<25x40xi32, #tpu.memory_space<vmem>> -> memref<1x40xi32, #tpu.memory_space<vmem>>
        %dma_wait3A_245 = tpu.memref_squeeze %dma_wait3A_244 : memref<1x40xi32, #tpu.memory_space<vmem>> -> memref<40xi32, #tpu.memory_space<vmem>>
        %dma_wait3A_246 = arith.constant 0 : i32
        %dma_wait3A_247 = arith.constant 0 : i32
        %dma_wait3A_248 = tpu.memref_slice %arg2[%dma_wait3A_246, %dma_wait3A_247] : memref<10000x288xbf16, #tpu.memory_space<hbm>> -> memref<10000x288xbf16, #tpu.memory_space<hbm>>
        tpu.wait_indirect_dma semaphore(%arg14 : memref<!tpu.dma_semaphore, #tpu.memory_space<semaphore_mem>>) src(%dma_wait3A_248 : memref<10000x288xbf16, #tpu.memory_space<hbm>>) dst(%dma_wait3A_238 : memref<40x288xbf16, #tpu.memory_space<vmem>>)
        %add3A_249 = arith.constant 2 : i32
        %add3A_250 = arith.addi %mul3A_200, %add3A_249 : i32
        %dma_start3A_251 = arith.constant 0 : i32
        %dma_start3A_252 = arith.constant 0 : i32
        %dma_start3A_253 = arith.constant 0 : i32
        %dma_start3A_254 = tpu.memref_slice %arg9[%dma_start3A_251, %dma_start3A_252, %dma_start3A_253] : memref<2x40x288xbf16, #tpu.memory_space<vmem>> -> memref<1x40x288xbf16, #tpu.memory_space<vmem>>
        %dma_start3A_255 = tpu.memref_squeeze %dma_start3A_254 : memref<1x40x288xbf16, #tpu.memory_space<vmem>> -> memref<40x288xbf16, #tpu.memory_space<vmem>>
        %dma_start3A_256 = arith.constant 0 : i32
        %dma_start3A_257 = arith.constant 0 : i32
        %dma_start3A_258 = tpu.memref_slice %arg6[%select_n3A_77, %dma_start3A_256, %dma_start3A_257] : memref<2x25x40xi32, #tpu.memory_space<vmem>> -> memref<1x25x40xi32, #tpu.memory_space<vmem>>
        %dma_start3A_259 = tpu.memref_squeeze %dma_start3A_258 : memref<1x25x40xi32, #tpu.memory_space<vmem>> -> memref<25x40xi32, #tpu.memory_space<vmem>>
        %dma_start3A_260 = arith.constant 0 : i32
        %dma_start3A_261 = tpu.memref_slice %dma_start3A_259[%add3A_250, %dma_start3A_260] : memref<25x40xi32, #tpu.memory_space<vmem>> -> memref<1x40xi32, #tpu.memory_space<vmem>>
        %dma_start3A_262 = tpu.memref_squeeze %dma_start3A_261 : memref<1x40xi32, #tpu.memory_space<vmem>> -> memref<40xi32, #tpu.memory_space<vmem>>
        %dma_start3A_263 = arith.constant 0 : i32
        %dma_start3A_264 = arith.constant 0 : i32
        %dma_start3A_265 = tpu.memref_slice %arg2[%dma_start3A_263, %dma_start3A_264] : memref<10000x288xbf16, #tpu.memory_space<hbm>> -> memref<10000x288xbf16, #tpu.memory_space<hbm>>
        tpu.enqueue_indirect_dma source(%dma_start3A_265 : memref<10000x288xbf16, #tpu.memory_space<hbm>>) target(%dma_start3A_255 : memref<40x288xbf16, #tpu.memory_space<vmem>>) offsets(%dma_start3A_262 : memref<40xi32, #tpu.memory_space<vmem>>) semaphore(%arg13 : memref<!tpu.dma_semaphore, #tpu.memory_space<semaphore_mem>>)
        %add3A_266 = arith.constant 1 : i32
        %add3A_267 = arith.addi %mul3A_200, %add3A_266 : i32
        %parallel_loop3A_268 = arith.constant 0 : i32
        %parallel_loop3A_269 = arith.constant 40 : i32
        %parallel_loop3A_270 = arith.constant 1 : i32
        %parallel_loop3A_271 = arith.constant 1 : i32
        %parallel_loop3A_272 = arith.constant 1 : i32
        scf.for %parallel_loop3A_322 = %parallel_loop3A_268 to %parallel_loop3A_269 step %parallel_loop3A_270  : i32 {
          %parallel_loop3A_323 = arith.constant 40 : i32
          %parallel_loop3A_324 = arith.muli %add3A_267, %parallel_loop3A_323 : i32
          %parallel_loop3A_325 = arith.addi %parallel_loop3A_324, %parallel_loop3A_322 : i32
          %parallel_loop3A_326 = arith.index_cast %select_n3A_77 : i32 to index
          %parallel_loop3A_327 = arith.index_cast %parallel_loop3A_325 : i32 to index
          %parallel_loop3A_328 = arith.constant 0 : index
          %parallel_loop3A_329 = tpu.vector_load %arg8[%parallel_loop3A_326, %parallel_loop3A_327, %parallel_loop3A_328] {strides = array<i32>} : memref<2x1000x16xf32, #tpu.memory_space<vmem>>, vector<16xf32>,
          %parallel_loop3A_330 = arith.constant 0 : i32
          %parallel_loop3A_331 = arith.constant 0 : i32
          %parallel_loop3A_332 = tpu.memref_slice %arg9[%parallel_loop3A_271, %parallel_loop3A_330, %parallel_loop3A_331] : memref<2x40x288xbf16, #tpu.memory_space<vmem>> -> memref<1x40x288xbf16, #tpu.memory_space<vmem>>
          %parallel_loop3A_333 = tpu.memref_squeeze %parallel_loop3A_332 : memref<1x40x288xbf16, #tpu.memory_space<vmem>> -> memref<40x288xbf16, #tpu.memory_space<vmem>>
          %parallel_loop3A_334 = arith.index_cast %parallel_loop3A_322 : i32 to index
          %parallel_loop3A_335 = arith.constant 256 : index
          %parallel_loop3A_336 = tpu.vector_load %parallel_loop3A_333[%parallel_loop3A_334, %parallel_loop3A_335] {strides = array<i32>} : memref<40x288xbf16, #tpu.memory_space<vmem>>, vector<32xbf16>,
          %parallel_loop3A_337 = tpu.unpack_subelements %parallel_loop3A_336, 0 {pack_format = #tpu.pack_format<interleaved>} : vector<32xbf16> -> vector<16xf32>
          %parallel_loop3A_338 = tpu.unpack_subelements %parallel_loop3A_336, 1 {pack_format = #tpu.pack_format<interleaved>} : vector<32xbf16> -> vector<16xf32>
          %parallel_loop3A_339 = arith.constant 0 : i32
          %parallel_loop3A_340 = arith.constant 0 : i32
          %parallel_loop3A_341 = tpu.memref_slice %arg9[%parallel_loop3A_271, %parallel_loop3A_339, %parallel_loop3A_340] : memref<2x40x288xbf16, #tpu.memory_space<vmem>> -> memref<1x40x288xbf16, #tpu.memory_space<vmem>>
          %parallel_loop3A_342 = tpu.memref_squeeze %parallel_loop3A_341 : memref<1x40x288xbf16, #tpu.memory_space<vmem>> -> memref<40x288xbf16, #tpu.memory_space<vmem>>
          %parallel_loop3A_343 = arith.index_cast %parallel_loop3A_322 : i32 to index
          %parallel_loop3A_344 = arith.constant 0 : index
          %parallel_loop3A_345 = tpu.vector_load %parallel_loop3A_342[%parallel_loop3A_343, %parallel_loop3A_344] {strides = array<i32>} : memref<40x288xbf16, #tpu.memory_space<vmem>>, vector<32xbf16>,
          %parallel_loop3A_346 = tpu.unpack_subelements %parallel_loop3A_345, 0 {pack_format = #tpu.pack_format<interleaved>} : vector<32xbf16> -> vector<16xf32>
          %parallel_loop3A_347 = tpu.unpack_subelements %parallel_loop3A_345, 1 {pack_format = #tpu.pack_format<interleaved>} : vector<32xbf16> -> vector<16xf32>
          %parallel_loop3A_348 = vector.extract_strided_slice %parallel_loop3A_329 {offsets = [0], sizes = [1], strides = [1]} : vector<16xf32> to vector<1xf32>
          %parallel_loop3A_349 = vector.extract %parallel_loop3A_348[0] : f32 from vector<1xf32>
          %parallel_loop3A_350 = vector.broadcast %parallel_loop3A_349 : f32 to vector<16xf32>
          %parallel_loop3A_351 = arith.mulf %parallel_loop3A_350, %parallel_loop3A_346 : vector<16xf32>
          %parallel_loop3A_352 = arith.addf %parallel_loop3A_337, %parallel_loop3A_351 : vector<16xf32>
          %parallel_loop3A_353 = vector.extract_strided_slice %parallel_loop3A_329 {offsets = [1], sizes = [1], strides = [1]} : vector<16xf32> to vector<1xf32>
          %parallel_loop3A_354 = vector.extract %parallel_loop3A_353[0] : f32 from vector<1xf32>
          %parallel_loop3A_355 = vector.broadcast %parallel_loop3A_354 : f32 to vector<16xf32>
          %parallel_loop3A_356 = arith.mulf %parallel_loop3A_355, %parallel_loop3A_347 : vector<16xf32>
          %parallel_loop3A_357 = arith.addf %parallel_loop3A_352, %parallel_loop3A_356 : vector<16xf32>
          %parallel_loop3A_358 = arith.constant 0 : i32
          %parallel_loop3A_359 = arith.constant 0 : i32
          %parallel_loop3A_360 = tpu.memref_slice %arg9[%parallel_loop3A_271, %parallel_loop3A_358, %parallel_loop3A_359] : memref<2x40x288xbf16, #tpu.memory_space<vmem>> -> memref<1x40x288xbf16, #tpu.memory_space<vmem>>
          %parallel_loop3A_361 = tpu.memref_squeeze %parallel_loop3A_360 : memref<1x40x288xbf16, #tpu.memory_space<vmem>> -> memref<40x288xbf16, #tpu.memory_space<vmem>>
          %parallel_loop3A_362 = arith.index_cast %parallel_loop3A_322 : i32 to index
          %parallel_loop3A_363 = arith.constant 32 : index
          %parallel_loop3A_364 = tpu.vector_load %parallel_loop3A_361[%parallel_loop3A_362, %parallel_loop3A_363] {strides = array<i32>} : memref<40x288xbf16, #tpu.memory_space<vmem>>, vector<32xbf16>,
          %parallel_loop3A_365 = tpu.unpack_subelements %parallel_loop3A_364, 0 {pack_format = #tpu.pack_format<interleaved>} : vector<32xbf16> -> vector<16xf32>
          %parallel_loop3A_366 = tpu.unpack_subelements %parallel_loop3A_364, 1 {pack_format = #tpu.pack_format<interleaved>} : vector<32xbf16> -> vector<16xf32>
          %parallel_loop3A_367 = vector.extract_strided_slice %parallel_loop3A_329 {offsets = [2], sizes = [1], strides = [1]} : vector<16xf32> to vector<1xf32>
          %parallel_loop3A_368 = vector.extract %parallel_loop3A_367[0] : f32 from vector<1xf32>
          %parallel_loop3A_369 = vector.broadcast %parallel_loop3A_368 : f32 to vector<16xf32>
          %parallel_loop3A_370 = arith.mulf %parallel_loop3A_369, %parallel_loop3A_365 : vector<16xf32>
          %parallel_loop3A_371 = arith.addf %parallel_loop3A_357, %parallel_loop3A_370 : vector<16xf32>
          %parallel_loop3A_372 = vector.extract_strided_slice %parallel_loop3A_329 {offsets = [3], sizes = [1], strides = [1]} : vector<16xf32> to vector<1xf32>
          %parallel_loop3A_373 = vector.extract %parallel_loop3A_372[0] : f32 from vector<1xf32>
          %parallel_loop3A_374 = vector.broadcast %parallel_loop3A_373 : f32 to vector<16xf32>
          %parallel_loop3A_375 = arith.mulf %parallel_loop3A_374, %parallel_loop3A_366 : vector<16xf32>
          %parallel_loop3A_376 = arith.addf %parallel_loop3A_371, %parallel_loop3A_375 : vector<16xf32>
          %parallel_loop3A_377 = arith.constant 0 : i32
          %parallel_loop3A_378 = arith.constant 0 : i32
          %parallel_loop3A_379 = tpu.memref_slice %arg9[%parallel_loop3A_271, %parallel_loop3A_377, %parallel_loop3A_378] : memref<2x40x288xbf16, #tpu.memory_space<vmem>> -> memref<1x40x288xbf16, #tpu.memory_space<vmem>>
          %parallel_loop3A_380 = tpu.memref_squeeze %parallel_loop3A_379 : memref<1x40x288xbf16, #tpu.memory_space<vmem>> -> memref<40x288xbf16, #tpu.memory_space<vmem>>
          %parallel_loop3A_381 = arith.index_cast %parallel_loop3A_322 : i32 to index
          %parallel_loop3A_382 = arith.constant 64 : index
          %parallel_loop3A_383 = tpu.vector_load %parallel_loop3A_380[%parallel_loop3A_381, %parallel_loop3A_382] {strides = array<i32>} : memref<40x288xbf16, #tpu.memory_space<vmem>>, vector<32xbf16>,
          %parallel_loop3A_384 = tpu.unpack_subelements %parallel_loop3A_383, 0 {pack_format = #tpu.pack_format<interleaved>} : vector<32xbf16> -> vector<16xf32>
          %parallel_loop3A_385 = tpu.unpack_subelements %parallel_loop3A_383, 1 {pack_format = #tpu.pack_format<interleaved>} : vector<32xbf16> -> vector<16xf32>
          %parallel_loop3A_386 = vector.extract_strided_slice %parallel_loop3A_329 {offsets = [4], sizes = [1], strides = [1]} : vector<16xf32> to vector<1xf32>
          %parallel_loop3A_387 = vector.extract %parallel_loop3A_386[0] : f32 from vector<1xf32>
          %parallel_loop3A_388 = vector.broadcast %parallel_loop3A_387 : f32 to vector<16xf32>
          %parallel_loop3A_389 = arith.mulf %parallel_loop3A_388, %parallel_loop3A_384 : vector<16xf32>
          %parallel_loop3A_390 = arith.addf %parallel_loop3A_376, %parallel_loop3A_389 : vector<16xf32>
          %parallel_loop3A_391 = vector.extract_strided_slice %parallel_loop3A_329 {offsets = [5], sizes = [1], strides = [1]} : vector<16xf32> to vector<1xf32>
          %parallel_loop3A_392 = vector.extract %parallel_loop3A_391[0] : f32 from vector<1xf32>
          %parallel_loop3A_393 = vector.broadcast %parallel_loop3A_392 : f32 to vector<16xf32>
          %parallel_loop3A_394 = arith.mulf %parallel_loop3A_393, %parallel_loop3A_385 : vector<16xf32>
          %parallel_loop3A_395 = arith.addf %parallel_loop3A_390, %parallel_loop3A_394 : vector<16xf32>
          %parallel_loop3A_396 = arith.constant 0 : i32
          %parallel_loop3A_397 = arith.constant 0 : i32
          %parallel_loop3A_398 = tpu.memref_slice %arg9[%parallel_loop3A_271, %parallel_loop3A_396, %parallel_loop3A_397] : memref<2x40x288xbf16, #tpu.memory_space<vmem>> -> memref<1x40x288xbf16, #tpu.memory_space<vmem>>
          %parallel_loop3A_399 = tpu.memref_squeeze %parallel_loop3A_398 : memref<1x40x288xbf16, #tpu.memory_space<vmem>> -> memref<40x288xbf16, #tpu.memory_space<vmem>>
          %parallel_loop3A_400 = arith.index_cast %parallel_loop3A_322 : i32 to index
          %parallel_loop3A_401 = arith.constant 96 : index
          %parallel_loop3A_402 = tpu.vector_load %parallel_loop3A_399[%parallel_loop3A_400, %parallel_loop3A_401] {strides = array<i32>} : memref<40x288xbf16, #tpu.memory_space<vmem>>, vector<32xbf16>,
          %parallel_loop3A_403 = tpu.unpack_subelements %parallel_loop3A_402, 0 {pack_format = #tpu.pack_format<interleaved>} : vector<32xbf16> -> vector<16xf32>
          %parallel_loop3A_404 = tpu.unpack_subelements %parallel_loop3A_402, 1 {pack_format = #tpu.pack_format<interleaved>} : vector<32xbf16> -> vector<16xf32>
          %parallel_loop3A_405 = vector.extract_strided_slice %parallel_loop3A_329 {offsets = [6], sizes = [1], strides = [1]} : vector<16xf32> to vector<1xf32>
          %parallel_loop3A_406 = vector.extract %parallel_loop3A_405[0] : f32 from vector<1xf32>
          %parallel_loop3A_407 = vector.broadcast %parallel_loop3A_406 : f32 to vector<16xf32>
          %parallel_loop3A_408 = arith.mulf %parallel_loop3A_407, %parallel_loop3A_403 : vector<16xf32>
          %parallel_loop3A_409 = arith.addf %parallel_loop3A_395, %parallel_loop3A_408 : vector<16xf32>
          %parallel_loop3A_410 = vector.extract_strided_slice %parallel_loop3A_329 {offsets = [7], sizes = [1], strides = [1]} : vector<16xf32> to vector<1xf32>
          %parallel_loop3A_411 = vector.extract %parallel_loop3A_410[0] : f32 from vector<1xf32>
          %parallel_loop3A_412 = vector.broadcast %parallel_loop3A_411 : f32 to vector<16xf32>
          %parallel_loop3A_413 = arith.mulf %parallel_loop3A_412, %parallel_loop3A_404 : vector<16xf32>
          %parallel_loop3A_414 = arith.addf %parallel_loop3A_409, %parallel_loop3A_413 : vector<16xf32>
          %parallel_loop3A_415 = arith.constant 0 : i32
          %parallel_loop3A_416 = arith.constant 0 : i32
          %parallel_loop3A_417 = tpu.memref_slice %arg9[%parallel_loop3A_271, %parallel_loop3A_415, %parallel_loop3A_416] : memref<2x40x288xbf16, #tpu.memory_space<vmem>> -> memref<1x40x288xbf16, #tpu.memory_space<vmem>>
          %parallel_loop3A_418 = tpu.memref_squeeze %parallel_loop3A_417 : memref<1x40x288xbf16, #tpu.memory_space<vmem>> -> memref<40x288xbf16, #tpu.memory_space<vmem>>
          %parallel_loop3A_419 = arith.index_cast %parallel_loop3A_322 : i32 to index
          %parallel_loop3A_420 = arith.constant 128 : index
          %parallel_loop3A_421 = tpu.vector_load %parallel_loop3A_418[%parallel_loop3A_419, %parallel_loop3A_420] {strides = array<i32>} : memref<40x288xbf16, #tpu.memory_space<vmem>>, vector<32xbf16>,
          %parallel_loop3A_422 = tpu.unpack_subelements %parallel_loop3A_421, 0 {pack_format = #tpu.pack_format<interleaved>} : vector<32xbf16> -> vector<16xf32>
          %parallel_loop3A_423 = tpu.unpack_subelements %parallel_loop3A_421, 1 {pack_format = #tpu.pack_format<interleaved>} : vector<32xbf16> -> vector<16xf32>
          %parallel_loop3A_424 = vector.extract_strided_slice %parallel_loop3A_329 {offsets = [8], sizes = [1], strides = [1]} : vector<16xf32> to vector<1xf32>
          %parallel_loop3A_425 = vector.extract %parallel_loop3A_424[0] : f32 from vector<1xf32>
          %parallel_loop3A_426 = vector.broadcast %parallel_loop3A_425 : f32 to vector<16xf32>
          %parallel_loop3A_427 = arith.mulf %parallel_loop3A_426, %parallel_loop3A_422 : vector<16xf32>
          %parallel_loop3A_428 = arith.addf %parallel_loop3A_414, %parallel_loop3A_427 : vector<16xf32>
          %parallel_loop3A_429 = vector.extract_strided_slice %parallel_loop3A_329 {offsets = [9], sizes = [1], strides = [1]} : vector<16xf32> to vector<1xf32>
          %parallel_loop3A_430 = vector.extract %parallel_loop3A_429[0] : f32 from vector<1xf32>
          %parallel_loop3A_431 = vector.broadcast %parallel_loop3A_430 : f32 to vector<16xf32>
          %parallel_loop3A_432 = arith.mulf %parallel_loop3A_431, %parallel_loop3A_423 : vector<16xf32>
          %parallel_loop3A_433 = arith.addf %parallel_loop3A_428, %parallel_loop3A_432 : vector<16xf32>
          %parallel_loop3A_434 = arith.constant 0 : i32
          %parallel_loop3A_435 = arith.constant 0 : i32
          %parallel_loop3A_436 = tpu.memref_slice %arg9[%parallel_loop3A_271, %parallel_loop3A_434, %parallel_loop3A_435] : memref<2x40x288xbf16, #tpu.memory_space<vmem>> -> memref<1x40x288xbf16, #tpu.memory_space<vmem>>
          %parallel_loop3A_437 = tpu.memref_squeeze %parallel_loop3A_436 : memref<1x40x288xbf16, #tpu.memory_space<vmem>> -> memref<40x288xbf16, #tpu.memory_space<vmem>>
          %parallel_loop3A_438 = arith.index_cast %parallel_loop3A_322 : i32 to index
          %parallel_loop3A_439 = arith.constant 160 : index
          %parallel_loop3A_440 = tpu.vector_load %parallel_loop3A_437[%parallel_loop3A_438, %parallel_loop3A_439] {strides = array<i32>} : memref<40x288xbf16, #tpu.memory_space<vmem>>, vector<32xbf16>,
          %parallel_loop3A_441 = tpu.unpack_subelements %parallel_loop3A_440, 0 {pack_format = #tpu.pack_format<interleaved>} : vector<32xbf16> -> vector<16xf32>
          %parallel_loop3A_442 = tpu.unpack_subelements %parallel_loop3A_440, 1 {pack_format = #tpu.pack_format<interleaved>} : vector<32xbf16> -> vector<16xf32>
          %parallel_loop3A_443 = vector.extract_strided_slice %parallel_loop3A_329 {offsets = [10], sizes = [1], strides = [1]} : vector<16xf32> to vector<1xf32>
          %parallel_loop3A_444 = vector.extract %parallel_loop3A_443[0] : f32 from vector<1xf32>
          %parallel_loop3A_445 = vector.broadcast %parallel_loop3A_444 : f32 to vector<16xf32>
          %parallel_loop3A_446 = arith.mulf %parallel_loop3A_445, %parallel_loop3A_441 : vector<16xf32>
          %parallel_loop3A_447 = arith.addf %parallel_loop3A_433, %parallel_loop3A_446 : vector<16xf32>
          %parallel_loop3A_448 = vector.extract_strided_slice %parallel_loop3A_329 {offsets = [11], sizes = [1], strides = [1]} : vector<16xf32> to vector<1xf32>
          %parallel_loop3A_449 = vector.extract %parallel_loop3A_448[0] : f32 from vector<1xf32>
          %parallel_loop3A_450 = vector.broadcast %parallel_loop3A_449 : f32 to vector<16xf32>
          %parallel_loop3A_451 = arith.mulf %parallel_loop3A_450, %parallel_loop3A_442 : vector<16xf32>
          %parallel_loop3A_452 = arith.addf %parallel_loop3A_447, %parallel_loop3A_451 : vector<16xf32>
          %parallel_loop3A_453 = arith.constant 0 : i32
          %parallel_loop3A_454 = arith.constant 0 : i32
          %parallel_loop3A_455 = tpu.memref_slice %arg9[%parallel_loop3A_271, %parallel_loop3A_453, %parallel_loop3A_454] : memref<2x40x288xbf16, #tpu.memory_space<vmem>> -> memref<1x40x288xbf16, #tpu.memory_space<vmem>>
          %parallel_loop3A_456 = tpu.memref_squeeze %parallel_loop3A_455 : memref<1x40x288xbf16, #tpu.memory_space<vmem>> -> memref<40x288xbf16, #tpu.memory_space<vmem>>
          %parallel_loop3A_457 = arith.index_cast %parallel_loop3A_322 : i32 to index
          %parallel_loop3A_458 = arith.constant 192 : index
          %parallel_loop3A_459 = tpu.vector_load %parallel_loop3A_456[%parallel_loop3A_457, %parallel_loop3A_458] {strides = array<i32>} : memref<40x288xbf16, #tpu.memory_space<vmem>>, vector<32xbf16>,
          %parallel_loop3A_460 = tpu.unpack_subelements %parallel_loop3A_459, 0 {pack_format = #tpu.pack_format<interleaved>} : vector<32xbf16> -> vector<16xf32>
          %parallel_loop3A_461 = tpu.unpack_subelements %parallel_loop3A_459, 1 {pack_format = #tpu.pack_format<interleaved>} : vector<32xbf16> -> vector<16xf32>
          %parallel_loop3A_462 = vector.extract_strided_slice %parallel_loop3A_329 {offsets = [12], sizes = [1], strides = [1]} : vector<16xf32> to vector<1xf32>
          %parallel_loop3A_463 = vector.extract %parallel_loop3A_462[0] : f32 from vector<1xf32>
          %parallel_loop3A_464 = vector.broadcast %parallel_loop3A_463 : f32 to vector<16xf32>
          %parallel_loop3A_465 = arith.mulf %parallel_loop3A_464, %parallel_loop3A_460 : vector<16xf32>
          %parallel_loop3A_466 = arith.addf %parallel_loop3A_452, %parallel_loop3A_465 : vector<16xf32>
          %parallel_loop3A_467 = vector.extract_strided_slice %parallel_loop3A_329 {offsets = [13], sizes = [1], strides = [1]} : vector<16xf32> to vector<1xf32>
          %parallel_loop3A_468 = vector.extract %parallel_loop3A_467[0] : f32 from vector<1xf32>
          %parallel_loop3A_469 = vector.broadcast %parallel_loop3A_468 : f32 to vector<16xf32>
          %parallel_loop3A_470 = arith.mulf %parallel_loop3A_469, %parallel_loop3A_461 : vector<16xf32>
          %parallel_loop3A_471 = arith.addf %parallel_loop3A_466, %parallel_loop3A_470 : vector<16xf32>
          %parallel_loop3A_472 = arith.constant 0 : i32
          %parallel_loop3A_473 = arith.constant 0 : i32
          %parallel_loop3A_474 = tpu.memref_slice %arg9[%parallel_loop3A_271, %parallel_loop3A_472, %parallel_loop3A_473] : memref<2x40x288xbf16, #tpu.memory_space<vmem>> -> memref<1x40x288xbf16, #tpu.memory_space<vmem>>
          %parallel_loop3A_475 = tpu.memref_squeeze %parallel_loop3A_474 : memref<1x40x288xbf16, #tpu.memory_space<vmem>> -> memref<40x288xbf16, #tpu.memory_space<vmem>>
          %parallel_loop3A_476 = arith.index_cast %parallel_loop3A_322 : i32 to index
          %parallel_loop3A_477 = arith.constant 224 : index
          %parallel_loop3A_478 = tpu.vector_load %parallel_loop3A_475[%parallel_loop3A_476, %parallel_loop3A_477] {strides = array<i32>} : memref<40x288xbf16, #tpu.memory_space<vmem>>, vector<32xbf16>,
          %parallel_loop3A_479 = tpu.unpack_subelements %parallel_loop3A_478, 0 {pack_format = #tpu.pack_format<interleaved>} : vector<32xbf16> -> vector<16xf32>
          %parallel_loop3A_480 = tpu.unpack_subelements %parallel_loop3A_478, 1 {pack_format = #tpu.pack_format<interleaved>} : vector<32xbf16> -> vector<16xf32>
          %parallel_loop3A_481 = vector.extract_strided_slice %parallel_loop3A_329 {offsets = [14], sizes = [1], strides = [1]} : vector<16xf32> to vector<1xf32>
          %parallel_loop3A_482 = vector.extract %parallel_loop3A_481[0] : f32 from vector<1xf32>
          %parallel_loop3A_483 = vector.broadcast %parallel_loop3A_482 : f32 to vector<16xf32>
          %parallel_loop3A_484 = arith.mulf %parallel_loop3A_483, %parallel_loop3A_479 : vector<16xf32>
          %parallel_loop3A_485 = arith.addf %parallel_loop3A_471, %parallel_loop3A_484 : vector<16xf32>
          %parallel_loop3A_486 = vector.extract_strided_slice %parallel_loop3A_329 {offsets = [15], sizes = [1], strides = [1]} : vector<16xf32> to vector<1xf32>
          %parallel_loop3A_487 = vector.extract %parallel_loop3A_486[0] : f32 from vector<1xf32>
          %parallel_loop3A_488 = vector.broadcast %parallel_loop3A_487 : f32 to vector<16xf32>
          %parallel_loop3A_489 = arith.mulf %parallel_loop3A_488, %parallel_loop3A_480 : vector<16xf32>
          %parallel_loop3A_490 = arith.addf %parallel_loop3A_485, %parallel_loop3A_489 : vector<16xf32>
          %parallel_loop3A_491 = arith.constant 0 : i32
          %parallel_loop3A_492 = arith.constant 0 : i32
          %parallel_loop3A_493 = tpu.memref_slice %arg10[%parallel_loop3A_272, %parallel_loop3A_491, %parallel_loop3A_492] : memref<2x40x16xf32, #tpu.memory_space<vmem>> -> memref<1x40x16xf32, #tpu.memory_space<vmem>>
          %parallel_loop3A_494 = tpu.memref_squeeze %parallel_loop3A_493 : memref<1x40x16xf32, #tpu.memory_space<vmem>> -> memref<40x16xf32, #tpu.memory_space<vmem>>
          %parallel_loop3A_495 = arith.index_cast %parallel_loop3A_322 : i32 to index
          %parallel_loop3A_496 = arith.constant 0 : index
          %parallel_loop3A_497 = tpu.vector_load %parallel_loop3A_494[%parallel_loop3A_495, %parallel_loop3A_496] {strides = array<i32>} : memref<40x16xf32, #tpu.memory_space<vmem>>, vector<16xf32>,
          tpu.vector_store %parallel_loop3A_494[%parallel_loop3A_495, %parallel_loop3A_496], %parallel_loop3A_490 {strides = array<i32>} : memref<40x16xf32, #tpu.memory_space<vmem>>, vector<16xf32>,
        } {sc.loop_unroll_factor = 4 : i64, sc.parallel_access}
        %dma_start3A_273 = arith.constant 1 : i32
        %dma_start3A_274 = arith.constant 0 : i32
        %dma_start3A_275 = arith.constant 0 : i32
        %dma_start3A_276 = tpu.memref_slice %arg10[%dma_start3A_273, %dma_start3A_274, %dma_start3A_275] : memref<2x40x16xf32, #tpu.memory_space<vmem>> -> memref<1x40x16xf32, #tpu.memory_space<vmem>>
        %dma_start3A_277 = tpu.memref_squeeze %dma_start3A_276 : memref<1x40x16xf32, #tpu.memory_space<vmem>> -> memref<40x16xf32, #tpu.memory_space<vmem>>
        %dma_start3A_278 = arith.constant 0 : i32
        %dma_start3A_279 = tpu.memref_slice %arg7[%select_n3A_77, %add3A_267, %dma_start3A_278] : memref<2x25x40xi32, #tpu.memory_space<vmem>> -> memref<1x1x40xi32, #tpu.memory_space<vmem>>
        %dma_start3A_280 = tpu.memref_squeeze %dma_start3A_279 : memref<1x1x40xi32, #tpu.memory_space<vmem>> -> memref<40xi32, #tpu.memory_space<vmem>>
        %dma_start3A_281 = arith.constant 0 : i32
        %dma_start3A_282 = arith.constant 0 : i32
        %dma_start3A_283 = tpu.memref_slice %arg12[%dma_start3A_281, %dma_start3A_282] : memref<10240x16xf32, #tpu.memory_space<vmem_shared>> -> memref<10240x16xf32, #tpu.memory_space<vmem_shared>>
        tpu.enqueue_indirect_dma source(%dma_start3A_277 : memref<40x16xf32, #tpu.memory_space<vmem>>) target(%dma_start3A_283 : memref<10240x16xf32, #tpu.memory_space<vmem_shared>>) offsets(%dma_start3A_280 : memref<40xi32, #tpu.memory_space<vmem>>) semaphore(%arg16 : memref<!tpu.dma_semaphore, #tpu.memory_space<semaphore_mem>>) {add = true}
        %dma_wait3A_284 = arith.constant 0 : i32
        %dma_wait3A_285 = arith.constant 0 : i32
        %dma_wait3A_286 = arith.constant 0 : i32
        %dma_wait3A_287 = tpu.memref_slice %arg10[%dma_wait3A_284, %dma_wait3A_285, %dma_wait3A_286] : memref<2x40x16xf32, #tpu.memory_space<vmem>> -> memref<1x40x16xf32, #tpu.memory_space<vmem>>
        %dma_wait3A_288 = tpu.memref_squeeze %dma_wait3A_287 : memref<1x40x16xf32, #tpu.memory_space<vmem>> -> memref<40x16xf32, #tpu.memory_space<vmem>>
        %dma_wait3A_289 = arith.constant 0 : i32
        %dma_wait3A_290 = tpu.memref_slice %arg7[%select_n3A_77, %mul3A_200, %dma_wait3A_289] : memref<2x25x40xi32, #tpu.memory_space<vmem>> -> memref<1x1x40xi32, #tpu.memory_space<vmem>>
        %dma_wait3A_291 = tpu.memref_squeeze %dma_wait3A_290 : memref<1x1x40xi32, #tpu.memory_space<vmem>> -> memref<40xi32, #tpu.memory_space<vmem>>
        %dma_wait3A_292 = arith.constant 0 : i32
        %dma_wait3A_293 = arith.constant 0 : i32
        %dma_wait3A_294 = tpu.memref_slice %arg12[%dma_wait3A_292, %dma_wait3A_293] : memref<10240x16xf32, #tpu.memory_space<vmem_shared>> -> memref<10240x16xf32, #tpu.memory_space<vmem_shared>>
        tpu.wait_indirect_dma semaphore(%arg15 : memref<!tpu.dma_semaphore, #tpu.memory_space<semaphore_mem>>) src(%dma_wait3A_288 : memref<40x16xf32, #tpu.memory_space<vmem>>) dst(%dma_wait3A_294 : memref<10240x16xf32, #tpu.memory_space<vmem_shared>>)
        %dma_wait3A_295 = arith.constant 0 : i32
        %dma_wait3A_296 = arith.constant 0 : i32
        %dma_wait3A_297 = arith.constant 0 : i32
        %dma_wait3A_298 = tpu.memref_slice %arg9[%dma_wait3A_295, %dma_wait3A_296, %dma_wait3A_297] : memref<2x40x288xbf16, #tpu.memory_space<vmem>> -> memref<1x40x288xbf16, #tpu.memory_space<vmem>>
        %dma_wait3A_299 = tpu.memref_squeeze %dma_wait3A_298 : memref<1x40x288xbf16, #tpu.memory_space<vmem>> -> memref<40x288xbf16, #tpu.memory_space<vmem>>
        %dma_wait3A_300 = arith.constant 0 : i32
        %dma_wait3A_301 = arith.constant 0 : i32
        %dma_wait3A_302 = tpu.memref_slice %arg6[%select_n3A_77, %dma_wait3A_300, %dma_wait3A_301] : memref<2x25x40xi32, #tpu.memory_space<vmem>> -> memref<1x25x40xi32, #tpu.memory_space<vmem>>
        %dma_wait3A_303 = tpu.memref_squeeze %dma_wait3A_302 : memref<1x25x40xi32, #tpu.memory_space<vmem>> -> memref<25x40xi32, #tpu.memory_space<vmem>>
        %dma_wait3A_304 = arith.constant 0 : i32
        %dma_wait3A_305 = tpu.memref_slice %dma_wait3A_303[%add3A_250, %dma_wait3A_304] : memref<25x40xi32, #tpu.memory_space<vmem>> -> memref<1x40xi32, #tpu.memory_space<vmem>>
        %dma_wait3A_306 = tpu.memref_squeeze %dma_wait3A_305 : memref<1x40xi32, #tpu.memory_space<vmem>> -> memref<40xi32, #tpu.memory_space<vmem>>
        %dma_wait3A_307 = arith.constant 0 : i32
        %dma_wait3A_308 = arith.constant 0 : i32
        %dma_wait3A_309 = tpu.memref_slice %arg2[%dma_wait3A_307, %dma_wait3A_308] : memref<10000x288xbf16, #tpu.memory_space<hbm>> -> memref<10000x288xbf16, #tpu.memory_space<hbm>>
        tpu.wait_indirect_dma semaphore(%arg13 : memref<!tpu.dma_semaphore, #tpu.memory_space<semaphore_mem>>) src(%dma_wait3A_309 : memref<10000x288xbf16, #tpu.memory_space<hbm>>) dst(%dma_wait3A_299 : memref<40x288xbf16, #tpu.memory_space<vmem>>)
        %dma_wait3A_310 = arith.constant 1 : i32
        %dma_wait3A_311 = arith.constant 0 : i32
        %dma_wait3A_312 = arith.constant 0 : i32
        %dma_wait3A_313 = tpu.memref_slice %arg10[%dma_wait3A_310, %dma_wait3A_311, %dma_wait3A_312] : memref<2x40x16xf32, #tpu.memory_space<vmem>> -> memref<1x40x16xf32, #tpu.memory_space<vmem>>
        %dma_wait3A_314 = tpu.memref_squeeze %dma_wait3A_313 : memref<1x40x16xf32, #tpu.memory_space<vmem>> -> memref<40x16xf32, #tpu.memory_space<vmem>>
        %dma_wait3A_315 = arith.constant 0 : i32
        %dma_wait3A_316 = tpu.memref_slice %arg7[%select_n3A_77, %add3A_267, %dma_wait3A_315] : memref<2x25x40xi32, #tpu.memory_space<vmem>> -> memref<1x1x40xi32, #tpu.memory_space<vmem>>
        %dma_wait3A_317 = tpu.memref_squeeze %dma_wait3A_316 : memref<1x1x40xi32, #tpu.memory_space<vmem>> -> memref<40xi32, #tpu.memory_space<vmem>>
        %dma_wait3A_318 = arith.constant 0 : i32
        %dma_wait3A_319 = arith.constant 0 : i32
        %dma_wait3A_320 = tpu.memref_slice %arg12[%dma_wait3A_318, %dma_wait3A_319] : memref<10240x16xf32, #tpu.memory_space<vmem_shared>> -> memref<10240x16xf32, #tpu.memory_space<vmem_shared>>
        tpu.wait_indirect_dma semaphore(%arg16 : memref<!tpu.dma_semaphore, #tpu.memory_space<semaphore_mem>>) src(%dma_wait3A_314 : memref<40x16xf32, #tpu.memory_space<vmem>>) dst(%dma_wait3A_320 : memref<10240x16xf32, #tpu.memory_space<vmem_shared>>)
        %scan3A_321 = arith.constant 0 : i32
        scf.yield %scan3A_321 : i32
      }
      %scan3A_167 = arith.constant 12 : i32
      %parallel_loop3A = arith.constant 0 : i32
      %parallel_loop3A_168 = arith.constant 40 : i32
      %parallel_loop3A_169 = arith.constant 1 : i32
      %parallel_loop3A_170 = arith.constant 0 : i32
      %parallel_loop3A_171 = arith.constant 0 : i32
      scf.for %parallel_loop3A_197 = %parallel_loop3A to %parallel_loop3A_168 step %parallel_loop3A_169  : i32 {
        %parallel_loop3A_198 = arith.constant 960 : i32
        %parallel_loop3A_199 = arith.addi %parallel_loop3A_198, %parallel_loop3A_197 : i32
        %parallel_loop3A_200 = arith.index_cast %select_n3A_77 : i32 to index
        %parallel_loop3A_201 = arith.index_cast %parallel_loop3A_199 : i32 to index
        %parallel_loop3A_202 = arith.constant 0 : index
        %parallel_loop3A_203 = tpu.vector_load %arg8[%parallel_loop3A_200, %parallel_loop3A_201, %parallel_loop3A_202] {strides = array<i32>} : memref<2x1000x16xf32, #tpu.memory_space<vmem>>, vector<16xf32>,
        %parallel_loop3A_204 = arith.constant 0 : i32
        %parallel_loop3A_205 = arith.constant 0 : i32
        %parallel_loop3A_206 = tpu.memref_slice %arg9[%parallel_loop3A_170, %parallel_loop3A_204, %parallel_loop3A_205] : memref<2x40x288xbf16, #tpu.memory_space<vmem>> -> memref<1x40x288xbf16, #tpu.memory_space<vmem>>
        %parallel_loop3A_207 = tpu.memref_squeeze %parallel_loop3A_206 : memref<1x40x288xbf16, #tpu.memory_space<vmem>> -> memref<40x288xbf16, #tpu.memory_space<vmem>>
        %parallel_loop3A_208 = arith.index_cast %parallel_loop3A_197 : i32 to index
        %parallel_loop3A_209 = arith.constant 256 : index
        %parallel_loop3A_210 = tpu.vector_load %parallel_loop3A_207[%parallel_loop3A_208, %parallel_loop3A_209] {strides = array<i32>} : memref<40x288xbf16, #tpu.memory_space<vmem>>, vector<32xbf16>,
        %parallel_loop3A_211 = tpu.unpack_subelements %parallel_loop3A_210, 0 {pack_format = #tpu.pack_format<interleaved>} : vector<32xbf16> -> vector<16xf32>
        %parallel_loop3A_212 = tpu.unpack_subelements %parallel_loop3A_210, 1 {pack_format = #tpu.pack_format<interleaved>} : vector<32xbf16> -> vector<16xf32>
        %parallel_loop3A_213 = arith.constant 0 : i32
        %parallel_loop3A_214 = arith.constant 0 : i32
        %parallel_loop3A_215 = tpu.memref_slice %arg9[%parallel_loop3A_170, %parallel_loop3A_213, %parallel_loop3A_214] : memref<2x40x288xbf16, #tpu.memory_space<vmem>> -> memref<1x40x288xbf16, #tpu.memory_space<vmem>>
        %parallel_loop3A_216 = tpu.memref_squeeze %parallel_loop3A_215 : memref<1x40x288xbf16, #tpu.memory_space<vmem>> -> memref<40x288xbf16, #tpu.memory_space<vmem>>
        %parallel_loop3A_217 = arith.index_cast %parallel_loop3A_197 : i32 to index
        %parallel_loop3A_218 = arith.constant 0 : index
        %parallel_loop3A_219 = tpu.vector_load %parallel_loop3A_216[%parallel_loop3A_217, %parallel_loop3A_218] {strides = array<i32>} : memref<40x288xbf16, #tpu.memory_space<vmem>>, vector<32xbf16>,
        %parallel_loop3A_220 = tpu.unpack_subelements %parallel_loop3A_219, 0 {pack_format = #tpu.pack_format<interleaved>} : vector<32xbf16> -> vector<16xf32>
        %parallel_loop3A_221 = tpu.unpack_subelements %parallel_loop3A_219, 1 {pack_format = #tpu.pack_format<interleaved>} : vector<32xbf16> -> vector<16xf32>
        %parallel_loop3A_222 = vector.extract_strided_slice %parallel_loop3A_203 {offsets = [0], sizes = [1], strides = [1]} : vector<16xf32> to vector<1xf32>
        %parallel_loop3A_223 = vector.extract %parallel_loop3A_222[0] : f32 from vector<1xf32>
        %parallel_loop3A_224 = vector.broadcast %parallel_loop3A_223 : f32 to vector<16xf32>
        %parallel_loop3A_225 = arith.mulf %parallel_loop3A_224, %parallel_loop3A_220 : vector<16xf32>
        %parallel_loop3A_226 = arith.addf %parallel_loop3A_211, %parallel_loop3A_225 : vector<16xf32>
        %parallel_loop3A_227 = vector.extract_strided_slice %parallel_loop3A_203 {offsets = [1], sizes = [1], strides = [1]} : vector<16xf32> to vector<1xf32>
        %parallel_loop3A_228 = vector.extract %parallel_loop3A_227[0] : f32 from vector<1xf32>
        %parallel_loop3A_229 = vector.broadcast %parallel_loop3A_228 : f32 to vector<16xf32>
        %parallel_loop3A_230 = arith.mulf %parallel_loop3A_229, %parallel_loop3A_221 : vector<16xf32>
        %parallel_loop3A_231 = arith.addf %parallel_loop3A_226, %parallel_loop3A_230 : vector<16xf32>
        %parallel_loop3A_232 = arith.constant 0 : i32
        %parallel_loop3A_233 = arith.constant 0 : i32
        %parallel_loop3A_234 = tpu.memref_slice %arg9[%parallel_loop3A_170, %parallel_loop3A_232, %parallel_loop3A_233] : memref<2x40x288xbf16, #tpu.memory_space<vmem>> -> memref<1x40x288xbf16, #tpu.memory_space<vmem>>
        %parallel_loop3A_235 = tpu.memref_squeeze %parallel_loop3A_234 : memref<1x40x288xbf16, #tpu.memory_space<vmem>> -> memref<40x288xbf16, #tpu.memory_space<vmem>>
        %parallel_loop3A_236 = arith.index_cast %parallel_loop3A_197 : i32 to index
        %parallel_loop3A_237 = arith.constant 32 : index
        %parallel_loop3A_238 = tpu.vector_load %parallel_loop3A_235[%parallel_loop3A_236, %parallel_loop3A_237] {strides = array<i32>} : memref<40x288xbf16, #tpu.memory_space<vmem>>, vector<32xbf16>,
        %parallel_loop3A_239 = tpu.unpack_subelements %parallel_loop3A_238, 0 {pack_format = #tpu.pack_format<interleaved>} : vector<32xbf16> -> vector<16xf32>
        %parallel_loop3A_240 = tpu.unpack_subelements %parallel_loop3A_238, 1 {pack_format = #tpu.pack_format<interleaved>} : vector<32xbf16> -> vector<16xf32>
        %parallel_loop3A_241 = vector.extract_strided_slice %parallel_loop3A_203 {offsets = [2], sizes = [1], strides = [1]} : vector<16xf32> to vector<1xf32>
        %parallel_loop3A_242 = vector.extract %parallel_loop3A_241[0] : f32 from vector<1xf32>
        %parallel_loop3A_243 = vector.broadcast %parallel_loop3A_242 : f32 to vector<16xf32>
        %parallel_loop3A_244 = arith.mulf %parallel_loop3A_243, %parallel_loop3A_239 : vector<16xf32>
        %parallel_loop3A_245 = arith.addf %parallel_loop3A_231, %parallel_loop3A_244 : vector<16xf32>
        %parallel_loop3A_246 = vector.extract_strided_slice %parallel_loop3A_203 {offsets = [3], sizes = [1], strides = [1]} : vector<16xf32> to vector<1xf32>
        %parallel_loop3A_247 = vector.extract %parallel_loop3A_246[0] : f32 from vector<1xf32>
        %parallel_loop3A_248 = vector.broadcast %parallel_loop3A_247 : f32 to vector<16xf32>
        %parallel_loop3A_249 = arith.mulf %parallel_loop3A_248, %parallel_loop3A_240 : vector<16xf32>
        %parallel_loop3A_250 = arith.addf %parallel_loop3A_245, %parallel_loop3A_249 : vector<16xf32>
        %parallel_loop3A_251 = arith.constant 0 : i32
        %parallel_loop3A_252 = arith.constant 0 : i32
        %parallel_loop3A_253 = tpu.memref_slice %arg9[%parallel_loop3A_170, %parallel_loop3A_251, %parallel_loop3A_252] : memref<2x40x288xbf16, #tpu.memory_space<vmem>> -> memref<1x40x288xbf16, #tpu.memory_space<vmem>>
        %parallel_loop3A_254 = tpu.memref_squeeze %parallel_loop3A_253 : memref<1x40x288xbf16, #tpu.memory_space<vmem>> -> memref<40x288xbf16, #tpu.memory_space<vmem>>
        %parallel_loop3A_255 = arith.index_cast %parallel_loop3A_197 : i32 to index
        %parallel_loop3A_256 = arith.constant 64 : index
        %parallel_loop3A_257 = tpu.vector_load %parallel_loop3A_254[%parallel_loop3A_255, %parallel_loop3A_256] {strides = array<i32>} : memref<40x288xbf16, #tpu.memory_space<vmem>>, vector<32xbf16>,
        %parallel_loop3A_258 = tpu.unpack_subelements %parallel_loop3A_257, 0 {pack_format = #tpu.pack_format<interleaved>} : vector<32xbf16> -> vector<16xf32>
        %parallel_loop3A_259 = tpu.unpack_subelements %parallel_loop3A_257, 1 {pack_format = #tpu.pack_format<interleaved>} : vector<32xbf16> -> vector<16xf32>
        %parallel_loop3A_260 = vector.extract_strided_slice %parallel_loop3A_203 {offsets = [4], sizes = [1], strides = [1]} : vector<16xf32> to vector<1xf32>
        %parallel_loop3A_261 = vector.extract %parallel_loop3A_260[0] : f32 from vector<1xf32>
        %parallel_loop3A_262 = vector.broadcast %parallel_loop3A_261 : f32 to vector<16xf32>
        %parallel_loop3A_263 = arith.mulf %parallel_loop3A_262, %parallel_loop3A_258 : vector<16xf32>
        %parallel_loop3A_264 = arith.addf %parallel_loop3A_250, %parallel_loop3A_263 : vector<16xf32>
        %parallel_loop3A_265 = vector.extract_strided_slice %parallel_loop3A_203 {offsets = [5], sizes = [1], strides = [1]} : vector<16xf32> to vector<1xf32>
        %parallel_loop3A_266 = vector.extract %parallel_loop3A_265[0] : f32 from vector<1xf32>
        %parallel_loop3A_267 = vector.broadcast %parallel_loop3A_266 : f32 to vector<16xf32>
        %parallel_loop3A_268 = arith.mulf %parallel_loop3A_267, %parallel_loop3A_259 : vector<16xf32>
        %parallel_loop3A_269 = arith.addf %parallel_loop3A_264, %parallel_loop3A_268 : vector<16xf32>
        %parallel_loop3A_270 = arith.constant 0 : i32
        %parallel_loop3A_271 = arith.constant 0 : i32
        %parallel_loop3A_272 = tpu.memref_slice %arg9[%parallel_loop3A_170, %parallel_loop3A_270, %parallel_loop3A_271] : memref<2x40x288xbf16, #tpu.memory_space<vmem>> -> memref<1x40x288xbf16, #tpu.memory_space<vmem>>
        %parallel_loop3A_273 = tpu.memref_squeeze %parallel_loop3A_272 : memref<1x40x288xbf16, #tpu.memory_space<vmem>> -> memref<40x288xbf16, #tpu.memory_space<vmem>>
        %parallel_loop3A_274 = arith.index_cast %parallel_loop3A_197 : i32 to index
        %parallel_loop3A_275 = arith.constant 96 : index
        %parallel_loop3A_276 = tpu.vector_load %parallel_loop3A_273[%parallel_loop3A_274, %parallel_loop3A_275] {strides = array<i32>} : memref<40x288xbf16, #tpu.memory_space<vmem>>, vector<32xbf16>,
        %parallel_loop3A_277 = tpu.unpack_subelements %parallel_loop3A_276, 0 {pack_format = #tpu.pack_format<interleaved>} : vector<32xbf16> -> vector<16xf32>
        %parallel_loop3A_278 = tpu.unpack_subelements %parallel_loop3A_276, 1 {pack_format = #tpu.pack_format<interleaved>} : vector<32xbf16> -> vector<16xf32>
        %parallel_loop3A_279 = vector.extract_strided_slice %parallel_loop3A_203 {offsets = [6], sizes = [1], strides = [1]} : vector<16xf32> to vector<1xf32>
        %parallel_loop3A_280 = vector.extract %parallel_loop3A_279[0] : f32 from vector<1xf32>
        %parallel_loop3A_281 = vector.broadcast %parallel_loop3A_280 : f32 to vector<16xf32>
        %parallel_loop3A_282 = arith.mulf %parallel_loop3A_281, %parallel_loop3A_277 : vector<16xf32>
        %parallel_loop3A_283 = arith.addf %parallel_loop3A_269, %parallel_loop3A_282 : vector<16xf32>
        %parallel_loop3A_284 = vector.extract_strided_slice %parallel_loop3A_203 {offsets = [7], sizes = [1], strides = [1]} : vector<16xf32> to vector<1xf32>
        %parallel_loop3A_285 = vector.extract %parallel_loop3A_284[0] : f32 from vector<1xf32>
        %parallel_loop3A_286 = vector.broadcast %parallel_loop3A_285 : f32 to vector<16xf32>
        %parallel_loop3A_287 = arith.mulf %parallel_loop3A_286, %parallel_loop3A_278 : vector<16xf32>
        %parallel_loop3A_288 = arith.addf %parallel_loop3A_283, %parallel_loop3A_287 : vector<16xf32>
        %parallel_loop3A_289 = arith.constant 0 : i32
        %parallel_loop3A_290 = arith.constant 0 : i32
        %parallel_loop3A_291 = tpu.memref_slice %arg9[%parallel_loop3A_170, %parallel_loop3A_289, %parallel_loop3A_290] : memref<2x40x288xbf16, #tpu.memory_space<vmem>> -> memref<1x40x288xbf16, #tpu.memory_space<vmem>>
        %parallel_loop3A_292 = tpu.memref_squeeze %parallel_loop3A_291 : memref<1x40x288xbf16, #tpu.memory_space<vmem>> -> memref<40x288xbf16, #tpu.memory_space<vmem>>
        %parallel_loop3A_293 = arith.index_cast %parallel_loop3A_197 : i32 to index
        %parallel_loop3A_294 = arith.constant 128 : index
        %parallel_loop3A_295 = tpu.vector_load %parallel_loop3A_292[%parallel_loop3A_293, %parallel_loop3A_294] {strides = array<i32>} : memref<40x288xbf16, #tpu.memory_space<vmem>>, vector<32xbf16>,
        %parallel_loop3A_296 = tpu.unpack_subelements %parallel_loop3A_295, 0 {pack_format = #tpu.pack_format<interleaved>} : vector<32xbf16> -> vector<16xf32>
        %parallel_loop3A_297 = tpu.unpack_subelements %parallel_loop3A_295, 1 {pack_format = #tpu.pack_format<interleaved>} : vector<32xbf16> -> vector<16xf32>
        %parallel_loop3A_298 = vector.extract_strided_slice %parallel_loop3A_203 {offsets = [8], sizes = [1], strides = [1]} : vector<16xf32> to vector<1xf32>
        %parallel_loop3A_299 = vector.extract %parallel_loop3A_298[0] : f32 from vector<1xf32>
        %parallel_loop3A_300 = vector.broadcast %parallel_loop3A_299 : f32 to vector<16xf32>
        %parallel_loop3A_301 = arith.mulf %parallel_loop3A_300, %parallel_loop3A_296 : vector<16xf32>
        %parallel_loop3A_302 = arith.addf %parallel_loop3A_288, %parallel_loop3A_301 : vector<16xf32>
        %parallel_loop3A_303 = vector.extract_strided_slice %parallel_loop3A_203 {offsets = [9], sizes = [1], strides = [1]} : vector<16xf32> to vector<1xf32>
        %parallel_loop3A_304 = vector.extract %parallel_loop3A_303[0] : f32 from vector<1xf32>
        %parallel_loop3A_305 = vector.broadcast %parallel_loop3A_304 : f32 to vector<16xf32>
        %parallel_loop3A_306 = arith.mulf %parallel_loop3A_305, %parallel_loop3A_297 : vector<16xf32>
        %parallel_loop3A_307 = arith.addf %parallel_loop3A_302, %parallel_loop3A_306 : vector<16xf32>
        %parallel_loop3A_308 = arith.constant 0 : i32
        %parallel_loop3A_309 = arith.constant 0 : i32
        %parallel_loop3A_310 = tpu.memref_slice %arg9[%parallel_loop3A_170, %parallel_loop3A_308, %parallel_loop3A_309] : memref<2x40x288xbf16, #tpu.memory_space<vmem>> -> memref<1x40x288xbf16, #tpu.memory_space<vmem>>
        %parallel_loop3A_311 = tpu.memref_squeeze %parallel_loop3A_310 : memref<1x40x288xbf16, #tpu.memory_space<vmem>> -> memref<40x288xbf16, #tpu.memory_space<vmem>>
        %parallel_loop3A_312 = arith.index_cast %parallel_loop3A_197 : i32 to index
        %parallel_loop3A_313 = arith.constant 160 : index
        %parallel_loop3A_314 = tpu.vector_load %parallel_loop3A_311[%parallel_loop3A_312, %parallel_loop3A_313] {strides = array<i32>} : memref<40x288xbf16, #tpu.memory_space<vmem>>, vector<32xbf16>,
        %parallel_loop3A_315 = tpu.unpack_subelements %parallel_loop3A_314, 0 {pack_format = #tpu.pack_format<interleaved>} : vector<32xbf16> -> vector<16xf32>
        %parallel_loop3A_316 = tpu.unpack_subelements %parallel_loop3A_314, 1 {pack_format = #tpu.pack_format<interleaved>} : vector<32xbf16> -> vector<16xf32>
        %parallel_loop3A_317 = vector.extract_strided_slice %parallel_loop3A_203 {offsets = [10], sizes = [1], strides = [1]} : vector<16xf32> to vector<1xf32>
        %parallel_loop3A_318 = vector.extract %parallel_loop3A_317[0] : f32 from vector<1xf32>
        %parallel_loop3A_319 = vector.broadcast %parallel_loop3A_318 : f32 to vector<16xf32>
        %parallel_loop3A_320 = arith.mulf %parallel_loop3A_319, %parallel_loop3A_315 : vector<16xf32>
        %parallel_loop3A_321 = arith.addf %parallel_loop3A_307, %parallel_loop3A_320 : vector<16xf32>
        %parallel_loop3A_322 = vector.extract_strided_slice %parallel_loop3A_203 {offsets = [11], sizes = [1], strides = [1]} : vector<16xf32> to vector<1xf32>
        %parallel_loop3A_323 = vector.extract %parallel_loop3A_322[0] : f32 from vector<1xf32>
        %parallel_loop3A_324 = vector.broadcast %parallel_loop3A_323 : f32 to vector<16xf32>
        %parallel_loop3A_325 = arith.mulf %parallel_loop3A_324, %parallel_loop3A_316 : vector<16xf32>
        %parallel_loop3A_326 = arith.addf %parallel_loop3A_321, %parallel_loop3A_325 : vector<16xf32>
        %parallel_loop3A_327 = arith.constant 0 : i32
        %parallel_loop3A_328 = arith.constant 0 : i32
        %parallel_loop3A_329 = tpu.memref_slice %arg9[%parallel_loop3A_170, %parallel_loop3A_327, %parallel_loop3A_328] : memref<2x40x288xbf16, #tpu.memory_space<vmem>> -> memref<1x40x288xbf16, #tpu.memory_space<vmem>>
        %parallel_loop3A_330 = tpu.memref_squeeze %parallel_loop3A_329 : memref<1x40x288xbf16, #tpu.memory_space<vmem>> -> memref<40x288xbf16, #tpu.memory_space<vmem>>
        %parallel_loop3A_331 = arith.index_cast %parallel_loop3A_197 : i32 to index
        %parallel_loop3A_332 = arith.constant 192 : index
        %parallel_loop3A_333 = tpu.vector_load %parallel_loop3A_330[%parallel_loop3A_331, %parallel_loop3A_332] {strides = array<i32>} : memref<40x288xbf16, #tpu.memory_space<vmem>>, vector<32xbf16>,
        %parallel_loop3A_334 = tpu.unpack_subelements %parallel_loop3A_333, 0 {pack_format = #tpu.pack_format<interleaved>} : vector<32xbf16> -> vector<16xf32>
        %parallel_loop3A_335 = tpu.unpack_subelements %parallel_loop3A_333, 1 {pack_format = #tpu.pack_format<interleaved>} : vector<32xbf16> -> vector<16xf32>
        %parallel_loop3A_336 = vector.extract_strided_slice %parallel_loop3A_203 {offsets = [12], sizes = [1], strides = [1]} : vector<16xf32> to vector<1xf32>
        %parallel_loop3A_337 = vector.extract %parallel_loop3A_336[0] : f32 from vector<1xf32>
        %parallel_loop3A_338 = vector.broadcast %parallel_loop3A_337 : f32 to vector<16xf32>
        %parallel_loop3A_339 = arith.mulf %parallel_loop3A_338, %parallel_loop3A_334 : vector<16xf32>
        %parallel_loop3A_340 = arith.addf %parallel_loop3A_326, %parallel_loop3A_339 : vector<16xf32>
        %parallel_loop3A_341 = vector.extract_strided_slice %parallel_loop3A_203 {offsets = [13], sizes = [1], strides = [1]} : vector<16xf32> to vector<1xf32>
        %parallel_loop3A_342 = vector.extract %parallel_loop3A_341[0] : f32 from vector<1xf32>
        %parallel_loop3A_343 = vector.broadcast %parallel_loop3A_342 : f32 to vector<16xf32>
        %parallel_loop3A_344 = arith.mulf %parallel_loop3A_343, %parallel_loop3A_335 : vector<16xf32>
        %parallel_loop3A_345 = arith.addf %parallel_loop3A_340, %parallel_loop3A_344 : vector<16xf32>
        %parallel_loop3A_346 = arith.constant 0 : i32
        %parallel_loop3A_347 = arith.constant 0 : i32
        %parallel_loop3A_348 = tpu.memref_slice %arg9[%parallel_loop3A_170, %parallel_loop3A_346, %parallel_loop3A_347] : memref<2x40x288xbf16, #tpu.memory_space<vmem>> -> memref<1x40x288xbf16, #tpu.memory_space<vmem>>
        %parallel_loop3A_349 = tpu.memref_squeeze %parallel_loop3A_348 : memref<1x40x288xbf16, #tpu.memory_space<vmem>> -> memref<40x288xbf16, #tpu.memory_space<vmem>>
        %parallel_loop3A_350 = arith.index_cast %parallel_loop3A_197 : i32 to index
        %parallel_loop3A_351 = arith.constant 224 : index
        %parallel_loop3A_352 = tpu.vector_load %parallel_loop3A_349[%parallel_loop3A_350, %parallel_loop3A_351] {strides = array<i32>} : memref<40x288xbf16, #tpu.memory_space<vmem>>, vector<32xbf16>,
        %parallel_loop3A_353 = tpu.unpack_subelements %parallel_loop3A_352, 0 {pack_format = #tpu.pack_format<interleaved>} : vector<32xbf16> -> vector<16xf32>
        %parallel_loop3A_354 = tpu.unpack_subelements %parallel_loop3A_352, 1 {pack_format = #tpu.pack_format<interleaved>} : vector<32xbf16> -> vector<16xf32>
        %parallel_loop3A_355 = vector.extract_strided_slice %parallel_loop3A_203 {offsets = [14], sizes = [1], strides = [1]} : vector<16xf32> to vector<1xf32>
        %parallel_loop3A_356 = vector.extract %parallel_loop3A_355[0] : f32 from vector<1xf32>
        %parallel_loop3A_357 = vector.broadcast %parallel_loop3A_356 : f32 to vector<16xf32>
        %parallel_loop3A_358 = arith.mulf %parallel_loop3A_357, %parallel_loop3A_353 : vector<16xf32>
        %parallel_loop3A_359 = arith.addf %parallel_loop3A_345, %parallel_loop3A_358 : vector<16xf32>
        %parallel_loop3A_360 = vector.extract_strided_slice %parallel_loop3A_203 {offsets = [15], sizes = [1], strides = [1]} : vector<16xf32> to vector<1xf32>
        %parallel_loop3A_361 = vector.extract %parallel_loop3A_360[0] : f32 from vector<1xf32>
        %parallel_loop3A_362 = vector.broadcast %parallel_loop3A_361 : f32 to vector<16xf32>
        %parallel_loop3A_363 = arith.mulf %parallel_loop3A_362, %parallel_loop3A_354 : vector<16xf32>
        %parallel_loop3A_364 = arith.addf %parallel_loop3A_359, %parallel_loop3A_363 : vector<16xf32>
        %parallel_loop3A_365 = arith.constant 0 : i32
        %parallel_loop3A_366 = arith.constant 0 : i32
        %parallel_loop3A_367 = tpu.memref_slice %arg10[%parallel_loop3A_171, %parallel_loop3A_365, %parallel_loop3A_366] : memref<2x40x16xf32, #tpu.memory_space<vmem>> -> memref<1x40x16xf32, #tpu.memory_space<vmem>>
        %parallel_loop3A_368 = tpu.memref_squeeze %parallel_loop3A_367 : memref<1x40x16xf32, #tpu.memory_space<vmem>> -> memref<40x16xf32, #tpu.memory_space<vmem>>
        %parallel_loop3A_369 = arith.index_cast %parallel_loop3A_197 : i32 to index
        %parallel_loop3A_370 = arith.constant 0 : index
        %parallel_loop3A_371 = tpu.vector_load %parallel_loop3A_368[%parallel_loop3A_369, %parallel_loop3A_370] {strides = array<i32>} : memref<40x16xf32, #tpu.memory_space<vmem>>, vector<16xf32>,
        tpu.vector_store %parallel_loop3A_368[%parallel_loop3A_369, %parallel_loop3A_370], %parallel_loop3A_364 {strides = array<i32>} : memref<40x16xf32, #tpu.memory_space<vmem>>, vector<16xf32>,
      } {sc.loop_unroll_factor = 4 : i64, sc.parallel_access}
      %dma_start3A_172 = arith.constant 0 : i32
      %dma_start3A_173 = arith.constant 24 : i32
      %dma_start3A_174 = arith.constant 0 : i32
      %dma_start3A_175 = arith.constant 0 : i32
      %dma_start3A_176 = tpu.memref_slice %arg10[%dma_start3A_172, %dma_start3A_174, %dma_start3A_175] : memref<2x40x16xf32, #tpu.memory_space<vmem>> -> memref<1x40x16xf32, #tpu.memory_space<vmem>>
      %dma_start3A_177 = tpu.memref_squeeze %dma_start3A_176 : memref<1x40x16xf32, #tpu.memory_space<vmem>> -> memref<40x16xf32, #tpu.memory_space<vmem>>
      %dma_start3A_178 = arith.constant 0 : i32
      %dma_start3A_179 = tpu.memref_slice %arg7[%select_n3A_77, %dma_start3A_173, %dma_start3A_178] : memref<2x25x40xi32, #tpu.memory_space<vmem>> -> memref<1x1x40xi32, #tpu.memory_space<vmem>>
      %dma_start3A_180 = tpu.memref_squeeze %dma_start3A_179 : memref<1x1x40xi32, #tpu.memory_space<vmem>> -> memref<40xi32, #tpu.memory_space<vmem>>
      %dma_start3A_181 = arith.constant 0 : i32
      %dma_start3A_182 = arith.constant 0 : i32
      %dma_start3A_183 = tpu.memref_slice %arg12[%dma_start3A_181, %dma_start3A_182] : memref<10240x16xf32, #tpu.memory_space<vmem_shared>> -> memref<10240x16xf32, #tpu.memory_space<vmem_shared>>
      tpu.enqueue_indirect_dma source(%dma_start3A_177 : memref<40x16xf32, #tpu.memory_space<vmem>>) target(%dma_start3A_183 : memref<10240x16xf32, #tpu.memory_space<vmem_shared>>) offsets(%dma_start3A_180 : memref<40xi32, #tpu.memory_space<vmem>>) semaphore(%arg15 : memref<!tpu.dma_semaphore, #tpu.memory_space<semaphore_mem>>) {add = true}
      %dma_wait3A_184 = arith.constant 0 : i32
      %dma_wait3A_185 = arith.constant 24 : i32
      %dma_wait3A_186 = arith.constant 0 : i32
      %dma_wait3A_187 = arith.constant 0 : i32
      %dma_wait3A_188 = tpu.memref_slice %arg10[%dma_wait3A_184, %dma_wait3A_186, %dma_wait3A_187] : memref<2x40x16xf32, #tpu.memory_space<vmem>> -> memref<1x40x16xf32, #tpu.memory_space<vmem>>
      %dma_wait3A_189 = tpu.memref_squeeze %dma_wait3A_188 : memref<1x40x16xf32, #tpu.memory_space<vmem>> -> memref<40x16xf32, #tpu.memory_space<vmem>>
      %dma_wait3A_190 = arith.constant 0 : i32
      %dma_wait3A_191 = tpu.memref_slice %arg7[%select_n3A_77, %dma_wait3A_185, %dma_wait3A_190] : memref<2x25x40xi32, #tpu.memory_space<vmem>> -> memref<1x1x40xi32, #tpu.memory_space<vmem>>
      %dma_wait3A_192 = tpu.memref_squeeze %dma_wait3A_191 : memref<1x1x40xi32, #tpu.memory_space<vmem>> -> memref<40xi32, #tpu.memory_space<vmem>>
      %dma_wait3A_193 = arith.constant 0 : i32
      %dma_wait3A_194 = arith.constant 0 : i32
      %dma_wait3A_195 = tpu.memref_slice %arg12[%dma_wait3A_193, %dma_wait3A_194] : memref<10240x16xf32, #tpu.memory_space<vmem_shared>> -> memref<10240x16xf32, #tpu.memory_space<vmem_shared>>
      tpu.wait_indirect_dma semaphore(%arg15 : memref<!tpu.dma_semaphore, #tpu.memory_space<semaphore_mem>>) src(%dma_wait3A_189 : memref<40x16xf32, #tpu.memory_space<vmem>>) dst(%dma_wait3A_195 : memref<10240x16xf32, #tpu.memory_space<vmem_shared>>)
      %scan3A_196 = arith.constant 0 : i32
      scf.yield %scan3A_196 : i32
    }
    %scan3A_65 = arith.constant 5 : i32
    %barrier3A_66 = arith.constant 0 : index
    tpu.barrier barrier_id(%barrier3A_66)
    "tpu.region"() ({
      %run_scoped3A = tpu.sem_alloc : memref<!tpu.dma_semaphore, #tpu.memory_space<semaphore_mem>>
      %dma_start3A_67 = arith.constant 0 : i32
      %dma_start3A_68 = tpu.memref_slice %arg5[%arg0, %mul3A_8, %dma_start3A_67] : memref<2x10240x16xf32, #tpu.memory_space<hbm>> -> memref<1x640x16xf32, #tpu.memory_space<hbm>>
      %dma_start3A_69 = tpu.memref_squeeze %dma_start3A_68 : memref<1x640x16xf32, #tpu.memory_space<hbm>> -> memref<640x16xf32, #tpu.memory_space<hbm>>
      %dma_start3A_70 = arith.constant 0 : i32
      %dma_start3A_71 = tpu.memref_slice %arg12[%mul3A_8, %dma_start3A_70] : memref<10240x16xf32, #tpu.memory_space<vmem_shared>> -> memref<640x16xf32, #tpu.memory_space<vmem_shared>>
      tpu.enqueue_dma source(%dma_start3A_71 : memref<640x16xf32, #tpu.memory_space<vmem_shared>>) target(%dma_start3A_69 : memref<640x16xf32, #tpu.memory_space<hbm>>) target_semaphore(%run_scoped3A : memref<!tpu.dma_semaphore, #tpu.memory_space<semaphore_mem>>)
      %dma_wait3A = arith.constant 0 : i32
      %dma_wait3A_72 = tpu.memref_slice %arg5[%arg0, %mul3A_8, %dma_wait3A] : memref<2x10240x16xf32, #tpu.memory_space<hbm>> -> memref<1x640x16xf32, #tpu.memory_space<hbm>>
      %dma_wait3A_73 = tpu.memref_squeeze %dma_wait3A_72 : memref<1x640x16xf32, #tpu.memory_space<hbm>> -> memref<640x16xf32, #tpu.memory_space<hbm>>
      %dma_wait3A_74 = arith.constant 0 : i32
      %dma_wait3A_75 = tpu.memref_slice %arg12[%mul3A_8, %dma_wait3A_74] : memref<10240x16xf32, #tpu.memory_space<vmem_shared>> -> memref<640x16xf32, #tpu.memory_space<vmem_shared>>
      tpu.wait_dma2 semaphore(%run_scoped3A : memref<!tpu.dma_semaphore, #tpu.memory_space<semaphore_mem>>) src(%dma_wait3A_75 : memref<640x16xf32, #tpu.memory_space<vmem_shared>>) dst(%dma_wait3A_73 : memref<640x16xf32, #tpu.memory_space<hbm>>)
      tpu.yield
    }) : () -> ()
    return
  }
}

module attributes {stable_mosaic.version = 14 : i64} {
  func.func @_prep_body(%arg0: i32, %arg1: memref<2000x128xf32, #tpu.memory_space<vmem>>, %arg2: memref<128x128xf32, #tpu.memory_space<vmem>>, %arg3: memref<1x128xf32, #tpu.memory_space<vmem>>, %arg4: memref<128x128xf32, #tpu.memory_space<vmem>>, %arg5: memref<1x128xf32, #tpu.memory_space<vmem>>, %arg6: memref<1000x128xf32, #tpu.memory_space<vmem>>, %arg7: memref<128x288xf32, #tpu.memory_space<vmem>>, %arg8: memref<128x16xf32, #tpu.memory_space<vmem>>, %arg9: memref<2000x128xf32, #tpu.memory_space<vmem>>, %arg10: memref<2000x128xf32, #tpu.memory_space<vmem>>, %arg11: memref<1000x288xbf16, #tpu.memory_space<vmem>>, %arg12: memref<1000x16xf32, #tpu.memory_space<vmem>>) attributes {dimension_semantics = [#tpu.dimension_semantics<arbitrary>], iteration_bounds = array<i64: 10>, scalar_prefetch = 0 : i64, scratch_operands = 0 : i64, tpu.core_type = #tpu.core_type<tc>, window_params = [{transform_indices = @transform_0, window_bounds = array<i64: 2000, 128>}, {pipeline_mode = #tpu.pipeline_mode<synchronous>, transform_indices = @transform_1, window_bounds = array<i64: 128, 128>}, {pipeline_mode = #tpu.pipeline_mode<synchronous>, transform_indices = @transform_2, window_bounds = array<i64: 1, 128>}, {pipeline_mode = #tpu.pipeline_mode<synchronous>, transform_indices = @transform_3, window_bounds = array<i64: 128, 128>}, {pipeline_mode = #tpu.pipeline_mode<synchronous>, transform_indices = @transform_4, window_bounds = array<i64: 1, 128>}, {transform_indices = @transform_5, window_bounds = array<i64: 1000, 128>}, {pipeline_mode = #tpu.pipeline_mode<synchronous>, transform_indices = @transform_6, window_bounds = array<i64: 128, 288>}, {pipeline_mode = #tpu.pipeline_mode<synchronous>, transform_indices = @transform_7, window_bounds = array<i64: 128, 16>}, {transform_indices = @transform_8, window_bounds = array<i64: 2000, 128>}, {transform_indices = @transform_9, window_bounds = array<i64: 2000, 128>}, {transform_indices = @transform_10, window_bounds = array<i64: 1000, 288>}, {transform_indices = @transform_11, window_bounds = array<i64: 1000, 16>}]} {
    %get3A = arith.constant 0 : index
    %get3A_0 = arith.constant 0 : index
    %get3A_1 = vector.load %arg1[%get3A, %get3A_0] : memref<2000x128xf32, #tpu.memory_space<vmem>>, vector<2000x128xf32>
    %get3A_2 = arith.constant 0 : index
    %get3A_3 = arith.constant 0 : index
    %get3A_4 = vector.load %arg2[%get3A_2, %get3A_3] : memref<128x128xf32, #tpu.memory_space<vmem>>, vector<128x128xf32>
    %dot_general3A = arith.constant dense<0.000000e+00> : vector<2000x128xf32>
    %dot_general3A_5 = tpu.matmul %get3A_1, %get3A_4, %dot_general3A {dimension_numbers = #tpu.dot_dimension_numbers<[1], [0], [0], [1], [0, 0, 1, 1], [], []>, transpose_lhs_hint = false} : vector<2000x128xf32>, vector<128x128xf32>, vector<2000x128xf32> -> vector<2000x128xf32>
    %get3A_6 = arith.constant 0 : index
    %get3A_7 = arith.constant 0 : index
    %get3A_8 = vector.load %arg3[%get3A_6, %get3A_7] : memref<1x128xf32, #tpu.memory_space<vmem>>, vector<1x128xf32>
    %add3A = vector.broadcast %get3A_8 : vector<1x128xf32> to vector<2000x128xf32>
    %add3A_9 = arith.addf %dot_general3A_5, %add3A : vector<2000x128xf32>
    %gt3A = arith.constant 0.000000e+00 : f32
    %gt3A_10 = vector.broadcast %gt3A : f32 to vector<2000x128xf32>
    %gt3A_11 = arith.cmpf ogt, %add3A_9, %gt3A_10 : vector<2000x128xf32>
    %min3A = arith.constant 0.000000e+00 : f32
    %min3A_12 = vector.broadcast %min3A : f32 to vector<2000x128xf32>
    %min3A_13 = arith.minimumf %add3A_9, %min3A_12 : vector<2000x128xf32>
    %exp3A = math.exp %min3A_13 : vector<2000x128xf32>
    %sub3A = arith.constant 1.000000e+00 : f32
    %sub3A_14 = vector.broadcast %sub3A : f32 to vector<2000x128xf32>
    %sub3A_15 = arith.subf %exp3A, %sub3A_14 : vector<2000x128xf32>
    %select_n3A = arith.select %gt3A_11, %add3A_9, %sub3A_15 : vector<2000x128xi1>, vector<2000x128xf32>
    %swap3A = arith.constant 0 : index
    %swap3A_16 = arith.constant 0 : index
    %swap3A_17 = vector.load %arg9[%swap3A, %swap3A_16] : memref<2000x128xf32, #tpu.memory_space<vmem>>, vector<2000x128xf32>
    tpu.vector_store %arg9[%swap3A, %swap3A_16], %select_n3A {strides = array<i32>} : memref<2000x128xf32, #tpu.memory_space<vmem>>, vector<2000x128xf32>,
    %get3A_18 = arith.constant 0 : index
    %get3A_19 = arith.constant 0 : index
    %get3A_20 = vector.load %arg4[%get3A_18, %get3A_19] : memref<128x128xf32, #tpu.memory_space<vmem>>, vector<128x128xf32>
    %dot_general3A_21 = arith.constant dense<0.000000e+00> : vector<2000x128xf32>
    %dot_general3A_22 = tpu.matmul %get3A_1, %get3A_20, %dot_general3A_21 {dimension_numbers = #tpu.dot_dimension_numbers<[1], [0], [0], [1], [0, 0, 1, 1], [], []>, transpose_lhs_hint = false} : vector<2000x128xf32>, vector<128x128xf32>, vector<2000x128xf32> -> vector<2000x128xf32>
    %get3A_23 = arith.constant 0 : index
    %get3A_24 = arith.constant 0 : index
    %get3A_25 = vector.load %arg5[%get3A_23, %get3A_24] : memref<1x128xf32, #tpu.memory_space<vmem>>, vector<1x128xf32>
    %add3A_26 = vector.broadcast %get3A_25 : vector<1x128xf32> to vector<2000x128xf32>
    %add3A_27 = arith.addf %dot_general3A_22, %add3A_26 : vector<2000x128xf32>
    %gt3A_28 = arith.constant 0.000000e+00 : f32
    %gt3A_29 = vector.broadcast %gt3A_28 : f32 to vector<2000x128xf32>
    %gt3A_30 = arith.cmpf ogt, %add3A_27, %gt3A_29 : vector<2000x128xf32>
    %min3A_31 = arith.constant 0.000000e+00 : f32
    %min3A_32 = vector.broadcast %min3A_31 : f32 to vector<2000x128xf32>
    %min3A_33 = arith.minimumf %add3A_27, %min3A_32 : vector<2000x128xf32>
    %exp3A_34 = math.exp %min3A_33 : vector<2000x128xf32>
    %sub3A_35 = arith.constant 1.000000e+00 : f32
    %sub3A_36 = vector.broadcast %sub3A_35 : f32 to vector<2000x128xf32>
    %sub3A_37 = arith.subf %exp3A_34, %sub3A_36 : vector<2000x128xf32>
    %select_n3A_38 = arith.select %gt3A_30, %add3A_27, %sub3A_37 : vector<2000x128xi1>, vector<2000x128xf32>
    %swap3A_39 = arith.constant 0 : index
    %swap3A_40 = arith.constant 0 : index
    %swap3A_41 = vector.load %arg10[%swap3A_39, %swap3A_40] : memref<2000x128xf32, #tpu.memory_space<vmem>>, vector<2000x128xf32>
    tpu.vector_store %arg10[%swap3A_39, %swap3A_40], %select_n3A_38 {strides = array<i32>} : memref<2000x128xf32, #tpu.memory_space<vmem>>, vector<2000x128xf32>,
    %get3A_42 = arith.constant 0 : index
    %get3A_43 = arith.constant 0 : index
    %get3A_44 = vector.load %arg6[%get3A_42, %get3A_43] : memref<1000x128xf32, #tpu.memory_space<vmem>>, vector<1000x128xf32>
    %get3A_45 = arith.constant 0 : index
    %get3A_46 = arith.constant 0 : index
    %get3A_47 = vector.load %arg7[%get3A_45, %get3A_46] : memref<128x288xf32, #tpu.memory_space<vmem>>, vector<128x288xf32>
    %dot_general3A_48 = arith.constant dense<0.000000e+00> : vector<1000x288xf32>
    %dot_general3A_49 = tpu.matmul %get3A_44, %get3A_47, %dot_general3A_48 {dimension_numbers = #tpu.dot_dimension_numbers<[1], [0], [0], [1], [0, 0, 1, 1], [], []>, transpose_lhs_hint = false} : vector<1000x128xf32>, vector<128x288xf32>, vector<1000x288xf32> -> vector<1000x288xf32>
    %convert_element_type3A = arith.truncf %dot_general3A_49 : vector<1000x288xf32> to vector<1000x288xbf16>
    %swap3A_50 = arith.constant 0 : index
    %swap3A_51 = arith.constant 0 : index
    %swap3A_52 = vector.load %arg11[%swap3A_50, %swap3A_51] : memref<1000x288xbf16, #tpu.memory_space<vmem>>, vector<1000x288xbf16>
    tpu.vector_store %arg11[%swap3A_50, %swap3A_51], %convert_element_type3A {strides = array<i32>} : memref<1000x288xbf16, #tpu.memory_space<vmem>>, vector<1000x288xbf16>,
    %get3A_53 = arith.constant 0 : index
    %get3A_54 = arith.constant 0 : index
    %get3A_55 = vector.load %arg8[%get3A_53, %get3A_54] : memref<128x16xf32, #tpu.memory_space<vmem>>, vector<128x16xf32>
    %dot_general3A_56 = arith.constant dense<0.000000e+00> : vector<1000x16xf32>
    %dot_general3A_57 = tpu.matmul %get3A_44, %get3A_55, %dot_general3A_56 {dimension_numbers = #tpu.dot_dimension_numbers<[1], [0], [0], [1], [0, 0, 1, 1], [], []>, transpose_lhs_hint = false} : vector<1000x128xf32>, vector<128x16xf32>, vector<1000x16xf32> -> vector<1000x16xf32>
    %swap3A_58 = arith.constant 0 : index
    %swap3A_59 = arith.constant 0 : index
    %swap3A_60 = vector.load %arg12[%swap3A_58, %swap3A_59] : memref<1000x16xf32, #tpu.memory_space<vmem>>, vector<1000x16xf32>
    tpu.vector_store %arg12[%swap3A_58, %swap3A_59], %dot_general3A_57 {strides = array<i32>} : memref<1000x16xf32, #tpu.memory_space<vmem>>, vector<1000x16xf32>,
    return
  }
  func.func @transform_0(%arg0: i32) -> (i32, i32) {
    %c0_i32 = arith.constant 0 : i32
    %c0_i32_0 = arith.constant 0 : i32
    return %arg0, %c0_i32 : i32, i32
  }
  func.func @transform_1(%arg0: i32) -> (i32, i32) {
    %c0_i32 = arith.constant 0 : i32
    %c0_i32_0 = arith.constant 0 : i32
    %c0_i32_1 = arith.constant 0 : i32
    return %c0_i32, %c0_i32_0 : i32, i32
  }
  func.func @transform_2(%arg0: i32) -> (i32, i32) {
    %c0_i32 = arith.constant 0 : i32
    %c0_i32_0 = arith.constant 0 : i32
    %c0_i32_1 = arith.constant 0 : i32
    return %c0_i32, %c0_i32_0 : i32, i32
  }
  func.func @transform_3(%arg0: i32) -> (i32, i32) {
    %c0_i32 = arith.constant 0 : i32
    %c0_i32_0 = arith.constant 0 : i32
    %c0_i32_1 = arith.constant 0 : i32
    return %c0_i32, %c0_i32_0 : i32, i32
  }
  func.func @transform_4(%arg0: i32) -> (i32, i32) {
    %c0_i32 = arith.constant 0 : i32
    %c0_i32_0 = arith.constant 0 : i32
    %c0_i32_1 = arith.constant 0 : i32
    return %c0_i32, %c0_i32_0 : i32, i32
  }
  func.func @transform_5(%arg0: i32) -> (i32, i32) {
    %c0_i32 = arith.constant 0 : i32
    %c0_i32_0 = arith.constant 0 : i32
    return %arg0, %c0_i32 : i32, i32
  }
  func.func @transform_6(%arg0: i32) -> (i32, i32) {
    %c0_i32 = arith.constant 0 : i32
    %c0_i32_0 = arith.constant 0 : i32
    %c0_i32_1 = arith.constant 0 : i32
    return %c0_i32, %c0_i32_0 : i32, i32
  }
  func.func @transform_7(%arg0: i32) -> (i32, i32) {
    %c0_i32 = arith.constant 0 : i32
    %c0_i32_0 = arith.constant 0 : i32
    %c0_i32_1 = arith.constant 0 : i32
    return %c0_i32, %c0_i32_0 : i32, i32
  }
  func.func @transform_8(%arg0: i32) -> (i32, i32) {
    %c0_i32 = arith.constant 0 : i32
    %c0_i32_0 = arith.constant 0 : i32
    return %arg0, %c0_i32 : i32, i32
  }
  func.func @transform_9(%arg0: i32) -> (i32, i32) {
    %c0_i32 = arith.constant 0 : i32
    %c0_i32_0 = arith.constant 0 : i32
    return %arg0, %c0_i32 : i32, i32
  }
  func.func @transform_10(%arg0: i32) -> (i32, i32) {
    %c0_i32 = arith.constant 0 : i32
    %c0_i32_0 = arith.constant 0 : i32
    return %arg0, %c0_i32 : i32, i32
  }
  func.func @transform_11(%arg0: i32) -> (i32, i32) {
    %c0_i32 = arith.constant 0 : i32
    %c0_i32_0 = arith.constant 0 : i32
    return %arg0, %c0_i32 : i32, i32
  }
}

module attributes {stable_mosaic.version = 14 : i64} {
  func.func @_mid_body(%arg0: i32, %arg1: memref<2x2000x32xf32, #tpu.memory_space<vmem>>, %arg2: memref<2000x16xf32, #tpu.memory_space<vmem>>, %arg3: memref<1x16xf32, #tpu.memory_space<vmem>>, %arg4: memref<16x288xf32, #tpu.memory_space<vmem>>, %arg5: memref<16x16xf32, #tpu.memory_space<vmem>>, %arg6: memref<2000x288xbf16, #tpu.memory_space<vmem>>, %arg7: memref<2000x16xf32, #tpu.memory_space<vmem>>) attributes {dimension_semantics = [#tpu.dimension_semantics<arbitrary>], iteration_bounds = array<i64: 5>, scalar_prefetch = 0 : i64, scratch_operands = 0 : i64, tpu.core_type = #tpu.core_type<tc>, window_params = [{transform_indices = @transform_0, window_bounds = array<i64: 2, 2000, 32>}, {transform_indices = @transform_1, window_bounds = array<i64: 2000, 16>}, {pipeline_mode = #tpu.pipeline_mode<synchronous>, transform_indices = @transform_2, window_bounds = array<i64: 1, 16>}, {pipeline_mode = #tpu.pipeline_mode<synchronous>, transform_indices = @transform_3, window_bounds = array<i64: 16, 288>}, {pipeline_mode = #tpu.pipeline_mode<synchronous>, transform_indices = @transform_4, window_bounds = array<i64: 16, 16>}, {transform_indices = @transform_5, window_bounds = array<i64: 2000, 288>}, {transform_indices = @transform_6, window_bounds = array<i64: 2000, 16>}]} {
    %get3A = arith.constant 0 : index
    %get3A_0 = arith.constant 0 : index
    %get3A_1 = arith.constant 0 : index
    %get3A_2 = vector.load %arg1[%get3A, %get3A_0, %get3A_1] : memref<2x2000x32xf32, #tpu.memory_space<vmem>>, vector<2x2000x32xf32>
    %slice3A = vector.extract_strided_slice %get3A_2 {offsets = [0, 0, 0], sizes = [1, 2000, 32], strides = [1, 1, 1]} : vector<2x2000x32xf32> to vector<1x2000x32xf32>
    %squeeze3A = vector.shape_cast %slice3A : vector<1x2000x32xf32> to vector<2000x32xf32>
    %slice3A_3 = vector.extract_strided_slice %get3A_2 {offsets = [1, 0, 0], sizes = [1, 2000, 32], strides = [1, 1, 1]} : vector<2x2000x32xf32> to vector<1x2000x32xf32>
    %squeeze3A_4 = vector.shape_cast %slice3A_3 : vector<1x2000x32xf32> to vector<2000x32xf32>
    %add3A = arith.addf %squeeze3A, %squeeze3A_4 : vector<2000x32xf32>
    %slice3A_5 = vector.extract_strided_slice %add3A {offsets = [0, 16], sizes = [2000, 16], strides = [1, 1]} : vector<2000x32xf32> to vector<2000x16xf32>
    %max3A = arith.constant 1.000000e+00 : f32
    %max3A_6 = vector.broadcast %max3A : f32 to vector<2000x16xf32>
    %max3A_7 = arith.maximumf %slice3A_5, %max3A_6 : vector<2000x16xf32>
    %slice3A_8 = vector.extract_strided_slice %add3A {offsets = [0, 0], sizes = [2000, 16], strides = [1, 1]} : vector<2000x32xf32> to vector<2000x16xf32>
    %div3A = arith.divf %slice3A_8, %max3A_7 : vector<2000x16xf32>
    %get3A_9 = arith.constant 0 : index
    %get3A_10 = arith.constant 0 : index
    %get3A_11 = vector.load %arg2[%get3A_9, %get3A_10] : memref<2000x16xf32, #tpu.memory_space<vmem>>, vector<2000x16xf32>
    %add3A_12 = arith.addf %div3A, %get3A_11 : vector<2000x16xf32>
    %get3A_13 = arith.constant 0 : index
    %get3A_14 = arith.constant 0 : index
    %get3A_15 = vector.load %arg3[%get3A_13, %get3A_14] : memref<1x16xf32, #tpu.memory_space<vmem>>, vector<1x16xf32>
    %add3A_16 = vector.broadcast %get3A_15 : vector<1x16xf32> to vector<2000x16xf32>
    %add3A_17 = arith.addf %add3A_12, %add3A_16 : vector<2000x16xf32>
    %gt3A = arith.constant 0.000000e+00 : f32
    %gt3A_18 = vector.broadcast %gt3A : f32 to vector<2000x16xf32>
    %gt3A_19 = arith.cmpf ogt, %add3A_17, %gt3A_18 : vector<2000x16xf32>
    %min3A = arith.constant 0.000000e+00 : f32
    %min3A_20 = vector.broadcast %min3A : f32 to vector<2000x16xf32>
    %min3A_21 = arith.minimumf %add3A_17, %min3A_20 : vector<2000x16xf32>
    %exp3A = math.exp %min3A_21 : vector<2000x16xf32>
    %sub3A = arith.constant 1.000000e+00 : f32
    %sub3A_22 = vector.broadcast %sub3A : f32 to vector<2000x16xf32>
    %sub3A_23 = arith.subf %exp3A, %sub3A_22 : vector<2000x16xf32>
    %select_n3A = arith.select %gt3A_19, %add3A_17, %sub3A_23 : vector<2000x16xi1>, vector<2000x16xf32>
    %get3A_24 = arith.constant 0 : index
    %get3A_25 = arith.constant 0 : index
    %get3A_26 = vector.load %arg4[%get3A_24, %get3A_25] : memref<16x288xf32, #tpu.memory_space<vmem>>, vector<16x288xf32>
    %dot_general3A = arith.constant dense<0.000000e+00> : vector<2000x288xf32>
    %dot_general3A_27 = tpu.matmul %select_n3A, %get3A_26, %dot_general3A {dimension_numbers = #tpu.dot_dimension_numbers<[1], [0], [0], [1], [0, 0, 1, 1], [], []>, transpose_lhs_hint = false} : vector<2000x16xf32>, vector<16x288xf32>, vector<2000x288xf32> -> vector<2000x288xf32>
    %convert_element_type3A = arith.truncf %dot_general3A_27 : vector<2000x288xf32> to vector<2000x288xbf16>
    %swap3A = arith.constant 0 : index
    %swap3A_28 = arith.constant 0 : index
    %swap3A_29 = vector.load %arg6[%swap3A, %swap3A_28] : memref<2000x288xbf16, #tpu.memory_space<vmem>>, vector<2000x288xbf16>
    tpu.vector_store %arg6[%swap3A, %swap3A_28], %convert_element_type3A {strides = array<i32>} : memref<2000x288xbf16, #tpu.memory_space<vmem>>, vector<2000x288xbf16>,
    %get3A_30 = arith.constant 0 : index
    %get3A_31 = arith.constant 0 : index
    %get3A_32 = vector.load %arg5[%get3A_30, %get3A_31] : memref<16x16xf32, #tpu.memory_space<vmem>>, vector<16x16xf32>
    %dot_general3A_33 = arith.constant dense<0.000000e+00> : vector<2000x16xf32>
    %dot_general3A_34 = tpu.matmul %select_n3A, %get3A_32, %dot_general3A_33 {dimension_numbers = #tpu.dot_dimension_numbers<[1], [0], [0], [1], [0, 0, 1, 1], [], []>, transpose_lhs_hint = false} : vector<2000x16xf32>, vector<16x16xf32>, vector<2000x16xf32> -> vector<2000x16xf32>
    %swap3A_35 = arith.constant 0 : index
    %swap3A_36 = arith.constant 0 : index
    %swap3A_37 = vector.load %arg7[%swap3A_35, %swap3A_36] : memref<2000x16xf32, #tpu.memory_space<vmem>>, vector<2000x16xf32>
    tpu.vector_store %arg7[%swap3A_35, %swap3A_36], %dot_general3A_34 {strides = array<i32>} : memref<2000x16xf32, #tpu.memory_space<vmem>>, vector<2000x16xf32>,
    return
  }
  func.func @transform_0(%arg0: i32) -> (i32, i32, i32) {
    %c0_i32 = arith.constant 0 : i32
    %c0_i32_0 = arith.constant 0 : i32
    %c0_i32_1 = arith.constant 0 : i32
    return %c0_i32, %arg0, %c0_i32_0 : i32, i32, i32
  }
  func.func @transform_1(%arg0: i32) -> (i32, i32) {
    %c0_i32 = arith.constant 0 : i32
    %c0_i32_0 = arith.constant 0 : i32
    return %arg0, %c0_i32 : i32, i32
  }
  func.func @transform_2(%arg0: i32) -> (i32, i32) {
    %c0_i32 = arith.constant 0 : i32
    %c0_i32_0 = arith.constant 0 : i32
    %c0_i32_1 = arith.constant 0 : i32
    return %c0_i32, %c0_i32_0 : i32, i32
  }
  func.func @transform_3(%arg0: i32) -> (i32, i32) {
    %c0_i32 = arith.constant 0 : i32
    %c0_i32_0 = arith.constant 0 : i32
    %c0_i32_1 = arith.constant 0 : i32
    return %c0_i32, %c0_i32_0 : i32, i32
  }
  func.func @transform_4(%arg0: i32) -> (i32, i32) {
    %c0_i32 = arith.constant 0 : i32
    %c0_i32_0 = arith.constant 0 : i32
    %c0_i32_1 = arith.constant 0 : i32
    return %c0_i32, %c0_i32_0 : i32, i32
  }
  func.func @transform_5(%arg0: i32) -> (i32, i32) {
    %c0_i32 = arith.constant 0 : i32
    %c0_i32_0 = arith.constant 0 : i32
    return %arg0, %c0_i32 : i32, i32
  }
  func.func @transform_6(%arg0: i32) -> (i32, i32) {
    %c0_i32 = arith.constant 0 : i32
    %c0_i32_0 = arith.constant 0 : i32
    return %arg0, %c0_i32 : i32, i32
  }
}

module attributes {stable_mosaic.version = 14 : i64} {
  func.func @_fin_body(%arg0: i32, %arg1: memref<2x2000x16xf32, #tpu.memory_space<vmem>>, %arg2: memref<2x2000x32xf32, #tpu.memory_space<vmem>>, %arg3: memref<2000x16xf32, #tpu.memory_space<vmem>>, %arg4: memref<1x16xf32, #tpu.memory_space<vmem>>, %arg5: memref<16x10xf32, #tpu.memory_space<vmem>>, %arg6: memref<1x10xf32, #tpu.memory_space<vmem>>, %arg7: memref<2000x10xf32, #tpu.memory_space<vmem>>) attributes {dimension_semantics = [#tpu.dimension_semantics<arbitrary>], iteration_bounds = array<i64: 5>, scalar_prefetch = 0 : i64, scratch_operands = 0 : i64, tpu.core_type = #tpu.core_type<tc>, window_params = [{transform_indices = @transform_0, window_bounds = array<i64: 2, 2000, 16>}, {transform_indices = @transform_1, window_bounds = array<i64: 2, 2000, 32>}, {transform_indices = @transform_2, window_bounds = array<i64: 2000, 16>}, {pipeline_mode = #tpu.pipeline_mode<synchronous>, transform_indices = @transform_3, window_bounds = array<i64: 1, 16>}, {pipeline_mode = #tpu.pipeline_mode<synchronous>, transform_indices = @transform_4, window_bounds = array<i64: 16, 10>}, {pipeline_mode = #tpu.pipeline_mode<synchronous>, transform_indices = @transform_5, window_bounds = array<i64: 1, 10>}, {transform_indices = @transform_6, window_bounds = array<i64: 2000, 10>}]} {
    %get3A = arith.constant 0 : index
    %get3A_0 = arith.constant 0 : index
    %get3A_1 = arith.constant 0 : index
    %get3A_2 = vector.load %arg2[%get3A, %get3A_0, %get3A_1] : memref<2x2000x32xf32, #tpu.memory_space<vmem>>, vector<2x2000x32xf32>
    %slice3A = vector.extract_strided_slice %get3A_2 {offsets = [0, 0, 16], sizes = [1, 2000, 16], strides = [1, 1, 1]} : vector<2x2000x32xf32> to vector<1x2000x16xf32>
    %squeeze3A = vector.shape_cast %slice3A : vector<1x2000x16xf32> to vector<2000x16xf32>
    %slice3A_3 = vector.extract_strided_slice %get3A_2 {offsets = [1, 0, 16], sizes = [1, 2000, 16], strides = [1, 1, 1]} : vector<2x2000x32xf32> to vector<1x2000x16xf32>
    %squeeze3A_4 = vector.shape_cast %slice3A_3 : vector<1x2000x16xf32> to vector<2000x16xf32>
    %add3A = arith.addf %squeeze3A, %squeeze3A_4 : vector<2000x16xf32>
    %max3A = arith.constant 1.000000e+00 : f32
    %max3A_5 = vector.broadcast %max3A : f32 to vector<2000x16xf32>
    %max3A_6 = arith.maximumf %add3A, %max3A_5 : vector<2000x16xf32>
    %get3A_7 = arith.constant 0 : index
    %get3A_8 = arith.constant 0 : index
    %get3A_9 = arith.constant 0 : index
    %get3A_10 = vector.load %arg1[%get3A_7, %get3A_8, %get3A_9] : memref<2x2000x16xf32, #tpu.memory_space<vmem>>, vector<2x2000x16xf32>
    %slice3A_11 = vector.extract_strided_slice %get3A_10 {offsets = [0, 0, 0], sizes = [1, 2000, 16], strides = [1, 1, 1]} : vector<2x2000x16xf32> to vector<1x2000x16xf32>
    %squeeze3A_12 = vector.shape_cast %slice3A_11 : vector<1x2000x16xf32> to vector<2000x16xf32>
    %slice3A_13 = vector.extract_strided_slice %get3A_10 {offsets = [1, 0, 0], sizes = [1, 2000, 16], strides = [1, 1, 1]} : vector<2x2000x16xf32> to vector<1x2000x16xf32>
    %squeeze3A_14 = vector.shape_cast %slice3A_13 : vector<1x2000x16xf32> to vector<2000x16xf32>
    %add3A_15 = arith.addf %squeeze3A_12, %squeeze3A_14 : vector<2000x16xf32>
    %div3A = arith.divf %add3A_15, %max3A_6 : vector<2000x16xf32>
    %get3A_16 = arith.constant 0 : index
    %get3A_17 = arith.constant 0 : index
    %get3A_18 = vector.load %arg3[%get3A_16, %get3A_17] : memref<2000x16xf32, #tpu.memory_space<vmem>>, vector<2000x16xf32>
    %add3A_19 = arith.addf %div3A, %get3A_18 : vector<2000x16xf32>
    %get3A_20 = arith.constant 0 : index
    %get3A_21 = arith.constant 0 : index
    %get3A_22 = vector.load %arg4[%get3A_20, %get3A_21] : memref<1x16xf32, #tpu.memory_space<vmem>>, vector<1x16xf32>
    %add3A_23 = vector.broadcast %get3A_22 : vector<1x16xf32> to vector<2000x16xf32>
    %add3A_24 = arith.addf %add3A_19, %add3A_23 : vector<2000x16xf32>
    %gt3A = arith.constant 0.000000e+00 : f32
    %gt3A_25 = vector.broadcast %gt3A : f32 to vector<2000x16xf32>
    %gt3A_26 = arith.cmpf ogt, %add3A_24, %gt3A_25 : vector<2000x16xf32>
    %min3A = arith.constant 0.000000e+00 : f32
    %min3A_27 = vector.broadcast %min3A : f32 to vector<2000x16xf32>
    %min3A_28 = arith.minimumf %add3A_24, %min3A_27 : vector<2000x16xf32>
    %exp3A = math.exp %min3A_28 : vector<2000x16xf32>
    %sub3A = arith.constant 1.000000e+00 : f32
    %sub3A_29 = vector.broadcast %sub3A : f32 to vector<2000x16xf32>
    %sub3A_30 = arith.subf %exp3A, %sub3A_29 : vector<2000x16xf32>
    %select_n3A = arith.select %gt3A_26, %add3A_24, %sub3A_30 : vector<2000x16xi1>, vector<2000x16xf32>
    %get3A_31 = arith.constant 0 : index
    %get3A_32 = arith.constant 0 : index
    %get3A_33 = vector.load %arg5[%get3A_31, %get3A_32] : memref<16x10xf32, #tpu.memory_space<vmem>>, vector<16x10xf32>
    %dot_general3A = arith.constant dense<0.000000e+00> : vector<2000x10xf32>
    %dot_general3A_34 = tpu.matmul %select_n3A, %get3A_33, %dot_general3A {dimension_numbers = #tpu.dot_dimension_numbers<[1], [0], [0], [1], [0, 0, 1, 1], [], []>, transpose_lhs_hint = false} : vector<2000x16xf32>, vector<16x10xf32>, vector<2000x10xf32> -> vector<2000x10xf32>
    %get3A_35 = arith.constant 0 : index
    %get3A_36 = arith.constant 0 : index
    %get3A_37 = vector.load %arg6[%get3A_35, %get3A_36] : memref<1x10xf32, #tpu.memory_space<vmem>>, vector<1x10xf32>
    %add3A_38 = vector.broadcast %get3A_37 : vector<1x10xf32> to vector<2000x10xf32>
    %add3A_39 = arith.addf %dot_general3A_34, %add3A_38 : vector<2000x10xf32>
    %swap3A = arith.constant 0 : index
    %swap3A_40 = arith.constant 0 : index
    %swap3A_41 = vector.load %arg7[%swap3A, %swap3A_40] : memref<2000x10xf32, #tpu.memory_space<vmem>>, vector<2000x10xf32>
    tpu.vector_store %arg7[%swap3A, %swap3A_40], %add3A_39 {strides = array<i32>} : memref<2000x10xf32, #tpu.memory_space<vmem>>, vector<2000x10xf32>,
    return
  }
  func.func @transform_0(%arg0: i32) -> (i32, i32, i32) {
    %c0_i32 = arith.constant 0 : i32
    %c0_i32_0 = arith.constant 0 : i32
    %c0_i32_1 = arith.constant 0 : i32
    return %c0_i32, %arg0, %c0_i32_0 : i32, i32, i32
  }
  func.func @transform_1(%arg0: i32) -> (i32, i32, i32) {
    %c0_i32 = arith.constant 0 : i32
    %c0_i32_0 = arith.constant 0 : i32
    %c0_i32_1 = arith.constant 0 : i32
    return %c0_i32, %arg0, %c0_i32_0 : i32, i32, i32
  }
  func.func @transform_2(%arg0: i32) -> (i32, i32) {
    %c0_i32 = arith.constant 0 : i32
    %c0_i32_0 = arith.constant 0 : i32
    return %arg0, %c0_i32 : i32, i32
  }
  func.func @transform_3(%arg0: i32) -> (i32, i32) {
    %c0_i32 = arith.constant 0 : i32
    %c0_i32_0 = arith.constant 0 : i32
    %c0_i32_1 = arith.constant 0 : i32
    return %c0_i32, %c0_i32_0 : i32, i32
  }
  func.func @transform_4(%arg0: i32) -> (i32, i32) {
    %c0_i32 = arith.constant 0 : i32
    %c0_i32_0 = arith.constant 0 : i32
    %c0_i32_1 = arith.constant 0 : i32
    return %c0_i32, %c0_i32_0 : i32, i32
  }
  func.func @transform_5(%arg0: i32) -> (i32, i32) {
    %c0_i32 = arith.constant 0 : i32
    %c0_i32_0 = arith.constant 0 : i32
    %c0_i32_1 = arith.constant 0 : i32
    return %c0_i32, %c0_i32_0 : i32, i32
  }
  func.func @transform_6(%arg0: i32) -> (i32, i32) {
    %c0_i32 = arith.constant 0 : i32
    %c0_i32_0 = arith.constant 0 : i32
    return %arg0, %c0_i32 : i32, i32
  }
}

</mosaic_0001>

<sc_bundles>
// kernel: kernel.10.cloned.1.call-start
scs
__scs_entry_jumppad:
0x0: {  	(pc) =	sbr.rel $0x88, $3  }
0x1: {  	(tag) =	ssettag $0x0;
	lr =	simm.s32 $0x1  }
0x2: {  	[smem:$0x3F90] =	sst lr;
	_ =	strace $0xD0000000  }
0x3: {  	_ = 	snop  }
0x4: {  	_ = 	snop  }
0x5: {  	_ = 	snop  }
0x6: {  	_ = 	snop  }
0x7: {  	_ = 	snop  }
__scs_overlays_trampoline_lowered:
0x8: {  	[smem:$0x3F9F] =	sst s0  }
0x9: {  	[smem:$0x3FA0] =	sst s1  }
0xa: {  	[smem:$0x3FA1] =	sst s2  }
0xb: {  	[smem:$0x3FA2] =	sst s3  }
0xc: {  	[smem:$0x3FA3] =	sst s4  }
0xd: {  	[smem:$0x3FA4] =	sst s5  }
0xe: {  	[smem:$0x3FA5] =	sst s6  }
0xf: {  	[smem:$0x3FA6] =	sst s7  }
0x10: {  	[smem:$0x3FA7] =	sst s8  }
0x11: {  	[smem:$0x3FA8] =	sst s9;
	s0 =	simm.s32 @!p0 $0x0  }
0x12: {  	s1 =	sld [smem:$0x3F8E];
	s0 =	simm.s32 @p0 $0x1  }
0x13: {  	[smem:$0x3FA9] =	sst s0;
	s0 =	simm.s32 @!p1 $0x0  }
0x14: {  	s2 =	sld [smem:$0x3F8D];
	s0 =	simm.s32 @p1 $0x1  }
0x15: {  	[smem:$0x3FAA] =	sst s0;
	s0 =	simm.s32 @!p2 $0x0  }
0x16: {  	s3 =	sld [smem:$0x3FDB];
	s0 =	simm.s32 @p2 $0x1  }
0x17: {  	s4 =	simm.s32 $0x1BF5;
	[smem:$0x3FAC] =	sst s0  }
0x18: {  	s0 =	sld [smem:$0x3F8F];
	_ =	swait.ge [sflag:s4], $0x0  }
0x19: {  	s7 =	sld [smem:$0x3F90]  }
0x1a: {  	s8 =	sadd.s32 $0xFFFFE003, lr  }
0x1b: {  	s9 =	sadd.s32 $0xFFFFFEF7, lr;
	s5 =	simm.s32 $0xFFFFFFFF;
	p2 =	slt.u32 s8, $0xFFFFF086  }
0x1c: {  	p1 =	slt.u32 s9, $0xF7A;
	s5 =	simm.s32 @!p2 $0x0  }
0x1d: {  	s5 =	simm.s32 @p1 $0x1;
	p0 =	seq.s32 s7, s2  }
0x1e: {  	s7 =	smul.u32 @!p0 $0xF7A, s2;
	p2 =	seq.s32 @!p0 s5, $0x0  }
0x1f: {  	s9 =	smul.u32 $0xF7A, s1;
	s8 =	simm.s32 @!p0 $0x1BF5;
	p2 =	por !p2, p0  }
0x20: {  	[sflag:s8] =	ssyncset.s32 @!p0 $0xFFFFF086;
	s6 =	sadd.s32 @!p0 s3, s7;
	s7 =	simm.s32 @!p0 $0x108  }
0x21: {  	s3 =	sadd.s32 s3, s9;
	s6 =	sadd.s32 @!p0 $0x88, s6;
	s7 =	simm.s32 @p2 $0x1082  }
0x22: {  	[simem:s7], [sflag:s8] =	dma.local @!p0 [hbm:s6], $0xF7A  }
0x23: {  	s9 =	sor.u32 $0xD0000000, s2;
	s6 =	simm.s32 $0x108;
	_ =	swait.ge @!p0 [sflag:s8], $0x0  }
0x24: {  	s3 =	sadd.s32 $0x88, s3;
	s6 =	simm.s32 @!p1 $0x1082;
	[sflag:s4] =	ssyncset.s32 $0xFFFFF086  }
0x25: {  	[simem:s6], [sflag:s4] =	dma.local [hbm:s3], $0xF7A  }
0x26: {  	[smem:$0x3F90] =	sst s1;
	(tag) =	ssettag s2;
	_ =	strace s9  }
0x27: {  	s1 =	sld [smem:$0x3FA0]  }
0x28: {  	s2 =	sld [smem:$0x3FA1]  }
0x29: {  	s4 =	sld [smem:$0x3FA3]  }
0x2a: {  	p0 =	seq.s32 s5, $0x0;
	s5 =	sld [smem:$0x3FA4]  }
0x2b: {  	s6 =	sld [smem:$0x3FA5]  }
0x2c: {  	s7 =	sld [smem:$0x3FA6]  }
0x2d: {  	s3 =	simm.s32 $0x108;
	s8 =	sld [smem:$0x3FA7]  }
0x2e: {  	s3 =	simm.s32 @!p0 $0x1082;
	s9 =	sld [smem:$0x3FA8]  }
0x2f: {  	lr =	sadd.s32 s0, s3;
	s0 =	sld [smem:$0x3F9F]  }
0x30: {  	s3 =	sld [smem:$0x3FA2]  }
0x31: {  	[smem:$0x3FAB] =	sst s10  }
0x32: {  	s10 =	sld [smem:$0x3FA9];
	_ =	sdelay $0x3  }
0x33: {  	p0 =	seq.s32 s10, $0x1;
	s10 =	sld [smem:$0x3FAB];
	_ =	sdelay $0x3  }
0x34: {  	[smem:$0x3FAB] =	sst s10  }
0x35: {  	s10 =	sld [smem:$0x3FAA];
	_ =	sdelay $0x3  }
0x36: {  	p1 =	seq.s32 s10, $0x1;
	s10 =	sld [smem:$0x3FAB];
	_ =	sdelay $0x3  }
0x37: {  	[smem:$0x3FAB] =	sst s10  }
0x38: {  	s10 =	sld [smem:$0x3FAC]  }
0x39: {  	_ = 	snop;
	(pc) =	sbr.ind lr, $3  }
0x3a: {  	_ = 	snop  }
0x3b: {  	_ = 	snop  }
0x3c: {  	p2 =	seq.s32 s10, $0x1;
	s10 =	sld [smem:$0x3FAB]  }
0x3d: {  	_ =	shalt  }
0x3e: {  	_ =	shalt  }
0x3f: {  	_ =	shalt  }
0x40: {  	_ =	shalt  }
0x41: {  	_ =	shalt  }
0x42: {  	_ =	shalt  }
0x43: {  	_ =	shalt  }
0x44: {  	_ =	shalt  }
0x45: {  	_ =	shalt  }
0x46: {  	_ =	shalt  }
0x47: {  	_ =	shalt  }
0x48: {  	_ =	shalt  }
0x49: {  	_ =	shalt  }
0x4a: {  	_ =	shalt  }
0x4b: {  	_ =	shalt  }
0x4c: {  	_ =	shalt  }
0x4d: {  	_ =	shalt  }
0x4e: {  	_ =	shalt  }
0x4f: {  	_ =	shalt  }
0x50: {  	_ =	shalt  }
0x51: {  	_ =	shalt  }
0x52: {  	_ =	shalt  }
0x53: {  	_ =	shalt  }
0x54: {  	_ =	shalt  }
0x55: {  	_ =	shalt  }
0x56: {  	_ =	shalt  }
0x57: {  	_ =	shalt  }
0x58: {  	_ =	shalt  }
0x59: {  	_ =	shalt  }
0x5a: {  	_ =	shalt  }
0x5b: {  	_ =	shalt  }
0x5c: {  	_ =	shalt  }
0x5d: {  	_ =	shalt  }
0x5e: {  	_ =	shalt  }
0x5f: {  	_ =	shalt  }
0x60: {  	_ =	shalt  }
0x61: {  	_ =	shalt  }
0x62: {  	_ =	shalt  }
0x63: {  	_ =	shalt  }
0x64: {  	_ =	shalt  }
0x65: {  	_ =	shalt  }
0x66: {  	_ =	shalt  }
0x67: {  	_ =	shalt  }
0x68: {  	_ =	shalt  }
0x69: {  	_ =	shalt  }
0x6a: {  	_ =	shalt  }
0x6b: {  	_ =	shalt  }
0x6c: {  	_ =	shalt  }
0x6d: {  	_ =	shalt  }
0x6e: {  	_ =	shalt  }
0x6f: {  	_ =	shalt  }
0x70: {  	_ =	shalt  }
0x71: {  	_ =	shalt  }
0x72: {  	_ =	shalt  }
0x73: {  	_ =	shalt  }
0x74: {  	_ =	shalt  }
0x75: {  	_ =	shalt  }
0x76: {  	_ =	shalt  }
0x77: {  	_ =	shalt  }
0x78: {  	_ =	shalt  }
0x79: {  	_ =	shalt  }
0x7a: {  	_ =	shalt  }
0x7b: {  	_ =	shalt  }
0x7c: {  	_ =	shalt  }
0x7d: {  	_ =	shalt  }
0x7e: {  	_ =	shalt  }
0x7f: {  	_ =	shalt  }
0x80: {  	_ =	shalt  }
0x81: {  	_ =	shalt  }
0x82: {  	_ =	shalt  }
0x83: {  	_ =	shalt  }
0x84: {  	_ =	shalt  }
0x85: {  	_ =	shalt  }
0x86: {  	_ =	shalt  }
0x87: {  	_ =	shalt  }
.Lfunc_end0:
.L_simem_size_0:
called_computation.1_lowered:
.L_overlay_start_0:
0x88: {  	s2 =	sld [smem:$0x3FD9]  }
0x89: {  	s3 =	sld [smem:$0x3FFE];
	_ =	sdelay $0x1  }
0x8a: {  	s1 =	srdreg.scid  }
0x8b: {  	s0 =	sand.u32 $0x1, s1  }
0x8c: {  	s16 =	sshll.u32 s0, $0xA;
	s2 =	sadd.s32 s3, s2  }
0x8d: {  	s2 =	sadd.s32 s2, s16  }
0x8e: {  	[smem:$0x3FB7] =	sst s2  }
0x8f: {  	_ = 	snop  }
0x90: {  	(tm) =	ssettm $0x1  }
0x91: {  	s17 =	sld [smem:$0x3FFB];
	_ =	sdelay $0x3  }
0x92: {  	_ =	strace s17  }
0x93: {  	s2 =	sld [smem:$0x3FFC];
	_ =	sdelay $0x3  }
0x94: {  	_ =	strace s2  }
0x95: {  	s2 =	sld [smem:$0x3FFD];
	_ =	sdelay $0x3  }
0x96: {  	_ =	strace s2  }
0x97: {  	_ =	strace $0x8FFFFFFF  }
0x98: {  	s18 =	sld [smem:$0x3FDB];
	_ =	sdelay $0x1  }
0x99: {  	s19 =	simm.s32 $_scs_section_size  }
0x9a: {  	s4 =	simm.s32 $_size__tile_overlayer_lowered;
	s5 =	simm.s32 $_tile_overlayer_lowered  }
0x9b: {  	s22 =	simm.s32 $0x1BFF;
	s21 =	sshll.u32 s5, $0x1;
	s2 =	sadd.s32 s19, s18  }
0x9c: {  	s6 =	simm.s32 $0x0;
	s20 =	sshll.u32 s4, $0x1;
	s4 =	sadd.s32 s21, s2  }
0x9d: {  	[timem:s6], [sflag:s22] =	dma.local [hbm:s4], s20  }
0x9e: {  	_ =	swait.ge [sflag:s22], s20  }
0x9f: {  	s3 =	ssub.s32 $0x0, s20;
	[sflag:s22] =	ssyncset.done $0x0  }
0xa0: {  	[sflag:s22] =	ssyncadd.s32 s3;
	_ =	sdelay $0x1  }
0xa1: {  	s23 =	simm.s32 $0x1B8B  }
0xa2: {  	_ =	swait.ge [sflag:s23], $0x1  }
0xa3: {  	[sflag:s23] =	ssyncset.done $0x0  }
0xa4: {  	s25 =	simm.s32 $0x1B8E;
	s24 =	sld [smem:$0x3FFE];
	[sflag:s23] =	ssyncadd.s32 $0xFFFFFFFF  }
0xa5: {  	s26 =	simm.s32 $execute0_lowered;
	[smem:$0x3FD2] =	sst s25  }
0xa6: {  	s4 =	sshll.u32 s26, $0x1;
	_ =	strace $0x80000049;
	[dreg:$0x1] =	wrdreg $0xFFFFFFFF  }
0xa7: {  	s28 =	simm.s32 $_size_execute0_lowered;
	s2 =	sadd.s32 s2, s4;
	[dreg:$0x0] =	wrdreg $0x0  }
0xa8: {  	s4 =	sshll.u32 s28, $0x1;
	[dreg:$0x2] =	wrdreg s2  }
0xa9: {  	[dreg:$0x3] =	wrdreg s4  }
0xaa: {  	[dreg:$0x4] =	wrdreg $0xC0  }
0xab: {  	_ =	task [dreg:s6], $0x5FFFF  }
0xac: {  	[dreg:$0x1] =	wrdreg $0xFFFFFFFF  }
0xad: {  	[dreg:$0x0] =	wrdreg $0x60  }
0xae: {  	[dreg:$0x2] =	wrdreg s24  }
0xaf: {  	[dreg:$0x3] =	wrdreg $0xE6A00  }
0xb0: {  	[dreg:$0x4] =	wrdreg $0x9  }
0xb1: {  	_ =	task.clear_ibuf [dreg:s6], $0x5FFFF;
	_ =	strace $0x90000049  }
0xb2: {  	s29 =	simm.s32 $0x9;
	_ =	strace $0x8000004B  }
0xb3: {  	_ =	swait.ge [sflag:s29], $0x1  }
0xb4: {  	[sflag:s29] =	ssyncadd.s32 $0xFFFFFFFF  }
0xb5: {  	_ =	strace $0x9000004B  }
0xb6: {  	_ =	sfence  }
0xb7: {  	s30 =	sld [smem:$0x0];
	_ =	sdelay $0x2  }
0xb8: {  	s31 =	sshll.u32 s1, $0xD;
	s1 =	sshrl.u32 s1, $0x2  }
0xb9: {  	s3 =	sand.u32 $0x4000, s31;
	s1 =	sadd.s32 s1, s30  }
0xba: {  	s0 =	sor.u32 s3, s0;
	s1 =	sshll.u32 s1, $0x11  }
0xbb: {  	s0 =	sor.u32 s1, s0  }
0xbc: {  	s0 =	sadd.s32 $0x8F2B, s0  }
0xbd: {  	[sflag:s0] =	ssyncadd.remote.s32 $0x1  }
0xbe: {  	_ =	sfence.sel $0xFFFF  }
0xbf: {  	[dreg:$0x0] =	wrdreg $0xFFFFFFFF;
	(pc) =	sbr.abs _section_cstart, $3  }
0xc0: {  	[dreg:$0x1] =	wrdreg $0xFFFFFFFF  }
0xc1: {  	_ =	task.clear_ibuf [dreg:s6], $0x2FFFF;
	_ =	strace $0x9FFFFFFF  }
0xc2: {  	(tm) =	ssettm $0x7FFFFFFF  }
0xc3: {  	_ =	shalt  }
tec
execute0_lowered:
.L_overlay_start_1:
0x0: {  	(tag) =	ssettag $0x1  }
0x1: {  	s0 =	rddreg [dreg:$0x0]  }
0x2: {  	s2 =	rddreg [dreg:$0x1]  }
0x3: {  	s1 =	srdreg.scid;
	s5 =	stileid.u32  }
0x4: {  	s3 =	simm.s32 $0x0;
	s15 =	simm.s32 $0x6;
	s18 =	simm.s32 $0x1  }
0x5: {  	s19 =	simm.s32 $0x5;
	s20 =	simm.s32 $0x28;
	s21 =	simm.s32 $0x8CA0  }
0x6: {  	s22 =	simm.s32 $0xA320;
	s23 =	simm.s32 $0xB9A0;
	s24 =	simm.s32 $0x2  }
0x7: {  	s25 =	simm.s32 $0xBC20;
	s1 =	sand.u32 $0x1, s1;
	s7 =	smul.u32 $0x2800, s5  }
0x8: {  	[smem:$0x7FF] =	sst s3;
	s4 =	sadd.s32 $0x9FA00, s0;
	s8 =	sshll.u32 s5, $0x1  }
0x9: {  	s5 =	sadd.s32 $0x51800, s0;
	s6 =	smul.u32 $0x28000, s1;
	s8 =	sor.u32 s1, s8  }
0xa: {  	_ =	strace $0x8000004A;
	s1 =	ssub.s32 $0x2, s1;
	s10 =	smul.u32 $0x1388, s8  }
0xb: {  	s26 =	sshrl.u32 s1, $0x1;
	s30 =	smul.u32 $0x2710, s8;
	s6 =	sadd.s32 s7, s6  }
0xc: {  	s1 =	ssub.s32 s1, s26;
	s9 =	sshrl.u32 s6, $0x3;
	s6 =	sadd.s32 $0xCBA00, s0  }
0xd: {  	s29 =	sshrl.u32 s10, $0x3;
	s10 =	sadd.s32 s5, s30;
	s31 =	smax.u32 s1, $0x1  }
0xe: {  	s0 =	sadd.s32 s9, s0;
	s9 =	sadd.s32 s6, s29;
	[dreg:$0x4] =	wrdreg s10  }
0xf: {  	s28 =	simm.s32 $0x4;
	[dreg:$0x6] =	wrdreg s31;
	s11 =	sadd.s32 $0x4E20, s9  }
0x10: {  	s8 =	smul.u32 $0x7D, s8;
	s0 =	sadd.s32 $0xD5800, s0;
	[dreg:$0x3] =	wrdreg s11  }
0x11: {  	v0 =	vimm.f32 $0.0e+00;
	s7 =	sadd.s32 s7, s2;
	s26 =	simm.s32 $0x3;
	[dreg:$0x5] =	wrdreg s0  }
.LBB2_1:
0x12: {  	s0 =	simm.s32 $0x40;
	s1 =	simm.s32 $0x0  }
.LBB2_2:
0x13: {  	p0 =	sne.s32 s0, $0x9FC0;
	[tilespmem:s1+$0xBEA0] =	vst v0;
	s1 =	smov.u32 s0;
	s0 =	sadd.s32 $0x40, s0  }
.Ltmp0:
0x14: {  	(pc) =	sbr.rel @p0 .LBB2_2-.Ltmp0, $2  }
0x15: {  	_ =	sdelay $0x2  }
0x16: {  	s1 =	sshra.s32 s1, $0x2  }
0x17: {  	[tilespmem:s1+$0xBEA0] =	vst v0;
	s0 =	simm.s32 $0xBEA0  }
0x18: {  	[spmem:s7] =	stream.linear.scatter [tilespmem:s0], [sflag:$0x6], $0x2800, $0x38;
	[tilespmem:$0x10EA0] =	vst v63  }
0x19: {  	_ =	swait.ge [sflag:s15], $0x2800  }
0x1a: {  	[sflag:s15] =	ssyncset.done $0x0  }
0x1b: {  	[sflag:s15] =	ssyncadd.s32 $0xFFFFD800  }
0x1c: {  	s29 =	simm.s32 $0x0;
	[bflag:$0x0] =	sbarrier.arrive $0xFFFF  }
0x1d: {  	[tilespmem:s29], [sflag:$0x5] =	stream.linear.gather [hbm4b:s9+s29], $0x3E8, $0x38;
	[tilespmem:$0x10EA0] =	vst v63  }
0x1e: {  	s17 =	simm.s32 $0x7D0;
	s16 =	rddreg [dreg:$0x3]  }
0x1f: {  	[tilespmem:s17], [sflag:$0x5] =	stream.linear.gather [hbm4b:s16+s29], $0x3E8, $0x38;
	[tilespmem:$0x10EA0] =	vst v63  }
0x20: {  	s31 =	simm.s32 $0xFA0;
	p0 =	por $0x0, $0x0;
	s30 =	rddreg [dreg:$0x4]  }
0x21: {  	[tilespmem:s31], [sflag:$0x5] =	stream.linear.gather [hbm4b:s30+s29], $0x3E80, $0x38;
	[tilespmem:$0x10EA0] =	vst v63  }
.LBB2_4:
0x22: {  	s0 =	smov.u32 s29;
	_ =	swait.ge [sflag:s19], $0x3E8  }
0x23: {  	s29 =	sadd.s32 $0x1, s29;
	[sflag:s19] =	ssyncset.done $0x0;
	p1 =	seq.s32 s0, $0x4  }
0x24: {  	[sflag:s19] =	ssyncadd.s32 $0xFFFFFC18;
	s1 =	smul.u32 @!p1 $0x19, s29  }
0x25: {  	_ =	swait.ge [sflag:s19], $0x3E8  }
0x26: {  	[sflag:s19] =	ssyncset.done $0x0;
	s1 =	sadd.s32 @!p1 s8, s1  }
0x27: {  	s0 =	sand.u32 $0x1, s0;
	[sflag:s19] =	ssyncadd.s32 $0xFFFFFC18;
	s10 =	smul.u32 @!p1 $0x28, s1  }
0x28: {  	s11 =	sand.u32 @!p1 $0x1, s29;
	s13 =	simm.s32 @!p1 $0x0;
	_ =	swait.ge [sflag:s19], $0x3E80  }
0x29: {  	s12 =	smul.u32 @!p1 $0x3E8, s11;
	[sflag:s19] =	ssyncset.done $0x0;
	s10 =	sshrl.u32 @!p1 s10, $0x3  }
0x2a: {  	s11 =	smul.u32 @!p1 $0xFA00, s11;
	[sflag:s19] =	ssyncadd.s32 $0xFFFFC180;
	s10 =	sadd.s32 @!p1 s6, s10  }
0x2b: {  	[tilespmem:s12], [sflag:$0x5] =	stream.linear.gather @!p1 [hbm4b:s10+s13], $0x3E8, $0x38;
	[tilespmem:$0x10EA0] =	vst v63  }
0x2c: {  	s1 =	smul.u32 @!p1 $0x50, s1;
	s12 =	sadd.s32 @!p1 $0x7D0, s12;
	s10 =	sadd.s32 @!p1 $0x4E20, s10  }
0x2d: {  	[tilespmem:s12], [sflag:$0x5] =	stream.linear.gather @!p1 [hbm4b:s10+s13], $0x3E8, $0x38;
	[tilespmem:$0x10EA0] =	vst v63  }
0x2e: {  	s30 =	smul.u32 $0x3E8, s0;
	s11 =	sshrl.u32 @!p1 s11, $0x2;
	s10 =	simm.s32 $0x1  }
0x2f: {  	s0 =	sadd.s32 @!p1 $0xFA0, s11;
	s1 =	sadd.s32 @!p1 s5, s1;
	s10 =	simm.s32 @!p0 $0x0  }
0x30: {  	[tilespmem:s0], [sflag:$0x5] =	stream.linear.gather @!p1 [hbm4b:s1+s13], $0x3E80, $0x38;
	[tilespmem:$0x10EA0] =	vst v63  }
0x31: {  	s10 =	smul.u32 $0xFA00, s10  }
0x32: {  	[tilespmem:s21], [sflag:$0x1] =	stream.indirect.gather [hbm4b:s4+s20], $0x90, s30, s20, $0xb8;
	[tilespmem:$0x10EA0] =	vst v63  }
0x33: {  	s16 =	sadd.s32 $0x7D0, s30;
	s17 =	sshrl.u32 s10, $0x2;
	_ =	swait.ge [sflag:s18], $0x1680  }
0x34: {  	s31 =	sadd.s32 $0x4BD0, s17;
	s0 =	sadd.s32 $0x1250, s17;
	[sflag:s18] =	ssyncset.done $0x0  }
0x35: {  	s14 =	sadd.s32 $0xFC0, s17;
	s17 =	simm.s32 $0x0;
	[sflag:s18] =	ssyncadd.s32 $0xFFFFE980  }
.LBB2_5:
0x36: {  	s1 =	smul.u32 $0x50, s17;
	_ =	sdelay $0x1  }
0x37: {  	s1 =	sadd.s32 $0x28, s1  }
0x38: {  	s10 =	sadd.s32 s1, s30  }
0x39: {  	[tilespmem:s22], [sflag:$0x2] =	stream.indirect.gather [hbm4b:s4+s20], $0x90, s10, s20, $0xb8;
	[tilespmem:$0x10EA0] =	vst v63  }
0x3a: {  	s10 =	simm.s32 $0x8DC0;
	v4 =	vld [tilespmem:s14+$0x10]  }
0x3b: {  	v5 =	vld [tilespmem:s10+$0x90]  }
0x3c: {  	v1 =	vld [tilespmem:s14+$0xFFFFFFF0]  }
0x3d: {  	v6 =	vld [tilespmem:s10+$0x110]  }
0x3e: {  	v2 =	vld [tilespmem:s14+$0x0]  }
0x3f: {  	v8 =	vld [tilespmem:s10+$0xA0];
	v7 =	vbroadcast v4, $0x0  }
0x40: {  	v3 =	vld [tilespmem:s14+$0xFFFFFFE0];
	v9 =	vunpack.i.l.bf16.f32 v5  }
0x41: {  	v10 =	vld [tilespmem:s10+$0xFFFFFEE0];
	v7 =	vmul.f32 v9, v7;
	v9 =	vbroadcast v4, $0x1  }
0x42: {  	v11 =	vld [tilespmem:s10+$0xFFFFFF70];
	v12 =	vbroadcast v1, $0x0;
	v6 =	vunpack.i.l.bf16.f32 v6;
	v5 =	vunpack.i.u.bf16.f32 v5  }
0x43: {  	v6 =	vadd.f32 v7, v6;
	v5 =	vmul.f32 v5, v9;
	v7 =	vbroadcast v4, $0x2;
	v9 =	vld [tilespmem:s10+$0xB0]  }
0x44: {  	v13 =	vbroadcast v1, $0x1;
	v14 =	vbroadcast v2, $0x0;
	v15 =	vunpack.i.l.bf16.f32 v8  }
0x45: {  	v16 =	vld [tilespmem:s10+$0x0];
	v5 =	vadd.f32 v6, v5;
	v6 =	vmul.f32 v15, v7;
	v7 =	vbroadcast v4, $0x3  }
0x46: {  	v17 =	vbroadcast v3, $0x0;
	v8 =	vunpack.i.u.bf16.f32 v8;
	v15 =	vunpack.i.l.bf16.f32 v10  }
0x47: {  	v5 =	vadd.f32 v6, v5;
	v6 =	vmul.f32 v8, v7;
	v7 =	vbroadcast v4, $0x4;
	v8 =	vld [tilespmem:s10+$0xC0]  }
0x48: {  	v15 =	vmul.f32 v15, v17;
	v17 =	vunpack.i.l.bf16.f32 v11;
	v18 =	vunpack.i.l.bf16.f32 v9  }
0x49: {  	v21 =	vld [tilespmem:s10+$0x80];
	v5 =	vadd.f32 v5, v6;
	v6 =	vmul.f32 v18, v7;
	v7 =	vbroadcast v4, $0x5  }
0x4a: {  	v12 =	vmul.f32 v17, v12;
	v17 =	vunpack.i.l.bf16.f32 v16;
	v9 =	vunpack.i.u.bf16.f32 v9  }
0x4b: {  	v5 =	vadd.f32 v6, v5;
	v6 =	vmul.f32 v9, v7;
	v7 =	vbroadcast v4, $0x6;
	v9 =	vld [tilespmem:s10+$0xD0]  }
0x4c: {  	v20 =	vbroadcast v3, $0x1;
	v14 =	vmul.f32 v17, v14;
	v17 =	vunpack.i.l.bf16.f32 v8  }
0x4d: {  	v19 =	vld [tilespmem:s10+$0xFFFFFF60];
	v5 =	vadd.f32 v5, v6;
	v6 =	vmul.f32 v17, v7;
	v7 =	vbroadcast v4, $0x7  }
0x4e: {  	v21 =	vunpack.i.l.bf16.f32 v21;
	v59 =	vbroadcast v3, $0x2;
	v18 =	vld [tilespmem:s10+$0xFFFFFFF0];
	v8 =	vunpack.i.u.bf16.f32 v8  }
0x4f: {  	v5 =	vadd.f32 v6, v5;
	v6 =	vmul.f32 v8, v7;
	v7 =	vbroadcast v4, $0x8;
	v8 =	vld [tilespmem:s10+$0xE0]  }
0x50: {  	v10 =	vunpack.i.u.bf16.f32 v10;
	v11 =	vunpack.i.u.bf16.f32 v11;
	v22 =	vunpack.i.l.bf16.f32 v9  }
0x51: {  	v5 =	vadd.f32 v5, v6;
	v6 =	vmul.f32 v22, v7;
	v7 =	vbroadcast v4, $0x9  }
0x52: {  	v10 =	vmul.f32 v10, v20;
	v17 =	vunpack.i.l.bf16.f32 v19;
	v9 =	vunpack.i.u.bf16.f32 v9  }
0x53: {  	v5 =	vadd.f32 v6, v5;
	v6 =	vmul.f32 v9, v7;
	v7 =	vbroadcast v4, $0xA;
	v9 =	vld [tilespmem:s10+$0xF0]  }
0x54: {  	v18 =	vunpack.i.l.bf16.f32 v18;
	v15 =	vadd.f32 v15, v17;
	v17 =	vunpack.i.l.bf16.f32 v8  }
0x55: {  	v5 =	vadd.f32 v5, v6;
	v6 =	vmul.f32 v17, v7;
	v7 =	vbroadcast v4, $0xB  }
0x56: {  	v16 =	vunpack.i.u.bf16.f32 v16;
	v12 =	vadd.f32 v12, v18;
	v8 =	vunpack.i.u.bf16.f32 v8  }
0x57: {  	v18 =	vld [tilespmem:s10+$0xFFFFFF80];
	v5 =	vadd.f32 v6, v5;
	v6 =	vmul.f32 v8, v7;
	v7 =	vbroadcast v4, $0xC  }
0x58: {  	v11 =	vmul.f32 v11, v13;
	v19 =	vbroadcast v2, $0x1;
	v8 =	vld [tilespmem:s10+$0x100];
	v13 =	vunpack.i.l.bf16.f32 v9  }
0x59: {  	v17 =	vld [tilespmem:s10+$0xFFFFFEF0];
	v5 =	vadd.f32 v5, v6;
	v6 =	vmul.f32 v13, v7;
	v7 =	vbroadcast v4, $0xD  }
0x5a: {  	v14 =	vadd.f32 v14, v21;
	v16 =	vmul.f32 v16, v19;
	v9 =	vunpack.i.u.bf16.f32 v9;
	v13 =	vld [tilespmem:s10+$0x10]  }
0x5b: {  	v19 =	vbroadcast v2, $0x2;
	v5 =	vadd.f32 v6, v5;
	v6 =	vmul.f32 v9, v7  }
0x5c: {  	v61 =	vunpack.i.l.bf16.f32 v18;
	v7 =	vbroadcast v4, $0xE;
	v9 =	vbroadcast v1, $0x2  }
0x5d: {  	v4 =	vbroadcast v4, $0xF;
	v60 =	vunpack.i.l.bf16.f32 v8;
	v8 =	vunpack.i.u.bf16.f32 v8  }
0x5e: {  	v5 =	vadd.f32 v5, v6;
	v6 =	vmul.f32 v60, v7;
	v7 =	vunpack.i.l.bf16.f32 v17  }
0x5f: {  	v4 =	vmul.f32 v8, v4;
	v9 =	vmul.f32 v61, v9;
	v62 =	vunpack.i.l.bf16.f32 v13  }
0x60: {  	v8 =	vmul.f32 v7, v59;
	v5 =	vadd.f32 v6, v5;
	v6 =	vadd.f32 v15, v10  }
0x61: {  	v10 =	vadd.f32 v12, v11;
	v12 =	vadd.f32 v14, v16;
	v14 =	vbroadcast v3, $0x3  }
0x62: {  	v15 =	vmul.f32 v62, v19;
	v19 =	vbroadcast v2, $0x3  }
0x63: {  	v11 =	vld [tilespmem:s10+$0xFFFFFF00];
	v7 =	vadd.f32 v5, v4;
	v5 =	vunpack.i.u.bf16.f32 v17;
	v17 =	vunpack.i.u.bf16.f32 v18  }
0x64: {  	v16 =	vld [tilespmem:s10+$0x20];
	v18 =	vbroadcast v1, $0x3;
	v6 =	vadd.f32 v8, v6;
	v8 =	vadd.f32 v9, v10  }
0x65: {  	v4 =	vld [tilespmem:s10+$0xFFFFFF90];
	v9 =	vunpack.i.u.bf16.f32 v13;
	v5 =	vmul.f32 v5, v14;
	v14 =	vbroadcast v3, $0x4  }
0x66: {  	v9 =	vmul.f32 v9, v19;
	v19 =	vbroadcast v2, $0x5  }
0x67: {  	v12 =	vadd.f32 v15, v12;
	v10 =	vmul.f32 v17, v18;
	v17 =	vbroadcast v1, $0x4  }
0x68: {  	v18 =	vbroadcast v2, $0x4;
	v13 =	vunpack.i.l.bf16.f32 v11;
	v5 =	vadd.f32 v6, v5  }
0x69: {  	v9 =	vadd.f32 v12, v9;
	v11 =	vunpack.i.u.bf16.f32 v11;
	v6 =	vadd.f32 v8, v10  }
0x6a: {  	v8 =	vunpack.i.l.bf16.f32 v16;
	v13 =	vmul.f32 v13, v14;
	v15 =	vunpack.i.l.bf16.f32 v4  }
0x6b: {  	v12 =	vld [tilespmem:s10+$0xFFFFFFA0];
	v8 =	vmul.f32 v8, v18;
	v4 =	vunpack.i.u.bf16.f32 v4;
	v18 =	vbroadcast v1, $0x5  }
0x6c: {  	v10 =	vld [tilespmem:s10+$0xFFFFFF10];
	v14 =	vmul.f32 v15, v17;
	v15 =	vbroadcast v3, $0x5;
	v5 =	vadd.f32 v13, v5  }
0x6d: {  	v17 =	vld [tilespmem:s10+$0x30];
	v13 =	vunpack.i.u.bf16.f32 v16;
	v16 =	vbroadcast v1, $0x6;
	v4 =	vmul.f32 v4, v18  }
0x6e: {  	v8 =	vadd.f32 v8, v9;
	v13 =	vmul.f32 v13, v19;
	v18 =	vbroadcast v2, $0x6  }
0x6f: {  	v19 =	vbroadcast v2, $0x7;
	v6 =	vadd.f32 v14, v6;
	v11 =	vmul.f32 v11, v15  }
0x70: {  	v14 =	vbroadcast v3, $0x6;
	v15 =	vunpack.i.l.bf16.f32 v12;
	v8 =	vadd.f32 v8, v13  }
0x71: {  	v9 =	vunpack.i.l.bf16.f32 v10;
	v5 =	vadd.f32 v5, v11;
	v4 =	vadd.f32 v6, v4  }
0x72: {  	v9 =	vmul.f32 v9, v14;
	v14 =	vmul.f32 v15, v16;
	v6 =	vunpack.i.l.bf16.f32 v17  }
0x73: {  	v13 =	vld [tilespmem:s10+$0xFFFFFFB0];
	v10 =	vunpack.i.u.bf16.f32 v10;
	v15 =	vbroadcast v3, $0x7;
	v6 =	vmul.f32 v6, v18  }
0x74: {  	v11 =	vld [tilespmem:s10+$0xFFFFFF20];
	v18 =	vbroadcast v1, $0x7;
	v5 =	vadd.f32 v9, v5;
	v4 =	vadd.f32 v14, v4  }
0x75: {  	v16 =	vld [tilespmem:s10+$0x40];
	v9 =	vunpack.i.u.bf16.f32 v17;
	v10 =	vmul.f32 v10, v15;
	v14 =	vbroadcast v3, $0x8  }
0x76: {  	v12 =	vunpack.i.u.bf16.f32 v12;
	v17 =	vbroadcast v1, $0x8;
	v9 =	vmul.f32 v9, v19  }
0x77: {  	v19 =	vbroadcast v2, $0x9;
	v12 =	vmul.f32 v12, v18  }
0x78: {  	v6 =	vadd.f32 v6, v8;
	v15 =	vunpack.i.l.bf16.f32 v13;
	v18 =	vbroadcast v2, $0x8  }
0x79: {  	v5 =	vadd.f32 v5, v10;
	v13 =	vunpack.i.u.bf16.f32 v13;
	v8 =	vunpack.i.l.bf16.f32 v11  }
0x7a: {  	v10 =	vunpack.i.l.bf16.f32 v16;
	v11 =	vunpack.i.u.bf16.f32 v11;
	v8 =	vmul.f32 v8, v14  }
0x7b: {  	v4 =	vadd.f32 v4, v12;
	v12 =	vld [tilespmem:s10+$0xFFFFFF30];
	v14 =	vmul.f32 v15, v17;
	v15 =	vbroadcast v3, $0x9  }
0x7c: {  	v6 =	vadd.f32 v6, v9;
	v9 =	vld [tilespmem:s10+$0xFFFFFFC0];
	v10 =	vmul.f32 v10, v18;
	v18 =	vbroadcast v1, $0x9  }
0x7d: {  	v17 =	vld [tilespmem:s10+$0x50];
	v5 =	vadd.f32 v8, v5;
	v4 =	vadd.f32 v14, v4;
	v11 =	vmul.f32 v11, v15  }
0x7e: {  	v8 =	vunpack.i.u.bf16.f32 v16;
	v13 =	vmul.f32 v13, v18;
	v14 =	vbroadcast v3, $0xA  }
0x7f: {  	v6 =	vadd.f32 v10, v6;
	v16 =	vbroadcast v1, $0xA;
	v18 =	vbroadcast v2, $0xA  }
0x80: {  	v8 =	vmul.f32 v8, v19;
	v19 =	vbroadcast v2, $0xB;
	v5 =	vadd.f32 v5, v11  }
0x81: {  	v4 =	vadd.f32 v4, v13;
	v10 =	vunpack.i.l.bf16.f32 v12;
	v15 =	vunpack.i.l.bf16.f32 v9  }
0x82: {  	v11 =	vunpack.i.l.bf16.f32 v17;
	v6 =	vadd.f32 v6, v8;
	v10 =	vmul.f32 v10, v14  }
0x83: {  	v13 =	vld [tilespmem:s10+$0xFFFFFF40];
	v12 =	vunpack.i.u.bf16.f32 v12;
	v14 =	vmul.f32 v15, v16;
	v15 =	vbroadcast v3, $0xB  }
0x84: {  	v8 =	vld [tilespmem:s10+$0xFFFFFFD0];
	v9 =	vunpack.i.u.bf16.f32 v9;
	v11 =	vmul.f32 v11, v18;
	v18 =	vbroadcast v1, $0xB  }
0x85: {  	v16 =	vld [tilespmem:s10+$0x60];
	v5 =	vadd.f32 v10, v5;
	v4 =	vadd.f32 v14, v4;
	v12 =	vmul.f32 v12, v15  }
0x86: {  	v10 =	vunpack.i.u.bf16.f32 v17;
	v9 =	vmul.f32 v9, v18;
	v14 =	vbroadcast v3, $0xC  }
0x87: {  	v6 =	vadd.f32 v11, v6;
	v17 =	vbroadcast v1, $0xC;
	v18 =	vbroadcast v2, $0xC  }
0x88: {  	v11 =	vunpack.i.l.bf16.f32 v13;
	v10 =	vmul.f32 v10, v19;
	v13 =	vunpack.i.u.bf16.f32 v13  }
0x89: {  	v19 =	vbroadcast v2, $0xD;
	v15 =	vunpack.i.l.bf16.f32 v8;
	v12 =	vadd.f32 v5, v12  }
0x8a: {  	v9 =	vadd.f32 v4, v9;
	v5 =	vld [tilespmem:s10+$0xFFFFFF50];
	v11 =	vmul.f32 v11, v14;
	v4 =	vunpack.i.l.bf16.f32 v16  }
0x8b: {  	v14 =	vmul.f32 v15, v17;
	v10 =	vadd.f32 v6, v10;
	v6 =	vld [tilespmem:s10+$0xFFFFFFE0];
	v15 =	vbroadcast v3, $0xD  }
0x8c: {  	v8 =	vunpack.i.u.bf16.f32 v8;
	v17 =	vmul.f32 v4, v18;
	v4 =	vld [tilespmem:s10+$0x70];
	v18 =	vbroadcast v1, $0xD  }
0x8d: {  	v63 =	vadd.f32 v11, v12;
	v11 =	vunpack.i.u.bf16.f32 v16;
	v16 =	vmul.f32 v13, v15  }
0x8e: {  	v9 =	vadd.f32 v14, v9;
	v14 =	vbroadcast v3, $0xE;
	v13 =	vmul.f32 v11, v19  }
0x8f: {  	v11 =	vbroadcast v2, $0xE;
	v18 =	vmul.f32 v8, v18;
	v10 =	vadd.f32 v17, v10  }
0x90: {  	s11 =	simm.s32 $0xB9C0;
	v17 =	vbroadcast v1, $0xE;
	v12 =	vunpack.i.l.bf16.f32 v5;
	v8 =	vadd.f32 v63, v16  }
0x91: {  	s12 =	simm.s32 $0x0;
	s13 =	sadd.s32 $0x40, s14;
	[tilespmem:s11+$0x10] =	vst v7;
	v15 =	vunpack.i.l.bf16.f32 v6;
	v7 =	vadd.f32 v9, v18;
	v16 =	vunpack.i.l.bf16.f32 v4  }
.LBB2_6:
0x92: {  	v9 =	vld [tilespmem:s13+$0x10];
	s12 =	sadd.s32 $0x4, s12;
	v12 =	vmul.f32 v12, v14;
	v14 =	vmul.f32 v15, v17;
	v10 =	vadd.f32 v10, v13;
	s10 =	sadd.s32 $0x240, s10  }
0x93: {  	v5 =	vunpack.i.u.bf16.f32 v5;
	v3 =	vbroadcast v3, $0xF;
	v11 =	vmul.f32 v16, v11;
	v13 =	vld [tilespmem:s10+$0x90];
	p1 =	slt.u32 s12, $0x24  }
0x94: {  	v6 =	vunpack.i.u.bf16.f32 v6;
	v15 =	vbroadcast v1, $0xF;
	v16 =	vbroadcast v2, $0xF;
	v1 =	vld [tilespmem:s13+$0xFFFFFFF0]  }
0x95: {  	v4 =	vunpack.i.u.bf16.f32 v4;
	v8 =	vadd.f32 v12, v8;
	v7 =	vadd.f32 v14, v7;
	v17 =	vld [tilespmem:s10+$0x110]  }
0x96: {  	v5 =	vmul.f32 v5, v3;
	v6 =	vmul.f32 v6, v15;
	v10 =	vadd.f32 v11, v10;
	v2 =	vld [tilespmem:s13+$0x0]  }
0x97: {  	v4 =	vmul.f32 v4, v16;
	v11 =	vbroadcast v9, $0x0;
	v12 =	vld [tilespmem:s10+$0xA0]  }
0x98: {  	v5 =	vadd.f32 v8, v5;
	v6 =	vadd.f32 v7, v6;
	v3 =	vld [tilespmem:s13+$0xFFFFFFE0];
	v14 =	vunpack.i.l.bf16.f32 v13  }
0x99: {  	v4 =	vadd.f32 v10, v4;
	v7 =	vld [tilespmem:s10+$0xFFFFFEE0];
	v8 =	vmul.f32 v14, v11;
	v11 =	vbroadcast v9, $0x1  }
0x9a: {  	v13 =	vunpack.i.u.bf16.f32 v13;
	v14 =	vbroadcast v1, $0x0;
	v10 =	vld [tilespmem:s10+$0xFFFFFF70];
	v15 =	vunpack.i.l.bf16.f32 v17;
	[tilespmem:s11+$0xFFFFFFE0] =	vst v5  }
0x9b: {  	v5 =	vadd.f32 v8, v15;
	v8 =	vmul.f32 v13, v11;
	v11 =	vbroadcast v9, $0x2;
	v13 =	vld [tilespmem:s10+$0xB0];
	[tilespmem:s11+$0xFFFFFFF0] =	vst v6  }
0x9c: {  	v6 =	vbroadcast v1, $0x1;
	v16 =	vbroadcast v2, $0x0;
	v15 =	vld [tilespmem:s10+$0x0];
	v17 =	vunpack.i.l.bf16.f32 v12;
	[tilespmem:s11+$0x0] =	vst v4  }
0x9d: {  	v4 =	vld [tilespmem:s10+$0xFFFFFF60];
	v5 =	vadd.f32 v5, v8;
	v8 =	vmul.f32 v17, v11;
	v11 =	vbroadcast v9, $0x3  }
0x9e: {  	v12 =	vunpack.i.u.bf16.f32 v12;
	v18 =	vbroadcast v3, $0x0;
	v17 =	vunpack.i.l.bf16.f32 v7;
	v21 =	vld [tilespmem:s10+$0xFFFFFFF0]  }
0x9f: {  	v5 =	vadd.f32 v8, v5;
	v8 =	vmul.f32 v12, v11;
	v11 =	vbroadcast v9, $0x4;
	v12 =	vld [tilespmem:s10+$0xC0]  }
0xa0: {  	v18 =	vmul.f32 v17, v18;
	v17 =	vunpack.i.l.bf16.f32 v10;
	v22 =	vld [tilespmem:s10+$0x80];
	v19 =	vunpack.i.l.bf16.f32 v13  }
0xa1: {  	v23 =	vld [tilespmem:s10+$0xFFFFFEF0];
	v5 =	vadd.f32 v5, v8;
	v8 =	vmul.f32 v19, v11;
	v11 =	vbroadcast v9, $0x5  }
0xa2: {  	v14 =	vmul.f32 v17, v14;
	v13 =	vunpack.i.u.bf16.f32 v13;
	v17 =	vunpack.i.l.bf16.f32 v15;
	v24 =	vld [tilespmem:s10+$0xFFFFFF80]  }
0xa3: {  	v5 =	vadd.f32 v8, v5;
	v8 =	vmul.f32 v13, v11;
	v11 =	vbroadcast v9, $0x6;
	v13 =	vld [tilespmem:s10+$0xD0]  }
0xa4: {  	v25 =	vbroadcast v3, $0x1;
	v26 =	vmul.f32 v17, v16;
	v27 =	vld [tilespmem:s10+$0x10];
	v16 =	vunpack.i.l.bf16.f32 v12  }
0xa5: {  	v19 =	vld [tilespmem:s10+$0xFFFFFF00];
	v5 =	vadd.f32 v5, v8;
	v8 =	vmul.f32 v16, v11;
	v11 =	vbroadcast v9, $0x7  }
0xa6: {  	v28 =	vbroadcast v2, $0x1;
	v4 =	vunpack.i.l.bf16.f32 v4;
	v12 =	vunpack.i.u.bf16.f32 v12;
	v20 =	vld [tilespmem:s10+$0xFFFFFF90]  }
0xa7: {  	v5 =	vadd.f32 v8, v5;
	v8 =	vmul.f32 v12, v11;
	v11 =	vbroadcast v9, $0x8;
	v12 =	vld [tilespmem:s10+$0xE0]  }
0xa8: {  	v7 =	vunpack.i.u.bf16.f32 v7;
	v29 =	vunpack.i.l.bf16.f32 v21;
	v21 =	vld [tilespmem:s10+$0x20];
	v17 =	vunpack.i.l.bf16.f32 v13  }
0xa9: {  	v16 =	vld [tilespmem:s10+$0xFFFFFF10];
	v5 =	vadd.f32 v5, v8;
	v8 =	vmul.f32 v17, v11;
	v11 =	vbroadcast v9, $0x9  }
0xaa: {  	v10 =	vunpack.i.u.bf16.f32 v10;
	v22 =	vunpack.i.l.bf16.f32 v22;
	v13 =	vunpack.i.u.bf16.f32 v13;
	v17 =	vld [tilespmem:s10+$0xFFFFFFA0]  }
0xab: {  	v5 =	vadd.f32 v8, v5;
	v8 =	vmul.f32 v13, v11;
	v11 =	vbroadcast v9, $0xA;
	v30 =	vld [tilespmem:s10+$0xF0]  }
0xac: {  	v31 =	vunpack.i.u.bf16.f32 v15;
	v4 =	vadd.f32 v18, v4;
	v18 =	vld [tilespmem:s10+$0x30];
	v15 =	vunpack.i.l.bf16.f32 v12  }
0xad: {  	v13 =	vld [tilespmem:s10+$0xFFFFFF20];
	v5 =	vadd.f32 v5, v8;
	v8 =	vmul.f32 v15, v11;
	v11 =	vbroadcast v9, $0xB  }
0xae: {  	v29 =	vadd.f32 v14, v29;
	v22 =	vadd.f32 v26, v22;
	v12 =	vunpack.i.u.bf16.f32 v12;
	v14 =	vld [tilespmem:s10+$0xFFFFFFB0]  }
0xaf: {  	v5 =	vadd.f32 v8, v5;
	v8 =	vmul.f32 v12, v11;
	v11 =	vbroadcast v9, $0xC;
	v26 =	vld [tilespmem:s10+$0x100]  }
0xb0: {  	v25 =	vmul.f32 v7, v25;
	v6 =	vmul.f32 v10, v6;
	v15 =	vld [tilespmem:s10+$0x40];
	v7 =	vunpack.i.l.bf16.f32 v30  }
0xb1: {  	v10 =	vld [tilespmem:s10+$0xFFFFFF30];
	v5 =	vadd.f32 v5, v8;
	v7 =	vmul.f32 v7, v11;
	v8 =	vbroadcast v9, $0xD  }
0xb2: {  	v32 =	vbroadcast v3, $0x2;
	v28 =	vmul.f32 v31, v28;
	v30 =	vunpack.i.u.bf16.f32 v30;
	v12 =	vld [tilespmem:s10+$0xFFFFFFC0]  }
0xb3: {  	v31 =	vbroadcast v9, $0xE;
	v11 =	vld [tilespmem:s10+$0x50];
	v5 =	vadd.f32 v7, v5;
	v30 =	vmul.f32 v30, v8  }
0xb4: {  	v33 =	vbroadcast v1, $0x2;
	v34 =	vbroadcast v2, $0x2;
	v7 =	vld [tilespmem:s10+$0xFFFFFF40];
	v35 =	vunpack.i.l.bf16.f32 v26  }
0xb5: {  	v8 =	vld [tilespmem:s10+$0xFFFFFFD0];
	v30 =	vadd.f32 v5, v30;
	v31 =	vmul.f32 v35, v31;
	v35 =	vbroadcast v9, $0xF  }
0xb6: {  	v36 =	vunpack.i.l.bf16.f32 v23;
	v37 =	vunpack.i.l.bf16.f32 v24;
	v26 =	vunpack.i.u.bf16.f32 v26;
	v9 =	vld [tilespmem:s10+$0x60]  }
0xb7: {  	v38 =	vunpack.i.l.bf16.f32 v27;
	v5 =	vld [tilespmem:s10+$0xFFFFFF50];
	v30 =	vadd.f32 v31, v30;
	v26 =	vmul.f32 v26, v35  }
0xb8: {  	v25 =	vadd.f32 v4, v25;
	v29 =	vadd.f32 v29, v6;
	v31 =	vmul.f32 v36, v32;
	v6 =	vld [tilespmem:s10+$0xFFFFFFE0]  }
0xb9: {  	v22 =	vadd.f32 v22, v28;
	v32 =	vmul.f32 v37, v33;
	v4 =	vld [tilespmem:s10+$0x70];
	v26 =	vadd.f32 v30, v26  }
0xba: {  	s11 =	sadd.s32 $0x40, s11;
	v23 =	vunpack.i.u.bf16.f32 v23;
	v28 =	vbroadcast v3, $0x3;
	v30 =	vmul.f32 v38, v34  }
0xbb: {  	v24 =	vunpack.i.u.bf16.f32 v24;
	v33 =	vbroadcast v1, $0x3;
	v34 =	vbroadcast v2, $0x3;
	[tilespmem:s11+$0x10] =	vst v26  }
0xbc: {  	v27 =	vunpack.i.u.bf16.f32 v27;
	v25 =	vadd.f32 v31, v25;
	v26 =	vadd.f32 v32, v29  }
0xbd: {  	v23 =	vmul.f32 v23, v28;
	v24 =	vmul.f32 v24, v33;
	v22 =	vadd.f32 v30, v22  }
0xbe: {  	v28 =	vunpack.i.l.bf16.f32 v19;
	v29 =	vbroadcast v3, $0x4;
	v27 =	vmul.f32 v27, v34  }
0xbf: {  	v31 =	vbroadcast v1, $0x4;
	v30 =	vunpack.i.l.bf16.f32 v20;
	v32 =	vbroadcast v2, $0x4  }
0xc0: {  	v23 =	vadd.f32 v25, v23;
	v25 =	vunpack.i.l.bf16.f32 v21;
	v24 =	vadd.f32 v26, v24  }
0xc1: {  	v26 =	vmul.f32 v28, v29;
	v28 =	vmul.f32 v30, v31;
	v22 =	vadd.f32 v22, v27  }
0xc2: {  	v19 =	vunpack.i.u.bf16.f32 v19;
	v27 =	vbroadcast v3, $0x5;
	v25 =	vmul.f32 v25, v32  }
0xc3: {  	v20 =	vunpack.i.u.bf16.f32 v20;
	v29 =	vbroadcast v1, $0x5;
	v30 =	vbroadcast v2, $0x5  }
0xc4: {  	v21 =	vunpack.i.u.bf16.f32 v21;
	v23 =	vadd.f32 v26, v23;
	v24 =	vadd.f32 v28, v24  }
0xc5: {  	v19 =	vmul.f32 v19, v27;
	v20 =	vmul.f32 v20, v29;
	v22 =	vadd.f32 v25, v22  }
0xc6: {  	v25 =	vunpack.i.l.bf16.f32 v16;
	v26 =	vbroadcast v3, $0x6;
	v21 =	vmul.f32 v21, v30  }
0xc7: {  	v27 =	vunpack.i.l.bf16.f32 v17;
	v28 =	vbroadcast v1, $0x6;
	v29 =	vbroadcast v2, $0x6  }
0xc8: {  	v19 =	vadd.f32 v23, v19;
	v20 =	vadd.f32 v24, v20;
	v23 =	vunpack.i.l.bf16.f32 v18  }
0xc9: {  	v24 =	vmul.f32 v25, v26;
	v25 =	vmul.f32 v27, v28;
	v21 =	vadd.f32 v22, v21  }
0xca: {  	v16 =	vunpack.i.u.bf16.f32 v16;
	v22 =	vbroadcast v3, $0x7;
	v23 =	vmul.f32 v23, v29  }
0xcb: {  	v17 =	vunpack.i.u.bf16.f32 v17;
	v26 =	vbroadcast v1, $0x7;
	v27 =	vbroadcast v2, $0x7  }
0xcc: {  	v18 =	vunpack.i.u.bf16.f32 v18;
	v19 =	vadd.f32 v24, v19;
	v20 =	vadd.f32 v25, v20  }
0xcd: {  	v16 =	vmul.f32 v16, v22;
	v17 =	vmul.f32 v17, v26;
	v21 =	vadd.f32 v23, v21  }
0xce: {  	v22 =	vunpack.i.l.bf16.f32 v13;
	v18 =	vmul.f32 v18, v27;
	v23 =	vbroadcast v3, $0x8  }
0xcf: {  	v24 =	vunpack.i.l.bf16.f32 v14;
	v25 =	vbroadcast v1, $0x8;
	v26 =	vbroadcast v2, $0x8  }
0xd0: {  	v16 =	vadd.f32 v19, v16;
	v17 =	vadd.f32 v20, v17;
	v19 =	vunpack.i.l.bf16.f32 v15  }
0xd1: {  	v20 =	vmul.f32 v22, v23;
	v22 =	vmul.f32 v24, v25;
	v18 =	vadd.f32 v21, v18  }
0xd2: {  	v13 =	vunpack.i.u.bf16.f32 v13;
	v21 =	vbroadcast v3, $0x9;
	v19 =	vmul.f32 v19, v26  }
0xd3: {  	v14 =	vunpack.i.u.bf16.f32 v14;
	v23 =	vbroadcast v1, $0x9;
	v24 =	vbroadcast v2, $0x9  }
0xd4: {  	v15 =	vunpack.i.u.bf16.f32 v15;
	v16 =	vadd.f32 v20, v16;
	v17 =	vadd.f32 v22, v17  }
0xd5: {  	v13 =	vmul.f32 v13, v21;
	v14 =	vmul.f32 v14, v23;
	v18 =	vadd.f32 v19, v18  }
0xd6: {  	v19 =	vunpack.i.l.bf16.f32 v10;
	v20 =	vbroadcast v3, $0xA;
	v15 =	vmul.f32 v15, v24  }
0xd7: {  	v21 =	vunpack.i.l.bf16.f32 v12;
	v22 =	vbroadcast v1, $0xA;
	v23 =	vbroadcast v2, $0xA  }
0xd8: {  	v13 =	vadd.f32 v16, v13;
	v14 =	vadd.f32 v17, v14;
	v16 =	vunpack.i.l.bf16.f32 v11  }
0xd9: {  	v17 =	vmul.f32 v19, v20;
	v19 =	vmul.f32 v21, v22;
	v15 =	vadd.f32 v18, v15  }
0xda: {  	v10 =	vunpack.i.u.bf16.f32 v10;
	v18 =	vbroadcast v3, $0xB;
	v16 =	vmul.f32 v16, v23  }
0xdb: {  	v12 =	vunpack.i.u.bf16.f32 v12;
	v20 =	vbroadcast v1, $0xB;
	v21 =	vbroadcast v2, $0xB  }
0xdc: {  	v11 =	vunpack.i.u.bf16.f32 v11;
	v13 =	vadd.f32 v17, v13;
	v14 =	vadd.f32 v19, v14  }
0xdd: {  	v10 =	vmul.f32 v10, v18;
	v12 =	vmul.f32 v12, v20;
	v15 =	vadd.f32 v16, v15  }
0xde: {  	v17 =	vbroadcast v3, $0xC;
	v11 =	vmul.f32 v11, v21;
	v16 =	vunpack.i.l.bf16.f32 v7  }
0xdf: {  	v18 =	vunpack.i.l.bf16.f32 v8;
	v19 =	vbroadcast v1, $0xC;
	v20 =	vbroadcast v2, $0xC  }
0xe0: {  	v10 =	vadd.f32 v13, v10;
	v12 =	vadd.f32 v14, v12;
	v13 =	vunpack.i.l.bf16.f32 v9  }
0xe1: {  	v14 =	vmul.f32 v16, v17;
	v16 =	vmul.f32 v18, v19;
	v11 =	vadd.f32 v15, v11  }
0xe2: {  	v7 =	vunpack.i.u.bf16.f32 v7;
	v15 =	vbroadcast v3, $0xD;
	v13 =	vmul.f32 v13, v20  }
0xe3: {  	v8 =	vunpack.i.u.bf16.f32 v8;
	v17 =	vbroadcast v1, $0xD;
	v18 =	vbroadcast v2, $0xD  }
.Ltmp1:
0xe4: {  	v9 =	vunpack.i.u.bf16.f32 v9;
	v19 =	vadd.f32 v14, v10;
	v16 =	vadd.f32 v16, v12;
	(pc) =	sbr.rel @p1 .LBB2_6-.Ltmp1, $4  }
0xe5: {  	v20 =	vmul.f32 v8, v17;
	v7 =	vmul.f32 v7, v15;
	v10 =	vadd.f32 v13, v11  }
0xe6: {  	v12 =	vunpack.i.l.bf16.f32 v5;
	v14 =	vbroadcast v3, $0xE;
	v13 =	vmul.f32 v9, v18  }
0xe7: {  	v17 =	vbroadcast v1, $0xE;
	v15 =	vunpack.i.l.bf16.f32 v6;
	v11 =	vbroadcast v2, $0xE  }
0xe8: {  	s13 =	sadd.s32 $0x40, s13;
	v8 =	vadd.f32 v19, v7;
	v7 =	vadd.f32 v16, v20;
	v16 =	vunpack.i.l.bf16.f32 v4  }
0xe9: {  	v9 =	vmul.f32 v12, v14;
	v12 =	vmul.f32 v15, v17  }
0xea: {  	v10 =	vadd.f32 v10, v13;
	v5 =	vunpack.i.u.bf16.f32 v5;
	v3 =	vbroadcast v3, $0xF  }
0xeb: {  	v11 =	vmul.f32 v16, v11;
	v6 =	vunpack.i.u.bf16.f32 v6;
	v1 =	vbroadcast v1, $0xF  }
0xec: {  	v2 =	vbroadcast v2, $0xF;
	v8 =	vadd.f32 v9, v8;
	v3 =	vmul.f32 v5, v3  }
0xed: {  	v4 =	vunpack.i.u.bf16.f32 v4;
	v5 =	vadd.f32 v12, v7;
	v1 =	vmul.f32 v6, v1  }
0xee: {  	v6 =	vadd.f32 v11, v10;
	v2 =	vmul.f32 v4, v2;
	v3 =	vadd.f32 v8, v3  }
0xef: {  	s10 =	smul.u32 $0x140, s17;
	v1 =	vadd.f32 v5, v1  }
0xf0: {  	v2 =	vadd.f32 v6, v2;
	[tilespmem:s11+$0xFFFFFFE0] =	vst v3  }
0xf1: {  	s10 =	sshra.s32 s10, $0x2;
	[tilespmem:s11+$0xFFFFFFF0] =	vst v1  }
0xf2: {  	s13 =	sadd.s32 s10, s16;
	[tilespmem:s11+$0x0] =	vst v2  }
0xf3: {  	[spmem:s2] =	stream.indirect.scatter.add.f32 [tilespmem:s23], [sflag:$0x3], $0x10, s13, s20, $0xb8;
	[tilespmem:$0x10EA0] =	vst v63  }
0xf4: {  	_ =	swait.ge [sflag:s24], $0x1680  }
0xf5: {  	s10 =	sadd.s32 s10, s30;
	[sflag:s24] =	ssyncset.done $0x0  }
0xf6: {  	s10 =	sadd.s32 $0x50, s10;
	[sflag:s24] =	ssyncadd.s32 $0xFFFFE980  }
0xf7: {  	[tilespmem:s21], [sflag:$0x1] =	stream.indirect.gather [hbm4b:s4+s20], $0x90, s10, s20, $0xb8;
	[tilespmem:$0x10EA0] =	vst v63  }
0xf8: {  	s10 =	simm.s32 $0xA550;
	v4 =	vld [tilespmem:s0+$0x0]  }
0xf9: {  	v5 =	vld [tilespmem:s10+$0xFFFFFF80]  }
0xfa: {  	v1 =	vld [tilespmem:s0+$0xFFFFFFE0]  }
0xfb: {  	v6 =	vld [tilespmem:s10+$0x0]  }
0xfc: {  	v2 =	vld [tilespmem:s0+$0xFFFFFFF0]  }
0xfd: {  	v8 =	vld [tilespmem:s10+$0xFFFFFF90];
	v7 =	vbroadcast v4, $0x0  }
0xfe: {  	v3 =	vld [tilespmem:s0+$0xFFFFFFD0];
	v9 =	vunpack.i.l.bf16.f32 v5  }
0xff: {  	v10 =	vld [tilespmem:s10+$0xFFFFFDD0];
	v7 =	vmul.f32 v9, v7;
	v9 =	vbroadcast v4, $0x1  }
0x100: {  	v11 =	vld [tilespmem:s10+$0xFFFFFE60];
	v12 =	vbroadcast v1, $0x0;
	v6 =	vunpack.i.l.bf16.f32 v6;
	v5 =	vunpack.i.u.bf16.f32 v5  }
0x101: {  	v6 =	vadd.f32 v7, v6;
	v5 =	vmul.f32 v5, v9;
	v7 =	vbroadcast v4, $0x2;
	v9 =	vld [tilespmem:s10+$0xFFFFFFA0]  }
0x102: {  	v13 =	vbroadcast v1, $0x1;
	v14 =	vbroadcast v2, $0x0;
	v15 =	vunpack.i.l.bf16.f32 v8  }
0x103: {  	v16 =	vld [tilespmem:s10+$0xFFFFFEF0];
	v5 =	vadd.f32 v6, v5;
	v6 =	vmul.f32 v15, v7;
	v7 =	vbroadcast v4, $0x3  }
0x104: {  	v17 =	vbroadcast v3, $0x0;
	v8 =	vunpack.i.u.bf16.f32 v8;
	v15 =	vunpack.i.l.bf16.f32 v10  }
0x105: {  	v5 =	vadd.f32 v6, v5;
	v6 =	vmul.f32 v8, v7;
	v7 =	vbroadcast v4, $0x4;
	v8 =	vld [tilespmem:s10+$0xFFFFFFB0]  }
0x106: {  	v15 =	vmul.f32 v15, v17;
	v17 =	vunpack.i.l.bf16.f32 v11;
	v18 =	vunpack.i.l.bf16.f32 v9  }
0x107: {  	v21 =	vld [tilespmem:s10+$0xFFFFFF70];
	v5 =	vadd.f32 v5, v6;
	v6 =	vmul.f32 v18, v7;
	v7 =	vbroadcast v4, $0x5  }
0x108: {  	v12 =	vmul.f32 v17, v12;
	v17 =	vunpack.i.l.bf16.f32 v16;
	v9 =	vunpack.i.u.bf16.f32 v9  }
0x109: {  	v5 =	vadd.f32 v6, v5;
	v6 =	vmul.f32 v9, v7;
	v7 =	vbroadcast v4, $0x6;
	v9 =	vld [tilespmem:s10+$0xFFFFFFC0]  }
0x10a: {  	v20 =	vbroadcast v3, $0x1;
	v14 =	vmul.f32 v17, v14;
	v17 =	vunpack.i.l.bf16.f32 v8  }
0x10b: {  	v19 =	vld [tilespmem:s10+$0xFFFFFE50];
	v5 =	vadd.f32 v5, v6;
	v6 =	vmul.f32 v17, v7;
	v7 =	vbroadcast v4, $0x7  }
0x10c: {  	v21 =	vunpack.i.l.bf16.f32 v21;
	v59 =	vbroadcast v3, $0x2;
	v18 =	vld [tilespmem:s10+$0xFFFFFEE0];
	v8 =	vunpack.i.u.bf16.f32 v8  }
0x10d: {  	v5 =	vadd.f32 v6, v5;
	v6 =	vmul.f32 v8, v7;
	v7 =	vbroadcast v4, $0x8;
	v8 =	vld [tilespmem:s10+$0xFFFFFFD0]  }
0x10e: {  	v10 =	vunpack.i.u.bf16.f32 v10;
	v11 =	vunpack.i.u.bf16.f32 v11;
	v22 =	vunpack.i.l.bf16.f32 v9  }
0x10f: {  	v5 =	vadd.f32 v5, v6;
	v6 =	vmul.f32 v22, v7;
	v7 =	vbroadcast v4, $0x9  }
0x110: {  	v10 =	vmul.f32 v10, v20;
	v17 =	vunpack.i.l.bf16.f32 v19;
	v9 =	vunpack.i.u.bf16.f32 v9  }
0x111: {  	v5 =	vadd.f32 v6, v5;
	v6 =	vmul.f32 v9, v7;
	v7 =	vbroadcast v4, $0xA;
	v9 =	vld [tilespmem:s10+$0xFFFFFFE0]  }
0x112: {  	v18 =	vunpack.i.l.bf16.f32 v18;
	v15 =	vadd.f32 v15, v17;
	v17 =	vunpack.i.l.bf16.f32 v8  }
0x113: {  	v5 =	vadd.f32 v5, v6;
	v6 =	vmul.f32 v17, v7;
	v7 =	vbroadcast v4, $0xB  }
0x114: {  	v16 =	vunpack.i.u.bf16.f32 v16;
	v12 =	vadd.f32 v12, v18;
	v8 =	vunpack.i.u.bf16.f32 v8  }
0x115: {  	v18 =	vld [tilespmem:s10+$0xFFFFFE70];
	v5 =	vadd.f32 v6, v5;
	v6 =	vmul.f32 v8, v7;
	v7 =	vbroadcast v4, $0xC  }
0x116: {  	v11 =	vmul.f32 v11, v13;
	v19 =	vbroadcast v2, $0x1;
	v8 =	vld [tilespmem:s10+$0xFFFFFFF0];
	v13 =	vunpack.i.l.bf16.f32 v9  }
0x117: {  	v17 =	vld [tilespmem:s10+$0xFFFFFDE0];
	v5 =	vadd.f32 v5, v6;
	v6 =	vmul.f32 v13, v7;
	v7 =	vbroadcast v4, $0xD  }
0x118: {  	v14 =	vadd.f32 v14, v21;
	v16 =	vmul.f32 v16, v19;
	v9 =	vunpack.i.u.bf16.f32 v9;
	v13 =	vld [tilespmem:s10+$0xFFFFFF00]  }
0x119: {  	v19 =	vbroadcast v2, $0x2;
	v5 =	vadd.f32 v6, v5;
	v6 =	vmul.f32 v9, v7  }
0x11a: {  	v61 =	vunpack.i.l.bf16.f32 v18;
	v7 =	vbroadcast v4, $0xE;
	v9 =	vbroadcast v1, $0x2  }
0x11b: {  	v4 =	vbroadcast v4, $0xF;
	v60 =	vunpack.i.l.bf16.f32 v8;
	v8 =	vunpack.i.u.bf16.f32 v8  }
0x11c: {  	v5 =	vadd.f32 v5, v6;
	v6 =	vmul.f32 v60, v7;
	v7 =	vunpack.i.l.bf16.f32 v17  }
0x11d: {  	v4 =	vmul.f32 v8, v4;
	v9 =	vmul.f32 v61, v9;
	v62 =	vunpack.i.l.bf16.f32 v13  }
0x11e: {  	v8 =	vmul.f32 v7, v59;
	v5 =	vadd.f32 v6, v5;
	v6 =	vadd.f32 v15, v10  }
0x11f: {  	v10 =	vadd.f32 v12, v11;
	v12 =	vadd.f32 v14, v16;
	v14 =	vbroadcast v3, $0x3  }
0x120: {  	v15 =	vmul.f32 v62, v19;
	v19 =	vbroadcast v2, $0x3  }
0x121: {  	v11 =	vld [tilespmem:s10+$0xFFFFFDF0];
	v7 =	vadd.f32 v5, v4;
	v5 =	vunpack.i.u.bf16.f32 v17;
	v17 =	vunpack.i.u.bf16.f32 v18  }
0x122: {  	v16 =	vld [tilespmem:s10+$0xFFFFFF10];
	v18 =	vbroadcast v1, $0x3;
	v6 =	vadd.f32 v8, v6;
	v8 =	vadd.f32 v9, v10  }
0x123: {  	v4 =	vld [tilespmem:s10+$0xFFFFFE80];
	v9 =	vunpack.i.u.bf16.f32 v13;
	v5 =	vmul.f32 v5, v14;
	v14 =	vbroadcast v3, $0x4  }
0x124: {  	v9 =	vmul.f32 v9, v19;
	v19 =	vbroadcast v2, $0x5  }
0x125: {  	v12 =	vadd.f32 v15, v12;
	v10 =	vmul.f32 v17, v18;
	v17 =	vbroadcast v1, $0x4  }
0x126: {  	v18 =	vbroadcast v2, $0x4;
	v13 =	vunpack.i.l.bf16.f32 v11;
	v5 =	vadd.f32 v6, v5  }
0x127: {  	v9 =	vadd.f32 v12, v9;
	v11 =	vunpack.i.u.bf16.f32 v11;
	v6 =	vadd.f32 v8, v10  }
0x128: {  	v8 =	vunpack.i.l.bf16.f32 v16;
	v13 =	vmul.f32 v13, v14;
	v15 =	vunpack.i.l.bf16.f32 v4  }
0x129: {  	v12 =	vld [tilespmem:s10+$0xFFFFFE90];
	v8 =	vmul.f32 v8, v18;
	v4 =	vunpack.i.u.bf16.f32 v4;
	v18 =	vbroadcast v1, $0x5  }
0x12a: {  	v10 =	vld [tilespmem:s10+$0xFFFFFE00];
	v14 =	vmul.f32 v15, v17;
	v15 =	vbroadcast v3, $0x5;
	v5 =	vadd.f32 v13, v5  }
0x12b: {  	v17 =	vld [tilespmem:s10+$0xFFFFFF20];
	v13 =	vunpack.i.u.bf16.f32 v16;
	v16 =	vbroadcast v1, $0x6;
	v4 =	vmul.f32 v4, v18  }
0x12c: {  	v8 =	vadd.f32 v8, v9;
	v13 =	vmul.f32 v13, v19;
	v18 =	vbroadcast v2, $0x6  }
0x12d: {  	v19 =	vbroadcast v2, $0x7;
	v6 =	vadd.f32 v14, v6;
	v11 =	vmul.f32 v11, v15  }
0x12e: {  	v14 =	vbroadcast v3, $0x6;
	v15 =	vunpack.i.l.bf16.f32 v12;
	v8 =	vadd.f32 v8, v13  }
0x12f: {  	v9 =	vunpack.i.l.bf16.f32 v10;
	v5 =	vadd.f32 v5, v11;
	v4 =	vadd.f32 v6, v4  }
0x130: {  	v9 =	vmul.f32 v9, v14;
	v14 =	vmul.f32 v15, v16;
	v6 =	vunpack.i.l.bf16.f32 v17  }
0x131: {  	v13 =	vld [tilespmem:s10+$0xFFFFFEA0];
	v10 =	vunpack.i.u.bf16.f32 v10;
	v15 =	vbroadcast v3, $0x7;
	v6 =	vmul.f32 v6, v18  }
0x132: {  	v11 =	vld [tilespmem:s10+$0xFFFFFE10];
	v18 =	vbroadcast v1, $0x7;
	v5 =	vadd.f32 v9, v5;
	v4 =	vadd.f32 v14, v4  }
0x133: {  	v16 =	vld [tilespmem:s10+$0xFFFFFF30];
	v9 =	vunpack.i.u.bf16.f32 v17;
	v10 =	vmul.f32 v10, v15;
	v14 =	vbroadcast v3, $0x8  }
0x134: {  	v12 =	vunpack.i.u.bf16.f32 v12;
	v17 =	vbroadcast v1, $0x8;
	v9 =	vmul.f32 v9, v19  }
0x135: {  	v19 =	vbroadcast v2, $0x9;
	v12 =	vmul.f32 v12, v18  }
0x136: {  	v6 =	vadd.f32 v6, v8;
	v15 =	vunpack.i.l.bf16.f32 v13;
	v18 =	vbroadcast v2, $0x8  }
0x137: {  	v5 =	vadd.f32 v5, v10;
	v13 =	vunpack.i.u.bf16.f32 v13;
	v8 =	vunpack.i.l.bf16.f32 v11  }
0x138: {  	v10 =	vunpack.i.l.bf16.f32 v16;
	v11 =	vunpack.i.u.bf16.f32 v11;
	v8 =	vmul.f32 v8, v14  }
0x139: {  	v4 =	vadd.f32 v4, v12;
	v12 =	vld [tilespmem:s10+$0xFFFFFE20];
	v14 =	vmul.f32 v15, v17;
	v15 =	vbroadcast v3, $0x9  }
0x13a: {  	v6 =	vadd.f32 v6, v9;
	v9 =	vld [tilespmem:s10+$0xFFFFFEB0];
	v10 =	vmul.f32 v10, v18;
	v18 =	vbroadcast v1, $0x9  }
0x13b: {  	v17 =	vld [tilespmem:s10+$0xFFFFFF40];
	v5 =	vadd.f32 v8, v5;
	v4 =	vadd.f32 v14, v4;
	v11 =	vmul.f32 v11, v15  }
0x13c: {  	v8 =	vunpack.i.u.bf16.f32 v16;
	v13 =	vmul.f32 v13, v18;
	v14 =	vbroadcast v3, $0xA  }
0x13d: {  	v6 =	vadd.f32 v10, v6;
	v16 =	vbroadcast v1, $0xA;
	v18 =	vbroadcast v2, $0xA  }
0x13e: {  	v8 =	vmul.f32 v8, v19;
	v19 =	vbroadcast v2, $0xB;
	v5 =	vadd.f32 v5, v11  }
0x13f: {  	v4 =	vadd.f32 v4, v13;
	v10 =	vunpack.i.l.bf16.f32 v12;
	v15 =	vunpack.i.l.bf16.f32 v9  }
0x140: {  	v11 =	vunpack.i.l.bf16.f32 v17;
	v6 =	vadd.f32 v6, v8;
	v10 =	vmul.f32 v10, v14  }
0x141: {  	v13 =	vld [tilespmem:s10+$0xFFFFFE30];
	v12 =	vunpack.i.u.bf16.f32 v12;
	v14 =	vmul.f32 v15, v16;
	v15 =	vbroadcast v3, $0xB  }
0x142: {  	v8 =	vld [tilespmem:s10+$0xFFFFFEC0];
	v9 =	vunpack.i.u.bf16.f32 v9;
	v11 =	vmul.f32 v11, v18;
	v18 =	vbroadcast v1, $0xB  }
0x143: {  	v16 =	vld [tilespmem:s10+$0xFFFFFF50];
	v5 =	vadd.f32 v10, v5;
	v4 =	vadd.f32 v14, v4;
	v12 =	vmul.f32 v12, v15  }
0x144: {  	v10 =	vunpack.i.u.bf16.f32 v17;
	v9 =	vmul.f32 v9, v18;
	v14 =	vbroadcast v3, $0xC  }
0x145: {  	v6 =	vadd.f32 v11, v6;
	v17 =	vbroadcast v1, $0xC;
	v18 =	vbroadcast v2, $0xC  }
0x146: {  	v11 =	vunpack.i.l.bf16.f32 v13;
	v10 =	vmul.f32 v10, v19;
	v13 =	vunpack.i.u.bf16.f32 v13  }
0x147: {  	v19 =	vbroadcast v2, $0xD;
	v15 =	vunpack.i.l.bf16.f32 v8;
	v12 =	vadd.f32 v5, v12  }
0x148: {  	v9 =	vadd.f32 v4, v9;
	v5 =	vld [tilespmem:s10+$0xFFFFFE40];
	v11 =	vmul.f32 v11, v14;
	v4 =	vunpack.i.l.bf16.f32 v16  }
0x149: {  	v14 =	vmul.f32 v15, v17;
	v10 =	vadd.f32 v6, v10;
	v6 =	vld [tilespmem:s10+$0xFFFFFED0];
	v15 =	vbroadcast v3, $0xD  }
0x14a: {  	v8 =	vunpack.i.u.bf16.f32 v8;
	v17 =	vmul.f32 v4, v18;
	v4 =	vld [tilespmem:s10+$0xFFFFFF60];
	v18 =	vbroadcast v1, $0xD  }
0x14b: {  	v63 =	vadd.f32 v11, v12;
	v11 =	vunpack.i.u.bf16.f32 v16;
	v16 =	vmul.f32 v13, v15  }
0x14c: {  	v9 =	vadd.f32 v14, v9;
	v14 =	vbroadcast v3, $0xE;
	v13 =	vmul.f32 v11, v19  }
0x14d: {  	v11 =	vbroadcast v2, $0xE;
	v18 =	vmul.f32 v8, v18;
	v10 =	vadd.f32 v17, v10  }
0x14e: {  	s11 =	simm.s32 $0xBC50;
	v17 =	vbroadcast v1, $0xE;
	v12 =	vunpack.i.l.bf16.f32 v5;
	v8 =	vadd.f32 v63, v16  }
0x14f: {  	s12 =	simm.s32 $0x0;
	s13 =	sadd.s32 $0x40, s0;
	[tilespmem:s11+$0x0] =	vst v7;
	v15 =	vunpack.i.l.bf16.f32 v6;
	v7 =	vadd.f32 v9, v18;
	v16 =	vunpack.i.l.bf16.f32 v4  }
.LBB2_8:
0x150: {  	v9 =	vld [tilespmem:s13+$0x0];
	s12 =	sadd.s32 $0x4, s12;
	v12 =	vmul.f32 v12, v14;
	v14 =	vmul.f32 v15, v17;
	v10 =	vadd.f32 v10, v13;
	s10 =	sadd.s32 $0x240, s10  }
0x151: {  	v5 =	vunpack.i.u.bf16.f32 v5;
	v3 =	vbroadcast v3, $0xF;
	v11 =	vmul.f32 v16, v11;
	v13 =	vld [tilespmem:s10+$0xFFFFFF80];
	p1 =	slt.u32 s12, $0x24  }
0x152: {  	v6 =	vunpack.i.u.bf16.f32 v6;
	v15 =	vbroadcast v1, $0xF;
	v16 =	vbroadcast v2, $0xF;
	v1 =	vld [tilespmem:s13+$0xFFFFFFE0]  }
0x153: {  	v4 =	vunpack.i.u.bf16.f32 v4;
	v8 =	vadd.f32 v12, v8;
	v7 =	vadd.f32 v14, v7;
	v17 =	vld [tilespmem:s10+$0x0]  }
0x154: {  	v5 =	vmul.f32 v5, v3;
	v6 =	vmul.f32 v6, v15;
	v10 =	vadd.f32 v11, v10;
	v2 =	vld [tilespmem:s13+$0xFFFFFFF0]  }
0x155: {  	v4 =	vmul.f32 v4, v16;
	v11 =	vbroadcast v9, $0x0;
	v12 =	vld [tilespmem:s10+$0xFFFFFF90]  }
0x156: {  	v5 =	vadd.f32 v8, v5;
	v6 =	vadd.f32 v7, v6;
	v3 =	vld [tilespmem:s13+$0xFFFFFFD0];
	v14 =	vunpack.i.l.bf16.f32 v13  }
0x157: {  	v4 =	vadd.f32 v10, v4;
	v7 =	vld [tilespmem:s10+$0xFFFFFDD0];
	v8 =	vmul.f32 v14, v11;
	v11 =	vbroadcast v9, $0x1  }
0x158: {  	v13 =	vunpack.i.u.bf16.f32 v13;
	v14 =	vbroadcast v1, $0x0;
	v10 =	vld [tilespmem:s10+$0xFFFFFE60];
	v15 =	vunpack.i.l.bf16.f32 v17;
	[tilespmem:s11+$0xFFFFFFD0] =	vst v5  }
0x159: {  	v5 =	vadd.f32 v8, v15;
	v8 =	vmul.f32 v13, v11;
	v11 =	vbroadcast v9, $0x2;
	v13 =	vld [tilespmem:s10+$0xFFFFFFA0];
	[tilespmem:s11+$0xFFFFFFE0] =	vst v6  }
0x15a: {  	v6 =	vbroadcast v1, $0x1;
	v16 =	vbroadcast v2, $0x0;
	v15 =	vld [tilespmem:s10+$0xFFFFFEF0];
	v17 =	vunpack.i.l.bf16.f32 v12;
	[tilespmem:s11+$0xFFFFFFF0] =	vst v4  }
0x15b: {  	v4 =	vld [tilespmem:s10+$0xFFFFFE50];
	v5 =	vadd.f32 v5, v8;
	v8 =	vmul.f32 v17, v11;
	v11 =	vbroadcast v9, $0x3  }
0x15c: {  	v12 =	vunpack.i.u.bf16.f32 v12;
	v18 =	vbroadcast v3, $0x0;
	v17 =	vunpack.i.l.bf16.f32 v7;
	v21 =	vld [tilespmem:s10+$0xFFFFFEE0]  }
0x15d: {  	v5 =	vadd.f32 v8, v5;
	v8 =	vmul.f32 v12, v11;
	v11 =	vbroadcast v9, $0x4;
	v12 =	vld [tilespmem:s10+$0xFFFFFFB0]  }
0x15e: {  	v18 =	vmul.f32 v17, v18;
	v17 =	vunpack.i.l.bf16.f32 v10;
	v22 =	vld [tilespmem:s10+$0xFFFFFF70];
	v19 =	vunpack.i.l.bf16.f32 v13  }
0x15f: {  	v23 =	vld [tilespmem:s10+$0xFFFFFDE0];
	v5 =	vadd.f32 v5, v8;
	v8 =	vmul.f32 v19, v11;
	v11 =	vbroadcast v9, $0x5  }
0x160: {  	v14 =	vmul.f32 v17, v14;
	v13 =	vunpack.i.u.bf16.f32 v13;
	v17 =	vunpack.i.l.bf16.f32 v15;
	v24 =	vld [tilespmem:s10+$0xFFFFFE70]  }
0x161: {  	v5 =	vadd.f32 v8, v5;
	v8 =	vmul.f32 v13, v11;
	v11 =	vbroadcast v9, $0x6;
	v13 =	vld [tilespmem:s10+$0xFFFFFFC0]  }
0x162: {  	v25 =	vbroadcast v3, $0x1;
	v26 =	vmul.f32 v17, v16;
	v27 =	vld [tilespmem:s10+$0xFFFFFF00];
	v16 =	vunpack.i.l.bf16.f32 v12  }
0x163: {  	v19 =	vld [tilespmem:s10+$0xFFFFFDF0];
	v5 =	vadd.f32 v5, v8;
	v8 =	vmul.f32 v16, v11;
	v11 =	vbroadcast v9, $0x7  }
0x164: {  	v28 =	vbroadcast v2, $0x1;
	v4 =	vunpack.i.l.bf16.f32 v4;
	v12 =	vunpack.i.u.bf16.f32 v12;
	v20 =	vld [tilespmem:s10+$0xFFFFFE80]  }
0x165: {  	v5 =	vadd.f32 v8, v5;
	v8 =	vmul.f32 v12, v11;
	v11 =	vbroadcast v9, $0x8;
	v12 =	vld [tilespmem:s10+$0xFFFFFFD0]  }
0x166: {  	v7 =	vunpack.i.u.bf16.f32 v7;
	v29 =	vunpack.i.l.bf16.f32 v21;
	v21 =	vld [tilespmem:s10+$0xFFFFFF10];
	v17 =	vunpack.i.l.bf16.f32 v13  }
0x167: {  	v16 =	vld [tilespmem:s10+$0xFFFFFE00];
	v5 =	vadd.f32 v5, v8;
	v8 =	vmul.f32 v17, v11;
	v11 =	vbroadcast v9, $0x9  }
0x168: {  	v10 =	vunpack.i.u.bf16.f32 v10;
	v22 =	vunpack.i.l.bf16.f32 v22;
	v13 =	vunpack.i.u.bf16.f32 v13;
	v17 =	vld [tilespmem:s10+$0xFFFFFE90]  }
0x169: {  	v5 =	vadd.f32 v8, v5;
	v8 =	vmul.f32 v13, v11;
	v11 =	vbroadcast v9, $0xA;
	v30 =	vld [tilespmem:s10+$0xFFFFFFE0]  }
0x16a: {  	v31 =	vunpack.i.u.bf16.f32 v15;
	v4 =	vadd.f32 v18, v4;
	v18 =	vld [tilespmem:s10+$0xFFFFFF20];
	v15 =	vunpack.i.l.bf16.f32 v12  }
0x16b: {  	v13 =	vld [tilespmem:s10+$0xFFFFFE10];
	v5 =	vadd.f32 v5, v8;
	v8 =	vmul.f32 v15, v11;
	v11 =	vbroadcast v9, $0xB  }
0x16c: {  	v29 =	vadd.f32 v14, v29;
	v22 =	vadd.f32 v26, v22;
	v12 =	vunpack.i.u.bf16.f32 v12;
	v14 =	vld [tilespmem:s10+$0xFFFFFEA0]  }
0x16d: {  	v5 =	vadd.f32 v8, v5;
	v8 =	vmul.f32 v12, v11;
	v11 =	vbroadcast v9, $0xC;
	v26 =	vld [tilespmem:s10+$0xFFFFFFF0]  }
0x16e: {  	v25 =	vmul.f32 v7, v25;
	v6 =	vmul.f32 v10, v6;
	v15 =	vld [tilespmem:s10+$0xFFFFFF30];
	v7 =	vunpack.i.l.bf16.f32 v30  }
0x16f: {  	v10 =	vld [tilespmem:s10+$0xFFFFFE20];
	v5 =	vadd.f32 v5, v8;
	v7 =	vmul.f32 v7, v11;
	v8 =	vbroadcast v9, $0xD  }
0x170: {  	v32 =	vbroadcast v3, $0x2;
	v28 =	vmul.f32 v31, v28;
	v30 =	vunpack.i.u.bf16.f32 v30;
	v12 =	vld [tilespmem:s10+$0xFFFFFEB0]  }
0x171: {  	v31 =	vbroadcast v9, $0xE;
	v11 =	vld [tilespmem:s10+$0xFFFFFF40];
	v5 =	vadd.f32 v7, v5;
	v30 =	vmul.f32 v30, v8  }
0x172: {  	v33 =	vbroadcast v1, $0x2;
	v34 =	vbroadcast v2, $0x2;
	v7 =	vld [tilespmem:s10+$0xFFFFFE30];
	v35 =	vunpack.i.l.bf16.f32 v26  }
0x173: {  	v8 =	vld [tilespmem:s10+$0xFFFFFEC0];
	v30 =	vadd.f32 v5, v30;
	v31 =	vmul.f32 v35, v31;
	v35 =	vbroadcast v9, $0xF  }
0x174: {  	v36 =	vunpack.i.l.bf16.f32 v23;
	v37 =	vunpack.i.l.bf16.f32 v24;
	v26 =	vunpack.i.u.bf16.f32 v26;
	v9 =	vld [tilespmem:s10+$0xFFFFFF50]  }
0x175: {  	v38 =	vunpack.i.l.bf16.f32 v27;
	v5 =	vld [tilespmem:s10+$0xFFFFFE40];
	v30 =	vadd.f32 v31, v30;
	v26 =	vmul.f32 v26, v35  }
0x176: {  	v25 =	vadd.f32 v4, v25;
	v29 =	vadd.f32 v29, v6;
	v31 =	vmul.f32 v36, v32;
	v6 =	vld [tilespmem:s10+$0xFFFFFED0]  }
0x177: {  	v22 =	vadd.f32 v22, v28;
	v32 =	vmul.f32 v37, v33;
	v4 =	vld [tilespmem:s10+$0xFFFFFF60];
	v26 =	vadd.f32 v30, v26  }
0x178: {  	s11 =	sadd.s32 $0x40, s11;
	v23 =	vunpack.i.u.bf16.f32 v23;
	v28 =	vbroadcast v3, $0x3;
	v30 =	vmul.f32 v38, v34  }
0x179: {  	v24 =	vunpack.i.u.bf16.f32 v24;
	v33 =	vbroadcast v1, $0x3;
	v34 =	vbroadcast v2, $0x3;
	[tilespmem:s11+$0x0] =	vst v26  }
0x17a: {  	v27 =	vunpack.i.u.bf16.f32 v27;
	v25 =	vadd.f32 v31, v25;
	v26 =	vadd.f32 v32, v29  }
0x17b: {  	v23 =	vmul.f32 v23, v28;
	v24 =	vmul.f32 v24, v33;
	v22 =	vadd.f32 v30, v22  }
0x17c: {  	v28 =	vunpack.i.l.bf16.f32 v19;
	v29 =	vbroadcast v3, $0x4;
	v27 =	vmul.f32 v27, v34  }
0x17d: {  	v31 =	vbroadcast v1, $0x4;
	v30 =	vunpack.i.l.bf16.f32 v20;
	v32 =	vbroadcast v2, $0x4  }
0x17e: {  	v23 =	vadd.f32 v25, v23;
	v25 =	vunpack.i.l.bf16.f32 v21;
	v24 =	vadd.f32 v26, v24  }
0x17f: {  	v26 =	vmul.f32 v28, v29;
	v28 =	vmul.f32 v30, v31;
	v22 =	vadd.f32 v22, v27  }
0x180: {  	v19 =	vunpack.i.u.bf16.f32 v19;
	v27 =	vbroadcast v3, $0x5;
	v25 =	vmul.f32 v25, v32  }
0x181: {  	v20 =	vunpack.i.u.bf16.f32 v20;
	v29 =	vbroadcast v1, $0x5;
	v30 =	vbroadcast v2, $0x5  }
0x182: {  	v21 =	vunpack.i.u.bf16.f32 v21;
	v23 =	vadd.f32 v26, v23;
	v24 =	vadd.f32 v28, v24  }
0x183: {  	v19 =	vmul.f32 v19, v27;
	v20 =	vmul.f32 v20, v29;
	v22 =	vadd.f32 v25, v22  }
0x184: {  	v25 =	vunpack.i.l.bf16.f32 v16;
	v26 =	vbroadcast v3, $0x6;
	v21 =	vmul.f32 v21, v30  }
0x185: {  	v27 =	vunpack.i.l.bf16.f32 v17;
	v28 =	vbroadcast v1, $0x6;
	v29 =	vbroadcast v2, $0x6  }
0x186: {  	v19 =	vadd.f32 v23, v19;
	v20 =	vadd.f32 v24, v20;
	v23 =	vunpack.i.l.bf16.f32 v18  }
0x187: {  	v24 =	vmul.f32 v25, v26;
	v25 =	vmul.f32 v27, v28;
	v21 =	vadd.f32 v22, v21  }
0x188: {  	v16 =	vunpack.i.u.bf16.f32 v16;
	v22 =	vbroadcast v3, $0x7;
	v23 =	vmul.f32 v23, v29  }
0x189: {  	v17 =	vunpack.i.u.bf16.f32 v17;
	v26 =	vbroadcast v1, $0x7;
	v27 =	vbroadcast v2, $0x7  }
0x18a: {  	v18 =	vunpack.i.u.bf16.f32 v18;
	v19 =	vadd.f32 v24, v19;
	v20 =	vadd.f32 v25, v20  }
0x18b: {  	v16 =	vmul.f32 v16, v22;
	v17 =	vmul.f32 v17, v26;
	v21 =	vadd.f32 v23, v21  }
0x18c: {  	v22 =	vunpack.i.l.bf16.f32 v13;
	v18 =	vmul.f32 v18, v27;
	v23 =	vbroadcast v3, $0x8  }
0x18d: {  	v24 =	vunpack.i.l.bf16.f32 v14;
	v25 =	vbroadcast v1, $0x8;
	v26 =	vbroadcast v2, $0x8  }
0x18e: {  	v16 =	vadd.f32 v19, v16;
	v17 =	vadd.f32 v20, v17;
	v19 =	vunpack.i.l.bf16.f32 v15  }
0x18f: {  	v20 =	vmul.f32 v22, v23;
	v22 =	vmul.f32 v24, v25;
	v18 =	vadd.f32 v21, v18  }
0x190: {  	v13 =	vunpack.i.u.bf16.f32 v13;
	v21 =	vbroadcast v3, $0x9;
	v19 =	vmul.f32 v19, v26  }
0x191: {  	v14 =	vunpack.i.u.bf16.f32 v14;
	v23 =	vbroadcast v1, $0x9;
	v24 =	vbroadcast v2, $0x9  }
0x192: {  	v15 =	vunpack.i.u.bf16.f32 v15;
	v16 =	vadd.f32 v20, v16;
	v17 =	vadd.f32 v22, v17  }
0x193: {  	v13 =	vmul.f32 v13, v21;
	v14 =	vmul.f32 v14, v23;
	v18 =	vadd.f32 v19, v18  }
0x194: {  	v19 =	vunpack.i.l.bf16.f32 v10;
	v20 =	vbroadcast v3, $0xA;
	v15 =	vmul.f32 v15, v24  }
0x195: {  	v21 =	vunpack.i.l.bf16.f32 v12;
	v22 =	vbroadcast v1, $0xA;
	v23 =	vbroadcast v2, $0xA  }
0x196: {  	v13 =	vadd.f32 v16, v13;
	v14 =	vadd.f32 v17, v14;
	v16 =	vunpack.i.l.bf16.f32 v11  }
0x197: {  	v17 =	vmul.f32 v19, v20;
	v19 =	vmul.f32 v21, v22;
	v15 =	vadd.f32 v18, v15  }
0x198: {  	v10 =	vunpack.i.u.bf16.f32 v10;
	v18 =	vbroadcast v3, $0xB;
	v16 =	vmul.f32 v16, v23  }
0x199: {  	v12 =	vunpack.i.u.bf16.f32 v12;
	v20 =	vbroadcast v1, $0xB;
	v21 =	vbroadcast v2, $0xB  }
0x19a: {  	v11 =	vunpack.i.u.bf16.f32 v11;
	v13 =	vadd.f32 v17, v13;
	v14 =	vadd.f32 v19, v14  }
0x19b: {  	v10 =	vmul.f32 v10, v18;
	v12 =	vmul.f32 v12, v20;
	v15 =	vadd.f32 v16, v15  }
0x19c: {  	v17 =	vbroadcast v3, $0xC;
	v11 =	vmul.f32 v11, v21;
	v16 =	vunpack.i.l.bf16.f32 v7  }
0x19d: {  	v18 =	vunpack.i.l.bf16.f32 v8;
	v19 =	vbroadcast v1, $0xC;
	v20 =	vbroadcast v2, $0xC  }
0x19e: {  	v10 =	vadd.f32 v13, v10;
	v12 =	vadd.f32 v14, v12;
	v13 =	vunpack.i.l.bf16.f32 v9  }
0x19f: {  	v14 =	vmul.f32 v16, v17;
	v16 =	vmul.f32 v18, v19;
	v11 =	vadd.f32 v15, v11  }
0x1a0: {  	v7 =	vunpack.i.u.bf16.f32 v7;
	v15 =	vbroadcast v3, $0xD;
	v13 =	vmul.f32 v13, v20  }
0x1a1: {  	v8 =	vunpack.i.u.bf16.f32 v8;
	v17 =	vbroadcast v1, $0xD;
	v18 =	vbroadcast v2, $0xD  }
.Ltmp2:
0x1a2: {  	v9 =	vunpack.i.u.bf16.f32 v9;
	v19 =	vadd.f32 v14, v10;
	v16 =	vadd.f32 v16, v12;
	(pc) =	sbr.rel @p1 .LBB2_8-.Ltmp2, $4  }
0x1a3: {  	v20 =	vmul.f32 v8, v17;
	v7 =	vmul.f32 v7, v15;
	v10 =	vadd.f32 v13, v11  }
0x1a4: {  	v12 =	vunpack.i.l.bf16.f32 v5;
	v14 =	vbroadcast v3, $0xE;
	v13 =	vmul.f32 v9, v18  }
0x1a5: {  	v17 =	vbroadcast v1, $0xE;
	v15 =	vunpack.i.l.bf16.f32 v6;
	v11 =	vbroadcast v2, $0xE  }
0x1a6: {  	s13 =	sadd.s32 $0x40, s13;
	v8 =	vadd.f32 v19, v7;
	v7 =	vadd.f32 v16, v20;
	v16 =	vunpack.i.l.bf16.f32 v4  }
0x1a7: {  	v9 =	vmul.f32 v12, v14;
	v61 =	vmul.f32 v15, v17  }
0x1a8: {  	v10 =	vadd.f32 v10, v13;
	v5 =	vunpack.i.u.bf16.f32 v5;
	v3 =	vbroadcast v3, $0xF  }
0x1a9: {  	v11 =	vmul.f32 v16, v11;
	v6 =	vunpack.i.u.bf16.f32 v6;
	v1 =	vbroadcast v1, $0xF  }
0x1aa: {  	v2 =	vbroadcast v2, $0xF;
	v8 =	vadd.f32 v9, v8;
	v3 =	vmul.f32 v5, v3  }
0x1ab: {  	v4 =	vunpack.i.u.bf16.f32 v4;
	v62 =	vadd.f32 v61, v7;
	v1 =	vmul.f32 v6, v1  }
0x1ac: {  	v63 =	vadd.f32 v11, v10;
	v2 =	vmul.f32 v4, v2;
	v3 =	vadd.f32 v8, v3  }
0x1ad: {  	v1 =	vadd.f32 v62, v1  }
0x1ae: {  	v2 =	vadd.f32 v63, v2;
	[tilespmem:s11+$0xFFFFFFD0] =	vst v3  }
0x1af: {  	[tilespmem:s11+$0xFFFFFFE0] =	vst v1  }
0x1b0: {  	s1 =	sadd.s32 s1, s16;
	[tilespmem:s11+$0xFFFFFFF0] =	vst v2  }
0x1b1: {  	[spmem:s2] =	stream.indirect.scatter.add.f32 [tilespmem:s25], [sflag:$0x4], $0x10, s1, s20, $0xb8;
	[tilespmem:$0x10EA0] =	vst v63  }
0x1b2: {  	_ =	swait.ge [sflag:s26], $0x280  }
0x1b3: {  	[sflag:s26] =	ssyncset.done $0x0  }
0x1b4: {  	s17 =	sadd.s32 $0x1, s17;
	[sflag:s26] =	ssyncadd.s32 $0xFFFFFD80  }
0x1b5: {  	p1 =	sne.s32 s17, $0xC;
	_ =	swait.ge [sflag:s18], $0x1680  }
.Ltmp3:
0x1b6: {  	[sflag:s18] =	ssyncset.done $0x0;
	(pc) =	sbr.rel @p1 .LBB2_5-.Ltmp3, $4  }
0x1b7: {  	[sflag:s18] =	ssyncadd.s32 $0xFFFFE980  }
0x1b8: {  	_ =	swait.ge [sflag:s28], $0x280  }
0x1b9: {  	[sflag:s28] =	ssyncset.done $0x0  }
0x1ba: {  	s14 =	sadd.s32 $0x500, s14;
	s0 =	sadd.s32 $0x500, s0;
	[sflag:s28] =	ssyncadd.s32 $0xFFFFFD80  }
0x1bb: {  	s0 =	simm.s32 $0x8DC0;
	v4 =	vld [tilespmem:s31+$0x0]  }
0x1bc: {  	v5 =	vld [tilespmem:s0+$0x90]  }
0x1bd: {  	v1 =	vld [tilespmem:s31+$0xFFFFFFE0]  }
0x1be: {  	v6 =	vld [tilespmem:s0+$0x110]  }
0x1bf: {  	v2 =	vld [tilespmem:s31+$0xFFFFFFF0]  }
0x1c0: {  	v8 =	vld [tilespmem:s0+$0xA0];
	v7 =	vbroadcast v4, $0x0  }
0x1c1: {  	v3 =	vld [tilespmem:s31+$0xFFFFFFD0];
	v9 =	vunpack.i.l.bf16.f32 v5  }
0x1c2: {  	v10 =	vld [tilespmem:s0+$0xFFFFFEE0];
	v7 =	vmul.f32 v9, v7;
	v9 =	vbroadcast v4, $0x1  }
0x1c3: {  	v11 =	vld [tilespmem:s0+$0xFFFFFF70];
	v12 =	vbroadcast v1, $0x0;
	v6 =	vunpack.i.l.bf16.f32 v6;
	v5 =	vunpack.i.u.bf16.f32 v5  }
0x1c4: {  	v6 =	vadd.f32 v7, v6;
	v5 =	vmul.f32 v5, v9;
	v7 =	vbroadcast v4, $0x2;
	v9 =	vld [tilespmem:s0+$0xB0]  }
0x1c5: {  	v13 =	vbroadcast v1, $0x1;
	v14 =	vbroadcast v2, $0x0;
	v15 =	vunpack.i.l.bf16.f32 v8  }
0x1c6: {  	v16 =	vld [tilespmem:s0+$0x0];
	v5 =	vadd.f32 v6, v5;
	v6 =	vmul.f32 v15, v7;
	v7 =	vbroadcast v4, $0x3  }
0x1c7: {  	v17 =	vbroadcast v3, $0x0;
	v8 =	vunpack.i.u.bf16.f32 v8;
	v15 =	vunpack.i.l.bf16.f32 v10  }
0x1c8: {  	v5 =	vadd.f32 v6, v5;
	v6 =	vmul.f32 v8, v7;
	v7 =	vbroadcast v4, $0x4;
	v8 =	vld [tilespmem:s0+$0xC0]  }
0x1c9: {  	v15 =	vmul.f32 v15, v17;
	v17 =	vunpack.i.l.bf16.f32 v11;
	v18 =	vunpack.i.l.bf16.f32 v9  }
0x1ca: {  	v21 =	vld [tilespmem:s0+$0x80];
	v5 =	vadd.f32 v5, v6;
	v6 =	vmul.f32 v18, v7;
	v7 =	vbroadcast v4, $0x5  }
0x1cb: {  	v12 =	vmul.f32 v17, v12;
	v17 =	vunpack.i.l.bf16.f32 v16;
	v9 =	vunpack.i.u.bf16.f32 v9  }
0x1cc: {  	v5 =	vadd.f32 v6, v5;
	v6 =	vmul.f32 v9, v7;
	v7 =	vbroadcast v4, $0x6;
	v9 =	vld [tilespmem:s0+$0xD0]  }
0x1cd: {  	v20 =	vbroadcast v3, $0x1;
	v14 =	vmul.f32 v17, v14;
	v17 =	vunpack.i.l.bf16.f32 v8  }
0x1ce: {  	v19 =	vld [tilespmem:s0+$0xFFFFFF60];
	v5 =	vadd.f32 v5, v6;
	v6 =	vmul.f32 v17, v7;
	v7 =	vbroadcast v4, $0x7  }
0x1cf: {  	v59 =	vbroadcast v3, $0x2;
	v21 =	vunpack.i.l.bf16.f32 v21;
	v18 =	vld [tilespmem:s0+$0xFFFFFFF0];
	v8 =	vunpack.i.u.bf16.f32 v8  }
0x1d0: {  	v5 =	vadd.f32 v6, v5;
	v6 =	vmul.f32 v8, v7;
	v7 =	vbroadcast v4, $0x8;
	v8 =	vld [tilespmem:s0+$0xE0]  }
0x1d1: {  	v10 =	vunpack.i.u.bf16.f32 v10;
	v11 =	vunpack.i.u.bf16.f32 v11;
	v22 =	vunpack.i.l.bf16.f32 v9  }
0x1d2: {  	v5 =	vadd.f32 v5, v6;
	v6 =	vmul.f32 v22, v7;
	v7 =	vbroadcast v4, $0x9  }
0x1d3: {  	v10 =	vmul.f32 v10, v20;
	v17 =	vunpack.i.l.bf16.f32 v19;
	v9 =	vunpack.i.u.bf16.f32 v9  }
0x1d4: {  	v5 =	vadd.f32 v6, v5;
	v6 =	vmul.f32 v9, v7;
	v7 =	vbroadcast v4, $0xA;
	v9 =	vld [tilespmem:s0+$0xF0]  }
0x1d5: {  	v18 =	vunpack.i.l.bf16.f32 v18;
	v15 =	vadd.f32 v15, v17;
	v17 =	vunpack.i.l.bf16.f32 v8  }
0x1d6: {  	v5 =	vadd.f32 v5, v6;
	v6 =	vmul.f32 v17, v7;
	v7 =	vbroadcast v4, $0xB  }
0x1d7: {  	v16 =	vunpack.i.u.bf16.f32 v16;
	v12 =	vadd.f32 v12, v18;
	v8 =	vunpack.i.u.bf16.f32 v8  }
0x1d8: {  	v18 =	vld [tilespmem:s0+$0xFFFFFF80];
	v5 =	vadd.f32 v6, v5;
	v6 =	vmul.f32 v8, v7;
	v7 =	vbroadcast v4, $0xC  }
0x1d9: {  	v11 =	vmul.f32 v11, v13;
	v19 =	vbroadcast v2, $0x1;
	v8 =	vld [tilespmem:s0+$0x100];
	v13 =	vunpack.i.l.bf16.f32 v9  }
0x1da: {  	v17 =	vld [tilespmem:s0+$0xFFFFFEF0];
	v5 =	vadd.f32 v5, v6;
	v6 =	vmul.f32 v13, v7;
	v7 =	vbroadcast v4, $0xD  }
0x1db: {  	v14 =	vadd.f32 v14, v21;
	v16 =	vmul.f32 v16, v19;
	v9 =	vunpack.i.u.bf16.f32 v9;
	v13 =	vld [tilespmem:s0+$0x10]  }
0x1dc: {  	v19 =	vbroadcast v2, $0x2;
	v5 =	vadd.f32 v6, v5;
	v6 =	vmul.f32 v9, v7  }
0x1dd: {  	v61 =	vunpack.i.l.bf16.f32 v18;
	v7 =	vbroadcast v4, $0xE;
	v9 =	vbroadcast v1, $0x2  }
0x1de: {  	v4 =	vbroadcast v4, $0xF;
	v60 =	vunpack.i.l.bf16.f32 v8;
	v8 =	vunpack.i.u.bf16.f32 v8  }
0x1df: {  	v5 =	vadd.f32 v5, v6;
	v6 =	vmul.f32 v60, v7;
	v7 =	vunpack.i.l.bf16.f32 v17  }
0x1e0: {  	v4 =	vmul.f32 v8, v4;
	v9 =	vmul.f32 v61, v9;
	v62 =	vunpack.i.l.bf16.f32 v13  }
0x1e1: {  	v8 =	vmul.f32 v7, v59;
	v5 =	vadd.f32 v6, v5;
	v6 =	vadd.f32 v15, v10  }
0x1e2: {  	v10 =	vadd.f32 v12, v11;
	v12 =	vadd.f32 v14, v16;
	v14 =	vbroadcast v3, $0x3  }
0x1e3: {  	v15 =	vmul.f32 v62, v19;
	v19 =	vbroadcast v2, $0x3  }
0x1e4: {  	v11 =	vld [tilespmem:s0+$0xFFFFFF00];
	v7 =	vadd.f32 v5, v4;
	v5 =	vunpack.i.u.bf16.f32 v17;
	v17 =	vunpack.i.u.bf16.f32 v18  }
0x1e5: {  	v16 =	vld [tilespmem:s0+$0x20];
	v18 =	vbroadcast v1, $0x3;
	v6 =	vadd.f32 v8, v6;
	v8 =	vadd.f32 v9, v10  }
0x1e6: {  	v4 =	vld [tilespmem:s0+$0xFFFFFF90];
	v9 =	vunpack.i.u.bf16.f32 v13;
	v5 =	vmul.f32 v5, v14;
	v14 =	vbroadcast v3, $0x4  }
0x1e7: {  	v9 =	vmul.f32 v9, v19;
	v19 =	vbroadcast v2, $0x5  }
0x1e8: {  	v12 =	vadd.f32 v15, v12;
	v10 =	vmul.f32 v17, v18;
	v17 =	vbroadcast v1, $0x4  }
0x1e9: {  	v18 =	vbroadcast v2, $0x4;
	v13 =	vunpack.i.l.bf16.f32 v11;
	v5 =	vadd.f32 v6, v5  }
0x1ea: {  	v9 =	vadd.f32 v12, v9;
	v11 =	vunpack.i.u.bf16.f32 v11;
	v6 =	vadd.f32 v8, v10  }
0x1eb: {  	v8 =	vunpack.i.l.bf16.f32 v16;
	v13 =	vmul.f32 v13, v14;
	v15 =	vunpack.i.l.bf16.f32 v4  }
0x1ec: {  	v12 =	vld [tilespmem:s0+$0xFFFFFFA0];
	v8 =	vmul.f32 v8, v18;
	v4 =	vunpack.i.u.bf16.f32 v4;
	v18 =	vbroadcast v1, $0x5  }
0x1ed: {  	v10 =	vld [tilespmem:s0+$0xFFFFFF10];
	v14 =	vmul.f32 v15, v17;
	v15 =	vbroadcast v3, $0x5;
	v5 =	vadd.f32 v13, v5  }
0x1ee: {  	v17 =	vld [tilespmem:s0+$0x30];
	v13 =	vunpack.i.u.bf16.f32 v16;
	v16 =	vbroadcast v1, $0x6;
	v4 =	vmul.f32 v4, v18  }
0x1ef: {  	v8 =	vadd.f32 v8, v9;
	v13 =	vmul.f32 v13, v19;
	v18 =	vbroadcast v2, $0x6  }
0x1f0: {  	v19 =	vbroadcast v2, $0x7;
	v6 =	vadd.f32 v14, v6;
	v11 =	vmul.f32 v11, v15  }
0x1f1: {  	v14 =	vbroadcast v3, $0x6;
	v15 =	vunpack.i.l.bf16.f32 v12;
	v8 =	vadd.f32 v8, v13  }
0x1f2: {  	v9 =	vunpack.i.l.bf16.f32 v10;
	v5 =	vadd.f32 v5, v11;
	v4 =	vadd.f32 v6, v4  }
0x1f3: {  	v9 =	vmul.f32 v9, v14;
	v14 =	vmul.f32 v15, v16;
	v6 =	vunpack.i.l.bf16.f32 v17  }
0x1f4: {  	v13 =	vld [tilespmem:s0+$0xFFFFFFB0];
	v10 =	vunpack.i.u.bf16.f32 v10;
	v15 =	vbroadcast v3, $0x7;
	v6 =	vmul.f32 v6, v18  }
0x1f5: {  	v11 =	vld [tilespmem:s0+$0xFFFFFF20];
	v18 =	vbroadcast v1, $0x7;
	v5 =	vadd.f32 v9, v5;
	v4 =	vadd.f32 v14, v4  }
0x1f6: {  	v16 =	vld [tilespmem:s0+$0x40];
	v9 =	vunpack.i.u.bf16.f32 v17;
	v10 =	vmul.f32 v10, v15;
	v14 =	vbroadcast v3, $0x8  }
0x1f7: {  	v12 =	vunpack.i.u.bf16.f32 v12;
	v17 =	vbroadcast v1, $0x8;
	v9 =	vmul.f32 v9, v19  }
0x1f8: {  	v19 =	vbroadcast v2, $0x9;
	v12 =	vmul.f32 v12, v18  }
0x1f9: {  	v6 =	vadd.f32 v6, v8;
	v15 =	vunpack.i.l.bf16.f32 v13;
	v18 =	vbroadcast v2, $0x8  }
0x1fa: {  	v5 =	vadd.f32 v5, v10;
	v13 =	vunpack.i.u.bf16.f32 v13;
	v8 =	vunpack.i.l.bf16.f32 v11  }
0x1fb: {  	v10 =	vunpack.i.l.bf16.f32 v16;
	v11 =	vunpack.i.u.bf16.f32 v11;
	v8 =	vmul.f32 v8, v14  }
0x1fc: {  	v4 =	vadd.f32 v4, v12;
	v12 =	vld [tilespmem:s0+$0xFFFFFF30];
	v14 =	vmul.f32 v15, v17;
	v15 =	vbroadcast v3, $0x9  }
0x1fd: {  	v6 =	vadd.f32 v6, v9;
	v9 =	vld [tilespmem:s0+$0xFFFFFFC0];
	v10 =	vmul.f32 v10, v18;
	v18 =	vbroadcast v1, $0x9  }
0x1fe: {  	v17 =	vld [tilespmem:s0+$0x50];
	v5 =	vadd.f32 v8, v5;
	v4 =	vadd.f32 v14, v4;
	v11 =	vmul.f32 v11, v15  }
0x1ff: {  	v8 =	vunpack.i.u.bf16.f32 v16;
	v13 =	vmul.f32 v13, v18;
	v14 =	vbroadcast v3, $0xA  }
0x200: {  	v6 =	vadd.f32 v10, v6;
	v16 =	vbroadcast v1, $0xA;
	v18 =	vbroadcast v2, $0xA  }
0x201: {  	v8 =	vmul.f32 v8, v19;
	v19 =	vbroadcast v2, $0xB;
	v5 =	vadd.f32 v5, v11  }
0x202: {  	v4 =	vadd.f32 v4, v13;
	v10 =	vunpack.i.l.bf16.f32 v12;
	v15 =	vunpack.i.l.bf16.f32 v9  }
0x203: {  	v11 =	vunpack.i.l.bf16.f32 v17;
	v6 =	vadd.f32 v6, v8;
	v10 =	vmul.f32 v10, v14  }
0x204: {  	v13 =	vld [tilespmem:s0+$0xFFFFFF40];
	v12 =	vunpack.i.u.bf16.f32 v12;
	v14 =	vmul.f32 v15, v16;
	v15 =	vbroadcast v3, $0xB  }
0x205: {  	v8 =	vld [tilespmem:s0+$0xFFFFFFD0];
	v9 =	vunpack.i.u.bf16.f32 v9;
	v11 =	vmul.f32 v11, v18;
	v18 =	vbroadcast v1, $0xB  }
0x206: {  	v16 =	vld [tilespmem:s0+$0x60];
	v5 =	vadd.f32 v10, v5;
	v4 =	vadd.f32 v14, v4;
	v12 =	vmul.f32 v12, v15  }
0x207: {  	v10 =	vunpack.i.u.bf16.f32 v17;
	v9 =	vmul.f32 v9, v18;
	v14 =	vbroadcast v3, $0xC  }
0x208: {  	v6 =	vadd.f32 v11, v6;
	v17 =	vbroadcast v1, $0xC;
	v18 =	vbroadcast v2, $0xC  }
0x209: {  	v11 =	vunpack.i.l.bf16.f32 v13;
	v10 =	vmul.f32 v10, v19;
	v13 =	vunpack.i.u.bf16.f32 v13  }
0x20a: {  	v19 =	vbroadcast v2, $0xD;
	v15 =	vunpack.i.l.bf16.f32 v8;
	v12 =	vadd.f32 v5, v12  }
0x20b: {  	v9 =	vadd.f32 v4, v9;
	v5 =	vld [tilespmem:s0+$0xFFFFFF50];
	v11 =	vmul.f32 v11, v14;
	v4 =	vunpack.i.l.bf16.f32 v16  }
0x20c: {  	v14 =	vmul.f32 v15, v17;
	v10 =	vadd.f32 v6, v10;
	v6 =	vld [tilespmem:s0+$0xFFFFFFE0];
	v15 =	vbroadcast v3, $0xD  }
0x20d: {  	v8 =	vunpack.i.u.bf16.f32 v8;
	v17 =	vmul.f32 v4, v18;
	v4 =	vld [tilespmem:s0+$0x70];
	v18 =	vbroadcast v1, $0xD  }
0x20e: {  	v63 =	vadd.f32 v11, v12;
	v11 =	vunpack.i.u.bf16.f32 v16;
	v16 =	vmul.f32 v13, v15  }
0x20f: {  	v9 =	vadd.f32 v14, v9;
	v14 =	vbroadcast v3, $0xE;
	v13 =	vmul.f32 v11, v19  }
0x210: {  	v11 =	vbroadcast v2, $0xE;
	v18 =	vmul.f32 v8, v18;
	v10 =	vadd.f32 v17, v10  }
0x211: {  	s1 =	simm.s32 $0xB9C0;
	v17 =	vbroadcast v1, $0xE;
	v12 =	vunpack.i.l.bf16.f32 v5;
	v8 =	vadd.f32 v63, v16  }
0x212: {  	s10 =	simm.s32 $0x0;
	s11 =	sadd.s32 $0x40, s31;
	[tilespmem:s1+$0x10] =	vst v7;
	v15 =	vunpack.i.l.bf16.f32 v6;
	v7 =	vadd.f32 v9, v18;
	v16 =	vunpack.i.l.bf16.f32 v4  }
.LBB2_11:
0x213: {  	v9 =	vld [tilespmem:s11+$0x0];
	s10 =	sadd.s32 $0x4, s10;
	v12 =	vmul.f32 v12, v14;
	v14 =	vmul.f32 v15, v17;
	v10 =	vadd.f32 v10, v13;
	s0 =	sadd.s32 $0x240, s0  }
0x214: {  	v5 =	vunpack.i.u.bf16.f32 v5;
	v3 =	vbroadcast v3, $0xF;
	v11 =	vmul.f32 v16, v11;
	v13 =	vld [tilespmem:s0+$0x90];
	p1 =	slt.u32 s10, $0x24  }
0x215: {  	v6 =	vunpack.i.u.bf16.f32 v6;
	v15 =	vbroadcast v1, $0xF;
	v16 =	vbroadcast v2, $0xF;
	v1 =	vld [tilespmem:s11+$0xFFFFFFE0]  }
0x216: {  	v4 =	vunpack.i.u.bf16.f32 v4;
	v8 =	vadd.f32 v12, v8;
	v7 =	vadd.f32 v14, v7;
	v17 =	vld [tilespmem:s0+$0x110]  }
0x217: {  	v5 =	vmul.f32 v5, v3;
	v6 =	vmul.f32 v6, v15;
	v10 =	vadd.f32 v11, v10;
	v2 =	vld [tilespmem:s11+$0xFFFFFFF0]  }
0x218: {  	v4 =	vmul.f32 v4, v16;
	v11 =	vbroadcast v9, $0x0;
	v12 =	vld [tilespmem:s0+$0xA0]  }
0x219: {  	v5 =	vadd.f32 v8, v5;
	v6 =	vadd.f32 v7, v6;
	v3 =	vld [tilespmem:s11+$0xFFFFFFD0];
	v14 =	vunpack.i.l.bf16.f32 v13  }
0x21a: {  	v4 =	vadd.f32 v10, v4;
	v7 =	vld [tilespmem:s0+$0xFFFFFEE0];
	v8 =	vmul.f32 v14, v11;
	v11 =	vbroadcast v9, $0x1  }
0x21b: {  	v13 =	vunpack.i.u.bf16.f32 v13;
	v14 =	vbroadcast v1, $0x0;
	v10 =	vld [tilespmem:s0+$0xFFFFFF70];
	v15 =	vunpack.i.l.bf16.f32 v17;
	[tilespmem:s1+$0xFFFFFFE0] =	vst v5  }
0x21c: {  	v5 =	vadd.f32 v8, v15;
	v8 =	vmul.f32 v13, v11;
	v11 =	vbroadcast v9, $0x2;
	v13 =	vld [tilespmem:s0+$0xB0];
	[tilespmem:s1+$0xFFFFFFF0] =	vst v6  }
0x21d: {  	v6 =	vbroadcast v1, $0x1;
	v16 =	vbroadcast v2, $0x0;
	v15 =	vld [tilespmem:s0+$0x0];
	v17 =	vunpack.i.l.bf16.f32 v12;
	[tilespmem:s1+$0x0] =	vst v4  }
0x21e: {  	v4 =	vld [tilespmem:s0+$0xFFFFFF60];
	v5 =	vadd.f32 v5, v8;
	v8 =	vmul.f32 v17, v11;
	v11 =	vbroadcast v9, $0x3  }
0x21f: {  	v12 =	vunpack.i.u.bf16.f32 v12;
	v18 =	vbroadcast v3, $0x0;
	v17 =	vunpack.i.l.bf16.f32 v7;
	v21 =	vld [tilespmem:s0+$0xFFFFFFF0]  }
0x220: {  	v5 =	vadd.f32 v8, v5;
	v8 =	vmul.f32 v12, v11;
	v11 =	vbroadcast v9, $0x4;
	v12 =	vld [tilespmem:s0+$0xC0]  }
0x221: {  	v18 =	vmul.f32 v17, v18;
	v17 =	vunpack.i.l.bf16.f32 v10;
	v22 =	vld [tilespmem:s0+$0x80];
	v19 =	vunpack.i.l.bf16.f32 v13  }
0x222: {  	v23 =	vld [tilespmem:s0+$0xFFFFFEF0];
	v5 =	vadd.f32 v5, v8;
	v8 =	vmul.f32 v19, v11;
	v11 =	vbroadcast v9, $0x5  }
0x223: {  	v14 =	vmul.f32 v17, v14;
	v13 =	vunpack.i.u.bf16.f32 v13;
	v17 =	vunpack.i.l.bf16.f32 v15;
	v24 =	vld [tilespmem:s0+$0xFFFFFF80]  }
0x224: {  	v5 =	vadd.f32 v8, v5;
	v8 =	vmul.f32 v13, v11;
	v11 =	vbroadcast v9, $0x6;
	v13 =	vld [tilespmem:s0+$0xD0]  }
0x225: {  	v25 =	vbroadcast v3, $0x1;
	v26 =	vmul.f32 v17, v16;
	v27 =	vld [tilespmem:s0+$0x10];
	v16 =	vunpack.i.l.bf16.f32 v12  }
0x226: {  	v19 =	vld [tilespmem:s0+$0xFFFFFF00];
	v5 =	vadd.f32 v5, v8;
	v8 =	vmul.f32 v16, v11;
	v11 =	vbroadcast v9, $0x7  }
0x227: {  	v28 =	vbroadcast v2, $0x1;
	v4 =	vunpack.i.l.bf16.f32 v4;
	v12 =	vunpack.i.u.bf16.f32 v12;
	v20 =	vld [tilespmem:s0+$0xFFFFFF90]  }
0x228: {  	v5 =	vadd.f32 v8, v5;
	v8 =	vmul.f32 v12, v11;
	v11 =	vbroadcast v9, $0x8;
	v12 =	vld [tilespmem:s0+$0xE0]  }
0x229: {  	v7 =	vunpack.i.u.bf16.f32 v7;
	v29 =	vunpack.i.l.bf16.f32 v21;
	v21 =	vld [tilespmem:s0+$0x20];
	v17 =	vunpack.i.l.bf16.f32 v13  }
0x22a: {  	v16 =	vld [tilespmem:s0+$0xFFFFFF10];
	v5 =	vadd.f32 v5, v8;
	v8 =	vmul.f32 v17, v11;
	v11 =	vbroadcast v9, $0x9  }
0x22b: {  	v10 =	vunpack.i.u.bf16.f32 v10;
	v22 =	vunpack.i.l.bf16.f32 v22;
	v13 =	vunpack.i.u.bf16.f32 v13;
	v17 =	vld [tilespmem:s0+$0xFFFFFFA0]  }
0x22c: {  	v5 =	vadd.f32 v8, v5;
	v8 =	vmul.f32 v13, v11;
	v11 =	vbroadcast v9, $0xA;
	v30 =	vld [tilespmem:s0+$0xF0]  }
0x22d: {  	v31 =	vunpack.i.u.bf16.f32 v15;
	v4 =	vadd.f32 v18, v4;
	v18 =	vld [tilespmem:s0+$0x30];
	v15 =	vunpack.i.l.bf16.f32 v12  }
0x22e: {  	v13 =	vld [tilespmem:s0+$0xFFFFFF20];
	v5 =	vadd.f32 v5, v8;
	v8 =	vmul.f32 v15, v11;
	v11 =	vbroadcast v9, $0xB  }
0x22f: {  	v29 =	vadd.f32 v14, v29;
	v22 =	vadd.f32 v26, v22;
	v12 =	vunpack.i.u.bf16.f32 v12;
	v14 =	vld [tilespmem:s0+$0xFFFFFFB0]  }
0x230: {  	v5 =	vadd.f32 v8, v5;
	v8 =	vmul.f32 v12, v11;
	v11 =	vbroadcast v9, $0xC;
	v26 =	vld [tilespmem:s0+$0x100]  }
0x231: {  	v25 =	vmul.f32 v7, v25;
	v6 =	vmul.f32 v10, v6;
	v15 =	vld [tilespmem:s0+$0x40];
	v7 =	vunpack.i.l.bf16.f32 v30  }
0x232: {  	v10 =	vld [tilespmem:s0+$0xFFFFFF30];
	v5 =	vadd.f32 v5, v8;
	v7 =	vmul.f32 v7, v11;
	v8 =	vbroadcast v9, $0xD  }
0x233: {  	v32 =	vbroadcast v3, $0x2;
	v28 =	vmul.f32 v31, v28;
	v30 =	vunpack.i.u.bf16.f32 v30;
	v12 =	vld [tilespmem:s0+$0xFFFFFFC0]  }
0x234: {  	v31 =	vbroadcast v9, $0xE;
	v11 =	vld [tilespmem:s0+$0x50];
	v5 =	vadd.f32 v7, v5;
	v30 =	vmul.f32 v30, v8  }
0x235: {  	v33 =	vbroadcast v1, $0x2;
	v34 =	vbroadcast v2, $0x2;
	v7 =	vld [tilespmem:s0+$0xFFFFFF40];
	v35 =	vunpack.i.l.bf16.f32 v26  }
0x236: {  	v8 =	vld [tilespmem:s0+$0xFFFFFFD0];
	v30 =	vadd.f32 v5, v30;
	v31 =	vmul.f32 v35, v31;
	v35 =	vbroadcast v9, $0xF  }
0x237: {  	v36 =	vunpack.i.l.bf16.f32 v23;
	v37 =	vunpack.i.l.bf16.f32 v24;
	v26 =	vunpack.i.u.bf16.f32 v26;
	v9 =	vld [tilespmem:s0+$0x60]  }
0x238: {  	v38 =	vunpack.i.l.bf16.f32 v27;
	v5 =	vld [tilespmem:s0+$0xFFFFFF50];
	v30 =	vadd.f32 v31, v30;
	v26 =	vmul.f32 v26, v35  }
0x239: {  	v25 =	vadd.f32 v4, v25;
	v29 =	vadd.f32 v29, v6;
	v31 =	vmul.f32 v36, v32;
	v6 =	vld [tilespmem:s0+$0xFFFFFFE0]  }
0x23a: {  	v22 =	vadd.f32 v22, v28;
	v32 =	vmul.f32 v37, v33;
	v4 =	vld [tilespmem:s0+$0x70];
	v26 =	vadd.f32 v30, v26  }
0x23b: {  	s1 =	sadd.s32 $0x40, s1;
	v23 =	vunpack.i.u.bf16.f32 v23;
	v28 =	vbroadcast v3, $0x3;
	v30 =	vmul.f32 v38, v34  }
0x23c: {  	v24 =	vunpack.i.u.bf16.f32 v24;
	v33 =	vbroadcast v1, $0x3;
	v34 =	vbroadcast v2, $0x3;
	[tilespmem:s1+$0x10] =	vst v26  }
0x23d: {  	v27 =	vunpack.i.u.bf16.f32 v27;
	v25 =	vadd.f32 v31, v25;
	v26 =	vadd.f32 v32, v29  }
0x23e: {  	v23 =	vmul.f32 v23, v28;
	v24 =	vmul.f32 v24, v33;
	v22 =	vadd.f32 v30, v22  }
0x23f: {  	v28 =	vunpack.i.l.bf16.f32 v19;
	v29 =	vbroadcast v3, $0x4;
	v27 =	vmul.f32 v27, v34  }
0x240: {  	v31 =	vbroadcast v1, $0x4;
	v30 =	vunpack.i.l.bf16.f32 v20;
	v32 =	vbroadcast v2, $0x4  }
0x241: {  	v23 =	vadd.f32 v25, v23;
	v25 =	vunpack.i.l.bf16.f32 v21;
	v24 =	vadd.f32 v26, v24  }
0x242: {  	v26 =	vmul.f32 v28, v29;
	v28 =	vmul.f32 v30, v31;
	v22 =	vadd.f32 v22, v27  }
0x243: {  	v19 =	vunpack.i.u.bf16.f32 v19;
	v27 =	vbroadcast v3, $0x5;
	v25 =	vmul.f32 v25, v32  }
0x244: {  	v20 =	vunpack.i.u.bf16.f32 v20;
	v29 =	vbroadcast v1, $0x5;
	v30 =	vbroadcast v2, $0x5  }
0x245: {  	v21 =	vunpack.i.u.bf16.f32 v21;
	v23 =	vadd.f32 v26, v23;
	v24 =	vadd.f32 v28, v24  }
0x246: {  	v19 =	vmul.f32 v19, v27;
	v20 =	vmul.f32 v20, v29;
	v22 =	vadd.f32 v25, v22  }
0x247: {  	v25 =	vunpack.i.l.bf16.f32 v16;
	v26 =	vbroadcast v3, $0x6;
	v21 =	vmul.f32 v21, v30  }
0x248: {  	v27 =	vunpack.i.l.bf16.f32 v17;
	v28 =	vbroadcast v1, $0x6;
	v29 =	vbroadcast v2, $0x6  }
0x249: {  	v19 =	vadd.f32 v23, v19;
	v20 =	vadd.f32 v24, v20;
	v23 =	vunpack.i.l.bf16.f32 v18  }
0x24a: {  	v24 =	vmul.f32 v25, v26;
	v25 =	vmul.f32 v27, v28;
	v21 =	vadd.f32 v22, v21  }
0x24b: {  	v16 =	vunpack.i.u.bf16.f32 v16;
	v22 =	vbroadcast v3, $0x7;
	v23 =	vmul.f32 v23, v29  }
0x24c: {  	v17 =	vunpack.i.u.bf16.f32 v17;
	v26 =	vbroadcast v1, $0x7;
	v27 =	vbroadcast v2, $0x7  }
0x24d: {  	v18 =	vunpack.i.u.bf16.f32 v18;
	v19 =	vadd.f32 v24, v19;
	v20 =	vadd.f32 v25, v20  }
0x24e: {  	v16 =	vmul.f32 v16, v22;
	v17 =	vmul.f32 v17, v26;
	v21 =	vadd.f32 v23, v21  }
0x24f: {  	v22 =	vunpack.i.l.bf16.f32 v13;
	v18 =	vmul.f32 v18, v27;
	v23 =	vbroadcast v3, $0x8  }
0x250: {  	v24 =	vunpack.i.l.bf16.f32 v14;
	v25 =	vbroadcast v1, $0x8;
	v26 =	vbroadcast v2, $0x8  }
0x251: {  	v16 =	vadd.f32 v19, v16;
	v17 =	vadd.f32 v20, v17;
	v19 =	vunpack.i.l.bf16.f32 v15  }
0x252: {  	v20 =	vmul.f32 v22, v23;
	v22 =	vmul.f32 v24, v25;
	v18 =	vadd.f32 v21, v18  }
0x253: {  	v13 =	vunpack.i.u.bf16.f32 v13;
	v21 =	vbroadcast v3, $0x9;
	v19 =	vmul.f32 v19, v26  }
0x254: {  	v14 =	vunpack.i.u.bf16.f32 v14;
	v23 =	vbroadcast v1, $0x9;
	v24 =	vbroadcast v2, $0x9  }
0x255: {  	v15 =	vunpack.i.u.bf16.f32 v15;
	v16 =	vadd.f32 v20, v16;
	v17 =	vadd.f32 v22, v17  }
0x256: {  	v13 =	vmul.f32 v13, v21;
	v14 =	vmul.f32 v14, v23;
	v18 =	vadd.f32 v19, v18  }
0x257: {  	v19 =	vunpack.i.l.bf16.f32 v10;
	v20 =	vbroadcast v3, $0xA;
	v15 =	vmul.f32 v15, v24  }
0x258: {  	v21 =	vunpack.i.l.bf16.f32 v12;
	v22 =	vbroadcast v1, $0xA;
	v23 =	vbroadcast v2, $0xA  }
0x259: {  	v13 =	vadd.f32 v16, v13;
	v14 =	vadd.f32 v17, v14;
	v16 =	vunpack.i.l.bf16.f32 v11  }
0x25a: {  	v17 =	vmul.f32 v19, v20;
	v19 =	vmul.f32 v21, v22;
	v15 =	vadd.f32 v18, v15  }
0x25b: {  	v10 =	vunpack.i.u.bf16.f32 v10;
	v18 =	vbroadcast v3, $0xB;
	v16 =	vmul.f32 v16, v23  }
0x25c: {  	v12 =	vunpack.i.u.bf16.f32 v12;
	v20 =	vbroadcast v1, $0xB;
	v21 =	vbroadcast v2, $0xB  }
0x25d: {  	v11 =	vunpack.i.u.bf16.f32 v11;
	v13 =	vadd.f32 v17, v13;
	v14 =	vadd.f32 v19, v14  }
0x25e: {  	v10 =	vmul.f32 v10, v18;
	v12 =	vmul.f32 v12, v20;
	v15 =	vadd.f32 v16, v15  }
0x25f: {  	v17 =	vbroadcast v3, $0xC;
	v11 =	vmul.f32 v11, v21;
	v16 =	vunpack.i.l.bf16.f32 v7  }
0x260: {  	v18 =	vunpack.i.l.bf16.f32 v8;
	v19 =	vbroadcast v1, $0xC;
	v20 =	vbroadcast v2, $0xC  }
0x261: {  	v10 =	vadd.f32 v13, v10;
	v12 =	vadd.f32 v14, v12;
	v13 =	vunpack.i.l.bf16.f32 v9  }
0x262: {  	v14 =	vmul.f32 v16, v17;
	v16 =	vmul.f32 v18, v19;
	v11 =	vadd.f32 v15, v11  }
0x263: {  	v7 =	vunpack.i.u.bf16.f32 v7;
	v15 =	vbroadcast v3, $0xD;
	v13 =	vmul.f32 v13, v20  }
0x264: {  	v8 =	vunpack.i.u.bf16.f32 v8;
	v17 =	vbroadcast v1, $0xD;
	v18 =	vbroadcast v2, $0xD  }
.Ltmp4:
0x265: {  	v9 =	vunpack.i.u.bf16.f32 v9;
	v19 =	vadd.f32 v14, v10;
	v16 =	vadd.f32 v16, v12;
	(pc) =	sbr.rel @p1 .LBB2_11-.Ltmp4, $4  }
0x266: {  	v20 =	vmul.f32 v8, v17;
	v7 =	vmul.f32 v7, v15;
	v10 =	vadd.f32 v13, v11  }
0x267: {  	v12 =	vunpack.i.l.bf16.f32 v5;
	v14 =	vbroadcast v3, $0xE;
	v13 =	vmul.f32 v9, v18  }
0x268: {  	v17 =	vbroadcast v1, $0xE;
	v15 =	vunpack.i.l.bf16.f32 v6;
	v11 =	vbroadcast v2, $0xE  }
0x269: {  	s11 =	sadd.s32 $0x40, s11;
	v8 =	vadd.f32 v19, v7;
	v7 =	vadd.f32 v16, v20;
	v16 =	vunpack.i.l.bf16.f32 v4  }
0x26a: {  	v9 =	vmul.f32 v12, v14;
	v61 =	vmul.f32 v15, v17  }
0x26b: {  	v10 =	vadd.f32 v10, v13;
	v5 =	vunpack.i.u.bf16.f32 v5;
	v3 =	vbroadcast v3, $0xF  }
0x26c: {  	v11 =	vmul.f32 v16, v11;
	v6 =	vunpack.i.u.bf16.f32 v6;
	v1 =	vbroadcast v1, $0xF  }
0x26d: {  	v2 =	vbroadcast v2, $0xF;
	v8 =	vadd.f32 v9, v8;
	v3 =	vmul.f32 v5, v3  }
0x26e: {  	v4 =	vunpack.i.u.bf16.f32 v4;
	v62 =	vadd.f32 v61, v7;
	v1 =	vmul.f32 v6, v1  }
0x26f: {  	v63 =	vadd.f32 v11, v10;
	v2 =	vmul.f32 v4, v2;
	v3 =	vadd.f32 v8, v3  }
0x270: {  	v1 =	vadd.f32 v62, v1  }
0x271: {  	v2 =	vadd.f32 v63, v2;
	[tilespmem:s1+$0xFFFFFFE0] =	vst v3  }
0x272: {  	p1 =	sne.s32 s29, $0x5;
	[tilespmem:s1+$0xFFFFFFF0] =	vst v1  }
.Ltmp5:
0x273: {  	s0 =	sadd.s32 $0xB90, s30;
	[tilespmem:s1+$0x0] =	vst v2;
	(pc) =	sbr.rel @p1 .LBB2_4-.Ltmp5, $4  }
0x274: {  	[spmem:s2] =	stream.indirect.scatter.add.f32 [tilespmem:s23], [sflag:$0x3], $0x10, s0, s20, $0xb8;
	[tilespmem:$0x10EA0] =	vst v63  }
0x275: {  	_ =	swait.ge [sflag:s26], $0x280  }
0x276: {  	[sflag:s26] =	ssyncset.done $0x0  }
0x277: {  	p0 =	por !p0, !p0;
	[sflag:s26] =	ssyncadd.s32 $0xFFFFFD80  }
0x278: {  	s0 =	stileid.u32  }
0x279: {  	[bflag:$0x0] =	sbarrier.arrive $0xFFFF;
	s0 =	sshll.u32 s0, $0x6  }
0x27a: {  	s1 =	sshrl.u32 s7, $0x3;
	s10 =	rddreg [dreg:$0x5];
	s0 =	sor.u32 $0x1C06, s0  }
0x27b: {  	[hbm:s10], [sflag:s0] =	dma.local [spmem:s1], $0x500  }
0x27c: {  	_ =	swait.ge [sflag:s15], $0x500  }
0x27d: {  	s3 =	sadd.s32 $0x1, s3;
	s31 =	rddreg [dreg:$0x6]  }
0x27e: {  	p0 =	sne.s32 s3, s31  }
.Ltmp6:
0x27f: {  	_ = 	snop;
	(pc) =	sbr.rel @p0 .LBB2_1-.Ltmp6, $3  }
0x280: {  	_ =	sdelay $0x1  }
0x281: {  	[sflag:s15] =	ssyncset.done $0x0  }
0x282: {  	[sflag:s15] =	ssyncadd.s32 $0xFFFFFB00  }
0x283: {  	_ =	sfence.sel $0x180000  }
0x284: {  	[bflag:$0x0] =	sbarrier.arrive $0xFFFF  }
0x285: {  	_ =	strace $0x9000004A  }
0x286: {  	s0 =	stileid.u32;
	[bflag:$0x2] =	sbarrier.arrive $0xFFFF  }
0x287: {  	p0 =	sne.s32 s0, $0x0;
	s0 =	rddreg [dreg:$0x2]  }
0x288: {  	s0 =	sadd.s32 @!p0 $0x100000, s0  }
0x289: {  	[sflag:s0] =	ssyncadd.tile.s32 @!p0 $0x1;
	_ =	shalt  }
.Lfunc_end2:
_tile_overlayer_lowered:
.L_overlay_start_2:
0x28a: {  	(tag) =	ssettag $0x2  }
0x28b: {  	s0 =	rddreg [dreg:$0x0];
	s2 =	stileid.u32  }
0x28c: {  	s1 =	rddreg [dreg:$0x1];
	p0 =	sne.s32 s2, $0x0  }
0x28d: {  	s3 =	rddreg [dreg:$0x2];
	[bflag:$0x3] =	sbarrier.arrive $0xFFFF;
	s2 =	simm.s32 @!p0 $0x1C06  }
0x28e: {  	[timem:s3], [sflag:s2] =	dma.local @!p0 [hbm:s0], s1  }
0x28f: {  	s0 =	simm.s32 @!p0 $0x6  }
0x290: {  	_ =	swait.ge @!p0 [sflag:s0], s1  }
0x291: {  	s1 =	ssub.s32 @!p0 $0x0, s1;
	[sflag:s0] =	ssyncset.done @!p0 $0x0  }
0x292: {  	[sflag:s0] =	ssyncadd.s32 @!p0 s1  }
0x293: {  	[bflag:$0x3] =	sbarrier.arrive $0xFFFF  }
0x294: {  	_ =	shalt  }

// kernel: kernel.7.cloned.1.call-start
scs
__scs_entry_jumppad:
0x0: {  	(pc) =	sbr.rel $0x88, $3  }
0x1: {  	(tag) =	ssettag $0x0;
	lr =	simm.s32 $0x1  }
0x2: {  	[smem:$0x3F90] =	sst lr;
	_ =	strace $0xD0000000  }
0x3: {  	_ = 	snop  }
0x4: {  	_ = 	snop  }
0x5: {  	_ = 	snop  }
0x6: {  	_ = 	snop  }
0x7: {  	_ = 	snop  }
__scs_overlays_trampoline_lowered:
0x8: {  	[smem:$0x3F9F] =	sst s0  }
0x9: {  	[smem:$0x3FA0] =	sst s1  }
0xa: {  	[smem:$0x3FA1] =	sst s2  }
0xb: {  	[smem:$0x3FA2] =	sst s3  }
0xc: {  	[smem:$0x3FA3] =	sst s4  }
0xd: {  	[smem:$0x3FA4] =	sst s5  }
0xe: {  	[smem:$0x3FA5] =	sst s6  }
0xf: {  	[smem:$0x3FA6] =	sst s7  }
0x10: {  	[smem:$0x3FA7] =	sst s8  }
0x11: {  	[smem:$0x3FA8] =	sst s9;
	s0 =	simm.s32 @!p0 $0x0  }
0x12: {  	s1 =	sld [smem:$0x3F8E];
	s0 =	simm.s32 @p0 $0x1  }
0x13: {  	[smem:$0x3FA9] =	sst s0;
	s0 =	simm.s32 @!p1 $0x0  }
0x14: {  	s2 =	sld [smem:$0x3F8D];
	s0 =	simm.s32 @p1 $0x1  }
0x15: {  	[smem:$0x3FAA] =	sst s0;
	s0 =	simm.s32 @!p2 $0x0  }
0x16: {  	s3 =	sld [smem:$0x3FDB];
	s0 =	simm.s32 @p2 $0x1  }
0x17: {  	s4 =	simm.s32 $0x1BF5;
	[smem:$0x3FAC] =	sst s0  }
0x18: {  	s0 =	sld [smem:$0x3F8F];
	_ =	swait.ge [sflag:s4], $0x0  }
0x19: {  	s7 =	sld [smem:$0x3F90]  }
0x1a: {  	s8 =	sadd.s32 $0xFFFFE003, lr  }
0x1b: {  	s9 =	sadd.s32 $0xFFFFFEF7, lr;
	s5 =	simm.s32 $0xFFFFFFFF;
	p2 =	slt.u32 s8, $0xFFFFF086  }
0x1c: {  	p1 =	slt.u32 s9, $0xF7A;
	s5 =	simm.s32 @!p2 $0x0  }
0x1d: {  	s5 =	simm.s32 @p1 $0x1;
	p0 =	seq.s32 s7, s2  }
0x1e: {  	s7 =	smul.u32 @!p0 $0xF7A, s2;
	p2 =	seq.s32 @!p0 s5, $0x0  }
0x1f: {  	s9 =	smul.u32 $0xF7A, s1;
	s8 =	simm.s32 @!p0 $0x1BF5;
	p2 =	por !p2, p0  }
0x20: {  	[sflag:s8] =	ssyncset.s32 @!p0 $0xFFFFF086;
	s6 =	sadd.s32 @!p0 s3, s7;
	s7 =	simm.s32 @!p0 $0x108  }
0x21: {  	s3 =	sadd.s32 s3, s9;
	s6 =	sadd.s32 @!p0 $0x88, s6;
	s7 =	simm.s32 @p2 $0x1082  }
0x22: {  	[simem:s7], [sflag:s8] =	dma.local @!p0 [hbm:s6], $0xF7A  }
0x23: {  	s9 =	sor.u32 $0xD0000000, s2;
	s6 =	simm.s32 $0x108;
	_ =	swait.ge @!p0 [sflag:s8], $0x0  }
0x24: {  	s3 =	sadd.s32 $0x88, s3;
	s6 =	simm.s32 @!p1 $0x1082;
	[sflag:s4] =	ssyncset.s32 $0xFFFFF086  }
0x25: {  	[simem:s6], [sflag:s4] =	dma.local [hbm:s3], $0xF7A  }
0x26: {  	[smem:$0x3F90] =	sst s1;
	(tag) =	ssettag s2;
	_ =	strace s9  }
0x27: {  	s1 =	sld [smem:$0x3FA0]  }
0x28: {  	s2 =	sld [smem:$0x3FA1]  }
0x29: {  	s4 =	sld [smem:$0x3FA3]  }
0x2a: {  	p0 =	seq.s32 s5, $0x0;
	s5 =	sld [smem:$0x3FA4]  }
0x2b: {  	s6 =	sld [smem:$0x3FA5]  }
0x2c: {  	s7 =	sld [smem:$0x3FA6]  }
0x2d: {  	s3 =	simm.s32 $0x108;
	s8 =	sld [smem:$0x3FA7]  }
0x2e: {  	s3 =	simm.s32 @!p0 $0x1082;
	s9 =	sld [smem:$0x3FA8]  }
0x2f: {  	lr =	sadd.s32 s0, s3;
	s0 =	sld [smem:$0x3F9F]  }
0x30: {  	s3 =	sld [smem:$0x3FA2]  }
0x31: {  	[smem:$0x3FAB] =	sst s10  }
0x32: {  	s10 =	sld [smem:$0x3FA9];
	_ =	sdelay $0x3  }
0x33: {  	p0 =	seq.s32 s10, $0x1;
	s10 =	sld [smem:$0x3FAB];
	_ =	sdelay $0x3  }
0x34: {  	[smem:$0x3FAB] =	sst s10  }
0x35: {  	s10 =	sld [smem:$0x3FAA];
	_ =	sdelay $0x3  }
0x36: {  	p1 =	seq.s32 s10, $0x1;
	s10 =	sld [smem:$0x3FAB];
	_ =	sdelay $0x3  }
0x37: {  	[smem:$0x3FAB] =	sst s10  }
0x38: {  	s10 =	sld [smem:$0x3FAC]  }
0x39: {  	_ = 	snop;
	(pc) =	sbr.ind lr, $3  }
0x3a: {  	_ = 	snop  }
0x3b: {  	_ = 	snop  }
0x3c: {  	p2 =	seq.s32 s10, $0x1;
	s10 =	sld [smem:$0x3FAB]  }
0x3d: {  	_ =	shalt  }
0x3e: {  	_ =	shalt  }
0x3f: {  	_ =	shalt  }
0x40: {  	_ =	shalt  }
0x41: {  	_ =	shalt  }
0x42: {  	_ =	shalt  }
0x43: {  	_ =	shalt  }
0x44: {  	_ =	shalt  }
0x45: {  	_ =	shalt  }
0x46: {  	_ =	shalt  }
0x47: {  	_ =	shalt  }
0x48: {  	_ =	shalt  }
0x49: {  	_ =	shalt  }
0x4a: {  	_ =	shalt  }
0x4b: {  	_ =	shalt  }
0x4c: {  	_ =	shalt  }
0x4d: {  	_ =	shalt  }
0x4e: {  	_ =	shalt  }
0x4f: {  	_ =	shalt  }
0x50: {  	_ =	shalt  }
0x51: {  	_ =	shalt  }
0x52: {  	_ =	shalt  }
0x53: {  	_ =	shalt  }
0x54: {  	_ =	shalt  }
0x55: {  	_ =	shalt  }
0x56: {  	_ =	shalt  }
0x57: {  	_ =	shalt  }
0x58: {  	_ =	shalt  }
0x59: {  	_ =	shalt  }
0x5a: {  	_ =	shalt  }
0x5b: {  	_ =	shalt  }
0x5c: {  	_ =	shalt  }
0x5d: {  	_ =	shalt  }
0x5e: {  	_ =	shalt  }
0x5f: {  	_ =	shalt  }
0x60: {  	_ =	shalt  }
0x61: {  	_ =	shalt  }
0x62: {  	_ =	shalt  }
0x63: {  	_ =	shalt  }
0x64: {  	_ =	shalt  }
0x65: {  	_ =	shalt  }
0x66: {  	_ =	shalt  }
0x67: {  	_ =	shalt  }
0x68: {  	_ =	shalt  }
0x69: {  	_ =	shalt  }
0x6a: {  	_ =	shalt  }
0x6b: {  	_ =	shalt  }
0x6c: {  	_ =	shalt  }
0x6d: {  	_ =	shalt  }
0x6e: {  	_ =	shalt  }
0x6f: {  	_ =	shalt  }
0x70: {  	_ =	shalt  }
0x71: {  	_ =	shalt  }
0x72: {  	_ =	shalt  }
0x73: {  	_ =	shalt  }
0x74: {  	_ =	shalt  }
0x75: {  	_ =	shalt  }
0x76: {  	_ =	shalt  }
0x77: {  	_ =	shalt  }
0x78: {  	_ =	shalt  }
0x79: {  	_ =	shalt  }
0x7a: {  	_ =	shalt  }
0x7b: {  	_ =	shalt  }
0x7c: {  	_ =	shalt  }
0x7d: {  	_ =	shalt  }
0x7e: {  	_ =	shalt  }
0x7f: {  	_ =	shalt  }
0x80: {  	_ =	shalt  }
0x81: {  	_ =	shalt  }
0x82: {  	_ =	shalt  }
0x83: {  	_ =	shalt  }
0x84: {  	_ =	shalt  }
0x85: {  	_ =	shalt  }
0x86: {  	_ =	shalt  }
0x87: {  	_ =	shalt  }
.Lfunc_end0:
.L_simem_size_0:
called_computation_lowered:
.L_overlay_start_0:
0x88: {  	s2 =	sld [smem:$0x3FD9]  }
0x89: {  	s3 =	sld [smem:$0x3FFE];
	_ =	sdelay $0x1  }
0x8a: {  	s1 =	srdreg.scid  }
0x8b: {  	s0 =	sand.u32 $0x1, s1  }
0x8c: {  	s16 =	sshll.u32 s0, $0xA;
	s2 =	sadd.s32 s3, s2  }
0x8d: {  	s2 =	sadd.s32 s2, s16  }
0x8e: {  	[smem:$0x3FB7] =	sst s2  }
0x8f: {  	_ = 	snop  }
0x90: {  	(tm) =	ssettm $0x1  }
0x91: {  	s17 =	sld [smem:$0x3FFB];
	_ =	sdelay $0x3  }
0x92: {  	_ =	strace s17  }
0x93: {  	s2 =	sld [smem:$0x3FFC];
	_ =	sdelay $0x3  }
0x94: {  	_ =	strace s2  }
0x95: {  	s2 =	sld [smem:$0x3FFD];
	_ =	sdelay $0x3  }
0x96: {  	_ =	strace s2  }
0x97: {  	_ =	strace $0x8FFFFFFF  }
0x98: {  	s18 =	sld [smem:$0x3FDB];
	_ =	sdelay $0x1  }
0x99: {  	s19 =	simm.s32 $_scs_section_size  }
0x9a: {  	s4 =	simm.s32 $_size__tile_overlayer_lowered;
	s5 =	simm.s32 $_tile_overlayer_lowered  }
0x9b: {  	s22 =	simm.s32 $0x1BFF;
	s21 =	sshll.u32 s5, $0x1;
	s2 =	sadd.s32 s19, s18  }
0x9c: {  	s6 =	simm.s32 $0x0;
	s20 =	sshll.u32 s4, $0x1;
	s4 =	sadd.s32 s21, s2  }
0x9d: {  	[timem:s6], [sflag:s22] =	dma.local [hbm:s4], s20  }
0x9e: {  	_ =	swait.ge [sflag:s22], s20  }
0x9f: {  	s3 =	ssub.s32 $0x0, s20;
	[sflag:s22] =	ssyncset.done $0x0  }
0xa0: {  	[sflag:s22] =	ssyncadd.s32 s3;
	_ =	sdelay $0x1  }
0xa1: {  	s23 =	simm.s32 $0x1B8B  }
0xa2: {  	_ =	swait.ge [sflag:s23], $0x1  }
0xa3: {  	[sflag:s23] =	ssyncset.done $0x0  }
0xa4: {  	s25 =	simm.s32 $0x1B8E;
	s24 =	sld [smem:$0x3FFE];
	[sflag:s23] =	ssyncadd.s32 $0xFFFFFFFF  }
0xa5: {  	s26 =	simm.s32 $execute0_lowered;
	[smem:$0x3FD2] =	sst s25  }
0xa6: {  	s4 =	sshll.u32 s26, $0x1;
	_ =	strace $0x80000046;
	[dreg:$0x1] =	wrdreg $0xFFFFFFFF  }
0xa7: {  	s28 =	simm.s32 $_size_execute0_lowered;
	s2 =	sadd.s32 s2, s4;
	[dreg:$0x0] =	wrdreg $0x0  }
0xa8: {  	s4 =	sshll.u32 s28, $0x1;
	[dreg:$0x2] =	wrdreg s2  }
0xa9: {  	[dreg:$0x3] =	wrdreg s4  }
0xaa: {  	[dreg:$0x4] =	wrdreg $0xC0  }
0xab: {  	_ =	task [dreg:s6], $0x5FFFF  }
0xac: {  	[dreg:$0x1] =	wrdreg $0xFFFFFFFF  }
0xad: {  	[dreg:$0x0] =	wrdreg $0x60  }
0xae: {  	[dreg:$0x2] =	wrdreg s24  }
0xaf: {  	[dreg:$0x3] =	wrdreg $0x113A00  }
0xb0: {  	[dreg:$0x4] =	wrdreg $0x9  }
0xb1: {  	_ =	task.clear_ibuf [dreg:s6], $0x5FFFF;
	_ =	strace $0x90000046  }
0xb2: {  	s29 =	simm.s32 $0x9;
	_ =	strace $0x80000048  }
0xb3: {  	_ =	swait.ge [sflag:s29], $0x1  }
0xb4: {  	[sflag:s29] =	ssyncadd.s32 $0xFFFFFFFF  }
0xb5: {  	_ =	strace $0x90000048  }
0xb6: {  	_ =	sfence  }
0xb7: {  	s30 =	sld [smem:$0x0];
	_ =	sdelay $0x2  }
0xb8: {  	s31 =	sshll.u32 s1, $0xD;
	s1 =	sshrl.u32 s1, $0x2  }
0xb9: {  	s3 =	sand.u32 $0x4000, s31;
	s1 =	sadd.s32 s1, s30  }
0xba: {  	s0 =	sor.u32 s3, s0;
	s1 =	sshll.u32 s1, $0x11  }
0xbb: {  	s0 =	sor.u32 s1, s0  }
0xbc: {  	s0 =	sadd.s32 $0x8F2B, s0  }
0xbd: {  	[sflag:s0] =	ssyncadd.remote.s32 $0x1  }
0xbe: {  	_ =	sfence.sel $0xFFFF  }
0xbf: {  	[dreg:$0x0] =	wrdreg $0xFFFFFFFF;
	(pc) =	sbr.abs _section_cstart, $3  }
0xc0: {  	[dreg:$0x1] =	wrdreg $0xFFFFFFFF  }
0xc1: {  	_ =	task.clear_ibuf [dreg:s6], $0x2FFFF;
	_ =	strace $0x9FFFFFFF  }
0xc2: {  	(tm) =	ssettm $0x7FFFFFFF  }
0xc3: {  	_ =	shalt  }
tec
execute0_lowered:
.L_overlay_start_1:
0x0: {  	(tag) =	ssettag $0x1  }
0x1: {  	s0 =	rddreg [dreg:$0x0]  }
0x2: {  	s2 =	rddreg [dreg:$0x1]  }
0x3: {  	s1 =	srdreg.scid;
	s5 =	stileid.u32  }
0x4: {  	s3 =	simm.s32 $0x0;
	s15 =	simm.s32 $0x6;
	s18 =	simm.s32 $0x1  }
0x5: {  	s19 =	simm.s32 $0x5;
	s20 =	simm.s32 $0x28;
	s21 =	simm.s32 $0x8CA0  }
0x6: {  	s22 =	simm.s32 $0xA320;
	s23 =	simm.s32 $0xB9A0;
	s24 =	simm.s32 $0x2  }
0x7: {  	s25 =	simm.s32 $0xBEA0;
	s1 =	sand.u32 $0x1, s1;
	s7 =	smul.u32 $0x5000, s5  }
0x8: {  	[smem:$0x7FF] =	sst s3;
	s4 =	sadd.s32 $0x9FA00, s0;
	s8 =	sshll.u32 s5, $0x1  }
0x9: {  	s5 =	sadd.s32 $0x3600, s0;
	s6 =	smul.u32 $0x50000, s1;
	s8 =	sor.u32 s1, s8  }
0xa: {  	_ =	strace $0x80000047;
	s1 =	ssub.s32 $0x2, s1;
	s10 =	smul.u32 $0x1388, s8  }
0xb: {  	s26 =	sshrl.u32 s1, $0x1;
	s30 =	smul.u32 $0x2710, s8;
	s6 =	sadd.s32 s7, s6  }
0xc: {  	s1 =	ssub.s32 s1, s26;
	s9 =	sshrl.u32 s6, $0x3;
	s6 =	sadd.s32 $0xCBA00, s0  }
0xd: {  	s29 =	sshrl.u32 s10, $0x3;
	s10 =	sadd.s32 s5, s30;
	s31 =	smax.u32 s1, $0x1  }
0xe: {  	s0 =	sadd.s32 s9, s0;
	s9 =	sadd.s32 s6, s29;
	[dreg:$0x4] =	wrdreg s10  }
0xf: {  	s28 =	simm.s32 $0x4;
	[dreg:$0x6] =	wrdreg s31;
	s11 =	sadd.s32 $0x4E20, s9  }
0x10: {  	s8 =	smul.u32 $0x7D, s8;
	s0 =	sadd.s32 $0xD5800, s0;
	[dreg:$0x3] =	wrdreg s11  }
0x11: {  	v0 =	vimm.f32 $0.0e+00;
	v1 =	vimm.f32 $1.000000000e+00;
	s7 =	sadd.s32 s7, s2;
	s26 =	simm.s32 $0x3;
	[dreg:$0x5] =	wrdreg s0  }
.LBB2_1:
0x12: {  	s0 =	simm.s32 $0x0  }
.LBB2_2:
0x13: {  	p0 =	sne.s32 s0, $0x13F80  }
.Ltmp0:
0x14: {  	_ = 	snop;
	(pc) =	sbr.rel @p0 .LBB2_2-.Ltmp0, $4  }
0x15: {  	_ = 	snop  }
0x16: {  	s1 =	sshra.s32 s0, $0x2  }
0x17: {  	[tilespmem:s1+$0xC3A0] =	vst v0  }
0x18: {  	s0 =	sadd.s32 $0x80, s0;
	[tilespmem:s1+$0xC3B0] =	vst v0  }
0x19: {  	s0 =	simm.s32 $0x80;
	s1 =	simm.s32 $0x0  }
.LBB2_4:
0x1a: {  	p0 =	sne.s32 s0, $0x1380;
	[tilespmem:s1+$0xB9B0] =	vst v1;
	s10 =	smov.u32 s0;
	s0 =	sadd.s32 $0x80, s0  }
.Ltmp1:
0x1b: {  	[tilespmem:s1+$0xBEB0] =	vst v1;
	(pc) =	sbr.rel @p0 .LBB2_4-.Ltmp1, $2  }
0x1c: {  	_ =	sdelay $0x2  }
0x1d: {  	s1 =	sshra.s32 s10, $0x2  }
0x1e: {  	[tilespmem:s1+$0xB9B0] =	vst v1  }
0x1f: {  	[tilespmem:s1+$0xBEB0] =	vst v1;
	s0 =	simm.s32 $0xC3A0  }
0x20: {  	[spmem:s7] =	stream.linear.scatter [tilespmem:s0], [sflag:$0x6], $0x5000, $0x38;
	[tilespmem:$0x163A0] =	vst v63  }
0x21: {  	_ =	swait.ge [sflag:s15], $0x5000  }
0x22: {  	[sflag:s15] =	ssyncset.done $0x0  }
0x23: {  	[sflag:s15] =	ssyncadd.s32 $0xFFFFB000  }
0x24: {  	s29 =	simm.s32 $0x0;
	[bflag:$0x0] =	sbarrier.arrive $0xFFFF  }
0x25: {  	[tilespmem:s29], [sflag:$0x5] =	stream.linear.gather [hbm4b:s9+s29], $0x3E8, $0x38;
	[tilespmem:$0x163A0] =	vst v63  }
0x26: {  	s17 =	simm.s32 $0x7D0;
	s16 =	rddreg [dreg:$0x3]  }
0x27: {  	[tilespmem:s17], [sflag:$0x5] =	stream.linear.gather [hbm4b:s16+s29], $0x3E8, $0x38;
	[tilespmem:$0x163A0] =	vst v63  }
0x28: {  	s31 =	simm.s32 $0xFA0;
	p0 =	por $0x0, $0x0;
	s30 =	rddreg [dreg:$0x4]  }
0x29: {  	[tilespmem:s31], [sflag:$0x5] =	stream.linear.gather [hbm4b:s30+s29], $0x3E80, $0x38;
	[tilespmem:$0x163A0] =	vst v63  }
.LBB2_6:
0x2a: {  	s0 =	smov.u32 s29;
	_ =	swait.ge [sflag:s19], $0x3E8  }
0x2b: {  	s29 =	sadd.s32 $0x1, s29;
	[sflag:s19] =	ssyncset.done $0x0;
	p1 =	seq.s32 s0, $0x4  }
0x2c: {  	[sflag:s19] =	ssyncadd.s32 $0xFFFFFC18;
	s1 =	smul.u32 @!p1 $0x19, s29  }
0x2d: {  	_ =	swait.ge [sflag:s19], $0x3E8  }
0x2e: {  	[sflag:s19] =	ssyncset.done $0x0;
	s1 =	sadd.s32 @!p1 s8, s1  }
0x2f: {  	s0 =	sand.u32 $0x1, s0;
	[sflag:s19] =	ssyncadd.s32 $0xFFFFFC18;
	s10 =	smul.u32 @!p1 $0x28, s1  }
0x30: {  	s11 =	sand.u32 @!p1 $0x1, s29;
	s13 =	simm.s32 @!p1 $0x0;
	_ =	swait.ge [sflag:s19], $0x3E80  }
0x31: {  	s12 =	smul.u32 @!p1 $0x3E8, s11;
	[sflag:s19] =	ssyncset.done $0x0;
	s10 =	sshrl.u32 @!p1 s10, $0x3  }
0x32: {  	s11 =	smul.u32 @!p1 $0xFA00, s11;
	[sflag:s19] =	ssyncadd.s32 $0xFFFFC180;
	s10 =	sadd.s32 @!p1 s6, s10  }
0x33: {  	[tilespmem:s12], [sflag:$0x5] =	stream.linear.gather @!p1 [hbm4b:s10+s13], $0x3E8, $0x38;
	[tilespmem:$0x163A0] =	vst v63  }
0x34: {  	s1 =	smul.u32 @!p1 $0x50, s1;
	s12 =	sadd.s32 @!p1 $0x7D0, s12;
	s10 =	sadd.s32 @!p1 $0x4E20, s10  }
0x35: {  	[tilespmem:s12], [sflag:$0x5] =	stream.linear.gather @!p1 [hbm4b:s10+s13], $0x3E8, $0x38;
	[tilespmem:$0x163A0] =	vst v63  }
0x36: {  	s30 =	smul.u32 $0x3E8, s0;
	s11 =	sshrl.u32 @!p1 s11, $0x2;
	s10 =	simm.s32 $0x1  }
0x37: {  	s0 =	sadd.s32 @!p1 $0xFA0, s11;
	s1 =	sadd.s32 @!p1 s5, s1;
	s10 =	simm.s32 @!p0 $0x0  }
0x38: {  	[tilespmem:s0], [sflag:$0x5] =	stream.linear.gather @!p1 [hbm4b:s1+s13], $0x3E80, $0x38;
	[tilespmem:$0x163A0] =	vst v63  }
0x39: {  	s10 =	smul.u32 $0xFA00, s10  }
0x3a: {  	[tilespmem:s21], [sflag:$0x1] =	stream.indirect.gather [hbm4b:s4+s20], $0x90, s30, s20, $0xb8;
	[tilespmem:$0x163A0] =	vst v63  }
0x3b: {  	s16 =	sadd.s32 $0x7D0, s30;
	s17 =	sshrl.u32 s10, $0x2;
	_ =	swait.ge [sflag:s18], $0x1680  }
0x3c: {  	s31 =	sadd.s32 $0x4BD0, s17;
	s0 =	sadd.s32 $0x1250, s17;
	[sflag:s18] =	ssyncset.done $0x0  }
0x3d: {  	s14 =	sadd.s32 $0xFC0, s17;
	s17 =	simm.s32 $0x0;
	[sflag:s18] =	ssyncadd.s32 $0xFFFFE980  }
.LBB2_7:
0x3e: {  	s1 =	smul.u32 $0x50, s17;
	_ =	sdelay $0x1  }
0x3f: {  	s1 =	sadd.s32 $0x28, s1  }
0x40: {  	s10 =	sadd.s32 s1, s30  }
0x41: {  	[tilespmem:s22], [sflag:$0x2] =	stream.indirect.gather [hbm4b:s4+s20], $0x90, s10, s20, $0xb8;
	[tilespmem:$0x163A0] =	vst v63  }
0x42: {  	s10 =	simm.s32 $0x8DC0;
	v5 =	vld [tilespmem:s14+$0x10]  }
0x43: {  	v6 =	vld [tilespmem:s10+$0x90]  }
0x44: {  	v2 =	vld [tilespmem:s14+$0xFFFFFFF0]  }
0x45: {  	v7 =	vld [tilespmem:s10+$0x110]  }
0x46: {  	v3 =	vld [tilespmem:s14+$0x0]  }
0x47: {  	v9 =	vld [tilespmem:s10+$0xA0];
	v8 =	vbroadcast v5, $0x0  }
0x48: {  	v4 =	vld [tilespmem:s14+$0xFFFFFFE0];
	v10 =	vunpack.i.l.bf16.f32 v6  }
0x49: {  	v11 =	vld [tilespmem:s10+$0xFFFFFEE0];
	v8 =	vmul.f32 v10, v8;
	v10 =	vbroadcast v5, $0x1  }
0x4a: {  	v12 =	vld [tilespmem:s10+$0xFFFFFF70];
	v13 =	vbroadcast v2, $0x0;
	v7 =	vunpack.i.l.bf16.f32 v7;
	v6 =	vunpack.i.u.bf16.f32 v6  }
0x4b: {  	v7 =	vadd.f32 v8, v7;
	v6 =	vmul.f32 v6, v10;
	v8 =	vbroadcast v5, $0x2;
	v10 =	vld [tilespmem:s10+$0xB0]  }
0x4c: {  	v14 =	vbroadcast v2, $0x1;
	v15 =	vbroadcast v3, $0x0;
	v16 =	vunpack.i.l.bf16.f32 v9  }
0x4d: {  	v17 =	vld [tilespmem:s10+$0x0];
	v6 =	vadd.f32 v7, v6;
	v7 =	vmul.f32 v16, v8;
	v8 =	vbroadcast v5, $0x3  }
0x4e: {  	v18 =	vbroadcast v4, $0x0;
	v9 =	vunpack.i.u.bf16.f32 v9;
	v16 =	vunpack.i.l.bf16.f32 v11  }
0x4f: {  	v6 =	vadd.f32 v7, v6;
	v7 =	vmul.f32 v9, v8;
	v8 =	vbroadcast v5, $0x4;
	v9 =	vld [tilespmem:s10+$0xC0]  }
0x50: {  	v16 =	vmul.f32 v16, v18;
	v18 =	vunpack.i.l.bf16.f32 v12;
	v19 =	vunpack.i.l.bf16.f32 v10  }
0x51: {  	v22 =	vld [tilespmem:s10+$0x80];
	v6 =	vadd.f32 v6, v7;
	v7 =	vmul.f32 v19, v8;
	v8 =	vbroadcast v5, $0x5  }
0x52: {  	v13 =	vmul.f32 v18, v13;
	v18 =	vunpack.i.l.bf16.f32 v17;
	v10 =	vunpack.i.u.bf16.f32 v10  }
0x53: {  	v6 =	vadd.f32 v7, v6;
	v7 =	vmul.f32 v10, v8;
	v8 =	vbroadcast v5, $0x6;
	v10 =	vld [tilespmem:s10+$0xD0]  }
0x54: {  	v21 =	vbroadcast v4, $0x1;
	v15 =	vmul.f32 v18, v15;
	v18 =	vunpack.i.l.bf16.f32 v9  }
0x55: {  	v20 =	vld [tilespmem:s10+$0xFFFFFF60];
	v6 =	vadd.f32 v6, v7;
	v7 =	vmul.f32 v18, v8;
	v8 =	vbroadcast v5, $0x7  }
0x56: {  	v22 =	vunpack.i.l.bf16.f32 v22;
	v59 =	vbroadcast v4, $0x2;
	v19 =	vld [tilespmem:s10+$0xFFFFFFF0];
	v9 =	vunpack.i.u.bf16.f32 v9  }
0x57: {  	v6 =	vadd.f32 v7, v6;
	v7 =	vmul.f32 v9, v8;
	v8 =	vbroadcast v5, $0x8;
	v9 =	vld [tilespmem:s10+$0xE0]  }
0x58: {  	v11 =	vunpack.i.u.bf16.f32 v11;
	v12 =	vunpack.i.u.bf16.f32 v12;
	v23 =	vunpack.i.l.bf16.f32 v10  }
0x59: {  	v6 =	vadd.f32 v6, v7;
	v7 =	vmul.f32 v23, v8;
	v8 =	vbroadcast v5, $0x9  }
0x5a: {  	v11 =	vmul.f32 v11, v21;
	v18 =	vunpack.i.l.bf16.f32 v20;
	v10 =	vunpack.i.u.bf16.f32 v10  }
0x5b: {  	v6 =	vadd.f32 v7, v6;
	v7 =	vmul.f32 v10, v8;
	v8 =	vbroadcast v5, $0xA;
	v10 =	vld [tilespmem:s10+$0xF0]  }
0x5c: {  	v19 =	vunpack.i.l.bf16.f32 v19;
	v16 =	vadd.f32 v16, v18;
	v18 =	vunpack.i.l.bf16.f32 v9  }
0x5d: {  	v6 =	vadd.f32 v6, v7;
	v7 =	vmul.f32 v18, v8;
	v8 =	vbroadcast v5, $0xB  }
0x5e: {  	v17 =	vunpack.i.u.bf16.f32 v17;
	v13 =	vadd.f32 v13, v19;
	v9 =	vunpack.i.u.bf16.f32 v9  }
0x5f: {  	v19 =	vld [tilespmem:s10+$0xFFFFFF80];
	v6 =	vadd.f32 v7, v6;
	v7 =	vmul.f32 v9, v8;
	v8 =	vbroadcast v5, $0xC  }
0x60: {  	v12 =	vmul.f32 v12, v14;
	v20 =	vbroadcast v3, $0x1;
	v9 =	vld [tilespmem:s10+$0x100];
	v14 =	vunpack.i.l.bf16.f32 v10  }
0x61: {  	v18 =	vld [tilespmem:s10+$0xFFFFFEF0];
	v6 =	vadd.f32 v6, v7;
	v7 =	vmul.f32 v14, v8;
	v8 =	vbroadcast v5, $0xD  }
0x62: {  	v15 =	vadd.f32 v15, v22;
	v17 =	vmul.f32 v17, v20;
	v10 =	vunpack.i.u.bf16.f32 v10;
	v14 =	vld [tilespmem:s10+$0x10]  }
0x63: {  	v20 =	vbroadcast v3, $0x2;
	v6 =	vadd.f32 v7, v6;
	v7 =	vmul.f32 v10, v8  }
0x64: {  	v61 =	vunpack.i.l.bf16.f32 v19;
	v8 =	vbroadcast v5, $0xE;
	v10 =	vbroadcast v2, $0x2  }
0x65: {  	v5 =	vbroadcast v5, $0xF;
	v60 =	vunpack.i.l.bf16.f32 v9;
	v9 =	vunpack.i.u.bf16.f32 v9  }
0x66: {  	v6 =	vadd.f32 v6, v7;
	v7 =	vmul.f32 v60, v8;
	v8 =	vunpack.i.l.bf16.f32 v18  }
0x67: {  	v5 =	vmul.f32 v9, v5;
	v10 =	vmul.f32 v61, v10;
	v62 =	vunpack.i.l.bf16.f32 v14  }
0x68: {  	v9 =	vmul.f32 v8, v59;
	v6 =	vadd.f32 v7, v6;
	v7 =	vadd.f32 v16, v11  }
0x69: {  	v11 =	vadd.f32 v13, v12;
	v13 =	vadd.f32 v15, v17;
	v15 =	vbroadcast v4, $0x3  }
0x6a: {  	v16 =	vmul.f32 v62, v20;
	v20 =	vbroadcast v3, $0x3  }
0x6b: {  	v12 =	vld [tilespmem:s10+$0xFFFFFF00];
	v8 =	vadd.f32 v6, v5;
	v6 =	vunpack.i.u.bf16.f32 v18;
	v18 =	vunpack.i.u.bf16.f32 v19  }
0x6c: {  	v17 =	vld [tilespmem:s10+$0x20];
	v19 =	vbroadcast v2, $0x3;
	v7 =	vadd.f32 v9, v7;
	v9 =	vadd.f32 v10, v11  }
0x6d: {  	v5 =	vld [tilespmem:s10+$0xFFFFFF90];
	v10 =	vunpack.i.u.bf16.f32 v14;
	v6 =	vmul.f32 v6, v15;
	v15 =	vbroadcast v4, $0x4  }
0x6e: {  	v10 =	vmul.f32 v10, v20;
	v20 =	vbroadcast v3, $0x5  }
0x6f: {  	v13 =	vadd.f32 v16, v13;
	v11 =	vmul.f32 v18, v19;
	v18 =	vbroadcast v2, $0x4  }
0x70: {  	v19 =	vbroadcast v3, $0x4;
	v14 =	vunpack.i.l.bf16.f32 v12;
	v6 =	vadd.f32 v7, v6  }
0x71: {  	v10 =	vadd.f32 v13, v10;
	v12 =	vunpack.i.u.bf16.f32 v12;
	v7 =	vadd.f32 v9, v11  }
0x72: {  	v9 =	vunpack.i.l.bf16.f32 v17;
	v14 =	vmul.f32 v14, v15;
	v16 =	vunpack.i.l.bf16.f32 v5  }
0x73: {  	v13 =	vld [tilespmem:s10+$0xFFFFFFA0];
	v9 =	vmul.f32 v9, v19;
	v5 =	vunpack.i.u.bf16.f32 v5;
	v19 =	vbroadcast v2, $0x5  }
0x74: {  	v11 =	vld [tilespmem:s10+$0xFFFFFF10];
	v15 =	vmul.f32 v16, v18;
	v16 =	vbroadcast v4, $0x5;
	v6 =	vadd.f32 v14, v6  }
0x75: {  	v18 =	vld [tilespmem:s10+$0x30];
	v14 =	vunpack.i.u.bf16.f32 v17;
	v17 =	vbroadcast v2, $0x6;
	v5 =	vmul.f32 v5, v19  }
0x76: {  	v9 =	vadd.f32 v9, v10;
	v14 =	vmul.f32 v14, v20;
	v19 =	vbroadcast v3, $0x6  }
0x77: {  	v20 =	vbroadcast v3, $0x7;
	v7 =	vadd.f32 v15, v7;
	v12 =	vmul.f32 v12, v16  }
0x78: {  	v15 =	vbroadcast v4, $0x6;
	v16 =	vunpack.i.l.bf16.f32 v13;
	v9 =	vadd.f32 v9, v14  }
0x79: {  	v10 =	vunpack.i.l.bf16.f32 v11;
	v6 =	vadd.f32 v6, v12;
	v5 =	vadd.f32 v7, v5  }
0x7a: {  	v10 =	vmul.f32 v10, v15;
	v15 =	vmul.f32 v16, v17;
	v7 =	vunpack.i.l.bf16.f32 v18  }
0x7b: {  	v14 =	vld [tilespmem:s10+$0xFFFFFFB0];
	v11 =	vunpack.i.u.bf16.f32 v11;
	v16 =	vbroadcast v4, $0x7;
	v7 =	vmul.f32 v7, v19  }
0x7c: {  	v12 =	vld [tilespmem:s10+$0xFFFFFF20];
	v19 =	vbroadcast v2, $0x7;
	v6 =	vadd.f32 v10, v6;
	v5 =	vadd.f32 v15, v5  }
0x7d: {  	v17 =	vld [tilespmem:s10+$0x40];
	v10 =	vunpack.i.u.bf16.f32 v18;
	v11 =	vmul.f32 v11, v16;
	v15 =	vbroadcast v4, $0x8  }
0x7e: {  	v13 =	vunpack.i.u.bf16.f32 v13;
	v18 =	vbroadcast v2, $0x8;
	v10 =	vmul.f32 v10, v20  }
0x7f: {  	v20 =	vbroadcast v3, $0x9;
	v13 =	vmul.f32 v13, v19  }
0x80: {  	v7 =	vadd.f32 v7, v9;
	v16 =	vunpack.i.l.bf16.f32 v14;
	v19 =	vbroadcast v3, $0x8  }
0x81: {  	v6 =	vadd.f32 v6, v11;
	v14 =	vunpack.i.u.bf16.f32 v14;
	v9 =	vunpack.i.l.bf16.f32 v12  }
0x82: {  	v11 =	vunpack.i.l.bf16.f32 v17;
	v12 =	vunpack.i.u.bf16.f32 v12;
	v9 =	vmul.f32 v9, v15  }
0x83: {  	v5 =	vadd.f32 v5, v13;
	v13 =	vld [tilespmem:s10+$0xFFFFFF30];
	v15 =	vmul.f32 v16, v18;
	v16 =	vbroadcast v4, $0x9  }
0x84: {  	v7 =	vadd.f32 v7, v10;
	v10 =	vld [tilespmem:s10+$0xFFFFFFC0];
	v11 =	vmul.f32 v11, v19;
	v19 =	vbroadcast v2, $0x9  }
0x85: {  	v18 =	vld [tilespmem:s10+$0x50];
	v6 =	vadd.f32 v9, v6;
	v5 =	vadd.f32 v15, v5;
	v12 =	vmul.f32 v12, v16  }
0x86: {  	v9 =	vunpack.i.u.bf16.f32 v17;
	v14 =	vmul.f32 v14, v19;
	v15 =	vbroadcast v4, $0xA  }
0x87: {  	v7 =	vadd.f32 v11, v7;
	v17 =	vbroadcast v2, $0xA;
	v19 =	vbroadcast v3, $0xA  }
0x88: {  	v9 =	vmul.f32 v9, v20;
	v20 =	vbroadcast v3, $0xB;
	v6 =	vadd.f32 v6, v12  }
0x89: {  	v5 =	vadd.f32 v5, v14;
	v11 =	vunpack.i.l.bf16.f32 v13;
	v16 =	vunpack.i.l.bf16.f32 v10  }
0x8a: {  	v12 =	vunpack.i.l.bf16.f32 v18;
	v7 =	vadd.f32 v7, v9;
	v11 =	vmul.f32 v11, v15  }
0x8b: {  	v14 =	vld [tilespmem:s10+$0xFFFFFF40];
	v13 =	vunpack.i.u.bf16.f32 v13;
	v15 =	vmul.f32 v16, v17;
	v16 =	vbroadcast v4, $0xB  }
0x8c: {  	v9 =	vld [tilespmem:s10+$0xFFFFFFD0];
	v10 =	vunpack.i.u.bf16.f32 v10;
	v12 =	vmul.f32 v12, v19;
	v19 =	vbroadcast v2, $0xB  }
0x8d: {  	v17 =	vld [tilespmem:s10+$0x60];
	v6 =	vadd.f32 v11, v6;
	v5 =	vadd.f32 v15, v5;
	v13 =	vmul.f32 v13, v16  }
0x8e: {  	v11 =	vunpack.i.u.bf16.f32 v18;
	v10 =	vmul.f32 v10, v19;
	v15 =	vbroadcast v4, $0xC  }
0x8f: {  	v7 =	vadd.f32 v12, v7;
	v18 =	vbroadcast v2, $0xC;
	v19 =	vbroadcast v3, $0xC  }
0x90: {  	v12 =	vunpack.i.l.bf16.f32 v14;
	v11 =	vmul.f32 v11, v20;
	v14 =	vunpack.i.u.bf16.f32 v14  }
0x91: {  	v20 =	vbroadcast v3, $0xD;
	v16 =	vunpack.i.l.bf16.f32 v9;
	v13 =	vadd.f32 v6, v13  }
0x92: {  	v10 =	vadd.f32 v5, v10;
	v6 =	vld [tilespmem:s10+$0xFFFFFF50];
	v12 =	vmul.f32 v12, v15;
	v5 =	vunpack.i.l.bf16.f32 v17  }
0x93: {  	v15 =	vmul.f32 v16, v18;
	v11 =	vadd.f32 v7, v11;
	v7 =	vld [tilespmem:s10+$0xFFFFFFE0];
	v16 =	vbroadcast v4, $0xD  }
0x94: {  	v9 =	vunpack.i.u.bf16.f32 v9;
	v18 =	vmul.f32 v5, v19;
	v5 =	vld [tilespmem:s10+$0x70];
	v19 =	vbroadcast v2, $0xD  }
0x95: {  	v63 =	vadd.f32 v12, v13;
	v12 =	vunpack.i.u.bf16.f32 v17;
	v17 =	vmul.f32 v14, v16  }
0x96: {  	v10 =	vadd.f32 v15, v10;
	v15 =	vbroadcast v4, $0xE;
	v14 =	vmul.f32 v12, v20  }
0x97: {  	v12 =	vbroadcast v3, $0xE;
	v19 =	vmul.f32 v9, v19;
	v11 =	vadd.f32 v18, v11  }
0x98: {  	s11 =	simm.s32 $0xB9E0;
	v18 =	vbroadcast v2, $0xE;
	v13 =	vunpack.i.l.bf16.f32 v6;
	v9 =	vadd.f32 v63, v17  }
0x99: {  	s12 =	simm.s32 $0x0;
	s13 =	sadd.s32 $0x40, s14;
	[tilespmem:s11+$0x20] =	vst v8;
	v16 =	vunpack.i.l.bf16.f32 v7;
	v8 =	vadd.f32 v10, v19;
	v17 =	vunpack.i.l.bf16.f32 v5  }
.LBB2_8:
0x9a: {  	v10 =	vld [tilespmem:s13+$0x10];
	s12 =	sadd.s32 $0x4, s12;
	v13 =	vmul.f32 v13, v15;
	v15 =	vmul.f32 v16, v18;
	v11 =	vadd.f32 v11, v14;
	s10 =	sadd.s32 $0x240, s10  }
0x9b: {  	v6 =	vunpack.i.u.bf16.f32 v6;
	v4 =	vbroadcast v4, $0xF;
	v12 =	vmul.f32 v17, v12;
	v14 =	vld [tilespmem:s10+$0x90];
	p1 =	slt.u32 s12, $0x24  }
0x9c: {  	v7 =	vunpack.i.u.bf16.f32 v7;
	v16 =	vbroadcast v2, $0xF;
	v17 =	vbroadcast v3, $0xF;
	v2 =	vld [tilespmem:s13+$0xFFFFFFF0]  }
0x9d: {  	v5 =	vunpack.i.u.bf16.f32 v5;
	v9 =	vadd.f32 v13, v9;
	v8 =	vadd.f32 v15, v8;
	v18 =	vld [tilespmem:s10+$0x110]  }
0x9e: {  	v6 =	vmul.f32 v6, v4;
	v7 =	vmul.f32 v7, v16;
	v11 =	vadd.f32 v12, v11;
	v3 =	vld [tilespmem:s13+$0x0]  }
0x9f: {  	v5 =	vmul.f32 v5, v17;
	v12 =	vbroadcast v10, $0x0;
	v13 =	vld [tilespmem:s10+$0xA0]  }
0xa0: {  	v6 =	vadd.f32 v9, v6;
	v7 =	vadd.f32 v8, v7;
	v4 =	vld [tilespmem:s13+$0xFFFFFFE0];
	v15 =	vunpack.i.l.bf16.f32 v14  }
0xa1: {  	v5 =	vadd.f32 v11, v5;
	v8 =	vld [tilespmem:s10+$0xFFFFFEE0];
	v9 =	vmul.f32 v15, v12;
	v12 =	vbroadcast v10, $0x1  }
0xa2: {  	v14 =	vunpack.i.u.bf16.f32 v14;
	v15 =	vbroadcast v2, $0x0;
	v11 =	vld [tilespmem:s10+$0xFFFFFF70];
	v16 =	vunpack.i.l.bf16.f32 v18;
	[tilespmem:s11+$0xFFFFFFC0] =	vst v6  }
0xa3: {  	v6 =	vadd.f32 v9, v16;
	v9 =	vmul.f32 v14, v12;
	v12 =	vbroadcast v10, $0x2;
	v14 =	vld [tilespmem:s10+$0xB0];
	[tilespmem:s11+$0xFFFFFFE0] =	vst v7  }
0xa4: {  	v7 =	vbroadcast v2, $0x1;
	v17 =	vbroadcast v3, $0x0;
	v16 =	vld [tilespmem:s10+$0x0];
	v18 =	vunpack.i.l.bf16.f32 v13;
	[tilespmem:s11+$0x0] =	vst v5  }
0xa5: {  	v5 =	vld [tilespmem:s10+$0xFFFFFF60];
	v6 =	vadd.f32 v6, v9;
	v9 =	vmul.f32 v18, v12;
	v12 =	vbroadcast v10, $0x3  }
0xa6: {  	v13 =	vunpack.i.u.bf16.f32 v13;
	v19 =	vbroadcast v4, $0x0;
	v18 =	vunpack.i.l.bf16.f32 v8;
	v22 =	vld [tilespmem:s10+$0xFFFFFFF0]  }
0xa7: {  	v6 =	vadd.f32 v9, v6;
	v9 =	vmul.f32 v13, v12;
	v12 =	vbroadcast v10, $0x4;
	v13 =	vld [tilespmem:s10+$0xC0]  }
0xa8: {  	v19 =	vmul.f32 v18, v19;
	v18 =	vunpack.i.l.bf16.f32 v11;
	v23 =	vld [tilespmem:s10+$0x80];
	v20 =	vunpack.i.l.bf16.f32 v14  }
0xa9: {  	v24 =	vld [tilespmem:s10+$0xFFFFFEF0];
	v6 =	vadd.f32 v6, v9;
	v9 =	vmul.f32 v20, v12;
	v12 =	vbroadcast v10, $0x5  }
0xaa: {  	v15 =	vmul.f32 v18, v15;
	v14 =	vunpack.i.u.bf16.f32 v14;
	v18 =	vunpack.i.l.bf16.f32 v16;
	v25 =	vld [tilespmem:s10+$0xFFFFFF80]  }
0xab: {  	v6 =	vadd.f32 v9, v6;
	v9 =	vmul.f32 v14, v12;
	v12 =	vbroadcast v10, $0x6;
	v14 =	vld [tilespmem:s10+$0xD0]  }
0xac: {  	v26 =	vbroadcast v4, $0x1;
	v27 =	vmul.f32 v18, v17;
	v28 =	vld [tilespmem:s10+$0x10];
	v17 =	vunpack.i.l.bf16.f32 v13  }
0xad: {  	v20 =	vld [tilespmem:s10+$0xFFFFFF00];
	v6 =	vadd.f32 v6, v9;
	v9 =	vmul.f32 v17, v12;
	v12 =	vbroadcast v10, $0x7  }
0xae: {  	v29 =	vbroadcast v3, $0x1;
	v5 =	vunpack.i.l.bf16.f32 v5;
	v13 =	vunpack.i.u.bf16.f32 v13;
	v21 =	vld [tilespmem:s10+$0xFFFFFF90]  }
0xaf: {  	v6 =	vadd.f32 v9, v6;
	v9 =	vmul.f32 v13, v12;
	v12 =	vbroadcast v10, $0x8;
	v13 =	vld [tilespmem:s10+$0xE0]  }
0xb0: {  	v8 =	vunpack.i.u.bf16.f32 v8;
	v30 =	vunpack.i.l.bf16.f32 v22;
	v22 =	vld [tilespmem:s10+$0x20];
	v18 =	vunpack.i.l.bf16.f32 v14  }
0xb1: {  	v17 =	vld [tilespmem:s10+$0xFFFFFF10];
	v6 =	vadd.f32 v6, v9;
	v9 =	vmul.f32 v18, v12;
	v12 =	vbroadcast v10, $0x9  }
0xb2: {  	v11 =	vunpack.i.u.bf16.f32 v11;
	v23 =	vunpack.i.l.bf16.f32 v23;
	v14 =	vunpack.i.u.bf16.f32 v14;
	v18 =	vld [tilespmem:s10+$0xFFFFFFA0]  }
0xb3: {  	v6 =	vadd.f32 v9, v6;
	v9 =	vmul.f32 v14, v12;
	v12 =	vbroadcast v10, $0xA;
	v31 =	vld [tilespmem:s10+$0xF0]  }
0xb4: {  	v32 =	vunpack.i.u.bf16.f32 v16;
	v5 =	vadd.f32 v19, v5;
	v19 =	vld [tilespmem:s10+$0x30];
	v16 =	vunpack.i.l.bf16.f32 v13  }
0xb5: {  	v14 =	vld [tilespmem:s10+$0xFFFFFF20];
	v6 =	vadd.f32 v6, v9;
	v9 =	vmul.f32 v16, v12;
	v12 =	vbroadcast v10, $0xB  }
0xb6: {  	v30 =	vadd.f32 v15, v30;
	v23 =	vadd.f32 v27, v23;
	v13 =	vunpack.i.u.bf16.f32 v13;
	v15 =	vld [tilespmem:s10+$0xFFFFFFB0]  }
0xb7: {  	v6 =	vadd.f32 v9, v6;
	v9 =	vmul.f32 v13, v12;
	v12 =	vbroadcast v10, $0xC;
	v27 =	vld [tilespmem:s10+$0x100]  }
0xb8: {  	v26 =	vmul.f32 v8, v26;
	v7 =	vmul.f32 v11, v7;
	v16 =	vld [tilespmem:s10+$0x40];
	v8 =	vunpack.i.l.bf16.f32 v31  }
0xb9: {  	v11 =	vld [tilespmem:s10+$0xFFFFFF30];
	v6 =	vadd.f32 v6, v9;
	v8 =	vmul.f32 v8, v12;
	v9 =	vbroadcast v10, $0xD  }
0xba: {  	v33 =	vbroadcast v4, $0x2;
	v29 =	vmul.f32 v32, v29;
	v31 =	vunpack.i.u.bf16.f32 v31;
	v13 =	vld [tilespmem:s10+$0xFFFFFFC0]  }
0xbb: {  	v32 =	vbroadcast v10, $0xE;
	v12 =	vld [tilespmem:s10+$0x50];
	v6 =	vadd.f32 v8, v6;
	v31 =	vmul.f32 v31, v9  }
0xbc: {  	v34 =	vbroadcast v2, $0x2;
	v35 =	vbroadcast v3, $0x2;
	v8 =	vld [tilespmem:s10+$0xFFFFFF40];
	v36 =	vunpack.i.l.bf16.f32 v27  }
0xbd: {  	v9 =	vld [tilespmem:s10+$0xFFFFFFD0];
	v31 =	vadd.f32 v6, v31;
	v32 =	vmul.f32 v36, v32;
	v36 =	vbroadcast v10, $0xF  }
0xbe: {  	v37 =	vunpack.i.l.bf16.f32 v24;
	v38 =	vunpack.i.l.bf16.f32 v25;
	v27 =	vunpack.i.u.bf16.f32 v27;
	v10 =	vld [tilespmem:s10+$0x60]  }
0xbf: {  	v39 =	vunpack.i.l.bf16.f32 v28;
	v6 =	vld [tilespmem:s10+$0xFFFFFF50];
	v31 =	vadd.f32 v32, v31;
	v27 =	vmul.f32 v27, v36  }
0xc0: {  	v26 =	vadd.f32 v5, v26;
	v30 =	vadd.f32 v30, v7;
	v32 =	vmul.f32 v37, v33;
	v7 =	vld [tilespmem:s10+$0xFFFFFFE0]  }
0xc1: {  	v23 =	vadd.f32 v23, v29;
	v33 =	vmul.f32 v38, v34;
	v5 =	vld [tilespmem:s10+$0x70];
	v27 =	vadd.f32 v31, v27  }
0xc2: {  	s11 =	sadd.s32 $0x80, s11;
	v24 =	vunpack.i.u.bf16.f32 v24;
	v29 =	vbroadcast v4, $0x3;
	v31 =	vmul.f32 v39, v35  }
0xc3: {  	v25 =	vunpack.i.u.bf16.f32 v25;
	v34 =	vbroadcast v2, $0x3;
	v35 =	vbroadcast v3, $0x3;
	[tilespmem:s11+$0x20] =	vst v27  }
0xc4: {  	v28 =	vunpack.i.u.bf16.f32 v28;
	v26 =	vadd.f32 v32, v26;
	v27 =	vadd.f32 v33, v30  }
0xc5: {  	v24 =	vmul.f32 v24, v29;
	v25 =	vmul.f32 v25, v34;
	v23 =	vadd.f32 v31, v23  }
0xc6: {  	v29 =	vunpack.i.l.bf16.f32 v20;
	v30 =	vbroadcast v4, $0x4;
	v28 =	vmul.f32 v28, v35  }
0xc7: {  	v32 =	vbroadcast v2, $0x4;
	v31 =	vunpack.i.l.bf16.f32 v21;
	v33 =	vbroadcast v3, $0x4  }
0xc8: {  	v24 =	vadd.f32 v26, v24;
	v26 =	vunpack.i.l.bf16.f32 v22;
	v25 =	vadd.f32 v27, v25  }
0xc9: {  	v27 =	vmul.f32 v29, v30;
	v29 =	vmul.f32 v31, v32;
	v23 =	vadd.f32 v23, v28  }
0xca: {  	v20 =	vunpack.i.u.bf16.f32 v20;
	v28 =	vbroadcast v4, $0x5;
	v26 =	vmul.f32 v26, v33  }
0xcb: {  	v21 =	vunpack.i.u.bf16.f32 v21;
	v30 =	vbroadcast v2, $0x5;
	v31 =	vbroadcast v3, $0x5  }
0xcc: {  	v22 =	vunpack.i.u.bf16.f32 v22;
	v24 =	vadd.f32 v27, v24;
	v25 =	vadd.f32 v29, v25  }
0xcd: {  	v20 =	vmul.f32 v20, v28;
	v21 =	vmul.f32 v21, v30;
	v23 =	vadd.f32 v26, v23  }
0xce: {  	v26 =	vunpack.i.l.bf16.f32 v17;
	v27 =	vbroadcast v4, $0x6;
	v22 =	vmul.f32 v22, v31  }
0xcf: {  	v28 =	vunpack.i.l.bf16.f32 v18;
	v29 =	vbroadcast v2, $0x6;
	v30 =	vbroadcast v3, $0x6  }
0xd0: {  	v20 =	vadd.f32 v24, v20;
	v21 =	vadd.f32 v25, v21;
	v24 =	vunpack.i.l.bf16.f32 v19  }
0xd1: {  	v25 =	vmul.f32 v26, v27;
	v26 =	vmul.f32 v28, v29;
	v22 =	vadd.f32 v23, v22  }
0xd2: {  	v17 =	vunpack.i.u.bf16.f32 v17;
	v23 =	vbroadcast v4, $0x7;
	v24 =	vmul.f32 v24, v30  }
0xd3: {  	v18 =	vunpack.i.u.bf16.f32 v18;
	v27 =	vbroadcast v2, $0x7;
	v28 =	vbroadcast v3, $0x7  }
0xd4: {  	v19 =	vunpack.i.u.bf16.f32 v19;
	v20 =	vadd.f32 v25, v20;
	v21 =	vadd.f32 v26, v21  }
0xd5: {  	v17 =	vmul.f32 v17, v23;
	v18 =	vmul.f32 v18, v27;
	v22 =	vadd.f32 v24, v22  }
0xd6: {  	v23 =	vunpack.i.l.bf16.f32 v14;
	v19 =	vmul.f32 v19, v28;
	v24 =	vbroadcast v4, $0x8  }
0xd7: {  	v25 =	vunpack.i.l.bf16.f32 v15;
	v26 =	vbroadcast v2, $0x8;
	v27 =	vbroadcast v3, $0x8  }
0xd8: {  	v17 =	vadd.f32 v20, v17;
	v18 =	vadd.f32 v21, v18;
	v20 =	vunpack.i.l.bf16.f32 v16  }
0xd9: {  	v21 =	vmul.f32 v23, v24;
	v23 =	vmul.f32 v25, v26;
	v19 =	vadd.f32 v22, v19  }
0xda: {  	v14 =	vunpack.i.u.bf16.f32 v14;
	v22 =	vbroadcast v4, $0x9;
	v20 =	vmul.f32 v20, v27  }
0xdb: {  	v15 =	vunpack.i.u.bf16.f32 v15;
	v24 =	vbroadcast v2, $0x9;
	v25 =	vbroadcast v3, $0x9  }
0xdc: {  	v16 =	vunpack.i.u.bf16.f32 v16;
	v17 =	vadd.f32 v21, v17;
	v18 =	vadd.f32 v23, v18  }
0xdd: {  	v14 =	vmul.f32 v14, v22;
	v15 =	vmul.f32 v15, v24;
	v19 =	vadd.f32 v20, v19  }
0xde: {  	v20 =	vunpack.i.l.bf16.f32 v11;
	v21 =	vbroadcast v4, $0xA;
	v16 =	vmul.f32 v16, v25  }
0xdf: {  	v22 =	vunpack.i.l.bf16.f32 v13;
	v23 =	vbroadcast v2, $0xA;
	v24 =	vbroadcast v3, $0xA  }
0xe0: {  	v14 =	vadd.f32 v17, v14;
	v15 =	vadd.f32 v18, v15;
	v17 =	vunpack.i.l.bf16.f32 v12  }
0xe1: {  	v18 =	vmul.f32 v20, v21;
	v20 =	vmul.f32 v22, v23;
	v16 =	vadd.f32 v19, v16  }
0xe2: {  	v11 =	vunpack.i.u.bf16.f32 v11;
	v19 =	vbroadcast v4, $0xB;
	v17 =	vmul.f32 v17, v24  }
0xe3: {  	v13 =	vunpack.i.u.bf16.f32 v13;
	v21 =	vbroadcast v2, $0xB;
	v22 =	vbroadcast v3, $0xB  }
0xe4: {  	v12 =	vunpack.i.u.bf16.f32 v12;
	v14 =	vadd.f32 v18, v14;
	v15 =	vadd.f32 v20, v15  }
0xe5: {  	v11 =	vmul.f32 v11, v19;
	v13 =	vmul.f32 v13, v21;
	v16 =	vadd.f32 v17, v16  }
0xe6: {  	v18 =	vbroadcast v4, $0xC;
	v12 =	vmul.f32 v12, v22;
	v17 =	vunpack.i.l.bf16.f32 v8  }
0xe7: {  	v19 =	vunpack.i.l.bf16.f32 v9;
	v20 =	vbroadcast v2, $0xC;
	v21 =	vbroadcast v3, $0xC  }
0xe8: {  	v11 =	vadd.f32 v14, v11;
	v13 =	vadd.f32 v15, v13;
	v14 =	vunpack.i.l.bf16.f32 v10  }
0xe9: {  	v15 =	vmul.f32 v17, v18;
	v17 =	vmul.f32 v19, v20;
	v12 =	vadd.f32 v16, v12  }
0xea: {  	v8 =	vunpack.i.u.bf16.f32 v8;
	v16 =	vbroadcast v4, $0xD;
	v14 =	vmul.f32 v14, v21  }
0xeb: {  	v9 =	vunpack.i.u.bf16.f32 v9;
	v18 =	vbroadcast v2, $0xD;
	v19 =	vbroadcast v3, $0xD  }
.Ltmp2:
0xec: {  	v10 =	vunpack.i.u.bf16.f32 v10;
	v20 =	vadd.f32 v15, v11;
	v17 =	vadd.f32 v17, v13;
	(pc) =	sbr.rel @p1 .LBB2_8-.Ltmp2, $4  }
0xed: {  	v21 =	vmul.f32 v9, v18;
	v8 =	vmul.f32 v8, v16;
	v11 =	vadd.f32 v14, v12  }
0xee: {  	v13 =	vunpack.i.l.bf16.f32 v6;
	v15 =	vbroadcast v4, $0xE;
	v14 =	vmul.f32 v10, v19  }
0xef: {  	v18 =	vbroadcast v2, $0xE;
	v16 =	vunpack.i.l.bf16.f32 v7;
	v12 =	vbroadcast v3, $0xE  }
0xf0: {  	s13 =	sadd.s32 $0x40, s13;
	v9 =	vadd.f32 v20, v8;
	v8 =	vadd.f32 v17, v21;
	v17 =	vunpack.i.l.bf16.f32 v5  }
0xf1: {  	v10 =	vmul.f32 v13, v15;
	v13 =	vmul.f32 v16, v18  }
0xf2: {  	v11 =	vadd.f32 v11, v14;
	v6 =	vunpack.i.u.bf16.f32 v6;
	v4 =	vbroadcast v4, $0xF  }
0xf3: {  	v12 =	vmul.f32 v17, v12;
	v7 =	vunpack.i.u.bf16.f32 v7;
	v2 =	vbroadcast v2, $0xF  }
0xf4: {  	v3 =	vbroadcast v3, $0xF;
	v9 =	vadd.f32 v10, v9;
	v4 =	vmul.f32 v6, v4  }
0xf5: {  	v5 =	vunpack.i.u.bf16.f32 v5;
	v6 =	vadd.f32 v13, v8;
	v2 =	vmul.f32 v7, v2  }
0xf6: {  	v7 =	vadd.f32 v12, v11;
	v3 =	vmul.f32 v5, v3;
	v4 =	vadd.f32 v9, v4  }
0xf7: {  	s10 =	smul.u32 $0x140, s17;
	v2 =	vadd.f32 v6, v2  }
0xf8: {  	v3 =	vadd.f32 v7, v3;
	[tilespmem:s11+$0xFFFFFFC0] =	vst v4  }
0xf9: {  	s10 =	sshra.s32 s10, $0x2;
	[tilespmem:s11+$0xFFFFFFE0] =	vst v2  }
0xfa: {  	s13 =	sadd.s32 s10, s16;
	[tilespmem:s11+$0x0] =	vst v3  }
0xfb: {  	[spmem:s2] =	stream.indirect.scatter.add.f32 [tilespmem:s23], [sflag:$0x3], $0x20, s13, s20, $0xb8;
	[tilespmem:$0x163A0] =	vst v63  }
0xfc: {  	_ =	swait.ge [sflag:s24], $0x1680  }
0xfd: {  	s10 =	sadd.s32 s10, s30;
	[sflag:s24] =	ssyncset.done $0x0  }
0xfe: {  	s10 =	sadd.s32 $0x50, s10;
	[sflag:s24] =	ssyncadd.s32 $0xFFFFE980  }
0xff: {  	[tilespmem:s21], [sflag:$0x1] =	stream.indirect.gather [hbm4b:s4+s20], $0x90, s10, s20, $0xb8;
	[tilespmem:$0x163A0] =	vst v63  }
0x100: {  	s10 =	simm.s32 $0xA550;
	v5 =	vld [tilespmem:s0+$0x0]  }
0x101: {  	v6 =	vld [tilespmem:s10+$0xFFFFFF80]  }
0x102: {  	v2 =	vld [tilespmem:s0+$0xFFFFFFE0]  }
0x103: {  	v7 =	vld [tilespmem:s10+$0x0]  }
0x104: {  	v3 =	vld [tilespmem:s0+$0xFFFFFFF0]  }
0x105: {  	v9 =	vld [tilespmem:s10+$0xFFFFFF90];
	v8 =	vbroadcast v5, $0x0  }
0x106: {  	v4 =	vld [tilespmem:s0+$0xFFFFFFD0];
	v10 =	vunpack.i.l.bf16.f32 v6  }
0x107: {  	v11 =	vld [tilespmem:s10+$0xFFFFFDD0];
	v8 =	vmul.f32 v10, v8;
	v10 =	vbroadcast v5, $0x1  }
0x108: {  	v12 =	vld [tilespmem:s10+$0xFFFFFE60];
	v13 =	vbroadcast v2, $0x0;
	v7 =	vunpack.i.l.bf16.f32 v7;
	v6 =	vunpack.i.u.bf16.f32 v6  }
0x109: {  	v7 =	vadd.f32 v8, v7;
	v6 =	vmul.f32 v6, v10;
	v8 =	vbroadcast v5, $0x2;
	v10 =	vld [tilespmem:s10+$0xFFFFFFA0]  }
0x10a: {  	v14 =	vbroadcast v2, $0x1;
	v15 =	vbroadcast v3, $0x0;
	v16 =	vunpack.i.l.bf16.f32 v9  }
0x10b: {  	v17 =	vld [tilespmem:s10+$0xFFFFFEF0];
	v6 =	vadd.f32 v7, v6;
	v7 =	vmul.f32 v16, v8;
	v8 =	vbroadcast v5, $0x3  }
0x10c: {  	v18 =	vbroadcast v4, $0x0;
	v9 =	vunpack.i.u.bf16.f32 v9;
	v16 =	vunpack.i.l.bf16.f32 v11  }
0x10d: {  	v6 =	vadd.f32 v7, v6;
	v7 =	vmul.f32 v9, v8;
	v8 =	vbroadcast v5, $0x4;
	v9 =	vld [tilespmem:s10+$0xFFFFFFB0]  }
0x10e: {  	v16 =	vmul.f32 v16, v18;
	v18 =	vunpack.i.l.bf16.f32 v12;
	v19 =	vunpack.i.l.bf16.f32 v10  }
0x10f: {  	v22 =	vld [tilespmem:s10+$0xFFFFFF70];
	v6 =	vadd.f32 v6, v7;
	v7 =	vmul.f32 v19, v8;
	v8 =	vbroadcast v5, $0x5  }
0x110: {  	v13 =	vmul.f32 v18, v13;
	v18 =	vunpack.i.l.bf16.f32 v17;
	v10 =	vunpack.i.u.bf16.f32 v10  }
0x111: {  	v6 =	vadd.f32 v7, v6;
	v7 =	vmul.f32 v10, v8;
	v8 =	vbroadcast v5, $0x6;
	v10 =	vld [tilespmem:s10+$0xFFFFFFC0]  }
0x112: {  	v21 =	vbroadcast v4, $0x1;
	v15 =	vmul.f32 v18, v15;
	v18 =	vunpack.i.l.bf16.f32 v9  }
0x113: {  	v20 =	vld [tilespmem:s10+$0xFFFFFE50];
	v6 =	vadd.f32 v6, v7;
	v7 =	vmul.f32 v18, v8;
	v8 =	vbroadcast v5, $0x7  }
0x114: {  	v22 =	vunpack.i.l.bf16.f32 v22;
	v59 =	vbroadcast v4, $0x2;
	v19 =	vld [tilespmem:s10+$0xFFFFFEE0];
	v9 =	vunpack.i.u.bf16.f32 v9  }
0x115: {  	v6 =	vadd.f32 v7, v6;
	v7 =	vmul.f32 v9, v8;
	v8 =	vbroadcast v5, $0x8;
	v9 =	vld [tilespmem:s10+$0xFFFFFFD0]  }
0x116: {  	v11 =	vunpack.i.u.bf16.f32 v11;
	v12 =	vunpack.i.u.bf16.f32 v12;
	v23 =	vunpack.i.l.bf16.f32 v10  }
0x117: {  	v6 =	vadd.f32 v6, v7;
	v7 =	vmul.f32 v23, v8;
	v8 =	vbroadcast v5, $0x9  }
0x118: {  	v11 =	vmul.f32 v11, v21;
	v18 =	vunpack.i.l.bf16.f32 v20;
	v10 =	vunpack.i.u.bf16.f32 v10  }
0x119: {  	v6 =	vadd.f32 v7, v6;
	v7 =	vmul.f32 v10, v8;
	v8 =	vbroadcast v5, $0xA;
	v10 =	vld [tilespmem:s10+$0xFFFFFFE0]  }
0x11a: {  	v19 =	vunpack.i.l.bf16.f32 v19;
	v16 =	vadd.f32 v16, v18;
	v18 =	vunpack.i.l.bf16.f32 v9  }
0x11b: {  	v6 =	vadd.f32 v6, v7;
	v7 =	vmul.f32 v18, v8;
	v8 =	vbroadcast v5, $0xB  }
0x11c: {  	v17 =	vunpack.i.u.bf16.f32 v17;
	v13 =	vadd.f32 v13, v19;
	v9 =	vunpack.i.u.bf16.f32 v9  }
0x11d: {  	v19 =	vld [tilespmem:s10+$0xFFFFFE70];
	v6 =	vadd.f32 v7, v6;
	v7 =	vmul.f32 v9, v8;
	v8 =	vbroadcast v5, $0xC  }
0x11e: {  	v12 =	vmul.f32 v12, v14;
	v20 =	vbroadcast v3, $0x1;
	v9 =	vld [tilespmem:s10+$0xFFFFFFF0];
	v14 =	vunpack.i.l.bf16.f32 v10  }
0x11f: {  	v18 =	vld [tilespmem:s10+$0xFFFFFDE0];
	v6 =	vadd.f32 v6, v7;
	v7 =	vmul.f32 v14, v8;
	v8 =	vbroadcast v5, $0xD  }
0x120: {  	v15 =	vadd.f32 v15, v22;
	v17 =	vmul.f32 v17, v20;
	v10 =	vunpack.i.u.bf16.f32 v10;
	v14 =	vld [tilespmem:s10+$0xFFFFFF00]  }
0x121: {  	v20 =	vbroadcast v3, $0x2;
	v6 =	vadd.f32 v7, v6;
	v7 =	vmul.f32 v10, v8  }
0x122: {  	v61 =	vunpack.i.l.bf16.f32 v19;
	v8 =	vbroadcast v5, $0xE;
	v10 =	vbroadcast v2, $0x2  }
0x123: {  	v5 =	vbroadcast v5, $0xF;
	v60 =	vunpack.i.l.bf16.f32 v9;
	v9 =	vunpack.i.u.bf16.f32 v9  }
0x124: {  	v6 =	vadd.f32 v6, v7;
	v7 =	vmul.f32 v60, v8;
	v8 =	vunpack.i.l.bf16.f32 v18  }
0x125: {  	v5 =	vmul.f32 v9, v5;
	v10 =	vmul.f32 v61, v10;
	v62 =	vunpack.i.l.bf16.f32 v14  }
0x126: {  	v9 =	vmul.f32 v8, v59;
	v6 =	vadd.f32 v7, v6;
	v7 =	vadd.f32 v16, v11  }
0x127: {  	v11 =	vadd.f32 v13, v12;
	v13 =	vadd.f32 v15, v17;
	v15 =	vbroadcast v4, $0x3  }
0x128: {  	v16 =	vmul.f32 v62, v20;
	v20 =	vbroadcast v3, $0x3  }
0x129: {  	v12 =	vld [tilespmem:s10+$0xFFFFFDF0];
	v8 =	vadd.f32 v6, v5;
	v6 =	vunpack.i.u.bf16.f32 v18;
	v18 =	vunpack.i.u.bf16.f32 v19  }
0x12a: {  	v17 =	vld [tilespmem:s10+$0xFFFFFF10];
	v19 =	vbroadcast v2, $0x3;
	v7 =	vadd.f32 v9, v7;
	v9 =	vadd.f32 v10, v11  }
0x12b: {  	v5 =	vld [tilespmem:s10+$0xFFFFFE80];
	v10 =	vunpack.i.u.bf16.f32 v14;
	v6 =	vmul.f32 v6, v15;
	v15 =	vbroadcast v4, $0x4  }
0x12c: {  	v10 =	vmul.f32 v10, v20;
	v20 =	vbroadcast v3, $0x5  }
0x12d: {  	v13 =	vadd.f32 v16, v13;
	v11 =	vmul.f32 v18, v19;
	v18 =	vbroadcast v2, $0x4  }
0x12e: {  	v19 =	vbroadcast v3, $0x4;
	v14 =	vunpack.i.l.bf16.f32 v12;
	v6 =	vadd.f32 v7, v6  }
0x12f: {  	v10 =	vadd.f32 v13, v10;
	v12 =	vunpack.i.u.bf16.f32 v12;
	v7 =	vadd.f32 v9, v11  }
0x130: {  	v9 =	vunpack.i.l.bf16.f32 v17;
	v14 =	vmul.f32 v14, v15;
	v16 =	vunpack.i.l.bf16.f32 v5  }
0x131: {  	v13 =	vld [tilespmem:s10+$0xFFFFFE90];
	v9 =	vmul.f32 v9, v19;
	v5 =	vunpack.i.u.bf16.f32 v5;
	v19 =	vbroadcast v2, $0x5  }
0x132: {  	v11 =	vld [tilespmem:s10+$0xFFFFFE00];
	v15 =	vmul.f32 v16, v18;
	v16 =	vbroadcast v4, $0x5;
	v6 =	vadd.f32 v14, v6  }
0x133: {  	v18 =	vld [tilespmem:s10+$0xFFFFFF20];
	v14 =	vunpack.i.u.bf16.f32 v17;
	v17 =	vbroadcast v2, $0x6;
	v5 =	vmul.f32 v5, v19  }
0x134: {  	v9 =	vadd.f32 v9, v10;
	v14 =	vmul.f32 v14, v20;
	v19 =	vbroadcast v3, $0x6  }
0x135: {  	v20 =	vbroadcast v3, $0x7;
	v7 =	vadd.f32 v15, v7;
	v12 =	vmul.f32 v12, v16  }
0x136: {  	v15 =	vbroadcast v4, $0x6;
	v16 =	vunpack.i.l.bf16.f32 v13;
	v9 =	vadd.f32 v9, v14  }
0x137: {  	v10 =	vunpack.i.l.bf16.f32 v11;
	v6 =	vadd.f32 v6, v12;
	v5 =	vadd.f32 v7, v5  }
0x138: {  	v10 =	vmul.f32 v10, v15;
	v15 =	vmul.f32 v16, v17;
	v7 =	vunpack.i.l.bf16.f32 v18  }
0x139: {  	v14 =	vld [tilespmem:s10+$0xFFFFFEA0];
	v11 =	vunpack.i.u.bf16.f32 v11;
	v16 =	vbroadcast v4, $0x7;
	v7 =	vmul.f32 v7, v19  }
0x13a: {  	v12 =	vld [tilespmem:s10+$0xFFFFFE10];
	v19 =	vbroadcast v2, $0x7;
	v6 =	vadd.f32 v10, v6;
	v5 =	vadd.f32 v15, v5  }
0x13b: {  	v17 =	vld [tilespmem:s10+$0xFFFFFF30];
	v10 =	vunpack.i.u.bf16.f32 v18;
	v11 =	vmul.f32 v11, v16;
	v15 =	vbroadcast v4, $0x8  }
0x13c: {  	v13 =	vunpack.i.u.bf16.f32 v13;
	v18 =	vbroadcast v2, $0x8;
	v10 =	vmul.f32 v10, v20  }
0x13d: {  	v20 =	vbroadcast v3, $0x9;
	v13 =	vmul.f32 v13, v19  }
0x13e: {  	v7 =	vadd.f32 v7, v9;
	v16 =	vunpack.i.l.bf16.f32 v14;
	v19 =	vbroadcast v3, $0x8  }
0x13f: {  	v6 =	vadd.f32 v6, v11;
	v14 =	vunpack.i.u.bf16.f32 v14;
	v9 =	vunpack.i.l.bf16.f32 v12  }
0x140: {  	v11 =	vunpack.i.l.bf16.f32 v17;
	v12 =	vunpack.i.u.bf16.f32 v12;
	v9 =	vmul.f32 v9, v15  }
0x141: {  	v5 =	vadd.f32 v5, v13;
	v13 =	vld [tilespmem:s10+$0xFFFFFE20];
	v15 =	vmul.f32 v16, v18;
	v16 =	vbroadcast v4, $0x9  }
0x142: {  	v7 =	vadd.f32 v7, v10;
	v10 =	vld [tilespmem:s10+$0xFFFFFEB0];
	v11 =	vmul.f32 v11, v19;
	v19 =	vbroadcast v2, $0x9  }
0x143: {  	v18 =	vld [tilespmem:s10+$0xFFFFFF40];
	v6 =	vadd.f32 v9, v6;
	v5 =	vadd.f32 v15, v5;
	v12 =	vmul.f32 v12, v16  }
0x144: {  	v9 =	vunpack.i.u.bf16.f32 v17;
	v14 =	vmul.f32 v14, v19;
	v15 =	vbroadcast v4, $0xA  }
0x145: {  	v7 =	vadd.f32 v11, v7;
	v17 =	vbroadcast v2, $0xA;
	v19 =	vbroadcast v3, $0xA  }
0x146: {  	v9 =	vmul.f32 v9, v20;
	v20 =	vbroadcast v3, $0xB;
	v6 =	vadd.f32 v6, v12  }
0x147: {  	v5 =	vadd.f32 v5, v14;
	v11 =	vunpack.i.l.bf16.f32 v13;
	v16 =	vunpack.i.l.bf16.f32 v10  }
0x148: {  	v12 =	vunpack.i.l.bf16.f32 v18;
	v7 =	vadd.f32 v7, v9;
	v11 =	vmul.f32 v11, v15  }
0x149: {  	v14 =	vld [tilespmem:s10+$0xFFFFFE30];
	v13 =	vunpack.i.u.bf16.f32 v13;
	v15 =	vmul.f32 v16, v17;
	v16 =	vbroadcast v4, $0xB  }
0x14a: {  	v9 =	vld [tilespmem:s10+$0xFFFFFEC0];
	v10 =	vunpack.i.u.bf16.f32 v10;
	v12 =	vmul.f32 v12, v19;
	v19 =	vbroadcast v2, $0xB  }
0x14b: {  	v17 =	vld [tilespmem:s10+$0xFFFFFF50];
	v6 =	vadd.f32 v11, v6;
	v5 =	vadd.f32 v15, v5;
	v13 =	vmul.f32 v13, v16  }
0x14c: {  	v11 =	vunpack.i.u.bf16.f32 v18;
	v10 =	vmul.f32 v10, v19;
	v15 =	vbroadcast v4, $0xC  }
0x14d: {  	v7 =	vadd.f32 v12, v7;
	v18 =	vbroadcast v2, $0xC;
	v19 =	vbroadcast v3, $0xC  }
0x14e: {  	v12 =	vunpack.i.l.bf16.f32 v14;
	v11 =	vmul.f32 v11, v20;
	v14 =	vunpack.i.u.bf16.f32 v14  }
0x14f: {  	v20 =	vbroadcast v3, $0xD;
	v16 =	vunpack.i.l.bf16.f32 v9;
	v13 =	vadd.f32 v6, v13  }
0x150: {  	v10 =	vadd.f32 v5, v10;
	v6 =	vld [tilespmem:s10+$0xFFFFFE40];
	v12 =	vmul.f32 v12, v15;
	v5 =	vunpack.i.l.bf16.f32 v17  }
0x151: {  	v15 =	vmul.f32 v16, v18;
	v11 =	vadd.f32 v7, v11;
	v7 =	vld [tilespmem:s10+$0xFFFFFED0];
	v16 =	vbroadcast v4, $0xD  }
0x152: {  	v9 =	vunpack.i.u.bf16.f32 v9;
	v18 =	vmul.f32 v5, v19;
	v5 =	vld [tilespmem:s10+$0xFFFFFF60];
	v19 =	vbroadcast v2, $0xD  }
0x153: {  	v63 =	vadd.f32 v12, v13;
	v12 =	vunpack.i.u.bf16.f32 v17;
	v17 =	vmul.f32 v14, v16  }
0x154: {  	v10 =	vadd.f32 v15, v10;
	v15 =	vbroadcast v4, $0xE;
	v14 =	vmul.f32 v12, v20  }
0x155: {  	v12 =	vbroadcast v3, $0xE;
	v19 =	vmul.f32 v9, v19;
	v11 =	vadd.f32 v18, v11  }
0x156: {  	s11 =	simm.s32 $0xBF00;
	v18 =	vbroadcast v2, $0xE;
	v13 =	vunpack.i.l.bf16.f32 v6;
	v9 =	vadd.f32 v63, v17  }
0x157: {  	s12 =	simm.s32 $0x0;
	s13 =	sadd.s32 $0x40, s0;
	[tilespmem:s11+$0x0] =	vst v8;
	v16 =	vunpack.i.l.bf16.f32 v7;
	v8 =	vadd.f32 v10, v19;
	v17 =	vunpack.i.l.bf16.f32 v5  }
.LBB2_10:
0x158: {  	v10 =	vld [tilespmem:s13+$0x0];
	s12 =	sadd.s32 $0x4, s12;
	v13 =	vmul.f32 v13, v15;
	v15 =	vmul.f32 v16, v18;
	v11 =	vadd.f32 v11, v14;
	s10 =	sadd.s32 $0x240, s10  }
0x159: {  	v6 =	vunpack.i.u.bf16.f32 v6;
	v4 =	vbroadcast v4, $0xF;
	v12 =	vmul.f32 v17, v12;
	v14 =	vld [tilespmem:s10+$0xFFFFFF80];
	p1 =	slt.u32 s12, $0x24  }
0x15a: {  	v7 =	vunpack.i.u.bf16.f32 v7;
	v16 =	vbroadcast v2, $0xF;
	v17 =	vbroadcast v3, $0xF;
	v2 =	vld [tilespmem:s13+$0xFFFFFFE0]  }
0x15b: {  	v5 =	vunpack.i.u.bf16.f32 v5;
	v9 =	vadd.f32 v13, v9;
	v8 =	vadd.f32 v15, v8;
	v18 =	vld [tilespmem:s10+$0x0]  }
0x15c: {  	v6 =	vmul.f32 v6, v4;
	v7 =	vmul.f32 v7, v16;
	v11 =	vadd.f32 v12, v11;
	v3 =	vld [tilespmem:s13+$0xFFFFFFF0]  }
0x15d: {  	v5 =	vmul.f32 v5, v17;
	v12 =	vbroadcast v10, $0x0;
	v13 =	vld [tilespmem:s10+$0xFFFFFF90]  }
0x15e: {  	v6 =	vadd.f32 v9, v6;
	v7 =	vadd.f32 v8, v7;
	v4 =	vld [tilespmem:s13+$0xFFFFFFD0];
	v15 =	vunpack.i.l.bf16.f32 v14  }
0x15f: {  	v5 =	vadd.f32 v11, v5;
	v8 =	vld [tilespmem:s10+$0xFFFFFDD0];
	v9 =	vmul.f32 v15, v12;
	v12 =	vbroadcast v10, $0x1  }
0x160: {  	v14 =	vunpack.i.u.bf16.f32 v14;
	v15 =	vbroadcast v2, $0x0;
	v11 =	vld [tilespmem:s10+$0xFFFFFE60];
	v16 =	vunpack.i.l.bf16.f32 v18;
	[tilespmem:s11+$0xFFFFFFA0] =	vst v6  }
0x161: {  	v6 =	vadd.f32 v9, v16;
	v9 =	vmul.f32 v14, v12;
	v12 =	vbroadcast v10, $0x2;
	v14 =	vld [tilespmem:s10+$0xFFFFFFA0];
	[tilespmem:s11+$0xFFFFFFC0] =	vst v7  }
0x162: {  	v7 =	vbroadcast v2, $0x1;
	v17 =	vbroadcast v3, $0x0;
	v16 =	vld [tilespmem:s10+$0xFFFFFEF0];
	v18 =	vunpack.i.l.bf16.f32 v13;
	[tilespmem:s11+$0xFFFFFFE0] =	vst v5  }
0x163: {  	v5 =	vld [tilespmem:s10+$0xFFFFFE50];
	v6 =	vadd.f32 v6, v9;
	v9 =	vmul.f32 v18, v12;
	v12 =	vbroadcast v10, $0x3  }
0x164: {  	v13 =	vunpack.i.u.bf16.f32 v13;
	v19 =	vbroadcast v4, $0x0;
	v18 =	vunpack.i.l.bf16.f32 v8;
	v22 =	vld [tilespmem:s10+$0xFFFFFEE0]  }
0x165: {  	v6 =	vadd.f32 v9, v6;
	v9 =	vmul.f32 v13, v12;
	v12 =	vbroadcast v10, $0x4;
	v13 =	vld [tilespmem:s10+$0xFFFFFFB0]  }
0x166: {  	v19 =	vmul.f32 v18, v19;
	v18 =	vunpack.i.l.bf16.f32 v11;
	v23 =	vld [tilespmem:s10+$0xFFFFFF70];
	v20 =	vunpack.i.l.bf16.f32 v14  }
0x167: {  	v24 =	vld [tilespmem:s10+$0xFFFFFDE0];
	v6 =	vadd.f32 v6, v9;
	v9 =	vmul.f32 v20, v12;
	v12 =	vbroadcast v10, $0x5  }
0x168: {  	v15 =	vmul.f32 v18, v15;
	v14 =	vunpack.i.u.bf16.f32 v14;
	v18 =	vunpack.i.l.bf16.f32 v16;
	v25 =	vld [tilespmem:s10+$0xFFFFFE70]  }
0x169: {  	v6 =	vadd.f32 v9, v6;
	v9 =	vmul.f32 v14, v12;
	v12 =	vbroadcast v10, $0x6;
	v14 =	vld [tilespmem:s10+$0xFFFFFFC0]  }
0x16a: {  	v26 =	vbroadcast v4, $0x1;
	v27 =	vmul.f32 v18, v17;
	v28 =	vld [tilespmem:s10+$0xFFFFFF00];
	v17 =	vunpack.i.l.bf16.f32 v13  }
0x16b: {  	v20 =	vld [tilespmem:s10+$0xFFFFFDF0];
	v6 =	vadd.f32 v6, v9;
	v9 =	vmul.f32 v17, v12;
	v12 =	vbroadcast v10, $0x7  }
0x16c: {  	v29 =	vbroadcast v3, $0x1;
	v5 =	vunpack.i.l.bf16.f32 v5;
	v13 =	vunpack.i.u.bf16.f32 v13;
	v21 =	vld [tilespmem:s10+$0xFFFFFE80]  }
0x16d: {  	v6 =	vadd.f32 v9, v6;
	v9 =	vmul.f32 v13, v12;
	v12 =	vbroadcast v10, $0x8;
	v13 =	vld [tilespmem:s10+$0xFFFFFFD0]  }
0x16e: {  	v8 =	vunpack.i.u.bf16.f32 v8;
	v30 =	vunpack.i.l.bf16.f32 v22;
	v22 =	vld [tilespmem:s10+$0xFFFFFF10];
	v18 =	vunpack.i.l.bf16.f32 v14  }
0x16f: {  	v17 =	vld [tilespmem:s10+$0xFFFFFE00];
	v6 =	vadd.f32 v6, v9;
	v9 =	vmul.f32 v18, v12;
	v12 =	vbroadcast v10, $0x9  }
0x170: {  	v11 =	vunpack.i.u.bf16.f32 v11;
	v23 =	vunpack.i.l.bf16.f32 v23;
	v14 =	vunpack.i.u.bf16.f32 v14;
	v18 =	vld [tilespmem:s10+$0xFFFFFE90]  }
0x171: {  	v6 =	vadd.f32 v9, v6;
	v9 =	vmul.f32 v14, v12;
	v12 =	vbroadcast v10, $0xA;
	v31 =	vld [tilespmem:s10+$0xFFFFFFE0]  }
0x172: {  	v32 =	vunpack.i.u.bf16.f32 v16;
	v5 =	vadd.f32 v19, v5;
	v19 =	vld [tilespmem:s10+$0xFFFFFF20];
	v16 =	vunpack.i.l.bf16.f32 v13  }
0x173: {  	v14 =	vld [tilespmem:s10+$0xFFFFFE10];
	v6 =	vadd.f32 v6, v9;
	v9 =	vmul.f32 v16, v12;
	v12 =	vbroadcast v10, $0xB  }
0x174: {  	v30 =	vadd.f32 v15, v30;
	v23 =	vadd.f32 v27, v23;
	v13 =	vunpack.i.u.bf16.f32 v13;
	v15 =	vld [tilespmem:s10+$0xFFFFFEA0]  }
0x175: {  	v6 =	vadd.f32 v9, v6;
	v9 =	vmul.f32 v13, v12;
	v12 =	vbroadcast v10, $0xC;
	v27 =	vld [tilespmem:s10+$0xFFFFFFF0]  }
0x176: {  	v26 =	vmul.f32 v8, v26;
	v7 =	vmul.f32 v11, v7;
	v16 =	vld [tilespmem:s10+$0xFFFFFF30];
	v8 =	vunpack.i.l.bf16.f32 v31  }
0x177: {  	v11 =	vld [tilespmem:s10+$0xFFFFFE20];
	v6 =	vadd.f32 v6, v9;
	v8 =	vmul.f32 v8, v12;
	v9 =	vbroadcast v10, $0xD  }
0x178: {  	v33 =	vbroadcast v4, $0x2;
	v29 =	vmul.f32 v32, v29;
	v31 =	vunpack.i.u.bf16.f32 v31;
	v13 =	vld [tilespmem:s10+$0xFFFFFEB0]  }
0x179: {  	v32 =	vbroadcast v10, $0xE;
	v12 =	vld [tilespmem:s10+$0xFFFFFF40];
	v6 =	vadd.f32 v8, v6;
	v31 =	vmul.f32 v31, v9  }
0x17a: {  	v34 =	vbroadcast v2, $0x2;
	v35 =	vbroadcast v3, $0x2;
	v8 =	vld [tilespmem:s10+$0xFFFFFE30];
	v36 =	vunpack.i.l.bf16.f32 v27  }
0x17b: {  	v9 =	vld [tilespmem:s10+$0xFFFFFEC0];
	v31 =	vadd.f32 v6, v31;
	v32 =	vmul.f32 v36, v32;
	v36 =	vbroadcast v10, $0xF  }
0x17c: {  	v37 =	vunpack.i.l.bf16.f32 v24;
	v38 =	vunpack.i.l.bf16.f32 v25;
	v27 =	vunpack.i.u.bf16.f32 v27;
	v10 =	vld [tilespmem:s10+$0xFFFFFF50]  }
0x17d: {  	v39 =	vunpack.i.l.bf16.f32 v28;
	v6 =	vld [tilespmem:s10+$0xFFFFFE40];
	v31 =	vadd.f32 v32, v31;
	v27 =	vmul.f32 v27, v36  }
0x17e: {  	v26 =	vadd.f32 v5, v26;
	v30 =	vadd.f32 v30, v7;
	v32 =	vmul.f32 v37, v33;
	v7 =	vld [tilespmem:s10+$0xFFFFFED0]  }
0x17f: {  	v23 =	vadd.f32 v23, v29;
	v33 =	vmul.f32 v38, v34;
	v5 =	vld [tilespmem:s10+$0xFFFFFF60];
	v27 =	vadd.f32 v31, v27  }
0x180: {  	s11 =	sadd.s32 $0x80, s11;
	v24 =	vunpack.i.u.bf16.f32 v24;
	v29 =	vbroadcast v4, $0x3;
	v31 =	vmul.f32 v39, v35  }
0x181: {  	v25 =	vunpack.i.u.bf16.f32 v25;
	v34 =	vbroadcast v2, $0x3;
	v35 =	vbroadcast v3, $0x3;
	[tilespmem:s11+$0x0] =	vst v27  }
0x182: {  	v28 =	vunpack.i.u.bf16.f32 v28;
	v26 =	vadd.f32 v32, v26;
	v27 =	vadd.f32 v33, v30  }
0x183: {  	v24 =	vmul.f32 v24, v29;
	v25 =	vmul.f32 v25, v34;
	v23 =	vadd.f32 v31, v23  }
0x184: {  	v29 =	vunpack.i.l.bf16.f32 v20;
	v30 =	vbroadcast v4, $0x4;
	v28 =	vmul.f32 v28, v35  }
0x185: {  	v32 =	vbroadcast v2, $0x4;
	v31 =	vunpack.i.l.bf16.f32 v21;
	v33 =	vbroadcast v3, $0x4  }
0x186: {  	v24 =	vadd.f32 v26, v24;
	v26 =	vunpack.i.l.bf16.f32 v22;
	v25 =	vadd.f32 v27, v25  }
0x187: {  	v27 =	vmul.f32 v29, v30;
	v29 =	vmul.f32 v31, v32;
	v23 =	vadd.f32 v23, v28  }
0x188: {  	v20 =	vunpack.i.u.bf16.f32 v20;
	v28 =	vbroadcast v4, $0x5;
	v26 =	vmul.f32 v26, v33  }
0x189: {  	v21 =	vunpack.i.u.bf16.f32 v21;
	v30 =	vbroadcast v2, $0x5;
	v31 =	vbroadcast v3, $0x5  }
0x18a: {  	v22 =	vunpack.i.u.bf16.f32 v22;
	v24 =	vadd.f32 v27, v24;
	v25 =	vadd.f32 v29, v25  }
0x18b: {  	v20 =	vmul.f32 v20, v28;
	v21 =	vmul.f32 v21, v30;
	v23 =	vadd.f32 v26, v23  }
0x18c: {  	v26 =	vunpack.i.l.bf16.f32 v17;
	v27 =	vbroadcast v4, $0x6;
	v22 =	vmul.f32 v22, v31  }
0x18d: {  	v28 =	vunpack.i.l.bf16.f32 v18;
	v29 =	vbroadcast v2, $0x6;
	v30 =	vbroadcast v3, $0x6  }
0x18e: {  	v20 =	vadd.f32 v24, v20;
	v21 =	vadd.f32 v25, v21;
	v24 =	vunpack.i.l.bf16.f32 v19  }
0x18f: {  	v25 =	vmul.f32 v26, v27;
	v26 =	vmul.f32 v28, v29;
	v22 =	vadd.f32 v23, v22  }
0x190: {  	v17 =	vunpack.i.u.bf16.f32 v17;
	v23 =	vbroadcast v4, $0x7;
	v24 =	vmul.f32 v24, v30  }
0x191: {  	v18 =	vunpack.i.u.bf16.f32 v18;
	v27 =	vbroadcast v2, $0x7;
	v28 =	vbroadcast v3, $0x7  }
0x192: {  	v19 =	vunpack.i.u.bf16.f32 v19;
	v20 =	vadd.f32 v25, v20;
	v21 =	vadd.f32 v26, v21  }
0x193: {  	v17 =	vmul.f32 v17, v23;
	v18 =	vmul.f32 v18, v27;
	v22 =	vadd.f32 v24, v22  }
0x194: {  	v23 =	vunpack.i.l.bf16.f32 v14;
	v19 =	vmul.f32 v19, v28;
	v24 =	vbroadcast v4, $0x8  }
0x195: {  	v25 =	vunpack.i.l.bf16.f32 v15;
	v26 =	vbroadcast v2, $0x8;
	v27 =	vbroadcast v3, $0x8  }
0x196: {  	v17 =	vadd.f32 v20, v17;
	v18 =	vadd.f32 v21, v18;
	v20 =	vunpack.i.l.bf16.f32 v16  }
0x197: {  	v21 =	vmul.f32 v23, v24;
	v23 =	vmul.f32 v25, v26;
	v19 =	vadd.f32 v22, v19  }
0x198: {  	v14 =	vunpack.i.u.bf16.f32 v14;
	v22 =	vbroadcast v4, $0x9;
	v20 =	vmul.f32 v20, v27  }
0x199: {  	v15 =	vunpack.i.u.bf16.f32 v15;
	v24 =	vbroadcast v2, $0x9;
	v25 =	vbroadcast v3, $0x9  }
0x19a: {  	v16 =	vunpack.i.u.bf16.f32 v16;
	v17 =	vadd.f32 v21, v17;
	v18 =	vadd.f32 v23, v18  }
0x19b: {  	v14 =	vmul.f32 v14, v22;
	v15 =	vmul.f32 v15, v24;
	v19 =	vadd.f32 v20, v19  }
0x19c: {  	v20 =	vunpack.i.l.bf16.f32 v11;
	v21 =	vbroadcast v4, $0xA;
	v16 =	vmul.f32 v16, v25  }
0x19d: {  	v22 =	vunpack.i.l.bf16.f32 v13;
	v23 =	vbroadcast v2, $0xA;
	v24 =	vbroadcast v3, $0xA  }
0x19e: {  	v14 =	vadd.f32 v17, v14;
	v15 =	vadd.f32 v18, v15;
	v17 =	vunpack.i.l.bf16.f32 v12  }
0x19f: {  	v18 =	vmul.f32 v20, v21;
	v20 =	vmul.f32 v22, v23;
	v16 =	vadd.f32 v19, v16  }
0x1a0: {  	v11 =	vunpack.i.u.bf16.f32 v11;
	v19 =	vbroadcast v4, $0xB;
	v17 =	vmul.f32 v17, v24  }
0x1a1: {  	v13 =	vunpack.i.u.bf16.f32 v13;
	v21 =	vbroadcast v2, $0xB;
	v22 =	vbroadcast v3, $0xB  }
0x1a2: {  	v12 =	vunpack.i.u.bf16.f32 v12;
	v14 =	vadd.f32 v18, v14;
	v15 =	vadd.f32 v20, v15  }
0x1a3: {  	v11 =	vmul.f32 v11, v19;
	v13 =	vmul.f32 v13, v21;
	v16 =	vadd.f32 v17, v16  }
0x1a4: {  	v18 =	vbroadcast v4, $0xC;
	v12 =	vmul.f32 v12, v22;
	v17 =	vunpack.i.l.bf16.f32 v8  }
0x1a5: {  	v19 =	vunpack.i.l.bf16.f32 v9;
	v20 =	vbroadcast v2, $0xC;
	v21 =	vbroadcast v3, $0xC  }
0x1a6: {  	v11 =	vadd.f32 v14, v11;
	v13 =	vadd.f32 v15, v13;
	v14 =	vunpack.i.l.bf16.f32 v10  }
0x1a7: {  	v15 =	vmul.f32 v17, v18;
	v17 =	vmul.f32 v19, v20;
	v12 =	vadd.f32 v16, v12  }
0x1a8: {  	v8 =	vunpack.i.u.bf16.f32 v8;
	v16 =	vbroadcast v4, $0xD;
	v14 =	vmul.f32 v14, v21  }
0x1a9: {  	v9 =	vunpack.i.u.bf16.f32 v9;
	v18 =	vbroadcast v2, $0xD;
	v19 =	vbroadcast v3, $0xD  }
.Ltmp3:
0x1aa: {  	v10 =	vunpack.i.u.bf16.f32 v10;
	v20 =	vadd.f32 v15, v11;
	v17 =	vadd.f32 v17, v13;
	(pc) =	sbr.rel @p1 .LBB2_10-.Ltmp3, $4  }
0x1ab: {  	v21 =	vmul.f32 v9, v18;
	v8 =	vmul.f32 v8, v16;
	v11 =	vadd.f32 v14, v12  }
0x1ac: {  	v13 =	vunpack.i.l.bf16.f32 v6;
	v15 =	vbroadcast v4, $0xE;
	v14 =	vmul.f32 v10, v19  }
0x1ad: {  	v18 =	vbroadcast v2, $0xE;
	v16 =	vunpack.i.l.bf16.f32 v7;
	v12 =	vbroadcast v3, $0xE  }
0x1ae: {  	s13 =	sadd.s32 $0x40, s13;
	v9 =	vadd.f32 v20, v8;
	v8 =	vadd.f32 v17, v21;
	v17 =	vunpack.i.l.bf16.f32 v5  }
0x1af: {  	v10 =	vmul.f32 v13, v15;
	v61 =	vmul.f32 v16, v18  }
0x1b0: {  	v11 =	vadd.f32 v11, v14;
	v6 =	vunpack.i.u.bf16.f32 v6;
	v4 =	vbroadcast v4, $0xF  }
0x1b1: {  	v12 =	vmul.f32 v17, v12;
	v7 =	vunpack.i.u.bf16.f32 v7;
	v2 =	vbroadcast v2, $0xF  }
0x1b2: {  	v3 =	vbroadcast v3, $0xF;
	v9 =	vadd.f32 v10, v9;
	v4 =	vmul.f32 v6, v4  }
0x1b3: {  	v5 =	vunpack.i.u.bf16.f32 v5;
	v62 =	vadd.f32 v61, v8;
	v2 =	vmul.f32 v7, v2  }
0x1b4: {  	v63 =	vadd.f32 v12, v11;
	v3 =	vmul.f32 v5, v3;
	v4 =	vadd.f32 v9, v4  }
0x1b5: {  	v2 =	vadd.f32 v62, v2  }
0x1b6: {  	v3 =	vadd.f32 v63, v3;
	[tilespmem:s11+$0xFFFFFFA0] =	vst v4  }
0x1b7: {  	[tilespmem:s11+$0xFFFFFFC0] =	vst v2  }
0x1b8: {  	s1 =	sadd.s32 s1, s16;
	[tilespmem:s11+$0xFFFFFFE0] =	vst v3  }
0x1b9: {  	[spmem:s2] =	stream.indirect.scatter.add.f32 [tilespmem:s25], [sflag:$0x4], $0x20, s1, s20, $0xb8;
	[tilespmem:$0x163A0] =	vst v63  }
0x1ba: {  	_ =	swait.ge [sflag:s26], $0x500  }
0x1bb: {  	[sflag:s26] =	ssyncset.done $0x0  }
0x1bc: {  	s17 =	sadd.s32 $0x1, s17;
	[sflag:s26] =	ssyncadd.s32 $0xFFFFFB00  }
0x1bd: {  	p1 =	sne.s32 s17, $0xC;
	_ =	swait.ge [sflag:s18], $0x1680  }
.Ltmp4:
0x1be: {  	[sflag:s18] =	ssyncset.done $0x0;
	(pc) =	sbr.rel @p1 .LBB2_7-.Ltmp4, $4  }
0x1bf: {  	[sflag:s18] =	ssyncadd.s32 $0xFFFFE980  }
0x1c0: {  	_ =	swait.ge [sflag:s28], $0x500  }
0x1c1: {  	[sflag:s28] =	ssyncset.done $0x0  }
0x1c2: {  	s14 =	sadd.s32 $0x500, s14;
	s0 =	sadd.s32 $0x500, s0;
	[sflag:s28] =	ssyncadd.s32 $0xFFFFFB00  }
0x1c3: {  	s0 =	simm.s32 $0x8DC0;
	v5 =	vld [tilespmem:s31+$0x0]  }
0x1c4: {  	v6 =	vld [tilespmem:s0+$0x90]  }
0x1c5: {  	v2 =	vld [tilespmem:s31+$0xFFFFFFE0]  }
0x1c6: {  	v7 =	vld [tilespmem:s0+$0x110]  }
0x1c7: {  	v3 =	vld [tilespmem:s31+$0xFFFFFFF0]  }
0x1c8: {  	v9 =	vld [tilespmem:s0+$0xA0];
	v8 =	vbroadcast v5, $0x0  }
0x1c9: {  	v4 =	vld [tilespmem:s31+$0xFFFFFFD0];
	v10 =	vunpack.i.l.bf16.f32 v6  }
0x1ca: {  	v11 =	vld [tilespmem:s0+$0xFFFFFEE0];
	v8 =	vmul.f32 v10, v8;
	v10 =	vbroadcast v5, $0x1  }
0x1cb: {  	v12 =	vld [tilespmem:s0+$0xFFFFFF70];
	v13 =	vbroadcast v2, $0x0;
	v7 =	vunpack.i.l.bf16.f32 v7;
	v6 =	vunpack.i.u.bf16.f32 v6  }
0x1cc: {  	v7 =	vadd.f32 v8, v7;
	v6 =	vmul.f32 v6, v10;
	v8 =	vbroadcast v5, $0x2;
	v10 =	vld [tilespmem:s0+$0xB0]  }
0x1cd: {  	v14 =	vbroadcast v2, $0x1;
	v15 =	vbroadcast v3, $0x0;
	v16 =	vunpack.i.l.bf16.f32 v9  }
0x1ce: {  	v17 =	vld [tilespmem:s0+$0x0];
	v6 =	vadd.f32 v7, v6;
	v7 =	vmul.f32 v16, v8;
	v8 =	vbroadcast v5, $0x3  }
0x1cf: {  	v18 =	vbroadcast v4, $0x0;
	v9 =	vunpack.i.u.bf16.f32 v9;
	v16 =	vunpack.i.l.bf16.f32 v11  }
0x1d0: {  	v6 =	vadd.f32 v7, v6;
	v7 =	vmul.f32 v9, v8;
	v8 =	vbroadcast v5, $0x4;
	v9 =	vld [tilespmem:s0+$0xC0]  }
0x1d1: {  	v16 =	vmul.f32 v16, v18;
	v18 =	vunpack.i.l.bf16.f32 v12;
	v19 =	vunpack.i.l.bf16.f32 v10  }
0x1d2: {  	v22 =	vld [tilespmem:s0+$0x80];
	v6 =	vadd.f32 v6, v7;
	v7 =	vmul.f32 v19, v8;
	v8 =	vbroadcast v5, $0x5  }
0x1d3: {  	v13 =	vmul.f32 v18, v13;
	v18 =	vunpack.i.l.bf16.f32 v17;
	v10 =	vunpack.i.u.bf16.f32 v10  }
0x1d4: {  	v6 =	vadd.f32 v7, v6;
	v7 =	vmul.f32 v10, v8;
	v8 =	vbroadcast v5, $0x6;
	v10 =	vld [tilespmem:s0+$0xD0]  }
0x1d5: {  	v21 =	vbroadcast v4, $0x1;
	v15 =	vmul.f32 v18, v15;
	v18 =	vunpack.i.l.bf16.f32 v9  }
0x1d6: {  	v20 =	vld [tilespmem:s0+$0xFFFFFF60];
	v6 =	vadd.f32 v6, v7;
	v7 =	vmul.f32 v18, v8;
	v8 =	vbroadcast v5, $0x7  }
0x1d7: {  	v59 =	vbroadcast v4, $0x2;
	v22 =	vunpack.i.l.bf16.f32 v22;
	v19 =	vld [tilespmem:s0+$0xFFFFFFF0];
	v9 =	vunpack.i.u.bf16.f32 v9  }
0x1d8: {  	v6 =	vadd.f32 v7, v6;
	v7 =	vmul.f32 v9, v8;
	v8 =	vbroadcast v5, $0x8;
	v9 =	vld [tilespmem:s0+$0xE0]  }
0x1d9: {  	v11 =	vunpack.i.u.bf16.f32 v11;
	v12 =	vunpack.i.u.bf16.f32 v12;
	v23 =	vunpack.i.l.bf16.f32 v10  }
0x1da: {  	v6 =	vadd.f32 v6, v7;
	v7 =	vmul.f32 v23, v8;
	v8 =	vbroadcast v5, $0x9  }
0x1db: {  	v11 =	vmul.f32 v11, v21;
	v18 =	vunpack.i.l.bf16.f32 v20;
	v10 =	vunpack.i.u.bf16.f32 v10  }
0x1dc: {  	v6 =	vadd.f32 v7, v6;
	v7 =	vmul.f32 v10, v8;
	v8 =	vbroadcast v5, $0xA;
	v10 =	vld [tilespmem:s0+$0xF0]  }
0x1dd: {  	v19 =	vunpack.i.l.bf16.f32 v19;
	v16 =	vadd.f32 v16, v18;
	v18 =	vunpack.i.l.bf16.f32 v9  }
0x1de: {  	v6 =	vadd.f32 v6, v7;
	v7 =	vmul.f32 v18, v8;
	v8 =	vbroadcast v5, $0xB  }
0x1df: {  	v17 =	vunpack.i.u.bf16.f32 v17;
	v13 =	vadd.f32 v13, v19;
	v9 =	vunpack.i.u.bf16.f32 v9  }
0x1e0: {  	v19 =	vld [tilespmem:s0+$0xFFFFFF80];
	v6 =	vadd.f32 v7, v6;
	v7 =	vmul.f32 v9, v8;
	v8 =	vbroadcast v5, $0xC  }
0x1e1: {  	v12 =	vmul.f32 v12, v14;
	v20 =	vbroadcast v3, $0x1;
	v9 =	vld [tilespmem:s0+$0x100];
	v14 =	vunpack.i.l.bf16.f32 v10  }
0x1e2: {  	v18 =	vld [tilespmem:s0+$0xFFFFFEF0];
	v6 =	vadd.f32 v6, v7;
	v7 =	vmul.f32 v14, v8;
	v8 =	vbroadcast v5, $0xD  }
0x1e3: {  	v15 =	vadd.f32 v15, v22;
	v17 =	vmul.f32 v17, v20;
	v10 =	vunpack.i.u.bf16.f32 v10;
	v14 =	vld [tilespmem:s0+$0x10]  }
0x1e4: {  	v20 =	vbroadcast v3, $0x2;
	v6 =	vadd.f32 v7, v6;
	v7 =	vmul.f32 v10, v8  }
0x1e5: {  	v61 =	vunpack.i.l.bf16.f32 v19;
	v8 =	vbroadcast v5, $0xE;
	v10 =	vbroadcast v2, $0x2  }
0x1e6: {  	v5 =	vbroadcast v5, $0xF;
	v60 =	vunpack.i.l.bf16.f32 v9;
	v9 =	vunpack.i.u.bf16.f32 v9  }
0x1e7: {  	v6 =	vadd.f32 v6, v7;
	v7 =	vmul.f32 v60, v8;
	v8 =	vunpack.i.l.bf16.f32 v18  }
0x1e8: {  	v5 =	vmul.f32 v9, v5;
	v10 =	vmul.f32 v61, v10;
	v62 =	vunpack.i.l.bf16.f32 v14  }
0x1e9: {  	v9 =	vmul.f32 v8, v59;
	v6 =	vadd.f32 v7, v6;
	v7 =	vadd.f32 v16, v11  }
0x1ea: {  	v11 =	vadd.f32 v13, v12;
	v13 =	vadd.f32 v15, v17;
	v15 =	vbroadcast v4, $0x3  }
0x1eb: {  	v16 =	vmul.f32 v62, v20;
	v20 =	vbroadcast v3, $0x3  }
0x1ec: {  	v12 =	vld [tilespmem:s0+$0xFFFFFF00];
	v8 =	vadd.f32 v6, v5;
	v6 =	vunpack.i.u.bf16.f32 v18;
	v18 =	vunpack.i.u.bf16.f32 v19  }
0x1ed: {  	v17 =	vld [tilespmem:s0+$0x20];
	v19 =	vbroadcast v2, $0x3;
	v7 =	vadd.f32 v9, v7;
	v9 =	vadd.f32 v10, v11  }
0x1ee: {  	v5 =	vld [tilespmem:s0+$0xFFFFFF90];
	v10 =	vunpack.i.u.bf16.f32 v14;
	v6 =	vmul.f32 v6, v15;
	v15 =	vbroadcast v4, $0x4  }
0x1ef: {  	v10 =	vmul.f32 v10, v20;
	v20 =	vbroadcast v3, $0x5  }
0x1f0: {  	v13 =	vadd.f32 v16, v13;
	v11 =	vmul.f32 v18, v19;
	v18 =	vbroadcast v2, $0x4  }
0x1f1: {  	v19 =	vbroadcast v3, $0x4;
	v14 =	vunpack.i.l.bf16.f32 v12;
	v6 =	vadd.f32 v7, v6  }
0x1f2: {  	v10 =	vadd.f32 v13, v10;
	v12 =	vunpack.i.u.bf16.f32 v12;
	v7 =	vadd.f32 v9, v11  }
0x1f3: {  	v9 =	vunpack.i.l.bf16.f32 v17;
	v14 =	vmul.f32 v14, v15;
	v16 =	vunpack.i.l.bf16.f32 v5  }
0x1f4: {  	v13 =	vld [tilespmem:s0+$0xFFFFFFA0];
	v9 =	vmul.f32 v9, v19;
	v5 =	vunpack.i.u.bf16.f32 v5;
	v19 =	vbroadcast v2, $0x5  }
0x1f5: {  	v11 =	vld [tilespmem:s0+$0xFFFFFF10];
	v15 =	vmul.f32 v16, v18;
	v16 =	vbroadcast v4, $0x5;
	v6 =	vadd.f32 v14, v6  }
0x1f6: {  	v18 =	vld [tilespmem:s0+$0x30];
	v14 =	vunpack.i.u.bf16.f32 v17;
	v17 =	vbroadcast v2, $0x6;
	v5 =	vmul.f32 v5, v19  }
0x1f7: {  	v9 =	vadd.f32 v9, v10;
	v14 =	vmul.f32 v14, v20;
	v19 =	vbroadcast v3, $0x6  }
0x1f8: {  	v20 =	vbroadcast v3, $0x7;
	v7 =	vadd.f32 v15, v7;
	v12 =	vmul.f32 v12, v16  }
0x1f9: {  	v15 =	vbroadcast v4, $0x6;
	v16 =	vunpack.i.l.bf16.f32 v13;
	v9 =	vadd.f32 v9, v14  }
0x1fa: {  	v10 =	vunpack.i.l.bf16.f32 v11;
	v6 =	vadd.f32 v6, v12;
	v5 =	vadd.f32 v7, v5  }
0x1fb: {  	v10 =	vmul.f32 v10, v15;
	v15 =	vmul.f32 v16, v17;
	v7 =	vunpack.i.l.bf16.f32 v18  }
0x1fc: {  	v14 =	vld [tilespmem:s0+$0xFFFFFFB0];
	v11 =	vunpack.i.u.bf16.f32 v11;
	v16 =	vbroadcast v4, $0x7;
	v7 =	vmul.f32 v7, v19  }
0x1fd: {  	v12 =	vld [tilespmem:s0+$0xFFFFFF20];
	v19 =	vbroadcast v2, $0x7;
	v6 =	vadd.f32 v10, v6;
	v5 =	vadd.f32 v15, v5  }
0x1fe: {  	v17 =	vld [tilespmem:s0+$0x40];
	v10 =	vunpack.i.u.bf16.f32 v18;
	v11 =	vmul.f32 v11, v16;
	v15 =	vbroadcast v4, $0x8  }
0x1ff: {  	v13 =	vunpack.i.u.bf16.f32 v13;
	v18 =	vbroadcast v2, $0x8;
	v10 =	vmul.f32 v10, v20  }
0x200: {  	v20 =	vbroadcast v3, $0x9;
	v13 =	vmul.f32 v13, v19  }
0x201: {  	v7 =	vadd.f32 v7, v9;
	v16 =	vunpack.i.l.bf16.f32 v14;
	v19 =	vbroadcast v3, $0x8  }
0x202: {  	v6 =	vadd.f32 v6, v11;
	v14 =	vunpack.i.u.bf16.f32 v14;
	v9 =	vunpack.i.l.bf16.f32 v12  }
0x203: {  	v11 =	vunpack.i.l.bf16.f32 v17;
	v12 =	vunpack.i.u.bf16.f32 v12;
	v9 =	vmul.f32 v9, v15  }
0x204: {  	v5 =	vadd.f32 v5, v13;
	v13 =	vld [tilespmem:s0+$0xFFFFFF30];
	v15 =	vmul.f32 v16, v18;
	v16 =	vbroadcast v4, $0x9  }
0x205: {  	v7 =	vadd.f32 v7, v10;
	v10 =	vld [tilespmem:s0+$0xFFFFFFC0];
	v11 =	vmul.f32 v11, v19;
	v19 =	vbroadcast v2, $0x9  }
0x206: {  	v18 =	vld [tilespmem:s0+$0x50];
	v6 =	vadd.f32 v9, v6;
	v5 =	vadd.f32 v15, v5;
	v12 =	vmul.f32 v12, v16  }
0x207: {  	v9 =	vunpack.i.u.bf16.f32 v17;
	v14 =	vmul.f32 v14, v19;
	v15 =	vbroadcast v4, $0xA  }
0x208: {  	v7 =	vadd.f32 v11, v7;
	v17 =	vbroadcast v2, $0xA;
	v19 =	vbroadcast v3, $0xA  }
0x209: {  	v9 =	vmul.f32 v9, v20;
	v20 =	vbroadcast v3, $0xB;
	v6 =	vadd.f32 v6, v12  }
0x20a: {  	v5 =	vadd.f32 v5, v14;
	v11 =	vunpack.i.l.bf16.f32 v13;
	v16 =	vunpack.i.l.bf16.f32 v10  }
0x20b: {  	v12 =	vunpack.i.l.bf16.f32 v18;
	v7 =	vadd.f32 v7, v9;
	v11 =	vmul.f32 v11, v15  }
0x20c: {  	v14 =	vld [tilespmem:s0+$0xFFFFFF40];
	v13 =	vunpack.i.u.bf16.f32 v13;
	v15 =	vmul.f32 v16, v17;
	v16 =	vbroadcast v4, $0xB  }
0x20d: {  	v9 =	vld [tilespmem:s0+$0xFFFFFFD0];
	v10 =	vunpack.i.u.bf16.f32 v10;
	v12 =	vmul.f32 v12, v19;
	v19 =	vbroadcast v2, $0xB  }
0x20e: {  	v17 =	vld [tilespmem:s0+$0x60];
	v6 =	vadd.f32 v11, v6;
	v5 =	vadd.f32 v15, v5;
	v13 =	vmul.f32 v13, v16  }
0x20f: {  	v11 =	vunpack.i.u.bf16.f32 v18;
	v10 =	vmul.f32 v10, v19;
	v15 =	vbroadcast v4, $0xC  }
0x210: {  	v7 =	vadd.f32 v12, v7;
	v18 =	vbroadcast v2, $0xC;
	v19 =	vbroadcast v3, $0xC  }
0x211: {  	v12 =	vunpack.i.l.bf16.f32 v14;
	v11 =	vmul.f32 v11, v20;
	v14 =	vunpack.i.u.bf16.f32 v14  }
0x212: {  	v20 =	vbroadcast v3, $0xD;
	v16 =	vunpack.i.l.bf16.f32 v9;
	v13 =	vadd.f32 v6, v13  }
0x213: {  	v10 =	vadd.f32 v5, v10;
	v6 =	vld [tilespmem:s0+$0xFFFFFF50];
	v12 =	vmul.f32 v12, v15;
	v5 =	vunpack.i.l.bf16.f32 v17  }
0x214: {  	v15 =	vmul.f32 v16, v18;
	v11 =	vadd.f32 v7, v11;
	v7 =	vld [tilespmem:s0+$0xFFFFFFE0];
	v16 =	vbroadcast v4, $0xD  }
0x215: {  	v9 =	vunpack.i.u.bf16.f32 v9;
	v18 =	vmul.f32 v5, v19;
	v5 =	vld [tilespmem:s0+$0x70];
	v19 =	vbroadcast v2, $0xD  }
0x216: {  	v63 =	vadd.f32 v12, v13;
	v12 =	vunpack.i.u.bf16.f32 v17;
	v17 =	vmul.f32 v14, v16  }
0x217: {  	v10 =	vadd.f32 v15, v10;
	v15 =	vbroadcast v4, $0xE;
	v14 =	vmul.f32 v12, v20  }
0x218: {  	v12 =	vbroadcast v3, $0xE;
	v19 =	vmul.f32 v9, v19;
	v11 =	vadd.f32 v18, v11  }
0x219: {  	s1 =	simm.s32 $0xB9E0;
	v18 =	vbroadcast v2, $0xE;
	v13 =	vunpack.i.l.bf16.f32 v6;
	v9 =	vadd.f32 v63, v17  }
0x21a: {  	s10 =	simm.s32 $0x0;
	s11 =	sadd.s32 $0x40, s31;
	[tilespmem:s1+$0x20] =	vst v8;
	v16 =	vunpack.i.l.bf16.f32 v7;
	v8 =	vadd.f32 v10, v19;
	v17 =	vunpack.i.l.bf16.f32 v5  }
.LBB2_13:
0x21b: {  	v10 =	vld [tilespmem:s11+$0x0];
	s10 =	sadd.s32 $0x4, s10;
	v13 =	vmul.f32 v13, v15;
	v15 =	vmul.f32 v16, v18;
	v11 =	vadd.f32 v11, v14;
	s0 =	sadd.s32 $0x240, s0  }
0x21c: {  	v6 =	vunpack.i.u.bf16.f32 v6;
	v4 =	vbroadcast v4, $0xF;
	v12 =	vmul.f32 v17, v12;
	v14 =	vld [tilespmem:s0+$0x90];
	p1 =	slt.u32 s10, $0x24  }
0x21d: {  	v7 =	vunpack.i.u.bf16.f32 v7;
	v16 =	vbroadcast v2, $0xF;
	v17 =	vbroadcast v3, $0xF;
	v2 =	vld [tilespmem:s11+$0xFFFFFFE0]  }
0x21e: {  	v5 =	vunpack.i.u.bf16.f32 v5;
	v9 =	vadd.f32 v13, v9;
	v8 =	vadd.f32 v15, v8;
	v18 =	vld [tilespmem:s0+$0x110]  }
0x21f: {  	v6 =	vmul.f32 v6, v4;
	v7 =	vmul.f32 v7, v16;
	v11 =	vadd.f32 v12, v11;
	v3 =	vld [tilespmem:s11+$0xFFFFFFF0]  }
0x220: {  	v5 =	vmul.f32 v5, v17;
	v12 =	vbroadcast v10, $0x0;
	v13 =	vld [tilespmem:s0+$0xA0]  }
0x221: {  	v6 =	vadd.f32 v9, v6;
	v7 =	vadd.f32 v8, v7;
	v4 =	vld [tilespmem:s11+$0xFFFFFFD0];
	v15 =	vunpack.i.l.bf16.f32 v14  }
0x222: {  	v5 =	vadd.f32 v11, v5;
	v8 =	vld [tilespmem:s0+$0xFFFFFEE0];
	v9 =	vmul.f32 v15, v12;
	v12 =	vbroadcast v10, $0x1  }
0x223: {  	v14 =	vunpack.i.u.bf16.f32 v14;
	v15 =	vbroadcast v2, $0x0;
	v11 =	vld [tilespmem:s0+$0xFFFFFF70];
	v16 =	vunpack.i.l.bf16.f32 v18;
	[tilespmem:s1+$0xFFFFFFC0] =	vst v6  }
0x224: {  	v6 =	vadd.f32 v9, v16;
	v9 =	vmul.f32 v14, v12;
	v12 =	vbroadcast v10, $0x2;
	v14 =	vld [tilespmem:s0+$0xB0];
	[tilespmem:s1+$0xFFFFFFE0] =	vst v7  }
0x225: {  	v7 =	vbroadcast v2, $0x1;
	v17 =	vbroadcast v3, $0x0;
	v16 =	vld [tilespmem:s0+$0x0];
	v18 =	vunpack.i.l.bf16.f32 v13;
	[tilespmem:s1+$0x0] =	vst v5  }
0x226: {  	v5 =	vld [tilespmem:s0+$0xFFFFFF60];
	v6 =	vadd.f32 v6, v9;
	v9 =	vmul.f32 v18, v12;
	v12 =	vbroadcast v10, $0x3  }
0x227: {  	v13 =	vunpack.i.u.bf16.f32 v13;
	v19 =	vbroadcast v4, $0x0;
	v18 =	vunpack.i.l.bf16.f32 v8;
	v22 =	vld [tilespmem:s0+$0xFFFFFFF0]  }
0x228: {  	v6 =	vadd.f32 v9, v6;
	v9 =	vmul.f32 v13, v12;
	v12 =	vbroadcast v10, $0x4;
	v13 =	vld [tilespmem:s0+$0xC0]  }
0x229: {  	v19 =	vmul.f32 v18, v19;
	v18 =	vunpack.i.l.bf16.f32 v11;
	v23 =	vld [tilespmem:s0+$0x80];
	v20 =	vunpack.i.l.bf16.f32 v14  }
0x22a: {  	v24 =	vld [tilespmem:s0+$0xFFFFFEF0];
	v6 =	vadd.f32 v6, v9;
	v9 =	vmul.f32 v20, v12;
	v12 =	vbroadcast v10, $0x5  }
0x22b: {  	v15 =	vmul.f32 v18, v15;
	v14 =	vunpack.i.u.bf16.f32 v14;
	v18 =	vunpack.i.l.bf16.f32 v16;
	v25 =	vld [tilespmem:s0+$0xFFFFFF80]  }
0x22c: {  	v6 =	vadd.f32 v9, v6;
	v9 =	vmul.f32 v14, v12;
	v12 =	vbroadcast v10, $0x6;
	v14 =	vld [tilespmem:s0+$0xD0]  }
0x22d: {  	v26 =	vbroadcast v4, $0x1;
	v27 =	vmul.f32 v18, v17;
	v28 =	vld [tilespmem:s0+$0x10];
	v17 =	vunpack.i.l.bf16.f32 v13  }
0x22e: {  	v20 =	vld [tilespmem:s0+$0xFFFFFF00];
	v6 =	vadd.f32 v6, v9;
	v9 =	vmul.f32 v17, v12;
	v12 =	vbroadcast v10, $0x7  }
0x22f: {  	v29 =	vbroadcast v3, $0x1;
	v5 =	vunpack.i.l.bf16.f32 v5;
	v13 =	vunpack.i.u.bf16.f32 v13;
	v21 =	vld [tilespmem:s0+$0xFFFFFF90]  }
0x230: {  	v6 =	vadd.f32 v9, v6;
	v9 =	vmul.f32 v13, v12;
	v12 =	vbroadcast v10, $0x8;
	v13 =	vld [tilespmem:s0+$0xE0]  }
0x231: {  	v8 =	vunpack.i.u.bf16.f32 v8;
	v30 =	vunpack.i.l.bf16.f32 v22;
	v22 =	vld [tilespmem:s0+$0x20];
	v18 =	vunpack.i.l.bf16.f32 v14  }
0x232: {  	v17 =	vld [tilespmem:s0+$0xFFFFFF10];
	v6 =	vadd.f32 v6, v9;
	v9 =	vmul.f32 v18, v12;
	v12 =	vbroadcast v10, $0x9  }
0x233: {  	v11 =	vunpack.i.u.bf16.f32 v11;
	v23 =	vunpack.i.l.bf16.f32 v23;
	v14 =	vunpack.i.u.bf16.f32 v14;
	v18 =	vld [tilespmem:s0+$0xFFFFFFA0]  }
0x234: {  	v6 =	vadd.f32 v9, v6;
	v9 =	vmul.f32 v14, v12;
	v12 =	vbroadcast v10, $0xA;
	v31 =	vld [tilespmem:s0+$0xF0]  }
0x235: {  	v32 =	vunpack.i.u.bf16.f32 v16;
	v5 =	vadd.f32 v19, v5;
	v19 =	vld [tilespmem:s0+$0x30];
	v16 =	vunpack.i.l.bf16.f32 v13  }
0x236: {  	v14 =	vld [tilespmem:s0+$0xFFFFFF20];
	v6 =	vadd.f32 v6, v9;
	v9 =	vmul.f32 v16, v12;
	v12 =	vbroadcast v10, $0xB  }
0x237: {  	v30 =	vadd.f32 v15, v30;
	v23 =	vadd.f32 v27, v23;
	v13 =	vunpack.i.u.bf16.f32 v13;
	v15 =	vld [tilespmem:s0+$0xFFFFFFB0]  }
0x238: {  	v6 =	vadd.f32 v9, v6;
	v9 =	vmul.f32 v13, v12;
	v12 =	vbroadcast v10, $0xC;
	v27 =	vld [tilespmem:s0+$0x100]  }
0x239: {  	v26 =	vmul.f32 v8, v26;
	v7 =	vmul.f32 v11, v7;
	v16 =	vld [tilespmem:s0+$0x40];
	v8 =	vunpack.i.l.bf16.f32 v31  }
0x23a: {  	v11 =	vld [tilespmem:s0+$0xFFFFFF30];
	v6 =	vadd.f32 v6, v9;
	v8 =	vmul.f32 v8, v12;
	v9 =	vbroadcast v10, $0xD  }
0x23b: {  	v33 =	vbroadcast v4, $0x2;
	v29 =	vmul.f32 v32, v29;
	v31 =	vunpack.i.u.bf16.f32 v31;
	v13 =	vld [tilespmem:s0+$0xFFFFFFC0]  }
0x23c: {  	v32 =	vbroadcast v10, $0xE;
	v12 =	vld [tilespmem:s0+$0x50];
	v6 =	vadd.f32 v8, v6;
	v31 =	vmul.f32 v31, v9  }
0x23d: {  	v34 =	vbroadcast v2, $0x2;
	v35 =	vbroadcast v3, $0x2;
	v8 =	vld [tilespmem:s0+$0xFFFFFF40];
	v36 =	vunpack.i.l.bf16.f32 v27  }
0x23e: {  	v9 =	vld [tilespmem:s0+$0xFFFFFFD0];
	v31 =	vadd.f32 v6, v31;
	v32 =	vmul.f32 v36, v32;
	v36 =	vbroadcast v10, $0xF  }
0x23f: {  	v37 =	vunpack.i.l.bf16.f32 v24;
	v38 =	vunpack.i.l.bf16.f32 v25;
	v27 =	vunpack.i.u.bf16.f32 v27;
	v10 =	vld [tilespmem:s0+$0x60]  }
0x240: {  	v39 =	vunpack.i.l.bf16.f32 v28;
	v6 =	vld [tilespmem:s0+$0xFFFFFF50];
	v31 =	vadd.f32 v32, v31;
	v27 =	vmul.f32 v27, v36  }
0x241: {  	v26 =	vadd.f32 v5, v26;
	v30 =	vadd.f32 v30, v7;
	v32 =	vmul.f32 v37, v33;
	v7 =	vld [tilespmem:s0+$0xFFFFFFE0]  }
0x242: {  	v23 =	vadd.f32 v23, v29;
	v33 =	vmul.f32 v38, v34;
	v5 =	vld [tilespmem:s0+$0x70];
	v27 =	vadd.f32 v31, v27  }
0x243: {  	s1 =	sadd.s32 $0x80, s1;
	v24 =	vunpack.i.u.bf16.f32 v24;
	v29 =	vbroadcast v4, $0x3;
	v31 =	vmul.f32 v39, v35  }
0x244: {  	v25 =	vunpack.i.u.bf16.f32 v25;
	v34 =	vbroadcast v2, $0x3;
	v35 =	vbroadcast v3, $0x3;
	[tilespmem:s1+$0x20] =	vst v27  }
0x245: {  	v28 =	vunpack.i.u.bf16.f32 v28;
	v26 =	vadd.f32 v32, v26;
	v27 =	vadd.f32 v33, v30  }
0x246: {  	v24 =	vmul.f32 v24, v29;
	v25 =	vmul.f32 v25, v34;
	v23 =	vadd.f32 v31, v23  }
0x247: {  	v29 =	vunpack.i.l.bf16.f32 v20;
	v30 =	vbroadcast v4, $0x4;
	v28 =	vmul.f32 v28, v35  }
0x248: {  	v32 =	vbroadcast v2, $0x4;
	v31 =	vunpack.i.l.bf16.f32 v21;
	v33 =	vbroadcast v3, $0x4  }
0x249: {  	v24 =	vadd.f32 v26, v24;
	v26 =	vunpack.i.l.bf16.f32 v22;
	v25 =	vadd.f32 v27, v25  }
0x24a: {  	v27 =	vmul.f32 v29, v30;
	v29 =	vmul.f32 v31, v32;
	v23 =	vadd.f32 v23, v28  }
0x24b: {  	v20 =	vunpack.i.u.bf16.f32 v20;
	v28 =	vbroadcast v4, $0x5;
	v26 =	vmul.f32 v26, v33  }
0x24c: {  	v21 =	vunpack.i.u.bf16.f32 v21;
	v30 =	vbroadcast v2, $0x5;
	v31 =	vbroadcast v3, $0x5  }
0x24d: {  	v22 =	vunpack.i.u.bf16.f32 v22;
	v24 =	vadd.f32 v27, v24;
	v25 =	vadd.f32 v29, v25  }
0x24e: {  	v20 =	vmul.f32 v20, v28;
	v21 =	vmul.f32 v21, v30;
	v23 =	vadd.f32 v26, v23  }
0x24f: {  	v26 =	vunpack.i.l.bf16.f32 v17;
	v27 =	vbroadcast v4, $0x6;
	v22 =	vmul.f32 v22, v31  }
0x250: {  	v28 =	vunpack.i.l.bf16.f32 v18;
	v29 =	vbroadcast v2, $0x6;
	v30 =	vbroadcast v3, $0x6  }
0x251: {  	v20 =	vadd.f32 v24, v20;
	v21 =	vadd.f32 v25, v21;
	v24 =	vunpack.i.l.bf16.f32 v19  }
0x252: {  	v25 =	vmul.f32 v26, v27;
	v26 =	vmul.f32 v28, v29;
	v22 =	vadd.f32 v23, v22  }
0x253: {  	v17 =	vunpack.i.u.bf16.f32 v17;
	v23 =	vbroadcast v4, $0x7;
	v24 =	vmul.f32 v24, v30  }
0x254: {  	v18 =	vunpack.i.u.bf16.f32 v18;
	v27 =	vbroadcast v2, $0x7;
	v28 =	vbroadcast v3, $0x7  }
0x255: {  	v19 =	vunpack.i.u.bf16.f32 v19;
	v20 =	vadd.f32 v25, v20;
	v21 =	vadd.f32 v26, v21  }
0x256: {  	v17 =	vmul.f32 v17, v23;
	v18 =	vmul.f32 v18, v27;
	v22 =	vadd.f32 v24, v22  }
0x257: {  	v23 =	vunpack.i.l.bf16.f32 v14;
	v19 =	vmul.f32 v19, v28;
	v24 =	vbroadcast v4, $0x8  }
0x258: {  	v25 =	vunpack.i.l.bf16.f32 v15;
	v26 =	vbroadcast v2, $0x8;
	v27 =	vbroadcast v3, $0x8  }
0x259: {  	v17 =	vadd.f32 v20, v17;
	v18 =	vadd.f32 v21, v18;
	v20 =	vunpack.i.l.bf16.f32 v16  }
0x25a: {  	v21 =	vmul.f32 v23, v24;
	v23 =	vmul.f32 v25, v26;
	v19 =	vadd.f32 v22, v19  }
0x25b: {  	v14 =	vunpack.i.u.bf16.f32 v14;
	v22 =	vbroadcast v4, $0x9;
	v20 =	vmul.f32 v20, v27  }
0x25c: {  	v15 =	vunpack.i.u.bf16.f32 v15;
	v24 =	vbroadcast v2, $0x9;
	v25 =	vbroadcast v3, $0x9  }
0x25d: {  	v16 =	vunpack.i.u.bf16.f32 v16;
	v17 =	vadd.f32 v21, v17;
	v18 =	vadd.f32 v23, v18  }
0x25e: {  	v14 =	vmul.f32 v14, v22;
	v15 =	vmul.f32 v15, v24;
	v19 =	vadd.f32 v20, v19  }
0x25f: {  	v20 =	vunpack.i.l.bf16.f32 v11;
	v21 =	vbroadcast v4, $0xA;
	v16 =	vmul.f32 v16, v25  }
0x260: {  	v22 =	vunpack.i.l.bf16.f32 v13;
	v23 =	vbroadcast v2, $0xA;
	v24 =	vbroadcast v3, $0xA  }
0x261: {  	v14 =	vadd.f32 v17, v14;
	v15 =	vadd.f32 v18, v15;
	v17 =	vunpack.i.l.bf16.f32 v12  }
0x262: {  	v18 =	vmul.f32 v20, v21;
	v20 =	vmul.f32 v22, v23;
	v16 =	vadd.f32 v19, v16  }
0x263: {  	v11 =	vunpack.i.u.bf16.f32 v11;
	v19 =	vbroadcast v4, $0xB;
	v17 =	vmul.f32 v17, v24  }
0x264: {  	v13 =	vunpack.i.u.bf16.f32 v13;
	v21 =	vbroadcast v2, $0xB;
	v22 =	vbroadcast v3, $0xB  }
0x265: {  	v12 =	vunpack.i.u.bf16.f32 v12;
	v14 =	vadd.f32 v18, v14;
	v15 =	vadd.f32 v20, v15  }
0x266: {  	v11 =	vmul.f32 v11, v19;
	v13 =	vmul.f32 v13, v21;
	v16 =	vadd.f32 v17, v16  }
0x267: {  	v18 =	vbroadcast v4, $0xC;
	v12 =	vmul.f32 v12, v22;
	v17 =	vunpack.i.l.bf16.f32 v8  }
0x268: {  	v19 =	vunpack.i.l.bf16.f32 v9;
	v20 =	vbroadcast v2, $0xC;
	v21 =	vbroadcast v3, $0xC  }
0x269: {  	v11 =	vadd.f32 v14, v11;
	v13 =	vadd.f32 v15, v13;
	v14 =	vunpack.i.l.bf16.f32 v10  }
0x26a: {  	v15 =	vmul.f32 v17, v18;
	v17 =	vmul.f32 v19, v20;
	v12 =	vadd.f32 v16, v12  }
0x26b: {  	v8 =	vunpack.i.u.bf16.f32 v8;
	v16 =	vbroadcast v4, $0xD;
	v14 =	vmul.f32 v14, v21  }
0x26c: {  	v9 =	vunpack.i.u.bf16.f32 v9;
	v18 =	vbroadcast v2, $0xD;
	v19 =	vbroadcast v3, $0xD  }
.Ltmp5:
0x26d: {  	v10 =	vunpack.i.u.bf16.f32 v10;
	v20 =	vadd.f32 v15, v11;
	v17 =	vadd.f32 v17, v13;
	(pc) =	sbr.rel @p1 .LBB2_13-.Ltmp5, $4  }
0x26e: {  	v21 =	vmul.f32 v9, v18;
	v8 =	vmul.f32 v8, v16;
	v11 =	vadd.f32 v14, v12  }
0x26f: {  	v13 =	vunpack.i.l.bf16.f32 v6;
	v15 =	vbroadcast v4, $0xE;
	v14 =	vmul.f32 v10, v19  }
0x270: {  	v18 =	vbroadcast v2, $0xE;
	v16 =	vunpack.i.l.bf16.f32 v7;
	v12 =	vbroadcast v3, $0xE  }
0x271: {  	s11 =	sadd.s32 $0x40, s11;
	v9 =	vadd.f32 v20, v8;
	v8 =	vadd.f32 v17, v21;
	v17 =	vunpack.i.l.bf16.f32 v5  }
0x272: {  	v10 =	vmul.f32 v13, v15;
	v61 =	vmul.f32 v16, v18  }
0x273: {  	v11 =	vadd.f32 v11, v14;
	v6 =	vunpack.i.u.bf16.f32 v6;
	v4 =	vbroadcast v4, $0xF  }
0x274: {  	v12 =	vmul.f32 v17, v12;
	v7 =	vunpack.i.u.bf16.f32 v7;
	v2 =	vbroadcast v2, $0xF  }
0x275: {  	v3 =	vbroadcast v3, $0xF;
	v9 =	vadd.f32 v10, v9;
	v4 =	vmul.f32 v6, v4  }
0x276: {  	v5 =	vunpack.i.u.bf16.f32 v5;
	v62 =	vadd.f32 v61, v8;
	v2 =	vmul.f32 v7, v2  }
0x277: {  	v63 =	vadd.f32 v12, v11;
	v3 =	vmul.f32 v5, v3;
	v4 =	vadd.f32 v9, v4  }
0x278: {  	v2 =	vadd.f32 v62, v2  }
0x279: {  	v3 =	vadd.f32 v63, v3;
	[tilespmem:s1+$0xFFFFFFC0] =	vst v4  }
0x27a: {  	p1 =	sne.s32 s29, $0x5;
	[tilespmem:s1+$0xFFFFFFE0] =	vst v2  }
.Ltmp6:
0x27b: {  	s0 =	sadd.s32 $0xB90, s30;
	[tilespmem:s1+$0x0] =	vst v3;
	(pc) =	sbr.rel @p1 .LBB2_6-.Ltmp6, $4  }
0x27c: {  	[spmem:s2] =	stream.indirect.scatter.add.f32 [tilespmem:s23], [sflag:$0x3], $0x20, s0, s20, $0xb8;
	[tilespmem:$0x163A0] =	vst v63  }
0x27d: {  	_ =	swait.ge [sflag:s26], $0x500  }
0x27e: {  	[sflag:s26] =	ssyncset.done $0x0  }
0x27f: {  	p0 =	por !p0, !p0;
	[sflag:s26] =	ssyncadd.s32 $0xFFFFFB00  }
0x280: {  	s0 =	stileid.u32  }
0x281: {  	[bflag:$0x0] =	sbarrier.arrive $0xFFFF;
	s0 =	sshll.u32 s0, $0x6  }
0x282: {  	s1 =	sshrl.u32 s7, $0x3;
	s10 =	rddreg [dreg:$0x5];
	s0 =	sor.u32 $0x1C06, s0  }
0x283: {  	[hbm:s10], [sflag:s0] =	dma.local [spmem:s1], $0xA00  }
0x284: {  	_ =	swait.ge [sflag:s15], $0xA00  }
0x285: {  	s3 =	sadd.s32 $0x1, s3;
	s31 =	rddreg [dreg:$0x6]  }
0x286: {  	p0 =	sne.s32 s3, s31  }
.Ltmp7:
0x287: {  	_ = 	snop;
	(pc) =	sbr.rel @p0 .LBB2_1-.Ltmp7, $3  }
0x288: {  	_ =	sdelay $0x1  }
0x289: {  	[sflag:s15] =	ssyncset.done $0x0  }
0x28a: {  	[sflag:s15] =	ssyncadd.s32 $0xFFFFF600  }
0x28b: {  	_ =	sfence.sel $0x180000  }
0x28c: {  	[bflag:$0x0] =	sbarrier.arrive $0xFFFF  }
0x28d: {  	_ =	strace $0x90000047  }
0x28e: {  	s0 =	stileid.u32;
	[bflag:$0x2] =	sbarrier.arrive $0xFFFF  }
0x28f: {  	p0 =	sne.s32 s0, $0x0;
	s0 =	rddreg [dreg:$0x2]  }
0x290: {  	s0 =	sadd.s32 @!p0 $0x100000, s0  }
0x291: {  	[sflag:s0] =	ssyncadd.tile.s32 @!p0 $0x1;
	_ =	shalt  }
.Lfunc_end2:
_tile_overlayer_lowered:
.L_overlay_start_2:
0x292: {  	(tag) =	ssettag $0x2  }
0x293: {  	s0 =	rddreg [dreg:$0x0];
	s2 =	stileid.u32  }
0x294: {  	s1 =	rddreg [dreg:$0x1];
	p0 =	sne.s32 s2, $0x0  }
0x295: {  	s3 =	rddreg [dreg:$0x2];
	[bflag:$0x3] =	sbarrier.arrive $0xFFFF;
	s2 =	simm.s32 @!p0 $0x1C06  }
0x296: {  	[timem:s3], [sflag:s2] =	dma.local @!p0 [hbm:s0], s1  }
0x297: {  	s0 =	simm.s32 @!p0 $0x6  }
0x298: {  	_ =	swait.ge @!p0 [sflag:s0], s1  }
0x299: {  	s1 =	ssub.s32 @!p0 $0x0, s1;
	[sflag:s0] =	ssyncset.done @!p0 $0x0  }
0x29a: {  	[sflag:s0] =	ssyncadd.s32 @!p0 s1  }
0x29b: {  	[bflag:$0x3] =	sbarrier.arrive $0xFFFF  }
0x29c: {  	_ =	shalt  }

</sc_bundles>
